<compile_context>
chip_gen: v7x
topology: tpu7x:2x2x1
jax: 0.10.2.dev20260603
libtpu: 0.0.44.dev20260713+nightly
codegen_flags: <defaults>
</compile_context>

<pallas_src>
import functools

import jax
import jax.numpy as jnp
from jax import lax
from jax.experimental import pallas as pl
from jax.experimental.pallas import tpu as pltpu
from jax.experimental.pallas import tpu_sc as plsc

DIM = 64
B = 16384
LAMBD = 0.1

_info = plsc.get_sparse_core_info()
_NC, _NS, _L = _info.num_cores, _info.num_subcores, _info.num_lanes
_NW = _NC * _NS
_PER_W = B // _NW
_CHUNK = 256
_NCHUNK = _PER_W // _CHUNK


def _sc_dots(sources, contexts, personas, pure_sources,
             node_emb, noise_emb, base_emb):
    mesh = plsc.VectorSubcoreMesh(core_axis_name="c", subcore_axis_name="s")

    @functools.partial(
        pl.kernel,
        mesh=mesh,
        compiler_params=pltpu.CompilerParams(
            needs_layout_passes=False, use_tc_tiling_on_sc=False),
        out_type=[jax.ShapeDtypeStruct((B,), jnp.float32) for _ in range(4)],
        scratch_types=[
            pltpu.VMEM((_PER_W,), jnp.int32),
            pltpu.VMEM((_PER_W,), jnp.int32),
            pltpu.VMEM((_PER_W,), jnp.int32),
            pltpu.VMEM((_PER_W,), jnp.int32),
            pltpu.VMEM((_CHUNK, DIM), jnp.float32),
            pltpu.VMEM((_CHUNK, DIM), jnp.float32),
            pltpu.VMEM((_CHUNK, DIM), jnp.float32),
            pltpu.VMEM((_CHUNK, DIM), jnp.float32),
            pltpu.VMEM((_PER_W,), jnp.float32),
            pltpu.VMEM((_PER_W,), jnp.float32),
            pltpu.VMEM((_PER_W,), jnp.float32),
            pltpu.VMEM((_PER_W,), jnp.float32),
            pltpu.SemaphoreType.DMA,
        ],
    )
    def body(src_hbm, ctx_hbm, psrc_hbm, pers_hbm,
             node_hbm, noise_hbm, base_hbm,
             dab_hbm, daa_hbm, dbb_hbm, dr_hbm,
             src_v, ctx_v, psrc_v, pers_v,
             ra, rb, rc, rd,
             dab_v, daa_v, dbb_v, dr_v, sem):
        wid = lax.axis_index("s") * _NC + lax.axis_index("c")
        base = wid * _PER_W
        lane = lax.iota(jnp.int32, 16)
        pltpu.sync_copy(src_hbm.at[pl.ds(base, _PER_W)], src_v)
        pltpu.sync_copy(ctx_hbm.at[pl.ds(base, _PER_W)], ctx_v)
        pltpu.sync_copy(psrc_hbm.at[pl.ds(base, _PER_W)], psrc_v)
        pltpu.sync_copy(pers_hbm.at[pl.ds(base, _PER_W)], pers_v)

        for c in range(_NCHUNK):
            off = c * _CHUNK
            pltpu.async_copy(node_hbm.at[src_v.at[pl.ds(off, _CHUNK)]], ra, sem).wait()
            pltpu.async_copy(noise_hbm.at[ctx_v.at[pl.ds(off, _CHUNK)]], rb, sem).wait()
            pltpu.async_copy(node_hbm.at[psrc_v.at[pl.ds(off, _CHUNK)]], rc, sem).wait()
            pltpu.async_copy(base_hbm.at[pers_v.at[pl.ds(off, _CHUNK)]], rd, sem).wait()

            def grp_body(g, carry):
                dab_t = jnp.zeros((16,), jnp.float32)
                daa_t = jnp.zeros((16,), jnp.float32)
                dbb_t = jnp.zeros((16,), jnp.float32)
                dr_t = jnp.zeros((16,), jnp.float32)
                for r in range(16):
                    row = g * 16 + r
                    a0 = ra[row, pl.ds(0, 16)]
                    a1 = ra[row, pl.ds(16, 16)]
                    a2 = ra[row, pl.ds(32, 16)]
                    a3 = ra[row, pl.ds(48, 16)]
                    b0 = rb[row, pl.ds(0, 16)]
                    b1 = rb[row, pl.ds(16, 16)]
                    b2 = rb[row, pl.ds(32, 16)]
                    b3 = rb[row, pl.ds(48, 16)]
                    pab = a0 * b0 + a1 * b1 + a2 * b2 + a3 * b3
                    paa = a0 * a0 + a1 * a1 + a2 * a2 + a3 * a3
                    pbb = b0 * b0 + b1 * b1 + b2 * b2 + b3 * b3
                    c0 = rc[row, pl.ds(0, 16)]
                    c1 = rc[row, pl.ds(16, 16)]
                    c2 = rc[row, pl.ds(32, 16)]
                    c3 = rc[row, pl.ds(48, 16)]
                    d0 = rd[row, pl.ds(0, 16)]
                    d1 = rd[row, pl.ds(16, 16)]
                    d2 = rd[row, pl.ds(32, 16)]
                    d3 = rd[row, pl.ds(48, 16)]
                    pr = c0 * d0 + c1 * d1 + c2 * d2 + c3 * d3
                    m = lane == r
                    dab_t = jnp.where(m, jnp.sum(pab), dab_t)
                    daa_t = jnp.where(m, jnp.sum(paa), daa_t)
                    dbb_t = jnp.where(m, jnp.sum(pbb), dbb_t)
                    dr_t = jnp.where(m, jnp.sum(pr), dr_t)
                goff = off + g * 16
                dab_v[pl.ds(goff, 16)] = dab_t
                daa_v[pl.ds(goff, 16)] = daa_t
                dbb_v[pl.ds(goff, 16)] = dbb_t
                dr_v[pl.ds(goff, 16)] = dr_t
                return carry

            lax.fori_loop(0, _CHUNK // 16, grp_body, 0)

        pltpu.sync_copy(dab_v, dab_hbm.at[pl.ds(base, _PER_W)])
        pltpu.sync_copy(daa_v, daa_hbm.at[pl.ds(base, _PER_W)])
        pltpu.sync_copy(dbb_v, dbb_hbm.at[pl.ds(base, _PER_W)])
        pltpu.sync_copy(dr_v, dr_hbm.at[pl.ds(base, _PER_W)])

    return body(sources, contexts, pure_sources, personas,
                node_emb, noise_emb, base_emb)


def _finish_body(dab_ref, daa_ref, dbb_ref, dr_ref, t_ref, out_ref):
    dab = dab_ref[...]
    daa = daa_ref[...]
    dbb = dbb_ref[...]
    dr = dr_ref[...]
    t = t_ref[...]
    na = jnp.maximum(jnp.sqrt(daa), 1e-12)
    nb = jnp.maximum(jnp.sqrt(dbb), 1e-12)
    x = dab / (na * nb)
    s = jax.nn.sigmoid(x)
    main = t * jnp.log(s) + (1.0 - t) * jnp.log(1.0 - s)
    r = jax.nn.sigmoid(jnp.clip(dr, -15.0, 15.0))
    out_ref[0, 0] = -jnp.mean(main) - LAMBD * jnp.mean(jnp.log(r))


def kernel(sources, contexts, targets, personas, pure_sources,
           node_embedding, node_noise_embedding, base_node_embedding):
    src = sources.astype(jnp.int32)
    ctx = contexts.astype(jnp.int32)
    pers = personas.astype(jnp.int32)
    psrc = pure_sources.astype(jnp.int32)
    dab, daa, dbb, dr = _sc_dots(src, ctx, pers, psrc,
                                 node_embedding, node_noise_embedding,
                                 base_node_embedding)
    loss = pl.pallas_call(
        _finish_body,
        out_shape=jax.ShapeDtypeStruct((1, 1), jnp.float32),
        out_specs=pl.BlockSpec(memory_space=pltpu.SMEM),
    )(dab.reshape(128, 128), daa.reshape(128, 128),
      dbb.reshape(128, 128), dr.reshape(128, 128),
      targets.reshape(128, 128))
    return loss.reshape(())

# --- scband reference (transcript-rebuilt; emitter-appended) ---
"""Pipeline reference for scband-splitter-7430293422716 (READ-ONLY COPY).

The authoritative reference and input builder live on the scoring server;
editing this copy changes nothing except your own understanding.
"""

import jax, jax.numpy as jnp
import numpy as np

DIM = 64
NODE_COUNT = 1000000
BASE_NODE_COUNT = 100000
B = 16384
LAMBD = 0.1


def _l2_normalize(x):
    # torch.nn.functional.normalize(p=2, dim=1, eps=1e-12)
    n = jnp.linalg.norm(x, ord=2, axis=1, keepdims=True)
    return x / jnp.maximum(n, 1e-12)


def setup_inputs(seed: int = 0) -> dict:
    key = jax.random.key(seed)
    ks = jax.random.split(key, 8)
    sources = jax.random.randint(ks[0], (B,), 0, NODE_COUNT, dtype=jnp.int64 if jax.config.jax_enable_x64 else jnp.int32)
    contexts = jax.random.randint(ks[1], (B,), 0, NODE_COUNT, dtype=sources.dtype)
    targets = jax.random.uniform(ks[2], (B,), dtype=jnp.float32)
    personas = jax.random.randint(ks[3], (B,), 0, BASE_NODE_COUNT, dtype=sources.dtype)
    pure_sources = jax.random.randint(ks[4], (B,), 0, NODE_COUNT, dtype=sources.dtype)
    # learned parameters (create_weights): three embedding tables, padding_idx=0 -> row 0 zeroed
    node_embedding = (jax.random.normal(ks[5], (NODE_COUNT, DIM), dtype=jnp.float32) * 0.1).at[0].set(0.0)
    node_noise_embedding = (jax.random.normal(ks[6], (NODE_COUNT, DIM), dtype=jnp.float32) * 0.1).at[0].set(0.0)
    base_node_embedding = (jax.random.normal(ks[7], (BASE_NODE_COUNT, DIM), dtype=jnp.float32) * 0.1).at[0].set(0.0)
    return {
        "sources": sources,
        "contexts": contexts,
        "targets": targets,
        "personas": personas,
        "pure_sources": pure_sources,
        "node_embedding": node_embedding,
        "node_noise_embedding": node_noise_embedding,
        "base_node_embedding": base_node_embedding,
    }


def reference(sources, contexts, targets, personas, pure_sources,
              node_embedding, node_noise_embedding, base_node_embedding):
    # main loss
    node_f = jnp.take(node_embedding, sources, axis=0)
    node_f = _l2_normalize(node_f)
    feature_f = jnp.take(node_noise_embedding, contexts, axis=0)
    feature_f = _l2_normalize(feature_f)
    scores = jnp.sum(node_f * feature_f, axis=1)
    scores = jax.nn.sigmoid(scores)
    main_loss = targets * jnp.log(scores) + (1.0 - targets) * jnp.log(1.0 - scores)
    main_loss = -jnp.mean(main_loss)
    # regularization loss
    source_f = jnp.take(node_embedding, pure_sources, axis=0)
    original_f = jnp.take(base_node_embedding, personas, axis=0)
    r_scores = jnp.clip(jnp.sum(source_f * original_f, axis=1), -15.0, 15.0)
    r_scores = jax.nn.sigmoid(r_scores)
    regularization_loss = -jnp.mean(jnp.log(r_scores))
    loss = main_loss + LAMBD * regularization_loss
    return loss


if False:  # reference __main__ guard neutralized (emitter)
    out = reference(**setup_inputs())
    print(out)

if __name__ == "__main__":
    import jax
    _d = setup_inputs()
    print(jax.jit(kernel)(*tuple(_d.values())))

</pallas_src>

<mosaic_0001>
#map = affine_map<(d0, d1) -> (0)>
#map1 = affine_map<(d0, d1) -> (0, 0)>
module attributes {stable_mosaic.version = 14 : i64} {
  func.func @body(%arg0: i32, %arg1: i32, %arg2: memref<16384xi32, #tpu.memory_space<hbm>>, %arg3: memref<16384xi32, #tpu.memory_space<hbm>>, %arg4: memref<16384xi32, #tpu.memory_space<hbm>>, %arg5: memref<16384xi32, #tpu.memory_space<hbm>>, %arg6: memref<1000000x64xf32, #tpu.memory_space<hbm>>, %arg7: memref<1000000x64xf32, #tpu.memory_space<hbm>>, %arg8: memref<100000x64xf32, #tpu.memory_space<hbm>>, %arg9: memref<16384xf32, #tpu.memory_space<hbm>>, %arg10: memref<16384xf32, #tpu.memory_space<hbm>>, %arg11: memref<16384xf32, #tpu.memory_space<hbm>>, %arg12: memref<16384xf32, #tpu.memory_space<hbm>>, %arg13: memref<512xi32, #tpu.memory_space<vmem>>, %arg14: memref<512xi32, #tpu.memory_space<vmem>>, %arg15: memref<512xi32, #tpu.memory_space<vmem>>, %arg16: memref<512xi32, #tpu.memory_space<vmem>>, %arg17: memref<256x64xf32, #tpu.memory_space<vmem>>, %arg18: memref<256x64xf32, #tpu.memory_space<vmem>>, %arg19: memref<256x64xf32, #tpu.memory_space<vmem>>, %arg20: memref<256x64xf32, #tpu.memory_space<vmem>>, %arg21: memref<512xf32, #tpu.memory_space<vmem>>, %arg22: memref<512xf32, #tpu.memory_space<vmem>>, %arg23: memref<512xf32, #tpu.memory_space<vmem>>, %arg24: memref<512xf32, #tpu.memory_space<vmem>>, %arg25: memref<!tpu.dma_semaphore, #tpu.memory_space<semaphore_mem>>) attributes {dimension_semantics = [#tpu.dimension_semantics<core_parallel>, #tpu.dimension_semantics<subcore_parallel>], iteration_bounds = array<i64: 2, 16>, scalar_prefetch = 0 : i64, scratch_operands = 13 : i64, tpu.core_type = #tpu.core_type<sc_vector_subcore>, window_params = [{transform_indices = #map}, {transform_indices = #map}, {transform_indices = #map}, {transform_indices = #map}, {transform_indices = #map1}, {transform_indices = #map1}, {transform_indices = #map1}, {transform_indices = #map}, {transform_indices = #map}, {transform_indices = #map}, {transform_indices = #map}]} {
    %mul3A = arith.constant 2 : i32
    %mul3A_0 = arith.muli %arg1, %mul3A : i32
    %add3A = arith.addi %mul3A_0, %arg0 : i32
    %mul3A_1 = arith.constant 512 : i32
    %mul3A_2 = arith.muli %add3A, %mul3A_1 : i32
    %iota3A = tpu.iota {dimensions = array<i32: 0>} : vector<16xi32>
    "tpu.region"() ({
      %run_scoped3A = tpu.sem_alloc : memref<!tpu.dma_semaphore, #tpu.memory_space<semaphore_mem>>
      %dma_start3A_92 = tpu.memref_slice %arg2[%mul3A_2] : memref<16384xi32, #tpu.memory_space<hbm>> -> memref<512xi32, #tpu.memory_space<hbm>>
      %dma_start3A_93 = tpu.memref_slice %arg2[%mul3A_2] : memref<16384xi32, #tpu.memory_space<hbm>> -> memref<512xi32, #tpu.memory_space<hbm>>
      tpu.enqueue_dma source(%dma_start3A_93 : memref<512xi32, #tpu.memory_space<hbm>>) target(%arg13 : memref<512xi32, #tpu.memory_space<vmem>>) target_semaphore(%run_scoped3A : memref<!tpu.dma_semaphore, #tpu.memory_space<semaphore_mem>>)
      %dma_wait3A_94 = tpu.memref_slice %arg2[%mul3A_2] : memref<16384xi32, #tpu.memory_space<hbm>> -> memref<512xi32, #tpu.memory_space<hbm>>
      %dma_wait3A_95 = tpu.memref_slice %arg2[%mul3A_2] : memref<16384xi32, #tpu.memory_space<hbm>> -> memref<512xi32, #tpu.memory_space<hbm>>
      tpu.wait_dma2 semaphore(%run_scoped3A : memref<!tpu.dma_semaphore, #tpu.memory_space<semaphore_mem>>) src(%dma_wait3A_95 : memref<512xi32, #tpu.memory_space<hbm>>) dst(%arg13 : memref<512xi32, #tpu.memory_space<vmem>>)
      tpu.yield
    }) : () -> ()
    "tpu.region"() ({
      %run_scoped3A = tpu.sem_alloc : memref<!tpu.dma_semaphore, #tpu.memory_space<semaphore_mem>>
      %dma_start3A_92 = tpu.memref_slice %arg3[%mul3A_2] : memref<16384xi32, #tpu.memory_space<hbm>> -> memref<512xi32, #tpu.memory_space<hbm>>
      %dma_start3A_93 = tpu.memref_slice %arg3[%mul3A_2] : memref<16384xi32, #tpu.memory_space<hbm>> -> memref<512xi32, #tpu.memory_space<hbm>>
      tpu.enqueue_dma source(%dma_start3A_93 : memref<512xi32, #tpu.memory_space<hbm>>) target(%arg14 : memref<512xi32, #tpu.memory_space<vmem>>) target_semaphore(%run_scoped3A : memref<!tpu.dma_semaphore, #tpu.memory_space<semaphore_mem>>)
      %dma_wait3A_94 = tpu.memref_slice %arg3[%mul3A_2] : memref<16384xi32, #tpu.memory_space<hbm>> -> memref<512xi32, #tpu.memory_space<hbm>>
      %dma_wait3A_95 = tpu.memref_slice %arg3[%mul3A_2] : memref<16384xi32, #tpu.memory_space<hbm>> -> memref<512xi32, #tpu.memory_space<hbm>>
      tpu.wait_dma2 semaphore(%run_scoped3A : memref<!tpu.dma_semaphore, #tpu.memory_space<semaphore_mem>>) src(%dma_wait3A_95 : memref<512xi32, #tpu.memory_space<hbm>>) dst(%arg14 : memref<512xi32, #tpu.memory_space<vmem>>)
      tpu.yield
    }) : () -> ()
    "tpu.region"() ({
      %run_scoped3A = tpu.sem_alloc : memref<!tpu.dma_semaphore, #tpu.memory_space<semaphore_mem>>
      %dma_start3A_92 = tpu.memref_slice %arg4[%mul3A_2] : memref<16384xi32, #tpu.memory_space<hbm>> -> memref<512xi32, #tpu.memory_space<hbm>>
      %dma_start3A_93 = tpu.memref_slice %arg4[%mul3A_2] : memref<16384xi32, #tpu.memory_space<hbm>> -> memref<512xi32, #tpu.memory_space<hbm>>
      tpu.enqueue_dma source(%dma_start3A_93 : memref<512xi32, #tpu.memory_space<hbm>>) target(%arg15 : memref<512xi32, #tpu.memory_space<vmem>>) target_semaphore(%run_scoped3A : memref<!tpu.dma_semaphore, #tpu.memory_space<semaphore_mem>>)
      %dma_wait3A_94 = tpu.memref_slice %arg4[%mul3A_2] : memref<16384xi32, #tpu.memory_space<hbm>> -> memref<512xi32, #tpu.memory_space<hbm>>
      %dma_wait3A_95 = tpu.memref_slice %arg4[%mul3A_2] : memref<16384xi32, #tpu.memory_space<hbm>> -> memref<512xi32, #tpu.memory_space<hbm>>
      tpu.wait_dma2 semaphore(%run_scoped3A : memref<!tpu.dma_semaphore, #tpu.memory_space<semaphore_mem>>) src(%dma_wait3A_95 : memref<512xi32, #tpu.memory_space<hbm>>) dst(%arg15 : memref<512xi32, #tpu.memory_space<vmem>>)
      tpu.yield
    }) : () -> ()
    "tpu.region"() ({
      %run_scoped3A = tpu.sem_alloc : memref<!tpu.dma_semaphore, #tpu.memory_space<semaphore_mem>>
      %dma_start3A_92 = tpu.memref_slice %arg5[%mul3A_2] : memref<16384xi32, #tpu.memory_space<hbm>> -> memref<512xi32, #tpu.memory_space<hbm>>
      %dma_start3A_93 = tpu.memref_slice %arg5[%mul3A_2] : memref<16384xi32, #tpu.memory_space<hbm>> -> memref<512xi32, #tpu.memory_space<hbm>>
      tpu.enqueue_dma source(%dma_start3A_93 : memref<512xi32, #tpu.memory_space<hbm>>) target(%arg16 : memref<512xi32, #tpu.memory_space<vmem>>) target_semaphore(%run_scoped3A : memref<!tpu.dma_semaphore, #tpu.memory_space<semaphore_mem>>)
      %dma_wait3A_94 = tpu.memref_slice %arg5[%mul3A_2] : memref<16384xi32, #tpu.memory_space<hbm>> -> memref<512xi32, #tpu.memory_space<hbm>>
      %dma_wait3A_95 = tpu.memref_slice %arg5[%mul3A_2] : memref<16384xi32, #tpu.memory_space<hbm>> -> memref<512xi32, #tpu.memory_space<hbm>>
      tpu.wait_dma2 semaphore(%run_scoped3A : memref<!tpu.dma_semaphore, #tpu.memory_space<semaphore_mem>>) src(%dma_wait3A_95 : memref<512xi32, #tpu.memory_space<hbm>>) dst(%arg16 : memref<512xi32, #tpu.memory_space<vmem>>)
      tpu.yield
    }) : () -> ()
    %dma_start3A = arith.constant 0 : i32
    %dma_start3A_3 = tpu.memref_slice %arg13[%dma_start3A] : memref<512xi32, #tpu.memory_space<vmem>> -> memref<256xi32, #tpu.memory_space<vmem>>
    %dma_start3A_4 = arith.constant 0 : i32
    %dma_start3A_5 = arith.constant 0 : i32
    %dma_start3A_6 = tpu.memref_slice %arg6[%dma_start3A_4, %dma_start3A_5] : memref<1000000x64xf32, #tpu.memory_space<hbm>> -> memref<1000000x64xf32, #tpu.memory_space<hbm>>
    tpu.enqueue_indirect_dma source(%dma_start3A_6 : memref<1000000x64xf32, #tpu.memory_space<hbm>>) target(%arg17 : memref<256x64xf32, #tpu.memory_space<vmem>>) offsets(%dma_start3A_3 : memref<256xi32, #tpu.memory_space<vmem>>) semaphore(%arg25 : memref<!tpu.dma_semaphore, #tpu.memory_space<semaphore_mem>>)
    %dma_wait3A = arith.constant 0 : i32
    %dma_wait3A_7 = tpu.memref_slice %arg13[%dma_wait3A] : memref<512xi32, #tpu.memory_space<vmem>> -> memref<256xi32, #tpu.memory_space<vmem>>
    %dma_wait3A_8 = arith.constant 0 : i32
    %dma_wait3A_9 = arith.constant 0 : i32
    %dma_wait3A_10 = tpu.memref_slice %arg6[%dma_wait3A_8, %dma_wait3A_9] : memref<1000000x64xf32, #tpu.memory_space<hbm>> -> memref<1000000x64xf32, #tpu.memory_space<hbm>>
    tpu.wait_indirect_dma semaphore(%arg25 : memref<!tpu.dma_semaphore, #tpu.memory_space<semaphore_mem>>) src(%dma_wait3A_10 : memref<1000000x64xf32, #tpu.memory_space<hbm>>) dst(%arg17 : memref<256x64xf32, #tpu.memory_space<vmem>>)
    %dma_start3A_11 = arith.constant 0 : i32
    %dma_start3A_12 = tpu.memref_slice %arg14[%dma_start3A_11] : memref<512xi32, #tpu.memory_space<vmem>> -> memref<256xi32, #tpu.memory_space<vmem>>
    %dma_start3A_13 = arith.constant 0 : i32
    %dma_start3A_14 = arith.constant 0 : i32
    %dma_start3A_15 = tpu.memref_slice %arg7[%dma_start3A_13, %dma_start3A_14] : memref<1000000x64xf32, #tpu.memory_space<hbm>> -> memref<1000000x64xf32, #tpu.memory_space<hbm>>
    tpu.enqueue_indirect_dma source(%dma_start3A_15 : memref<1000000x64xf32, #tpu.memory_space<hbm>>) target(%arg18 : memref<256x64xf32, #tpu.memory_space<vmem>>) offsets(%dma_start3A_12 : memref<256xi32, #tpu.memory_space<vmem>>) semaphore(%arg25 : memref<!tpu.dma_semaphore, #tpu.memory_space<semaphore_mem>>)
    %dma_wait3A_16 = arith.constant 0 : i32
    %dma_wait3A_17 = tpu.memref_slice %arg14[%dma_wait3A_16] : memref<512xi32, #tpu.memory_space<vmem>> -> memref<256xi32, #tpu.memory_space<vmem>>
    %dma_wait3A_18 = arith.constant 0 : i32
    %dma_wait3A_19 = arith.constant 0 : i32
    %dma_wait3A_20 = tpu.memref_slice %arg7[%dma_wait3A_18, %dma_wait3A_19] : memref<1000000x64xf32, #tpu.memory_space<hbm>> -> memref<1000000x64xf32, #tpu.memory_space<hbm>>
    tpu.wait_indirect_dma semaphore(%arg25 : memref<!tpu.dma_semaphore, #tpu.memory_space<semaphore_mem>>) src(%dma_wait3A_20 : memref<1000000x64xf32, #tpu.memory_space<hbm>>) dst(%arg18 : memref<256x64xf32, #tpu.memory_space<vmem>>)
    %dma_start3A_21 = arith.constant 0 : i32
    %dma_start3A_22 = tpu.memref_slice %arg15[%dma_start3A_21] : memref<512xi32, #tpu.memory_space<vmem>> -> memref<256xi32, #tpu.memory_space<vmem>>
    %dma_start3A_23 = arith.constant 0 : i32
    %dma_start3A_24 = arith.constant 0 : i32
    %dma_start3A_25 = tpu.memref_slice %arg6[%dma_start3A_23, %dma_start3A_24] : memref<1000000x64xf32, #tpu.memory_space<hbm>> -> memref<1000000x64xf32, #tpu.memory_space<hbm>>
    tpu.enqueue_indirect_dma source(%dma_start3A_25 : memref<1000000x64xf32, #tpu.memory_space<hbm>>) target(%arg19 : memref<256x64xf32, #tpu.memory_space<vmem>>) offsets(%dma_start3A_22 : memref<256xi32, #tpu.memory_space<vmem>>) semaphore(%arg25 : memref<!tpu.dma_semaphore, #tpu.memory_space<semaphore_mem>>)
    %dma_wait3A_26 = arith.constant 0 : i32
    %dma_wait3A_27 = tpu.memref_slice %arg15[%dma_wait3A_26] : memref<512xi32, #tpu.memory_space<vmem>> -> memref<256xi32, #tpu.memory_space<vmem>>
    %dma_wait3A_28 = arith.constant 0 : i32
    %dma_wait3A_29 = arith.constant 0 : i32
    %dma_wait3A_30 = tpu.memref_slice %arg6[%dma_wait3A_28, %dma_wait3A_29] : memref<1000000x64xf32, #tpu.memory_space<hbm>> -> memref<1000000x64xf32, #tpu.memory_space<hbm>>
    tpu.wait_indirect_dma semaphore(%arg25 : memref<!tpu.dma_semaphore, #tpu.memory_space<semaphore_mem>>) src(%dma_wait3A_30 : memref<1000000x64xf32, #tpu.memory_space<hbm>>) dst(%arg19 : memref<256x64xf32, #tpu.memory_space<vmem>>)
    %dma_start3A_31 = arith.constant 0 : i32
    %dma_start3A_32 = tpu.memref_slice %arg16[%dma_start3A_31] : memref<512xi32, #tpu.memory_space<vmem>> -> memref<256xi32, #tpu.memory_space<vmem>>
    %dma_start3A_33 = arith.constant 0 : i32
    %dma_start3A_34 = arith.constant 0 : i32
    %dma_start3A_35 = tpu.memref_slice %arg8[%dma_start3A_33, %dma_start3A_34] : memref<100000x64xf32, #tpu.memory_space<hbm>> -> memref<100000x64xf32, #tpu.memory_space<hbm>>
    tpu.enqueue_indirect_dma source(%dma_start3A_35 : memref<100000x64xf32, #tpu.memory_space<hbm>>) target(%arg20 : memref<256x64xf32, #tpu.memory_space<vmem>>) offsets(%dma_start3A_32 : memref<256xi32, #tpu.memory_space<vmem>>) semaphore(%arg25 : memref<!tpu.dma_semaphore, #tpu.memory_space<semaphore_mem>>)
    %dma_wait3A_36 = arith.constant 0 : i32
    %dma_wait3A_37 = tpu.memref_slice %arg16[%dma_wait3A_36] : memref<512xi32, #tpu.memory_space<vmem>> -> memref<256xi32, #tpu.memory_space<vmem>>
    %dma_wait3A_38 = arith.constant 0 : i32
    %dma_wait3A_39 = arith.constant 0 : i32
    %dma_wait3A_40 = tpu.memref_slice %arg8[%dma_wait3A_38, %dma_wait3A_39] : memref<100000x64xf32, #tpu.memory_space<hbm>> -> memref<100000x64xf32, #tpu.memory_space<hbm>>
    tpu.wait_indirect_dma semaphore(%arg25 : memref<!tpu.dma_semaphore, #tpu.memory_space<semaphore_mem>>) src(%dma_wait3A_40 : memref<100000x64xf32, #tpu.memory_space<hbm>>) dst(%arg20 : memref<256x64xf32, #tpu.memory_space<vmem>>)
    %scan3A = arith.constant 0 : i32
    %scan3A_41 = arith.constant 0 : i32
    %scan3A_42 = arith.constant 16 : i32
    %scan3A_43 = arith.addi %scan3A_41, %scan3A_42 : i32
    %scan3A_44 = arith.constant 1 : i32
    scf.for %scan3A_92 = %scan3A_41 to %scan3A_43 step %scan3A_44  : i32 {
      %broadcast_in_dim3A = arith.constant 0.000000e+00 : f32
      %broadcast_in_dim3A_93 = vector.broadcast %broadcast_in_dim3A : f32 to vector<16xf32>
      %broadcast_in_dim3A_94 = arith.constant 0.000000e+00 : f32
      %broadcast_in_dim3A_95 = vector.broadcast %broadcast_in_dim3A_94 : f32 to vector<16xf32>
      %broadcast_in_dim3A_96 = arith.constant 0.000000e+00 : f32
      %broadcast_in_dim3A_97 = vector.broadcast %broadcast_in_dim3A_96 : f32 to vector<16xf32>
      %broadcast_in_dim3A_98 = arith.constant 0.000000e+00 : f32
      %broadcast_in_dim3A_99 = vector.broadcast %broadcast_in_dim3A_98 : f32 to vector<16xf32>
      %mul3A_100 = arith.constant 16 : i32
      %mul3A_101 = arith.muli %scan3A_92, %mul3A_100 : i32
      %add3A_102 = arith.constant 0 : i32
      %add3A_103 = arith.addi %mul3A_101, %add3A_102 : i32
      %get3A = arith.index_cast %add3A_103 : i32 to index
      %get3A_104 = arith.constant 0 : index
      %get3A_105 = tpu.vector_load %arg17[%get3A, %get3A_104] {strides = array<i32>} : memref<256x64xf32, #tpu.memory_space<vmem>>, vector<16xf32>,
      %get3A_106 = arith.index_cast %add3A_103 : i32 to index
      %get3A_107 = arith.constant 16 : index
      %get3A_108 = tpu.vector_load %arg17[%get3A_106, %get3A_107] {strides = array<i32>} : memref<256x64xf32, #tpu.memory_space<vmem>>, vector<16xf32>,
      %get3A_109 = arith.index_cast %add3A_103 : i32 to index
      %get3A_110 = arith.constant 32 : index
      %get3A_111 = tpu.vector_load %arg17[%get3A_109, %get3A_110] {strides = array<i32>} : memref<256x64xf32, #tpu.memory_space<vmem>>, vector<16xf32>,
      %get3A_112 = arith.index_cast %add3A_103 : i32 to index
      %get3A_113 = arith.constant 48 : index
      %get3A_114 = tpu.vector_load %arg17[%get3A_112, %get3A_113] {strides = array<i32>} : memref<256x64xf32, #tpu.memory_space<vmem>>, vector<16xf32>,
      %get3A_115 = arith.index_cast %add3A_103 : i32 to index
      %get3A_116 = arith.constant 0 : index
      %get3A_117 = tpu.vector_load %arg18[%get3A_115, %get3A_116] {strides = array<i32>} : memref<256x64xf32, #tpu.memory_space<vmem>>, vector<16xf32>,
      %get3A_118 = arith.index_cast %add3A_103 : i32 to index
      %get3A_119 = arith.constant 16 : index
      %get3A_120 = tpu.vector_load %arg18[%get3A_118, %get3A_119] {strides = array<i32>} : memref<256x64xf32, #tpu.memory_space<vmem>>, vector<16xf32>,
      %get3A_121 = arith.index_cast %add3A_103 : i32 to index
      %get3A_122 = arith.constant 32 : index
      %get3A_123 = tpu.vector_load %arg18[%get3A_121, %get3A_122] {strides = array<i32>} : memref<256x64xf32, #tpu.memory_space<vmem>>, vector<16xf32>,
      %get3A_124 = arith.index_cast %add3A_103 : i32 to index
      %get3A_125 = arith.constant 48 : index
      %get3A_126 = tpu.vector_load %arg18[%get3A_124, %get3A_125] {strides = array<i32>} : memref<256x64xf32, #tpu.memory_space<vmem>>, vector<16xf32>,
      %mul3A_127 = arith.mulf %get3A_105, %get3A_117 : vector<16xf32>
      %mul3A_128 = arith.mulf %get3A_108, %get3A_120 : vector<16xf32>
      %add3A_129 = arith.addf %mul3A_127, %mul3A_128 : vector<16xf32>
      %mul3A_130 = arith.mulf %get3A_111, %get3A_123 : vector<16xf32>
      %add3A_131 = arith.addf %add3A_129, %mul3A_130 : vector<16xf32>
      %mul3A_132 = arith.mulf %get3A_114, %get3A_126 : vector<16xf32>
      %add3A_133 = arith.addf %add3A_131, %mul3A_132 : vector<16xf32>
      %mul3A_134 = arith.mulf %get3A_105, %get3A_105 : vector<16xf32>
      %mul3A_135 = arith.mulf %get3A_108, %get3A_108 : vector<16xf32>
      %add3A_136 = arith.addf %mul3A_134, %mul3A_135 : vector<16xf32>
      %mul3A_137 = arith.mulf %get3A_111, %get3A_111 : vector<16xf32>
      %add3A_138 = arith.addf %add3A_136, %mul3A_137 : vector<16xf32>
      %mul3A_139 = arith.mulf %get3A_114, %get3A_114 : vector<16xf32>
      %add3A_140 = arith.addf %add3A_138, %mul3A_139 : vector<16xf32>
      %mul3A_141 = arith.mulf %get3A_117, %get3A_117 : vector<16xf32>
      %mul3A_142 = arith.mulf %get3A_120, %get3A_120 : vector<16xf32>
      %add3A_143 = arith.addf %mul3A_141, %mul3A_142 : vector<16xf32>
      %mul3A_144 = arith.mulf %get3A_123, %get3A_123 : vector<16xf32>
      %add3A_145 = arith.addf %add3A_143, %mul3A_144 : vector<16xf32>
      %mul3A_146 = arith.mulf %get3A_126, %get3A_126 : vector<16xf32>
      %add3A_147 = arith.addf %add3A_145, %mul3A_146 : vector<16xf32>
      %get3A_148 = arith.index_cast %add3A_103 : i32 to index
      %get3A_149 = arith.constant 0 : index
      %get3A_150 = tpu.vector_load %arg19[%get3A_148, %get3A_149] {strides = array<i32>} : memref<256x64xf32, #tpu.memory_space<vmem>>, vector<16xf32>,
      %get3A_151 = arith.index_cast %add3A_103 : i32 to index
      %get3A_152 = arith.constant 16 : index
      %get3A_153 = tpu.vector_load %arg19[%get3A_151, %get3A_152] {strides = array<i32>} : memref<256x64xf32, #tpu.memory_space<vmem>>, vector<16xf32>,
      %get3A_154 = arith.index_cast %add3A_103 : i32 to index
      %get3A_155 = arith.constant 32 : index
      %get3A_156 = tpu.vector_load %arg19[%get3A_154, %get3A_155] {strides = array<i32>} : memref<256x64xf32, #tpu.memory_space<vmem>>, vector<16xf32>,
      %get3A_157 = arith.index_cast %add3A_103 : i32 to index
      %get3A_158 = arith.constant 48 : index
      %get3A_159 = tpu.vector_load %arg19[%get3A_157, %get3A_158] {strides = array<i32>} : memref<256x64xf32, #tpu.memory_space<vmem>>, vector<16xf32>,
      %get3A_160 = arith.index_cast %add3A_103 : i32 to index
      %get3A_161 = arith.constant 0 : index
      %get3A_162 = tpu.vector_load %arg20[%get3A_160, %get3A_161] {strides = array<i32>} : memref<256x64xf32, #tpu.memory_space<vmem>>, vector<16xf32>,
      %get3A_163 = arith.index_cast %add3A_103 : i32 to index
      %get3A_164 = arith.constant 16 : index
      %get3A_165 = tpu.vector_load %arg20[%get3A_163, %get3A_164] {strides = array<i32>} : memref<256x64xf32, #tpu.memory_space<vmem>>, vector<16xf32>,
      %get3A_166 = arith.index_cast %add3A_103 : i32 to index
      %get3A_167 = arith.constant 32 : index
      %get3A_168 = tpu.vector_load %arg20[%get3A_166, %get3A_167] {strides = array<i32>} : memref<256x64xf32, #tpu.memory_space<vmem>>, vector<16xf32>,
      %get3A_169 = arith.index_cast %add3A_103 : i32 to index
      %get3A_170 = arith.constant 48 : index
      %get3A_171 = tpu.vector_load %arg20[%get3A_169, %get3A_170] {strides = array<i32>} : memref<256x64xf32, #tpu.memory_space<vmem>>, vector<16xf32>,
      %mul3A_172 = arith.mulf %get3A_150, %get3A_162 : vector<16xf32>
      %mul3A_173 = arith.mulf %get3A_153, %get3A_165 : vector<16xf32>
      %add3A_174 = arith.addf %mul3A_172, %mul3A_173 : vector<16xf32>
      %mul3A_175 = arith.mulf %get3A_156, %get3A_168 : vector<16xf32>
      %add3A_176 = arith.addf %add3A_174, %mul3A_175 : vector<16xf32>
      %mul3A_177 = arith.mulf %get3A_159, %get3A_171 : vector<16xf32>
      %add3A_178 = arith.addf %add3A_176, %mul3A_177 : vector<16xf32>
      %eq3A = arith.constant 0 : i32
      %eq3A_179 = vector.broadcast %eq3A : i32 to vector<16xi32>
      %eq3A_180 = arith.cmpi eq, %iota3A, %eq3A_179 : vector<16xi32>
      %reduce_sum3A = arith.constant true
      %reduce_sum3A_181 = vector.broadcast %reduce_sum3A : i1 to vector<16xi1>
      %reduce_sum3A_182 = tpu.scan <sum>, %add3A_133 masked %reduce_sum3A_181 : vector<16xf32>, vector<16xi1> -> vector<16xf32>
      %reduce_sum3A_183 = vector.extract %reduce_sum3A_182[15] : f32 from vector<16xf32>
      %broadcast_in_dim3A_184 = vector.broadcast %reduce_sum3A_183 : f32 to vector<16xf32>
      %select_n3A = arith.select %eq3A_180, %broadcast_in_dim3A_184, %broadcast_in_dim3A_93 : vector<16xi1>, vector<16xf32>
      %reduce_sum3A_185 = arith.constant true
      %reduce_sum3A_186 = vector.broadcast %reduce_sum3A_185 : i1 to vector<16xi1>
      %reduce_sum3A_187 = tpu.scan <sum>, %add3A_140 masked %reduce_sum3A_186 : vector<16xf32>, vector<16xi1> -> vector<16xf32>
      %reduce_sum3A_188 = vector.extract %reduce_sum3A_187[15] : f32 from vector<16xf32>
      %broadcast_in_dim3A_189 = vector.broadcast %reduce_sum3A_188 : f32 to vector<16xf32>
      %select_n3A_190 = arith.select %eq3A_180, %broadcast_in_dim3A_189, %broadcast_in_dim3A_95 : vector<16xi1>, vector<16xf32>
      %reduce_sum3A_191 = arith.constant true
      %reduce_sum3A_192 = vector.broadcast %reduce_sum3A_191 : i1 to vector<16xi1>
      %reduce_sum3A_193 = tpu.scan <sum>, %add3A_147 masked %reduce_sum3A_192 : vector<16xf32>, vector<16xi1> -> vector<16xf32>
      %reduce_sum3A_194 = vector.extract %reduce_sum3A_193[15] : f32 from vector<16xf32>
      %broadcast_in_dim3A_195 = vector.broadcast %reduce_sum3A_194 : f32 to vector<16xf32>
      %select_n3A_196 = arith.select %eq3A_180, %broadcast_in_dim3A_195, %broadcast_in_dim3A_97 : vector<16xi1>, vector<16xf32>
      %reduce_sum3A_197 = arith.constant true
      %reduce_sum3A_198 = vector.broadcast %reduce_sum3A_197 : i1 to vector<16xi1>
      %reduce_sum3A_199 = tpu.scan <sum>, %add3A_178 masked %reduce_sum3A_198 : vector<16xf32>, vector<16xi1> -> vector<16xf32>
      %reduce_sum3A_200 = vector.extract %reduce_sum3A_199[15] : f32 from vector<16xf32>
      %broadcast_in_dim3A_201 = vector.broadcast %reduce_sum3A_200 : f32 to vector<16xf32>
      %select_n3A_202 = arith.select %eq3A_180, %broadcast_in_dim3A_201, %broadcast_in_dim3A_99 : vector<16xi1>, vector<16xf32>
      %mul3A_203 = arith.constant 16 : i32
      %mul3A_204 = arith.muli %scan3A_92, %mul3A_203 : i32
      %add3A_205 = arith.constant 1 : i32
      %add3A_206 = arith.addi %mul3A_204, %add3A_205 : i32
      %get3A_207 = arith.index_cast %add3A_206 : i32 to index
      %get3A_208 = arith.constant 0 : index
      %get3A_209 = tpu.vector_load %arg17[%get3A_207, %get3A_208] {strides = array<i32>} : memref<256x64xf32, #tpu.memory_space<vmem>>, vector<16xf32>,
      %get3A_210 = arith.index_cast %add3A_206 : i32 to index
      %get3A_211 = arith.constant 16 : index
      %get3A_212 = tpu.vector_load %arg17[%get3A_210, %get3A_211] {strides = array<i32>} : memref<256x64xf32, #tpu.memory_space<vmem>>, vector<16xf32>,
      %get3A_213 = arith.index_cast %add3A_206 : i32 to index
      %get3A_214 = arith.constant 32 : index
      %get3A_215 = tpu.vector_load %arg17[%get3A_213, %get3A_214] {strides = array<i32>} : memref<256x64xf32, #tpu.memory_space<vmem>>, vector<16xf32>,
      %get3A_216 = arith.index_cast %add3A_206 : i32 to index
      %get3A_217 = arith.constant 48 : index
      %get3A_218 = tpu.vector_load %arg17[%get3A_216, %get3A_217] {strides = array<i32>} : memref<256x64xf32, #tpu.memory_space<vmem>>, vector<16xf32>,
      %get3A_219 = arith.index_cast %add3A_206 : i32 to index
      %get3A_220 = arith.constant 0 : index
      %get3A_221 = tpu.vector_load %arg18[%get3A_219, %get3A_220] {strides = array<i32>} : memref<256x64xf32, #tpu.memory_space<vmem>>, vector<16xf32>,
      %get3A_222 = arith.index_cast %add3A_206 : i32 to index
      %get3A_223 = arith.constant 16 : index
      %get3A_224 = tpu.vector_load %arg18[%get3A_222, %get3A_223] {strides = array<i32>} : memref<256x64xf32, #tpu.memory_space<vmem>>, vector<16xf32>,
      %get3A_225 = arith.index_cast %add3A_206 : i32 to index
      %get3A_226 = arith.constant 32 : index
      %get3A_227 = tpu.vector_load %arg18[%get3A_225, %get3A_226] {strides = array<i32>} : memref<256x64xf32, #tpu.memory_space<vmem>>, vector<16xf32>,
      %get3A_228 = arith.index_cast %add3A_206 : i32 to index
      %get3A_229 = arith.constant 48 : index
      %get3A_230 = tpu.vector_load %arg18[%get3A_228, %get3A_229] {strides = array<i32>} : memref<256x64xf32, #tpu.memory_space<vmem>>, vector<16xf32>,
      %mul3A_231 = arith.mulf %get3A_209, %get3A_221 : vector<16xf32>
      %mul3A_232 = arith.mulf %get3A_212, %get3A_224 : vector<16xf32>
      %add3A_233 = arith.addf %mul3A_231, %mul3A_232 : vector<16xf32>
      %mul3A_234 = arith.mulf %get3A_215, %get3A_227 : vector<16xf32>
      %add3A_235 = arith.addf %add3A_233, %mul3A_234 : vector<16xf32>
      %mul3A_236 = arith.mulf %get3A_218, %get3A_230 : vector<16xf32>
      %add3A_237 = arith.addf %add3A_235, %mul3A_236 : vector<16xf32>
      %mul3A_238 = arith.mulf %get3A_209, %get3A_209 : vector<16xf32>
      %mul3A_239 = arith.mulf %get3A_212, %get3A_212 : vector<16xf32>
      %add3A_240 = arith.addf %mul3A_238, %mul3A_239 : vector<16xf32>
      %mul3A_241 = arith.mulf %get3A_215, %get3A_215 : vector<16xf32>
      %add3A_242 = arith.addf %add3A_240, %mul3A_241 : vector<16xf32>
      %mul3A_243 = arith.mulf %get3A_218, %get3A_218 : vector<16xf32>
      %add3A_244 = arith.addf %add3A_242, %mul3A_243 : vector<16xf32>
      %mul3A_245 = arith.mulf %get3A_221, %get3A_221 : vector<16xf32>
      %mul3A_246 = arith.mulf %get3A_224, %get3A_224 : vector<16xf32>
      %add3A_247 = arith.addf %mul3A_245, %mul3A_246 : vector<16xf32>
      %mul3A_248 = arith.mulf %get3A_227, %get3A_227 : vector<16xf32>
      %add3A_249 = arith.addf %add3A_247, %mul3A_248 : vector<16xf32>
      %mul3A_250 = arith.mulf %get3A_230, %get3A_230 : vector<16xf32>
      %add3A_251 = arith.addf %add3A_249, %mul3A_250 : vector<16xf32>
      %get3A_252 = arith.index_cast %add3A_206 : i32 to index
      %get3A_253 = arith.constant 0 : index
      %get3A_254 = tpu.vector_load %arg19[%get3A_252, %get3A_253] {strides = array<i32>} : memref<256x64xf32, #tpu.memory_space<vmem>>, vector<16xf32>,
      %get3A_255 = arith.index_cast %add3A_206 : i32 to index
      %get3A_256 = arith.constant 16 : index
      %get3A_257 = tpu.vector_load %arg19[%get3A_255, %get3A_256] {strides = array<i32>} : memref<256x64xf32, #tpu.memory_space<vmem>>, vector<16xf32>,
      %get3A_258 = arith.index_cast %add3A_206 : i32 to index
      %get3A_259 = arith.constant 32 : index
      %get3A_260 = tpu.vector_load %arg19[%get3A_258, %get3A_259] {strides = array<i32>} : memref<256x64xf32, #tpu.memory_space<vmem>>, vector<16xf32>,
      %get3A_261 = arith.index_cast %add3A_206 : i32 to index
      %get3A_262 = arith.constant 48 : index
      %get3A_263 = tpu.vector_load %arg19[%get3A_261, %get3A_262] {strides = array<i32>} : memref<256x64xf32, #tpu.memory_space<vmem>>, vector<16xf32>,
      %get3A_264 = arith.index_cast %add3A_206 : i32 to index
      %get3A_265 = arith.constant 0 : index
      %get3A_266 = tpu.vector_load %arg20[%get3A_264, %get3A_265] {strides = array<i32>} : memref<256x64xf32, #tpu.memory_space<vmem>>, vector<16xf32>,
      %get3A_267 = arith.index_cast %add3A_206 : i32 to index
      %get3A_268 = arith.constant 16 : index
      %get3A_269 = tpu.vector_load %arg20[%get3A_267, %get3A_268] {strides = array<i32>} : memref<256x64xf32, #tpu.memory_space<vmem>>, vector<16xf32>,
      %get3A_270 = arith.index_cast %add3A_206 : i32 to index
      %get3A_271 = arith.constant 32 : index
      %get3A_272 = tpu.vector_load %arg20[%get3A_270, %get3A_271] {strides = array<i32>} : memref<256x64xf32, #tpu.memory_space<vmem>>, vector<16xf32>,
      %get3A_273 = arith.index_cast %add3A_206 : i32 to index
      %get3A_274 = arith.constant 48 : index
      %get3A_275 = tpu.vector_load %arg20[%get3A_273, %get3A_274] {strides = array<i32>} : memref<256x64xf32, #tpu.memory_space<vmem>>, vector<16xf32>,
      %mul3A_276 = arith.mulf %get3A_254, %get3A_266 : vector<16xf32>
      %mul3A_277 = arith.mulf %get3A_257, %get3A_269 : vector<16xf32>
      %add3A_278 = arith.addf %mul3A_276, %mul3A_277 : vector<16xf32>
      %mul3A_279 = arith.mulf %get3A_260, %get3A_272 : vector<16xf32>
      %add3A_280 = arith.addf %add3A_278, %mul3A_279 : vector<16xf32>
      %mul3A_281 = arith.mulf %get3A_263, %get3A_275 : vector<16xf32>
      %add3A_282 = arith.addf %add3A_280, %mul3A_281 : vector<16xf32>
      %eq3A_283 = arith.constant 1 : i32
      %eq3A_284 = vector.broadcast %eq3A_283 : i32 to vector<16xi32>
      %eq3A_285 = arith.cmpi eq, %iota3A, %eq3A_284 : vector<16xi32>
      %reduce_sum3A_286 = arith.constant true
      %reduce_sum3A_287 = vector.broadcast %reduce_sum3A_286 : i1 to vector<16xi1>
      %reduce_sum3A_288 = tpu.scan <sum>, %add3A_237 masked %reduce_sum3A_287 : vector<16xf32>, vector<16xi1> -> vector<16xf32>
      %reduce_sum3A_289 = vector.extract %reduce_sum3A_288[15] : f32 from vector<16xf32>
      %broadcast_in_dim3A_290 = vector.broadcast %reduce_sum3A_289 : f32 to vector<16xf32>
      %select_n3A_291 = arith.select %eq3A_285, %broadcast_in_dim3A_290, %select_n3A : vector<16xi1>, vector<16xf32>
      %reduce_sum3A_292 = arith.constant true
      %reduce_sum3A_293 = vector.broadcast %reduce_sum3A_292 : i1 to vector<16xi1>
      %reduce_sum3A_294 = tpu.scan <sum>, %add3A_244 masked %reduce_sum3A_293 : vector<16xf32>, vector<16xi1> -> vector<16xf32>
      %reduce_sum3A_295 = vector.extract %reduce_sum3A_294[15] : f32 from vector<16xf32>
      %broadcast_in_dim3A_296 = vector.broadcast %reduce_sum3A_295 : f32 to vector<16xf32>
      %select_n3A_297 = arith.select %eq3A_285, %broadcast_in_dim3A_296, %select_n3A_190 : vector<16xi1>, vector<16xf32>
      %reduce_sum3A_298 = arith.constant true
      %reduce_sum3A_299 = vector.broadcast %reduce_sum3A_298 : i1 to vector<16xi1>
      %reduce_sum3A_300 = tpu.scan <sum>, %add3A_251 masked %reduce_sum3A_299 : vector<16xf32>, vector<16xi1> -> vector<16xf32>
      %reduce_sum3A_301 = vector.extract %reduce_sum3A_300[15] : f32 from vector<16xf32>
      %broadcast_in_dim3A_302 = vector.broadcast %reduce_sum3A_301 : f32 to vector<16xf32>
      %select_n3A_303 = arith.select %eq3A_285, %broadcast_in_dim3A_302, %select_n3A_196 : vector<16xi1>, vector<16xf32>
      %reduce_sum3A_304 = arith.constant true
      %reduce_sum3A_305 = vector.broadcast %reduce_sum3A_304 : i1 to vector<16xi1>
      %reduce_sum3A_306 = tpu.scan <sum>, %add3A_282 masked %reduce_sum3A_305 : vector<16xf32>, vector<16xi1> -> vector<16xf32>
      %reduce_sum3A_307 = vector.extract %reduce_sum3A_306[15] : f32 from vector<16xf32>
      %broadcast_in_dim3A_308 = vector.broadcast %reduce_sum3A_307 : f32 to vector<16xf32>
      %select_n3A_309 = arith.select %eq3A_285, %broadcast_in_dim3A_308, %select_n3A_202 : vector<16xi1>, vector<16xf32>
      %mul3A_310 = arith.constant 16 : i32
      %mul3A_311 = arith.muli %scan3A_92, %mul3A_310 : i32
      %add3A_312 = arith.constant 2 : i32
      %add3A_313 = arith.addi %mul3A_311, %add3A_312 : i32
      %get3A_314 = arith.index_cast %add3A_313 : i32 to index
      %get3A_315 = arith.constant 0 : index
      %get3A_316 = tpu.vector_load %arg17[%get3A_314, %get3A_315] {strides = array<i32>} : memref<256x64xf32, #tpu.memory_space<vmem>>, vector<16xf32>,
      %get3A_317 = arith.index_cast %add3A_313 : i32 to index
      %get3A_318 = arith.constant 16 : index
      %get3A_319 = tpu.vector_load %arg17[%get3A_317, %get3A_318] {strides = array<i32>} : memref<256x64xf32, #tpu.memory_space<vmem>>, vector<16xf32>,
      %get3A_320 = arith.index_cast %add3A_313 : i32 to index
      %get3A_321 = arith.constant 32 : index
      %get3A_322 = tpu.vector_load %arg17[%get3A_320, %get3A_321] {strides = array<i32>} : memref<256x64xf32, #tpu.memory_space<vmem>>, vector<16xf32>,
      %get3A_323 = arith.index_cast %add3A_313 : i32 to index
      %get3A_324 = arith.constant 48 : index
      %get3A_325 = tpu.vector_load %arg17[%get3A_323, %get3A_324] {strides = array<i32>} : memref<256x64xf32, #tpu.memory_space<vmem>>, vector<16xf32>,
      %get3A_326 = arith.index_cast %add3A_313 : i32 to index
      %get3A_327 = arith.constant 0 : index
      %get3A_328 = tpu.vector_load %arg18[%get3A_326, %get3A_327] {strides = array<i32>} : memref<256x64xf32, #tpu.memory_space<vmem>>, vector<16xf32>,
      %get3A_329 = arith.index_cast %add3A_313 : i32 to index
      %get3A_330 = arith.constant 16 : index
      %get3A_331 = tpu.vector_load %arg18[%get3A_329, %get3A_330] {strides = array<i32>} : memref<256x64xf32, #tpu.memory_space<vmem>>, vector<16xf32>,
      %get3A_332 = arith.index_cast %add3A_313 : i32 to index
      %get3A_333 = arith.constant 32 : index
      %get3A_334 = tpu.vector_load %arg18[%get3A_332, %get3A_333] {strides = array<i32>} : memref<256x64xf32, #tpu.memory_space<vmem>>, vector<16xf32>,
      %get3A_335 = arith.index_cast %add3A_313 : i32 to index
      %get3A_336 = arith.constant 48 : index
      %get3A_337 = tpu.vector_load %arg18[%get3A_335, %get3A_336] {strides = array<i32>} : memref<256x64xf32, #tpu.memory_space<vmem>>, vector<16xf32>,
      %mul3A_338 = arith.mulf %get3A_316, %get3A_328 : vector<16xf32>
      %mul3A_339 = arith.mulf %get3A_319, %get3A_331 : vector<16xf32>
      %add3A_340 = arith.addf %mul3A_338, %mul3A_339 : vector<16xf32>
      %mul3A_341 = arith.mulf %get3A_322, %get3A_334 : vector<16xf32>
      %add3A_342 = arith.addf %add3A_340, %mul3A_341 : vector<16xf32>
      %mul3A_343 = arith.mulf %get3A_325, %get3A_337 : vector<16xf32>
      %add3A_344 = arith.addf %add3A_342, %mul3A_343 : vector<16xf32>
      %mul3A_345 = arith.mulf %get3A_316, %get3A_316 : vector<16xf32>
      %mul3A_346 = arith.mulf %get3A_319, %get3A_319 : vector<16xf32>
      %add3A_347 = arith.addf %mul3A_345, %mul3A_346 : vector<16xf32>
      %mul3A_348 = arith.mulf %get3A_322, %get3A_322 : vector<16xf32>
      %add3A_349 = arith.addf %add3A_347, %mul3A_348 : vector<16xf32>
      %mul3A_350 = arith.mulf %get3A_325, %get3A_325 : vector<16xf32>
      %add3A_351 = arith.addf %add3A_349, %mul3A_350 : vector<16xf32>
      %mul3A_352 = arith.mulf %get3A_328, %get3A_328 : vector<16xf32>
      %mul3A_353 = arith.mulf %get3A_331, %get3A_331 : vector<16xf32>
      %add3A_354 = arith.addf %mul3A_352, %mul3A_353 : vector<16xf32>
      %mul3A_355 = arith.mulf %get3A_334, %get3A_334 : vector<16xf32>
      %add3A_356 = arith.addf %add3A_354, %mul3A_355 : vector<16xf32>
      %mul3A_357 = arith.mulf %get3A_337, %get3A_337 : vector<16xf32>
      %add3A_358 = arith.addf %add3A_356, %mul3A_357 : vector<16xf32>
      %get3A_359 = arith.index_cast %add3A_313 : i32 to index
      %get3A_360 = arith.constant 0 : index
      %get3A_361 = tpu.vector_load %arg19[%get3A_359, %get3A_360] {strides = array<i32>} : memref<256x64xf32, #tpu.memory_space<vmem>>, vector<16xf32>,
      %get3A_362 = arith.index_cast %add3A_313 : i32 to index
      %get3A_363 = arith.constant 16 : index
      %get3A_364 = tpu.vector_load %arg19[%get3A_362, %get3A_363] {strides = array<i32>} : memref<256x64xf32, #tpu.memory_space<vmem>>, vector<16xf32>,
      %get3A_365 = arith.index_cast %add3A_313 : i32 to index
      %get3A_366 = arith.constant 32 : index
      %get3A_367 = tpu.vector_load %arg19[%get3A_365, %get3A_366] {strides = array<i32>} : memref<256x64xf32, #tpu.memory_space<vmem>>, vector<16xf32>,
      %get3A_368 = arith.index_cast %add3A_313 : i32 to index
      %get3A_369 = arith.constant 48 : index
      %get3A_370 = tpu.vector_load %arg19[%get3A_368, %get3A_369] {strides = array<i32>} : memref<256x64xf32, #tpu.memory_space<vmem>>, vector<16xf32>,
      %get3A_371 = arith.index_cast %add3A_313 : i32 to index
      %get3A_372 = arith.constant 0 : index
      %get3A_373 = tpu.vector_load %arg20[%get3A_371, %get3A_372] {strides = array<i32>} : memref<256x64xf32, #tpu.memory_space<vmem>>, vector<16xf32>,
      %get3A_374 = arith.index_cast %add3A_313 : i32 to index
      %get3A_375 = arith.constant 16 : index
      %get3A_376 = tpu.vector_load %arg20[%get3A_374, %get3A_375] {strides = array<i32>} : memref<256x64xf32, #tpu.memory_space<vmem>>, vector<16xf32>,
      %get3A_377 = arith.index_cast %add3A_313 : i32 to index
      %get3A_378 = arith.constant 32 : index
      %get3A_379 = tpu.vector_load %arg20[%get3A_377, %get3A_378] {strides = array<i32>} : memref<256x64xf32, #tpu.memory_space<vmem>>, vector<16xf32>,
      %get3A_380 = arith.index_cast %add3A_313 : i32 to index
      %get3A_381 = arith.constant 48 : index
      %get3A_382 = tpu.vector_load %arg20[%get3A_380, %get3A_381] {strides = array<i32>} : memref<256x64xf32, #tpu.memory_space<vmem>>, vector<16xf32>,
      %mul3A_383 = arith.mulf %get3A_361, %get3A_373 : vector<16xf32>
      %mul3A_384 = arith.mulf %get3A_364, %get3A_376 : vector<16xf32>
      %add3A_385 = arith.addf %mul3A_383, %mul3A_384 : vector<16xf32>
      %mul3A_386 = arith.mulf %get3A_367, %get3A_379 : vector<16xf32>
      %add3A_387 = arith.addf %add3A_385, %mul3A_386 : vector<16xf32>
      %mul3A_388 = arith.mulf %get3A_370, %get3A_382 : vector<16xf32>
      %add3A_389 = arith.addf %add3A_387, %mul3A_388 : vector<16xf32>
      %eq3A_390 = arith.constant 2 : i32
      %eq3A_391 = vector.broadcast %eq3A_390 : i32 to vector<16xi32>
      %eq3A_392 = arith.cmpi eq, %iota3A, %eq3A_391 : vector<16xi32>
      %reduce_sum3A_393 = arith.constant true
      %reduce_sum3A_394 = vector.broadcast %reduce_sum3A_393 : i1 to vector<16xi1>
      %reduce_sum3A_395 = tpu.scan <sum>, %add3A_344 masked %reduce_sum3A_394 : vector<16xf32>, vector<16xi1> -> vector<16xf32>
      %reduce_sum3A_396 = vector.extract %reduce_sum3A_395[15] : f32 from vector<16xf32>
      %broadcast_in_dim3A_397 = vector.broadcast %reduce_sum3A_396 : f32 to vector<16xf32>
      %select_n3A_398 = arith.select %eq3A_392, %broadcast_in_dim3A_397, %select_n3A_291 : vector<16xi1>, vector<16xf32>
      %reduce_sum3A_399 = arith.constant true
      %reduce_sum3A_400 = vector.broadcast %reduce_sum3A_399 : i1 to vector<16xi1>
      %reduce_sum3A_401 = tpu.scan <sum>, %add3A_351 masked %reduce_sum3A_400 : vector<16xf32>, vector<16xi1> -> vector<16xf32>
      %reduce_sum3A_402 = vector.extract %reduce_sum3A_401[15] : f32 from vector<16xf32>
      %broadcast_in_dim3A_403 = vector.broadcast %reduce_sum3A_402 : f32 to vector<16xf32>
      %select_n3A_404 = arith.select %eq3A_392, %broadcast_in_dim3A_403, %select_n3A_297 : vector<16xi1>, vector<16xf32>
      %reduce_sum3A_405 = arith.constant true
      %reduce_sum3A_406 = vector.broadcast %reduce_sum3A_405 : i1 to vector<16xi1>
      %reduce_sum3A_407 = tpu.scan <sum>, %add3A_358 masked %reduce_sum3A_406 : vector<16xf32>, vector<16xi1> -> vector<16xf32>
      %reduce_sum3A_408 = vector.extract %reduce_sum3A_407[15] : f32 from vector<16xf32>
      %broadcast_in_dim3A_409 = vector.broadcast %reduce_sum3A_408 : f32 to vector<16xf32>
      %select_n3A_410 = arith.select %eq3A_392, %broadcast_in_dim3A_409, %select_n3A_303 : vector<16xi1>, vector<16xf32>
      %reduce_sum3A_411 = arith.constant true
      %reduce_sum3A_412 = vector.broadcast %reduce_sum3A_411 : i1 to vector<16xi1>
      %reduce_sum3A_413 = tpu.scan <sum>, %add3A_389 masked %reduce_sum3A_412 : vector<16xf32>, vector<16xi1> -> vector<16xf32>
      %reduce_sum3A_414 = vector.extract %reduce_sum3A_413[15] : f32 from vector<16xf32>
      %broadcast_in_dim3A_415 = vector.broadcast %reduce_sum3A_414 : f32 to vector<16xf32>
      %select_n3A_416 = arith.select %eq3A_392, %broadcast_in_dim3A_415, %select_n3A_309 : vector<16xi1>, vector<16xf32>
      %mul3A_417 = arith.constant 16 : i32
      %mul3A_418 = arith.muli %scan3A_92, %mul3A_417 : i32
      %add3A_419 = arith.constant 3 : i32
      %add3A_420 = arith.addi %mul3A_418, %add3A_419 : i32
      %get3A_421 = arith.index_cast %add3A_420 : i32 to index
      %get3A_422 = arith.constant 0 : index
      %get3A_423 = tpu.vector_load %arg17[%get3A_421, %get3A_422] {strides = array<i32>} : memref<256x64xf32, #tpu.memory_space<vmem>>, vector<16xf32>,
      %get3A_424 = arith.index_cast %add3A_420 : i32 to index
      %get3A_425 = arith.constant 16 : index
      %get3A_426 = tpu.vector_load %arg17[%get3A_424, %get3A_425] {strides = array<i32>} : memref<256x64xf32, #tpu.memory_space<vmem>>, vector<16xf32>,
      %get3A_427 = arith.index_cast %add3A_420 : i32 to index
      %get3A_428 = arith.constant 32 : index
      %get3A_429 = tpu.vector_load %arg17[%get3A_427, %get3A_428] {strides = array<i32>} : memref<256x64xf32, #tpu.memory_space<vmem>>, vector<16xf32>,
      %get3A_430 = arith.index_cast %add3A_420 : i32 to index
      %get3A_431 = arith.constant 48 : index
      %get3A_432 = tpu.vector_load %arg17[%get3A_430, %get3A_431] {strides = array<i32>} : memref<256x64xf32, #tpu.memory_space<vmem>>, vector<16xf32>,
      %get3A_433 = arith.index_cast %add3A_420 : i32 to index
      %get3A_434 = arith.constant 0 : index
      %get3A_435 = tpu.vector_load %arg18[%get3A_433, %get3A_434] {strides = array<i32>} : memref<256x64xf32, #tpu.memory_space<vmem>>, vector<16xf32>,
      %get3A_436 = arith.index_cast %add3A_420 : i32 to index
      %get3A_437 = arith.constant 16 : index
      %get3A_438 = tpu.vector_load %arg18[%get3A_436, %get3A_437] {strides = array<i32>} : memref<256x64xf32, #tpu.memory_space<vmem>>, vector<16xf32>,
      %get3A_439 = arith.index_cast %add3A_420 : i32 to index
      %get3A_440 = arith.constant 32 : index
      %get3A_441 = tpu.vector_load %arg18[%get3A_439, %get3A_440] {strides = array<i32>} : memref<256x64xf32, #tpu.memory_space<vmem>>, vector<16xf32>,
      %get3A_442 = arith.index_cast %add3A_420 : i32 to index
      %get3A_443 = arith.constant 48 : index
      %get3A_444 = tpu.vector_load %arg18[%get3A_442, %get3A_443] {strides = array<i32>} : memref<256x64xf32, #tpu.memory_space<vmem>>, vector<16xf32>,
      %mul3A_445 = arith.mulf %get3A_423, %get3A_435 : vector<16xf32>
      %mul3A_446 = arith.mulf %get3A_426, %get3A_438 : vector<16xf32>
      %add3A_447 = arith.addf %mul3A_445, %mul3A_446 : vector<16xf32>
      %mul3A_448 = arith.mulf %get3A_429, %get3A_441 : vector<16xf32>
      %add3A_449 = arith.addf %add3A_447, %mul3A_448 : vector<16xf32>
      %mul3A_450 = arith.mulf %get3A_432, %get3A_444 : vector<16xf32>
      %add3A_451 = arith.addf %add3A_449, %mul3A_450 : vector<16xf32>
      %mul3A_452 = arith.mulf %get3A_423, %get3A_423 : vector<16xf32>
      %mul3A_453 = arith.mulf %get3A_426, %get3A_426 : vector<16xf32>
      %add3A_454 = arith.addf %mul3A_452, %mul3A_453 : vector<16xf32>
      %mul3A_455 = arith.mulf %get3A_429, %get3A_429 : vector<16xf32>
      %add3A_456 = arith.addf %add3A_454, %mul3A_455 : vector<16xf32>
      %mul3A_457 = arith.mulf %get3A_432, %get3A_432 : vector<16xf32>
      %add3A_458 = arith.addf %add3A_456, %mul3A_457 : vector<16xf32>
      %mul3A_459 = arith.mulf %get3A_435, %get3A_435 : vector<16xf32>
      %mul3A_460 = arith.mulf %get3A_438, %get3A_438 : vector<16xf32>
      %add3A_461 = arith.addf %mul3A_459, %mul3A_460 : vector<16xf32>
      %mul3A_462 = arith.mulf %get3A_441, %get3A_441 : vector<16xf32>
      %add3A_463 = arith.addf %add3A_461, %mul3A_462 : vector<16xf32>
      %mul3A_464 = arith.mulf %get3A_444, %get3A_444 : vector<16xf32>
      %add3A_465 = arith.addf %add3A_463, %mul3A_464 : vector<16xf32>
      %get3A_466 = arith.index_cast %add3A_420 : i32 to index
      %get3A_467 = arith.constant 0 : index
      %get3A_468 = tpu.vector_load %arg19[%get3A_466, %get3A_467] {strides = array<i32>} : memref<256x64xf32, #tpu.memory_space<vmem>>, vector<16xf32>,
      %get3A_469 = arith.index_cast %add3A_420 : i32 to index
      %get3A_470 = arith.constant 16 : index
      %get3A_471 = tpu.vector_load %arg19[%get3A_469, %get3A_470] {strides = array<i32>} : memref<256x64xf32, #tpu.memory_space<vmem>>, vector<16xf32>,
      %get3A_472 = arith.index_cast %add3A_420 : i32 to index
      %get3A_473 = arith.constant 32 : index
      %get3A_474 = tpu.vector_load %arg19[%get3A_472, %get3A_473] {strides = array<i32>} : memref<256x64xf32, #tpu.memory_space<vmem>>, vector<16xf32>,
      %get3A_475 = arith.index_cast %add3A_420 : i32 to index
      %get3A_476 = arith.constant 48 : index
      %get3A_477 = tpu.vector_load %arg19[%get3A_475, %get3A_476] {strides = array<i32>} : memref<256x64xf32, #tpu.memory_space<vmem>>, vector<16xf32>,
      %get3A_478 = arith.index_cast %add3A_420 : i32 to index
      %get3A_479 = arith.constant 0 : index
      %get3A_480 = tpu.vector_load %arg20[%get3A_478, %get3A_479] {strides = array<i32>} : memref<256x64xf32, #tpu.memory_space<vmem>>, vector<16xf32>,
      %get3A_481 = arith.index_cast %add3A_420 : i32 to index
      %get3A_482 = arith.constant 16 : index
      %get3A_483 = tpu.vector_load %arg20[%get3A_481, %get3A_482] {strides = array<i32>} : memref<256x64xf32, #tpu.memory_space<vmem>>, vector<16xf32>,
      %get3A_484 = arith.index_cast %add3A_420 : i32 to index
      %get3A_485 = arith.constant 32 : index
      %get3A_486 = tpu.vector_load %arg20[%get3A_484, %get3A_485] {strides = array<i32>} : memref<256x64xf32, #tpu.memory_space<vmem>>, vector<16xf32>,
      %get3A_487 = arith.index_cast %add3A_420 : i32 to index
      %get3A_488 = arith.constant 48 : index
      %get3A_489 = tpu.vector_load %arg20[%get3A_487, %get3A_488] {strides = array<i32>} : memref<256x64xf32, #tpu.memory_space<vmem>>, vector<16xf32>,
      %mul3A_490 = arith.mulf %get3A_468, %get3A_480 : vector<16xf32>
      %mul3A_491 = arith.mulf %get3A_471, %get3A_483 : vector<16xf32>
      %add3A_492 = arith.addf %mul3A_490, %mul3A_491 : vector<16xf32>
      %mul3A_493 = arith.mulf %get3A_474, %get3A_486 : vector<16xf32>
      %add3A_494 = arith.addf %add3A_492, %mul3A_493 : vector<16xf32>
      %mul3A_495 = arith.mulf %get3A_477, %get3A_489 : vector<16xf32>
      %add3A_496 = arith.addf %add3A_494, %mul3A_495 : vector<16xf32>
      %eq3A_497 = arith.constant 3 : i32
      %eq3A_498 = vector.broadcast %eq3A_497 : i32 to vector<16xi32>
      %eq3A_499 = arith.cmpi eq, %iota3A, %eq3A_498 : vector<16xi32>
      %reduce_sum3A_500 = arith.constant true
      %reduce_sum3A_501 = vector.broadcast %reduce_sum3A_500 : i1 to vector<16xi1>
      %reduce_sum3A_502 = tpu.scan <sum>, %add3A_451 masked %reduce_sum3A_501 : vector<16xf32>, vector<16xi1> -> vector<16xf32>
      %reduce_sum3A_503 = vector.extract %reduce_sum3A_502[15] : f32 from vector<16xf32>
      %broadcast_in_dim3A_504 = vector.broadcast %reduce_sum3A_503 : f32 to vector<16xf32>
      %select_n3A_505 = arith.select %eq3A_499, %broadcast_in_dim3A_504, %select_n3A_398 : vector<16xi1>, vector<16xf32>
      %reduce_sum3A_506 = arith.constant true
      %reduce_sum3A_507 = vector.broadcast %reduce_sum3A_506 : i1 to vector<16xi1>
      %reduce_sum3A_508 = tpu.scan <sum>, %add3A_458 masked %reduce_sum3A_507 : vector<16xf32>, vector<16xi1> -> vector<16xf32>
      %reduce_sum3A_509 = vector.extract %reduce_sum3A_508[15] : f32 from vector<16xf32>
      %broadcast_in_dim3A_510 = vector.broadcast %reduce_sum3A_509 : f32 to vector<16xf32>
      %select_n3A_511 = arith.select %eq3A_499, %broadcast_in_dim3A_510, %select_n3A_404 : vector<16xi1>, vector<16xf32>
      %reduce_sum3A_512 = arith.constant true
      %reduce_sum3A_513 = vector.broadcast %reduce_sum3A_512 : i1 to vector<16xi1>
      %reduce_sum3A_514 = tpu.scan <sum>, %add3A_465 masked %reduce_sum3A_513 : vector<16xf32>, vector<16xi1> -> vector<16xf32>
      %reduce_sum3A_515 = vector.extract %reduce_sum3A_514[15] : f32 from vector<16xf32>
      %broadcast_in_dim3A_516 = vector.broadcast %reduce_sum3A_515 : f32 to vector<16xf32>
      %select_n3A_517 = arith.select %eq3A_499, %broadcast_in_dim3A_516, %select_n3A_410 : vector<16xi1>, vector<16xf32>
      %reduce_sum3A_518 = arith.constant true
      %reduce_sum3A_519 = vector.broadcast %reduce_sum3A_518 : i1 to vector<16xi1>
      %reduce_sum3A_520 = tpu.scan <sum>, %add3A_496 masked %reduce_sum3A_519 : vector<16xf32>, vector<16xi1> -> vector<16xf32>
      %reduce_sum3A_521 = vector.extract %reduce_sum3A_520[15] : f32 from vector<16xf32>
      %broadcast_in_dim3A_522 = vector.broadcast %reduce_sum3A_521 : f32 to vector<16xf32>
      %select_n3A_523 = arith.select %eq3A_499, %broadcast_in_dim3A_522, %select_n3A_416 : vector<16xi1>, vector<16xf32>
      %mul3A_524 = arith.constant 16 : i32
      %mul3A_525 = arith.muli %scan3A_92, %mul3A_524 : i32
      %add3A_526 = arith.constant 4 : i32
      %add3A_527 = arith.addi %mul3A_525, %add3A_526 : i32
      %get3A_528 = arith.index_cast %add3A_527 : i32 to index
      %get3A_529 = arith.constant 0 : index
      %get3A_530 = tpu.vector_load %arg17[%get3A_528, %get3A_529] {strides = array<i32>} : memref<256x64xf32, #tpu.memory_space<vmem>>, vector<16xf32>,
      %get3A_531 = arith.index_cast %add3A_527 : i32 to index
      %get3A_532 = arith.constant 16 : index
      %get3A_533 = tpu.vector_load %arg17[%get3A_531, %get3A_532] {strides = array<i32>} : memref<256x64xf32, #tpu.memory_space<vmem>>, vector<16xf32>,
      %get3A_534 = arith.index_cast %add3A_527 : i32 to index
      %get3A_535 = arith.constant 32 : index
      %get3A_536 = tpu.vector_load %arg17[%get3A_534, %get3A_535] {strides = array<i32>} : memref<256x64xf32, #tpu.memory_space<vmem>>, vector<16xf32>,
      %get3A_537 = arith.index_cast %add3A_527 : i32 to index
      %get3A_538 = arith.constant 48 : index
      %get3A_539 = tpu.vector_load %arg17[%get3A_537, %get3A_538] {strides = array<i32>} : memref<256x64xf32, #tpu.memory_space<vmem>>, vector<16xf32>,
      %get3A_540 = arith.index_cast %add3A_527 : i32 to index
      %get3A_541 = arith.constant 0 : index
      %get3A_542 = tpu.vector_load %arg18[%get3A_540, %get3A_541] {strides = array<i32>} : memref<256x64xf32, #tpu.memory_space<vmem>>, vector<16xf32>,
      %get3A_543 = arith.index_cast %add3A_527 : i32 to index
      %get3A_544 = arith.constant 16 : index
      %get3A_545 = tpu.vector_load %arg18[%get3A_543, %get3A_544] {strides = array<i32>} : memref<256x64xf32, #tpu.memory_space<vmem>>, vector<16xf32>,
      %get3A_546 = arith.index_cast %add3A_527 : i32 to index
      %get3A_547 = arith.constant 32 : index
      %get3A_548 = tpu.vector_load %arg18[%get3A_546, %get3A_547] {strides = array<i32>} : memref<256x64xf32, #tpu.memory_space<vmem>>, vector<16xf32>,
      %get3A_549 = arith.index_cast %add3A_527 : i32 to index
      %get3A_550 = arith.constant 48 : index
      %get3A_551 = tpu.vector_load %arg18[%get3A_549, %get3A_550] {strides = array<i32>} : memref<256x64xf32, #tpu.memory_space<vmem>>, vector<16xf32>,
      %mul3A_552 = arith.mulf %get3A_530, %get3A_542 : vector<16xf32>
      %mul3A_553 = arith.mulf %get3A_533, %get3A_545 : vector<16xf32>
      %add3A_554 = arith.addf %mul3A_552, %mul3A_553 : vector<16xf32>
      %mul3A_555 = arith.mulf %get3A_536, %get3A_548 : vector<16xf32>
      %add3A_556 = arith.addf %add3A_554, %mul3A_555 : vector<16xf32>
      %mul3A_557 = arith.mulf %get3A_539, %get3A_551 : vector<16xf32>
      %add3A_558 = arith.addf %add3A_556, %mul3A_557 : vector<16xf32>
      %mul3A_559 = arith.mulf %get3A_530, %get3A_530 : vector<16xf32>
      %mul3A_560 = arith.mulf %get3A_533, %get3A_533 : vector<16xf32>
      %add3A_561 = arith.addf %mul3A_559, %mul3A_560 : vector<16xf32>
      %mul3A_562 = arith.mulf %get3A_536, %get3A_536 : vector<16xf32>
      %add3A_563 = arith.addf %add3A_561, %mul3A_562 : vector<16xf32>
      %mul3A_564 = arith.mulf %get3A_539, %get3A_539 : vector<16xf32>
      %add3A_565 = arith.addf %add3A_563, %mul3A_564 : vector<16xf32>
      %mul3A_566 = arith.mulf %get3A_542, %get3A_542 : vector<16xf32>
      %mul3A_567 = arith.mulf %get3A_545, %get3A_545 : vector<16xf32>
      %add3A_568 = arith.addf %mul3A_566, %mul3A_567 : vector<16xf32>
      %mul3A_569 = arith.mulf %get3A_548, %get3A_548 : vector<16xf32>
      %add3A_570 = arith.addf %add3A_568, %mul3A_569 : vector<16xf32>
      %mul3A_571 = arith.mulf %get3A_551, %get3A_551 : vector<16xf32>
      %add3A_572 = arith.addf %add3A_570, %mul3A_571 : vector<16xf32>
      %get3A_573 = arith.index_cast %add3A_527 : i32 to index
      %get3A_574 = arith.constant 0 : index
      %get3A_575 = tpu.vector_load %arg19[%get3A_573, %get3A_574] {strides = array<i32>} : memref<256x64xf32, #tpu.memory_space<vmem>>, vector<16xf32>,
      %get3A_576 = arith.index_cast %add3A_527 : i32 to index
      %get3A_577 = arith.constant 16 : index
      %get3A_578 = tpu.vector_load %arg19[%get3A_576, %get3A_577] {strides = array<i32>} : memref<256x64xf32, #tpu.memory_space<vmem>>, vector<16xf32>,
      %get3A_579 = arith.index_cast %add3A_527 : i32 to index
      %get3A_580 = arith.constant 32 : index
      %get3A_581 = tpu.vector_load %arg19[%get3A_579, %get3A_580] {strides = array<i32>} : memref<256x64xf32, #tpu.memory_space<vmem>>, vector<16xf32>,
      %get3A_582 = arith.index_cast %add3A_527 : i32 to index
      %get3A_583 = arith.constant 48 : index
      %get3A_584 = tpu.vector_load %arg19[%get3A_582, %get3A_583] {strides = array<i32>} : memref<256x64xf32, #tpu.memory_space<vmem>>, vector<16xf32>,
      %get3A_585 = arith.index_cast %add3A_527 : i32 to index
      %get3A_586 = arith.constant 0 : index
      %get3A_587 = tpu.vector_load %arg20[%get3A_585, %get3A_586] {strides = array<i32>} : memref<256x64xf32, #tpu.memory_space<vmem>>, vector<16xf32>,
      %get3A_588 = arith.index_cast %add3A_527 : i32 to index
      %get3A_589 = arith.constant 16 : index
      %get3A_590 = tpu.vector_load %arg20[%get3A_588, %get3A_589] {strides = array<i32>} : memref<256x64xf32, #tpu.memory_space<vmem>>, vector<16xf32>,
      %get3A_591 = arith.index_cast %add3A_527 : i32 to index
      %get3A_592 = arith.constant 32 : index
      %get3A_593 = tpu.vector_load %arg20[%get3A_591, %get3A_592] {strides = array<i32>} : memref<256x64xf32, #tpu.memory_space<vmem>>, vector<16xf32>,
      %get3A_594 = arith.index_cast %add3A_527 : i32 to index
      %get3A_595 = arith.constant 48 : index
      %get3A_596 = tpu.vector_load %arg20[%get3A_594, %get3A_595] {strides = array<i32>} : memref<256x64xf32, #tpu.memory_space<vmem>>, vector<16xf32>,
      %mul3A_597 = arith.mulf %get3A_575, %get3A_587 : vector<16xf32>
      %mul3A_598 = arith.mulf %get3A_578, %get3A_590 : vector<16xf32>
      %add3A_599 = arith.addf %mul3A_597, %mul3A_598 : vector<16xf32>
      %mul3A_600 = arith.mulf %get3A_581, %get3A_593 : vector<16xf32>
      %add3A_601 = arith.addf %add3A_599, %mul3A_600 : vector<16xf32>
      %mul3A_602 = arith.mulf %get3A_584, %get3A_596 : vector<16xf32>
      %add3A_603 = arith.addf %add3A_601, %mul3A_602 : vector<16xf32>
      %eq3A_604 = arith.constant 4 : i32
      %eq3A_605 = vector.broadcast %eq3A_604 : i32 to vector<16xi32>
      %eq3A_606 = arith.cmpi eq, %iota3A, %eq3A_605 : vector<16xi32>
      %reduce_sum3A_607 = arith.constant true
      %reduce_sum3A_608 = vector.broadcast %reduce_sum3A_607 : i1 to vector<16xi1>
      %reduce_sum3A_609 = tpu.scan <sum>, %add3A_558 masked %reduce_sum3A_608 : vector<16xf32>, vector<16xi1> -> vector<16xf32>
      %reduce_sum3A_610 = vector.extract %reduce_sum3A_609[15] : f32 from vector<16xf32>
      %broadcast_in_dim3A_611 = vector.broadcast %reduce_sum3A_610 : f32 to vector<16xf32>
      %select_n3A_612 = arith.select %eq3A_606, %broadcast_in_dim3A_611, %select_n3A_505 : vector<16xi1>, vector<16xf32>
      %reduce_sum3A_613 = arith.constant true
      %reduce_sum3A_614 = vector.broadcast %reduce_sum3A_613 : i1 to vector<16xi1>
      %reduce_sum3A_615 = tpu.scan <sum>, %add3A_565 masked %reduce_sum3A_614 : vector<16xf32>, vector<16xi1> -> vector<16xf32>
      %reduce_sum3A_616 = vector.extract %reduce_sum3A_615[15] : f32 from vector<16xf32>
      %broadcast_in_dim3A_617 = vector.broadcast %reduce_sum3A_616 : f32 to vector<16xf32>
      %select_n3A_618 = arith.select %eq3A_606, %broadcast_in_dim3A_617, %select_n3A_511 : vector<16xi1>, vector<16xf32>
      %reduce_sum3A_619 = arith.constant true
      %reduce_sum3A_620 = vector.broadcast %reduce_sum3A_619 : i1 to vector<16xi1>
      %reduce_sum3A_621 = tpu.scan <sum>, %add3A_572 masked %reduce_sum3A_620 : vector<16xf32>, vector<16xi1> -> vector<16xf32>
      %reduce_sum3A_622 = vector.extract %reduce_sum3A_621[15] : f32 from vector<16xf32>
      %broadcast_in_dim3A_623 = vector.broadcast %reduce_sum3A_622 : f32 to vector<16xf32>
      %select_n3A_624 = arith.select %eq3A_606, %broadcast_in_dim3A_623, %select_n3A_517 : vector<16xi1>, vector<16xf32>
      %reduce_sum3A_625 = arith.constant true
      %reduce_sum3A_626 = vector.broadcast %reduce_sum3A_625 : i1 to vector<16xi1>
      %reduce_sum3A_627 = tpu.scan <sum>, %add3A_603 masked %reduce_sum3A_626 : vector<16xf32>, vector<16xi1> -> vector<16xf32>
      %reduce_sum3A_628 = vector.extract %reduce_sum3A_627[15] : f32 from vector<16xf32>
      %broadcast_in_dim3A_629 = vector.broadcast %reduce_sum3A_628 : f32 to vector<16xf32>
      %select_n3A_630 = arith.select %eq3A_606, %broadcast_in_dim3A_629, %select_n3A_523 : vector<16xi1>, vector<16xf32>
      %mul3A_631 = arith.constant 16 : i32
      %mul3A_632 = arith.muli %scan3A_92, %mul3A_631 : i32
      %add3A_633 = arith.constant 5 : i32
      %add3A_634 = arith.addi %mul3A_632, %add3A_633 : i32
      %get3A_635 = arith.index_cast %add3A_634 : i32 to index
      %get3A_636 = arith.constant 0 : index
      %get3A_637 = tpu.vector_load %arg17[%get3A_635, %get3A_636] {strides = array<i32>} : memref<256x64xf32, #tpu.memory_space<vmem>>, vector<16xf32>,
      %get3A_638 = arith.index_cast %add3A_634 : i32 to index
      %get3A_639 = arith.constant 16 : index
      %get3A_640 = tpu.vector_load %arg17[%get3A_638, %get3A_639] {strides = array<i32>} : memref<256x64xf32, #tpu.memory_space<vmem>>, vector<16xf32>,
      %get3A_641 = arith.index_cast %add3A_634 : i32 to index
      %get3A_642 = arith.constant 32 : index
      %get3A_643 = tpu.vector_load %arg17[%get3A_641, %get3A_642] {strides = array<i32>} : memref<256x64xf32, #tpu.memory_space<vmem>>, vector<16xf32>,
      %get3A_644 = arith.index_cast %add3A_634 : i32 to index
      %get3A_645 = arith.constant 48 : index
      %get3A_646 = tpu.vector_load %arg17[%get3A_644, %get3A_645] {strides = array<i32>} : memref<256x64xf32, #tpu.memory_space<vmem>>, vector<16xf32>,
      %get3A_647 = arith.index_cast %add3A_634 : i32 to index
      %get3A_648 = arith.constant 0 : index
      %get3A_649 = tpu.vector_load %arg18[%get3A_647, %get3A_648] {strides = array<i32>} : memref<256x64xf32, #tpu.memory_space<vmem>>, vector<16xf32>,
      %get3A_650 = arith.index_cast %add3A_634 : i32 to index
      %get3A_651 = arith.constant 16 : index
      %get3A_652 = tpu.vector_load %arg18[%get3A_650, %get3A_651] {strides = array<i32>} : memref<256x64xf32, #tpu.memory_space<vmem>>, vector<16xf32>,
      %get3A_653 = arith.index_cast %add3A_634 : i32 to index
      %get3A_654 = arith.constant 32 : index
      %get3A_655 = tpu.vector_load %arg18[%get3A_653, %get3A_654] {strides = array<i32>} : memref<256x64xf32, #tpu.memory_space<vmem>>, vector<16xf32>,
      %get3A_656 = arith.index_cast %add3A_634 : i32 to index
      %get3A_657 = arith.constant 48 : index
      %get3A_658 = tpu.vector_load %arg18[%get3A_656, %get3A_657] {strides = array<i32>} : memref<256x64xf32, #tpu.memory_space<vmem>>, vector<16xf32>,
      %mul3A_659 = arith.mulf %get3A_637, %get3A_649 : vector<16xf32>
      %mul3A_660 = arith.mulf %get3A_640, %get3A_652 : vector<16xf32>
      %add3A_661 = arith.addf %mul3A_659, %mul3A_660 : vector<16xf32>
      %mul3A_662 = arith.mulf %get3A_643, %get3A_655 : vector<16xf32>
      %add3A_663 = arith.addf %add3A_661, %mul3A_662 : vector<16xf32>
      %mul3A_664 = arith.mulf %get3A_646, %get3A_658 : vector<16xf32>
      %add3A_665 = arith.addf %add3A_663, %mul3A_664 : vector<16xf32>
      %mul3A_666 = arith.mulf %get3A_637, %get3A_637 : vector<16xf32>
      %mul3A_667 = arith.mulf %get3A_640, %get3A_640 : vector<16xf32>
      %add3A_668 = arith.addf %mul3A_666, %mul3A_667 : vector<16xf32>
      %mul3A_669 = arith.mulf %get3A_643, %get3A_643 : vector<16xf32>
      %add3A_670 = arith.addf %add3A_668, %mul3A_669 : vector<16xf32>
      %mul3A_671 = arith.mulf %get3A_646, %get3A_646 : vector<16xf32>
      %add3A_672 = arith.addf %add3A_670, %mul3A_671 : vector<16xf32>
      %mul3A_673 = arith.mulf %get3A_649, %get3A_649 : vector<16xf32>
      %mul3A_674 = arith.mulf %get3A_652, %get3A_652 : vector<16xf32>
      %add3A_675 = arith.addf %mul3A_673, %mul3A_674 : vector<16xf32>
      %mul3A_676 = arith.mulf %get3A_655, %get3A_655 : vector<16xf32>
      %add3A_677 = arith.addf %add3A_675, %mul3A_676 : vector<16xf32>
      %mul3A_678 = arith.mulf %get3A_658, %get3A_658 : vector<16xf32>
      %add3A_679 = arith.addf %add3A_677, %mul3A_678 : vector<16xf32>
      %get3A_680 = arith.index_cast %add3A_634 : i32 to index
      %get3A_681 = arith.constant 0 : index
      %get3A_682 = tpu.vector_load %arg19[%get3A_680, %get3A_681] {strides = array<i32>} : memref<256x64xf32, #tpu.memory_space<vmem>>, vector<16xf32>,
      %get3A_683 = arith.index_cast %add3A_634 : i32 to index
      %get3A_684 = arith.constant 16 : index
      %get3A_685 = tpu.vector_load %arg19[%get3A_683, %get3A_684] {strides = array<i32>} : memref<256x64xf32, #tpu.memory_space<vmem>>, vector<16xf32>,
      %get3A_686 = arith.index_cast %add3A_634 : i32 to index
      %get3A_687 = arith.constant 32 : index
      %get3A_688 = tpu.vector_load %arg19[%get3A_686, %get3A_687] {strides = array<i32>} : memref<256x64xf32, #tpu.memory_space<vmem>>, vector<16xf32>,
      %get3A_689 = arith.index_cast %add3A_634 : i32 to index
      %get3A_690 = arith.constant 48 : index
      %get3A_691 = tpu.vector_load %arg19[%get3A_689, %get3A_690] {strides = array<i32>} : memref<256x64xf32, #tpu.memory_space<vmem>>, vector<16xf32>,
      %get3A_692 = arith.index_cast %add3A_634 : i32 to index
      %get3A_693 = arith.constant 0 : index
      %get3A_694 = tpu.vector_load %arg20[%get3A_692, %get3A_693] {strides = array<i32>} : memref<256x64xf32, #tpu.memory_space<vmem>>, vector<16xf32>,
      %get3A_695 = arith.index_cast %add3A_634 : i32 to index
      %get3A_696 = arith.constant 16 : index
      %get3A_697 = tpu.vector_load %arg20[%get3A_695, %get3A_696] {strides = array<i32>} : memref<256x64xf32, #tpu.memory_space<vmem>>, vector<16xf32>,
      %get3A_698 = arith.index_cast %add3A_634 : i32 to index
      %get3A_699 = arith.constant 32 : index
      %get3A_700 = tpu.vector_load %arg20[%get3A_698, %get3A_699] {strides = array<i32>} : memref<256x64xf32, #tpu.memory_space<vmem>>, vector<16xf32>,
      %get3A_701 = arith.index_cast %add3A_634 : i32 to index
      %get3A_702 = arith.constant 48 : index
      %get3A_703 = tpu.vector_load %arg20[%get3A_701, %get3A_702] {strides = array<i32>} : memref<256x64xf32, #tpu.memory_space<vmem>>, vector<16xf32>,
      %mul3A_704 = arith.mulf %get3A_682, %get3A_694 : vector<16xf32>
      %mul3A_705 = arith.mulf %get3A_685, %get3A_697 : vector<16xf32>
      %add3A_706 = arith.addf %mul3A_704, %mul3A_705 : vector<16xf32>
      %mul3A_707 = arith.mulf %get3A_688, %get3A_700 : vector<16xf32>
      %add3A_708 = arith.addf %add3A_706, %mul3A_707 : vector<16xf32>
      %mul3A_709 = arith.mulf %get3A_691, %get3A_703 : vector<16xf32>
      %add3A_710 = arith.addf %add3A_708, %mul3A_709 : vector<16xf32>
      %eq3A_711 = arith.constant 5 : i32
      %eq3A_712 = vector.broadcast %eq3A_711 : i32 to vector<16xi32>
      %eq3A_713 = arith.cmpi eq, %iota3A, %eq3A_712 : vector<16xi32>
      %reduce_sum3A_714 = arith.constant true
      %reduce_sum3A_715 = vector.broadcast %reduce_sum3A_714 : i1 to vector<16xi1>
      %reduce_sum3A_716 = tpu.scan <sum>, %add3A_665 masked %reduce_sum3A_715 : vector<16xf32>, vector<16xi1> -> vector<16xf32>
      %reduce_sum3A_717 = vector.extract %reduce_sum3A_716[15] : f32 from vector<16xf32>
      %broadcast_in_dim3A_718 = vector.broadcast %reduce_sum3A_717 : f32 to vector<16xf32>
      %select_n3A_719 = arith.select %eq3A_713, %broadcast_in_dim3A_718, %select_n3A_612 : vector<16xi1>, vector<16xf32>
      %reduce_sum3A_720 = arith.constant true
      %reduce_sum3A_721 = vector.broadcast %reduce_sum3A_720 : i1 to vector<16xi1>
      %reduce_sum3A_722 = tpu.scan <sum>, %add3A_672 masked %reduce_sum3A_721 : vector<16xf32>, vector<16xi1> -> vector<16xf32>
      %reduce_sum3A_723 = vector.extract %reduce_sum3A_722[15] : f32 from vector<16xf32>
      %broadcast_in_dim3A_724 = vector.broadcast %reduce_sum3A_723 : f32 to vector<16xf32>
      %select_n3A_725 = arith.select %eq3A_713, %broadcast_in_dim3A_724, %select_n3A_618 : vector<16xi1>, vector<16xf32>
      %reduce_sum3A_726 = arith.constant true
      %reduce_sum3A_727 = vector.broadcast %reduce_sum3A_726 : i1 to vector<16xi1>
      %reduce_sum3A_728 = tpu.scan <sum>, %add3A_679 masked %reduce_sum3A_727 : vector<16xf32>, vector<16xi1> -> vector<16xf32>
      %reduce_sum3A_729 = vector.extract %reduce_sum3A_728[15] : f32 from vector<16xf32>
      %broadcast_in_dim3A_730 = vector.broadcast %reduce_sum3A_729 : f32 to vector<16xf32>
      %select_n3A_731 = arith.select %eq3A_713, %broadcast_in_dim3A_730, %select_n3A_624 : vector<16xi1>, vector<16xf32>
      %reduce_sum3A_732 = arith.constant true
      %reduce_sum3A_733 = vector.broadcast %reduce_sum3A_732 : i1 to vector<16xi1>
      %reduce_sum3A_734 = tpu.scan <sum>, %add3A_710 masked %reduce_sum3A_733 : vector<16xf32>, vector<16xi1> -> vector<16xf32>
      %reduce_sum3A_735 = vector.extract %reduce_sum3A_734[15] : f32 from vector<16xf32>
      %broadcast_in_dim3A_736 = vector.broadcast %reduce_sum3A_735 : f32 to vector<16xf32>
      %select_n3A_737 = arith.select %eq3A_713, %broadcast_in_dim3A_736, %select_n3A_630 : vector<16xi1>, vector<16xf32>
      %mul3A_738 = arith.constant 16 : i32
      %mul3A_739 = arith.muli %scan3A_92, %mul3A_738 : i32
      %add3A_740 = arith.constant 6 : i32
      %add3A_741 = arith.addi %mul3A_739, %add3A_740 : i32
      %get3A_742 = arith.index_cast %add3A_741 : i32 to index
      %get3A_743 = arith.constant 0 : index
      %get3A_744 = tpu.vector_load %arg17[%get3A_742, %get3A_743] {strides = array<i32>} : memref<256x64xf32, #tpu.memory_space<vmem>>, vector<16xf32>,
      %get3A_745 = arith.index_cast %add3A_741 : i32 to index
      %get3A_746 = arith.constant 16 : index
      %get3A_747 = tpu.vector_load %arg17[%get3A_745, %get3A_746] {strides = array<i32>} : memref<256x64xf32, #tpu.memory_space<vmem>>, vector<16xf32>,
      %get3A_748 = arith.index_cast %add3A_741 : i32 to index
      %get3A_749 = arith.constant 32 : index
      %get3A_750 = tpu.vector_load %arg17[%get3A_748, %get3A_749] {strides = array<i32>} : memref<256x64xf32, #tpu.memory_space<vmem>>, vector<16xf32>,
      %get3A_751 = arith.index_cast %add3A_741 : i32 to index
      %get3A_752 = arith.constant 48 : index
      %get3A_753 = tpu.vector_load %arg17[%get3A_751, %get3A_752] {strides = array<i32>} : memref<256x64xf32, #tpu.memory_space<vmem>>, vector<16xf32>,
      %get3A_754 = arith.index_cast %add3A_741 : i32 to index
      %get3A_755 = arith.constant 0 : index
      %get3A_756 = tpu.vector_load %arg18[%get3A_754, %get3A_755] {strides = array<i32>} : memref<256x64xf32, #tpu.memory_space<vmem>>, vector<16xf32>,
      %get3A_757 = arith.index_cast %add3A_741 : i32 to index
      %get3A_758 = arith.constant 16 : index
      %get3A_759 = tpu.vector_load %arg18[%get3A_757, %get3A_758] {strides = array<i32>} : memref<256x64xf32, #tpu.memory_space<vmem>>, vector<16xf32>,
      %get3A_760 = arith.index_cast %add3A_741 : i32 to index
      %get3A_761 = arith.constant 32 : index
      %get3A_762 = tpu.vector_load %arg18[%get3A_760, %get3A_761] {strides = array<i32>} : memref<256x64xf32, #tpu.memory_space<vmem>>, vector<16xf32>,
      %get3A_763 = arith.index_cast %add3A_741 : i32 to index
      %get3A_764 = arith.constant 48 : index
      %get3A_765 = tpu.vector_load %arg18[%get3A_763, %get3A_764] {strides = array<i32>} : memref<256x64xf32, #tpu.memory_space<vmem>>, vector<16xf32>,
      %mul3A_766 = arith.mulf %get3A_744, %get3A_756 : vector<16xf32>
      %mul3A_767 = arith.mulf %get3A_747, %get3A_759 : vector<16xf32>
      %add3A_768 = arith.addf %mul3A_766, %mul3A_767 : vector<16xf32>
      %mul3A_769 = arith.mulf %get3A_750, %get3A_762 : vector<16xf32>
      %add3A_770 = arith.addf %add3A_768, %mul3A_769 : vector<16xf32>
      %mul3A_771 = arith.mulf %get3A_753, %get3A_765 : vector<16xf32>
      %add3A_772 = arith.addf %add3A_770, %mul3A_771 : vector<16xf32>
      %mul3A_773 = arith.mulf %get3A_744, %get3A_744 : vector<16xf32>
      %mul3A_774 = arith.mulf %get3A_747, %get3A_747 : vector<16xf32>
      %add3A_775 = arith.addf %mul3A_773, %mul3A_774 : vector<16xf32>
      %mul3A_776 = arith.mulf %get3A_750, %get3A_750 : vector<16xf32>
      %add3A_777 = arith.addf %add3A_775, %mul3A_776 : vector<16xf32>
      %mul3A_778 = arith.mulf %get3A_753, %get3A_753 : vector<16xf32>
      %add3A_779 = arith.addf %add3A_777, %mul3A_778 : vector<16xf32>
      %mul3A_780 = arith.mulf %get3A_756, %get3A_756 : vector<16xf32>
      %mul3A_781 = arith.mulf %get3A_759, %get3A_759 : vector<16xf32>
      %add3A_782 = arith.addf %mul3A_780, %mul3A_781 : vector<16xf32>
      %mul3A_783 = arith.mulf %get3A_762, %get3A_762 : vector<16xf32>
      %add3A_784 = arith.addf %add3A_782, %mul3A_783 : vector<16xf32>
      %mul3A_785 = arith.mulf %get3A_765, %get3A_765 : vector<16xf32>
      %add3A_786 = arith.addf %add3A_784, %mul3A_785 : vector<16xf32>
      %get3A_787 = arith.index_cast %add3A_741 : i32 to index
      %get3A_788 = arith.constant 0 : index
      %get3A_789 = tpu.vector_load %arg19[%get3A_787, %get3A_788] {strides = array<i32>} : memref<256x64xf32, #tpu.memory_space<vmem>>, vector<16xf32>,
      %get3A_790 = arith.index_cast %add3A_741 : i32 to index
      %get3A_791 = arith.constant 16 : index
      %get3A_792 = tpu.vector_load %arg19[%get3A_790, %get3A_791] {strides = array<i32>} : memref<256x64xf32, #tpu.memory_space<vmem>>, vector<16xf32>,
      %get3A_793 = arith.index_cast %add3A_741 : i32 to index
      %get3A_794 = arith.constant 32 : index
      %get3A_795 = tpu.vector_load %arg19[%get3A_793, %get3A_794] {strides = array<i32>} : memref<256x64xf32, #tpu.memory_space<vmem>>, vector<16xf32>,
      %get3A_796 = arith.index_cast %add3A_741 : i32 to index
      %get3A_797 = arith.constant 48 : index
      %get3A_798 = tpu.vector_load %arg19[%get3A_796, %get3A_797] {strides = array<i32>} : memref<256x64xf32, #tpu.memory_space<vmem>>, vector<16xf32>,
      %get3A_799 = arith.index_cast %add3A_741 : i32 to index
      %get3A_800 = arith.constant 0 : index
      %get3A_801 = tpu.vector_load %arg20[%get3A_799, %get3A_800] {strides = array<i32>} : memref<256x64xf32, #tpu.memory_space<vmem>>, vector<16xf32>,
      %get3A_802 = arith.index_cast %add3A_741 : i32 to index
      %get3A_803 = arith.constant 16 : index
      %get3A_804 = tpu.vector_load %arg20[%get3A_802, %get3A_803] {strides = array<i32>} : memref<256x64xf32, #tpu.memory_space<vmem>>, vector<16xf32>,
      %get3A_805 = arith.index_cast %add3A_741 : i32 to index
      %get3A_806 = arith.constant 32 : index
      %get3A_807 = tpu.vector_load %arg20[%get3A_805, %get3A_806] {strides = array<i32>} : memref<256x64xf32, #tpu.memory_space<vmem>>, vector<16xf32>,
      %get3A_808 = arith.index_cast %add3A_741 : i32 to index
      %get3A_809 = arith.constant 48 : index
      %get3A_810 = tpu.vector_load %arg20[%get3A_808, %get3A_809] {strides = array<i32>} : memref<256x64xf32, #tpu.memory_space<vmem>>, vector<16xf32>,
      %mul3A_811 = arith.mulf %get3A_789, %get3A_801 : vector<16xf32>
      %mul3A_812 = arith.mulf %get3A_792, %get3A_804 : vector<16xf32>
      %add3A_813 = arith.addf %mul3A_811, %mul3A_812 : vector<16xf32>
      %mul3A_814 = arith.mulf %get3A_795, %get3A_807 : vector<16xf32>
      %add3A_815 = arith.addf %add3A_813, %mul3A_814 : vector<16xf32>
      %mul3A_816 = arith.mulf %get3A_798, %get3A_810 : vector<16xf32>
      %add3A_817 = arith.addf %add3A_815, %mul3A_816 : vector<16xf32>
      %eq3A_818 = arith.constant 6 : i32
      %eq3A_819 = vector.broadcast %eq3A_818 : i32 to vector<16xi32>
      %eq3A_820 = arith.cmpi eq, %iota3A, %eq3A_819 : vector<16xi32>
      %reduce_sum3A_821 = arith.constant true
      %reduce_sum3A_822 = vector.broadcast %reduce_sum3A_821 : i1 to vector<16xi1>
      %reduce_sum3A_823 = tpu.scan <sum>, %add3A_772 masked %reduce_sum3A_822 : vector<16xf32>, vector<16xi1> -> vector<16xf32>
      %reduce_sum3A_824 = vector.extract %reduce_sum3A_823[15] : f32 from vector<16xf32>
      %broadcast_in_dim3A_825 = vector.broadcast %reduce_sum3A_824 : f32 to vector<16xf32>
      %select_n3A_826 = arith.select %eq3A_820, %broadcast_in_dim3A_825, %select_n3A_719 : vector<16xi1>, vector<16xf32>
      %reduce_sum3A_827 = arith.constant true
      %reduce_sum3A_828 = vector.broadcast %reduce_sum3A_827 : i1 to vector<16xi1>
      %reduce_sum3A_829 = tpu.scan <sum>, %add3A_779 masked %reduce_sum3A_828 : vector<16xf32>, vector<16xi1> -> vector<16xf32>
      %reduce_sum3A_830 = vector.extract %reduce_sum3A_829[15] : f32 from vector<16xf32>
      %broadcast_in_dim3A_831 = vector.broadcast %reduce_sum3A_830 : f32 to vector<16xf32>
      %select_n3A_832 = arith.select %eq3A_820, %broadcast_in_dim3A_831, %select_n3A_725 : vector<16xi1>, vector<16xf32>
      %reduce_sum3A_833 = arith.constant true
      %reduce_sum3A_834 = vector.broadcast %reduce_sum3A_833 : i1 to vector<16xi1>
      %reduce_sum3A_835 = tpu.scan <sum>, %add3A_786 masked %reduce_sum3A_834 : vector<16xf32>, vector<16xi1> -> vector<16xf32>
      %reduce_sum3A_836 = vector.extract %reduce_sum3A_835[15] : f32 from vector<16xf32>
      %broadcast_in_dim3A_837 = vector.broadcast %reduce_sum3A_836 : f32 to vector<16xf32>
      %select_n3A_838 = arith.select %eq3A_820, %broadcast_in_dim3A_837, %select_n3A_731 : vector<16xi1>, vector<16xf32>
      %reduce_sum3A_839 = arith.constant true
      %reduce_sum3A_840 = vector.broadcast %reduce_sum3A_839 : i1 to vector<16xi1>
      %reduce_sum3A_841 = tpu.scan <sum>, %add3A_817 masked %reduce_sum3A_840 : vector<16xf32>, vector<16xi1> -> vector<16xf32>
      %reduce_sum3A_842 = vector.extract %reduce_sum3A_841[15] : f32 from vector<16xf32>
      %broadcast_in_dim3A_843 = vector.broadcast %reduce_sum3A_842 : f32 to vector<16xf32>
      %select_n3A_844 = arith.select %eq3A_820, %broadcast_in_dim3A_843, %select_n3A_737 : vector<16xi1>, vector<16xf32>
      %mul3A_845 = arith.constant 16 : i32
      %mul3A_846 = arith.muli %scan3A_92, %mul3A_845 : i32
      %add3A_847 = arith.constant 7 : i32
      %add3A_848 = arith.addi %mul3A_846, %add3A_847 : i32
      %get3A_849 = arith.index_cast %add3A_848 : i32 to index
      %get3A_850 = arith.constant 0 : index
      %get3A_851 = tpu.vector_load %arg17[%get3A_849, %get3A_850] {strides = array<i32>} : memref<256x64xf32, #tpu.memory_space<vmem>>, vector<16xf32>,
      %get3A_852 = arith.index_cast %add3A_848 : i32 to index
      %get3A_853 = arith.constant 16 : index
      %get3A_854 = tpu.vector_load %arg17[%get3A_852, %get3A_853] {strides = array<i32>} : memref<256x64xf32, #tpu.memory_space<vmem>>, vector<16xf32>,
      %get3A_855 = arith.index_cast %add3A_848 : i32 to index
      %get3A_856 = arith.constant 32 : index
      %get3A_857 = tpu.vector_load %arg17[%get3A_855, %get3A_856] {strides = array<i32>} : memref<256x64xf32, #tpu.memory_space<vmem>>, vector<16xf32>,
      %get3A_858 = arith.index_cast %add3A_848 : i32 to index
      %get3A_859 = arith.constant 48 : index
      %get3A_860 = tpu.vector_load %arg17[%get3A_858, %get3A_859] {strides = array<i32>} : memref<256x64xf32, #tpu.memory_space<vmem>>, vector<16xf32>,
      %get3A_861 = arith.index_cast %add3A_848 : i32 to index
      %get3A_862 = arith.constant 0 : index
      %get3A_863 = tpu.vector_load %arg18[%get3A_861, %get3A_862] {strides = array<i32>} : memref<256x64xf32, #tpu.memory_space<vmem>>, vector<16xf32>,
      %get3A_864 = arith.index_cast %add3A_848 : i32 to index
      %get3A_865 = arith.constant 16 : index
      %get3A_866 = tpu.vector_load %arg18[%get3A_864, %get3A_865] {strides = array<i32>} : memref<256x64xf32, #tpu.memory_space<vmem>>, vector<16xf32>,
      %get3A_867 = arith.index_cast %add3A_848 : i32 to index
      %get3A_868 = arith.constant 32 : index
      %get3A_869 = tpu.vector_load %arg18[%get3A_867, %get3A_868] {strides = array<i32>} : memref<256x64xf32, #tpu.memory_space<vmem>>, vector<16xf32>,
      %get3A_870 = arith.index_cast %add3A_848 : i32 to index
      %get3A_871 = arith.constant 48 : index
      %get3A_872 = tpu.vector_load %arg18[%get3A_870, %get3A_871] {strides = array<i32>} : memref<256x64xf32, #tpu.memory_space<vmem>>, vector<16xf32>,
      %mul3A_873 = arith.mulf %get3A_851, %get3A_863 : vector<16xf32>
      %mul3A_874 = arith.mulf %get3A_854, %get3A_866 : vector<16xf32>
      %add3A_875 = arith.addf %mul3A_873, %mul3A_874 : vector<16xf32>
      %mul3A_876 = arith.mulf %get3A_857, %get3A_869 : vector<16xf32>
      %add3A_877 = arith.addf %add3A_875, %mul3A_876 : vector<16xf32>
      %mul3A_878 = arith.mulf %get3A_860, %get3A_872 : vector<16xf32>
      %add3A_879 = arith.addf %add3A_877, %mul3A_878 : vector<16xf32>
      %mul3A_880 = arith.mulf %get3A_851, %get3A_851 : vector<16xf32>
      %mul3A_881 = arith.mulf %get3A_854, %get3A_854 : vector<16xf32>
      %add3A_882 = arith.addf %mul3A_880, %mul3A_881 : vector<16xf32>
      %mul3A_883 = arith.mulf %get3A_857, %get3A_857 : vector<16xf32>
      %add3A_884 = arith.addf %add3A_882, %mul3A_883 : vector<16xf32>
      %mul3A_885 = arith.mulf %get3A_860, %get3A_860 : vector<16xf32>
      %add3A_886 = arith.addf %add3A_884, %mul3A_885 : vector<16xf32>
      %mul3A_887 = arith.mulf %get3A_863, %get3A_863 : vector<16xf32>
      %mul3A_888 = arith.mulf %get3A_866, %get3A_866 : vector<16xf32>
      %add3A_889 = arith.addf %mul3A_887, %mul3A_888 : vector<16xf32>
      %mul3A_890 = arith.mulf %get3A_869, %get3A_869 : vector<16xf32>
      %add3A_891 = arith.addf %add3A_889, %mul3A_890 : vector<16xf32>
      %mul3A_892 = arith.mulf %get3A_872, %get3A_872 : vector<16xf32>
      %add3A_893 = arith.addf %add3A_891, %mul3A_892 : vector<16xf32>
      %get3A_894 = arith.index_cast %add3A_848 : i32 to index
      %get3A_895 = arith.constant 0 : index
      %get3A_896 = tpu.vector_load %arg19[%get3A_894, %get3A_895] {strides = array<i32>} : memref<256x64xf32, #tpu.memory_space<vmem>>, vector<16xf32>,
      %get3A_897 = arith.index_cast %add3A_848 : i32 to index
      %get3A_898 = arith.constant 16 : index
      %get3A_899 = tpu.vector_load %arg19[%get3A_897, %get3A_898] {strides = array<i32>} : memref<256x64xf32, #tpu.memory_space<vmem>>, vector<16xf32>,
      %get3A_900 = arith.index_cast %add3A_848 : i32 to index
      %get3A_901 = arith.constant 32 : index
      %get3A_902 = tpu.vector_load %arg19[%get3A_900, %get3A_901] {strides = array<i32>} : memref<256x64xf32, #tpu.memory_space<vmem>>, vector<16xf32>,
      %get3A_903 = arith.index_cast %add3A_848 : i32 to index
      %get3A_904 = arith.constant 48 : index
      %get3A_905 = tpu.vector_load %arg19[%get3A_903, %get3A_904] {strides = array<i32>} : memref<256x64xf32, #tpu.memory_space<vmem>>, vector<16xf32>,
      %get3A_906 = arith.index_cast %add3A_848 : i32 to index
      %get3A_907 = arith.constant 0 : index
      %get3A_908 = tpu.vector_load %arg20[%get3A_906, %get3A_907] {strides = array<i32>} : memref<256x64xf32, #tpu.memory_space<vmem>>, vector<16xf32>,
      %get3A_909 = arith.index_cast %add3A_848 : i32 to index
      %get3A_910 = arith.constant 16 : index
      %get3A_911 = tpu.vector_load %arg20[%get3A_909, %get3A_910] {strides = array<i32>} : memref<256x64xf32, #tpu.memory_space<vmem>>, vector<16xf32>,
      %get3A_912 = arith.index_cast %add3A_848 : i32 to index
      %get3A_913 = arith.constant 32 : index
      %get3A_914 = tpu.vector_load %arg20[%get3A_912, %get3A_913] {strides = array<i32>} : memref<256x64xf32, #tpu.memory_space<vmem>>, vector<16xf32>,
      %get3A_915 = arith.index_cast %add3A_848 : i32 to index
      %get3A_916 = arith.constant 48 : index
      %get3A_917 = tpu.vector_load %arg20[%get3A_915, %get3A_916] {strides = array<i32>} : memref<256x64xf32, #tpu.memory_space<vmem>>, vector<16xf32>,
      %mul3A_918 = arith.mulf %get3A_896, %get3A_908 : vector<16xf32>
      %mul3A_919 = arith.mulf %get3A_899, %get3A_911 : vector<16xf32>
      %add3A_920 = arith.addf %mul3A_918, %mul3A_919 : vector<16xf32>
      %mul3A_921 = arith.mulf %get3A_902, %get3A_914 : vector<16xf32>
      %add3A_922 = arith.addf %add3A_920, %mul3A_921 : vector<16xf32>
      %mul3A_923 = arith.mulf %get3A_905, %get3A_917 : vector<16xf32>
      %add3A_924 = arith.addf %add3A_922, %mul3A_923 : vector<16xf32>
      %eq3A_925 = arith.constant 7 : i32
      %eq3A_926 = vector.broadcast %eq3A_925 : i32 to vector<16xi32>
      %eq3A_927 = arith.cmpi eq, %iota3A, %eq3A_926 : vector<16xi32>
      %reduce_sum3A_928 = arith.constant true
      %reduce_sum3A_929 = vector.broadcast %reduce_sum3A_928 : i1 to vector<16xi1>
      %reduce_sum3A_930 = tpu.scan <sum>, %add3A_879 masked %reduce_sum3A_929 : vector<16xf32>, vector<16xi1> -> vector<16xf32>
      %reduce_sum3A_931 = vector.extract %reduce_sum3A_930[15] : f32 from vector<16xf32>
      %broadcast_in_dim3A_932 = vector.broadcast %reduce_sum3A_931 : f32 to vector<16xf32>
      %select_n3A_933 = arith.select %eq3A_927, %broadcast_in_dim3A_932, %select_n3A_826 : vector<16xi1>, vector<16xf32>
      %reduce_sum3A_934 = arith.constant true
      %reduce_sum3A_935 = vector.broadcast %reduce_sum3A_934 : i1 to vector<16xi1>
      %reduce_sum3A_936 = tpu.scan <sum>, %add3A_886 masked %reduce_sum3A_935 : vector<16xf32>, vector<16xi1> -> vector<16xf32>
      %reduce_sum3A_937 = vector.extract %reduce_sum3A_936[15] : f32 from vector<16xf32>
      %broadcast_in_dim3A_938 = vector.broadcast %reduce_sum3A_937 : f32 to vector<16xf32>
      %select_n3A_939 = arith.select %eq3A_927, %broadcast_in_dim3A_938, %select_n3A_832 : vector<16xi1>, vector<16xf32>
      %reduce_sum3A_940 = arith.constant true
      %reduce_sum3A_941 = vector.broadcast %reduce_sum3A_940 : i1 to vector<16xi1>
      %reduce_sum3A_942 = tpu.scan <sum>, %add3A_893 masked %reduce_sum3A_941 : vector<16xf32>, vector<16xi1> -> vector<16xf32>
      %reduce_sum3A_943 = vector.extract %reduce_sum3A_942[15] : f32 from vector<16xf32>
      %broadcast_in_dim3A_944 = vector.broadcast %reduce_sum3A_943 : f32 to vector<16xf32>
      %select_n3A_945 = arith.select %eq3A_927, %broadcast_in_dim3A_944, %select_n3A_838 : vector<16xi1>, vector<16xf32>
      %reduce_sum3A_946 = arith.constant true
      %reduce_sum3A_947 = vector.broadcast %reduce_sum3A_946 : i1 to vector<16xi1>
      %reduce_sum3A_948 = tpu.scan <sum>, %add3A_924 masked %reduce_sum3A_947 : vector<16xf32>, vector<16xi1> -> vector<16xf32>
      %reduce_sum3A_949 = vector.extract %reduce_sum3A_948[15] : f32 from vector<16xf32>
      %broadcast_in_dim3A_950 = vector.broadcast %reduce_sum3A_949 : f32 to vector<16xf32>
      %select_n3A_951 = arith.select %eq3A_927, %broadcast_in_dim3A_950, %select_n3A_844 : vector<16xi1>, vector<16xf32>
      %mul3A_952 = arith.constant 16 : i32
      %mul3A_953 = arith.muli %scan3A_92, %mul3A_952 : i32
      %add3A_954 = arith.constant 8 : i32
      %add3A_955 = arith.addi %mul3A_953, %add3A_954 : i32
      %get3A_956 = arith.index_cast %add3A_955 : i32 to index
      %get3A_957 = arith.constant 0 : index
      %get3A_958 = tpu.vector_load %arg17[%get3A_956, %get3A_957] {strides = array<i32>} : memref<256x64xf32, #tpu.memory_space<vmem>>, vector<16xf32>,
      %get3A_959 = arith.index_cast %add3A_955 : i32 to index
      %get3A_960 = arith.constant 16 : index
      %get3A_961 = tpu.vector_load %arg17[%get3A_959, %get3A_960] {strides = array<i32>} : memref<256x64xf32, #tpu.memory_space<vmem>>, vector<16xf32>,
      %get3A_962 = arith.index_cast %add3A_955 : i32 to index
      %get3A_963 = arith.constant 32 : index
      %get3A_964 = tpu.vector_load %arg17[%get3A_962, %get3A_963] {strides = array<i32>} : memref<256x64xf32, #tpu.memory_space<vmem>>, vector<16xf32>,
      %get3A_965 = arith.index_cast %add3A_955 : i32 to index
      %get3A_966 = arith.constant 48 : index
      %get3A_967 = tpu.vector_load %arg17[%get3A_965, %get3A_966] {strides = array<i32>} : memref<256x64xf32, #tpu.memory_space<vmem>>, vector<16xf32>,
      %get3A_968 = arith.index_cast %add3A_955 : i32 to index
      %get3A_969 = arith.constant 0 : index
      %get3A_970 = tpu.vector_load %arg18[%get3A_968, %get3A_969] {strides = array<i32>} : memref<256x64xf32, #tpu.memory_space<vmem>>, vector<16xf32>,
      %get3A_971 = arith.index_cast %add3A_955 : i32 to index
      %get3A_972 = arith.constant 16 : index
      %get3A_973 = tpu.vector_load %arg18[%get3A_971, %get3A_972] {strides = array<i32>} : memref<256x64xf32, #tpu.memory_space<vmem>>, vector<16xf32>,
      %get3A_974 = arith.index_cast %add3A_955 : i32 to index
      %get3A_975 = arith.constant 32 : index
      %get3A_976 = tpu.vector_load %arg18[%get3A_974, %get3A_975] {strides = array<i32>} : memref<256x64xf32, #tpu.memory_space<vmem>>, vector<16xf32>,
      %get3A_977 = arith.index_cast %add3A_955 : i32 to index
      %get3A_978 = arith.constant 48 : index
      %get3A_979 = tpu.vector_load %arg18[%get3A_977, %get3A_978] {strides = array<i32>} : memref<256x64xf32, #tpu.memory_space<vmem>>, vector<16xf32>,
      %mul3A_980 = arith.mulf %get3A_958, %get3A_970 : vector<16xf32>
      %mul3A_981 = arith.mulf %get3A_961, %get3A_973 : vector<16xf32>
      %add3A_982 = arith.addf %mul3A_980, %mul3A_981 : vector<16xf32>
      %mul3A_983 = arith.mulf %get3A_964, %get3A_976 : vector<16xf32>
      %add3A_984 = arith.addf %add3A_982, %mul3A_983 : vector<16xf32>
      %mul3A_985 = arith.mulf %get3A_967, %get3A_979 : vector<16xf32>
      %add3A_986 = arith.addf %add3A_984, %mul3A_985 : vector<16xf32>
      %mul3A_987 = arith.mulf %get3A_958, %get3A_958 : vector<16xf32>
      %mul3A_988 = arith.mulf %get3A_961, %get3A_961 : vector<16xf32>
      %add3A_989 = arith.addf %mul3A_987, %mul3A_988 : vector<16xf32>
      %mul3A_990 = arith.mulf %get3A_964, %get3A_964 : vector<16xf32>
      %add3A_991 = arith.addf %add3A_989, %mul3A_990 : vector<16xf32>
      %mul3A_992 = arith.mulf %get3A_967, %get3A_967 : vector<16xf32>
      %add3A_993 = arith.addf %add3A_991, %mul3A_992 : vector<16xf32>
      %mul3A_994 = arith.mulf %get3A_970, %get3A_970 : vector<16xf32>
      %mul3A_995 = arith.mulf %get3A_973, %get3A_973 : vector<16xf32>
      %add3A_996 = arith.addf %mul3A_994, %mul3A_995 : vector<16xf32>
      %mul3A_997 = arith.mulf %get3A_976, %get3A_976 : vector<16xf32>
      %add3A_998 = arith.addf %add3A_996, %mul3A_997 : vector<16xf32>
      %mul3A_999 = arith.mulf %get3A_979, %get3A_979 : vector<16xf32>
      %add3A_1000 = arith.addf %add3A_998, %mul3A_999 : vector<16xf32>
      %get3A_1001 = arith.index_cast %add3A_955 : i32 to index
      %get3A_1002 = arith.constant 0 : index
      %get3A_1003 = tpu.vector_load %arg19[%get3A_1001, %get3A_1002] {strides = array<i32>} : memref<256x64xf32, #tpu.memory_space<vmem>>, vector<16xf32>,
      %get3A_1004 = arith.index_cast %add3A_955 : i32 to index
      %get3A_1005 = arith.constant 16 : index
      %get3A_1006 = tpu.vector_load %arg19[%get3A_1004, %get3A_1005] {strides = array<i32>} : memref<256x64xf32, #tpu.memory_space<vmem>>, vector<16xf32>,
      %get3A_1007 = arith.index_cast %add3A_955 : i32 to index
      %get3A_1008 = arith.constant 32 : index
      %get3A_1009 = tpu.vector_load %arg19[%get3A_1007, %get3A_1008] {strides = array<i32>} : memref<256x64xf32, #tpu.memory_space<vmem>>, vector<16xf32>,
      %get3A_1010 = arith.index_cast %add3A_955 : i32 to index
      %get3A_1011 = arith.constant 48 : index
      %get3A_1012 = tpu.vector_load %arg19[%get3A_1010, %get3A_1011] {strides = array<i32>} : memref<256x64xf32, #tpu.memory_space<vmem>>, vector<16xf32>,
      %get3A_1013 = arith.index_cast %add3A_955 : i32 to index
      %get3A_1014 = arith.constant 0 : index
      %get3A_1015 = tpu.vector_load %arg20[%get3A_1013, %get3A_1014] {strides = array<i32>} : memref<256x64xf32, #tpu.memory_space<vmem>>, vector<16xf32>,
      %get3A_1016 = arith.index_cast %add3A_955 : i32 to index
      %get3A_1017 = arith.constant 16 : index
      %get3A_1018 = tpu.vector_load %arg20[%get3A_1016, %get3A_1017] {strides = array<i32>} : memref<256x64xf32, #tpu.memory_space<vmem>>, vector<16xf32>,
      %get3A_1019 = arith.index_cast %add3A_955 : i32 to index
      %get3A_1020 = arith.constant 32 : index
      %get3A_1021 = tpu.vector_load %arg20[%get3A_1019, %get3A_1020] {strides = array<i32>} : memref<256x64xf32, #tpu.memory_space<vmem>>, vector<16xf32>,
      %get3A_1022 = arith.index_cast %add3A_955 : i32 to index
      %get3A_1023 = arith.constant 48 : index
      %get3A_1024 = tpu.vector_load %arg20[%get3A_1022, %get3A_1023] {strides = array<i32>} : memref<256x64xf32, #tpu.memory_space<vmem>>, vector<16xf32>,
      %mul3A_1025 = arith.mulf %get3A_1003, %get3A_1015 : vector<16xf32>
      %mul3A_1026 = arith.mulf %get3A_1006, %get3A_1018 : vector<16xf32>
      %add3A_1027 = arith.addf %mul3A_1025, %mul3A_1026 : vector<16xf32>
      %mul3A_1028 = arith.mulf %get3A_1009, %get3A_1021 : vector<16xf32>
      %add3A_1029 = arith.addf %add3A_1027, %mul3A_1028 : vector<16xf32>
      %mul3A_1030 = arith.mulf %get3A_1012, %get3A_1024 : vector<16xf32>
      %add3A_1031 = arith.addf %add3A_1029, %mul3A_1030 : vector<16xf32>
      %eq3A_1032 = arith.constant 8 : i32
      %eq3A_1033 = vector.broadcast %eq3A_1032 : i32 to vector<16xi32>
      %eq3A_1034 = arith.cmpi eq, %iota3A, %eq3A_1033 : vector<16xi32>
      %reduce_sum3A_1035 = arith.constant true
      %reduce_sum3A_1036 = vector.broadcast %reduce_sum3A_1035 : i1 to vector<16xi1>
      %reduce_sum3A_1037 = tpu.scan <sum>, %add3A_986 masked %reduce_sum3A_1036 : vector<16xf32>, vector<16xi1> -> vector<16xf32>
      %reduce_sum3A_1038 = vector.extract %reduce_sum3A_1037[15] : f32 from vector<16xf32>
      %broadcast_in_dim3A_1039 = vector.broadcast %reduce_sum3A_1038 : f32 to vector<16xf32>
      %select_n3A_1040 = arith.select %eq3A_1034, %broadcast_in_dim3A_1039, %select_n3A_933 : vector<16xi1>, vector<16xf32>
      %reduce_sum3A_1041 = arith.constant true
      %reduce_sum3A_1042 = vector.broadcast %reduce_sum3A_1041 : i1 to vector<16xi1>
      %reduce_sum3A_1043 = tpu.scan <sum>, %add3A_993 masked %reduce_sum3A_1042 : vector<16xf32>, vector<16xi1> -> vector<16xf32>
      %reduce_sum3A_1044 = vector.extract %reduce_sum3A_1043[15] : f32 from vector<16xf32>
      %broadcast_in_dim3A_1045 = vector.broadcast %reduce_sum3A_1044 : f32 to vector<16xf32>
      %select_n3A_1046 = arith.select %eq3A_1034, %broadcast_in_dim3A_1045, %select_n3A_939 : vector<16xi1>, vector<16xf32>
      %reduce_sum3A_1047 = arith.constant true
      %reduce_sum3A_1048 = vector.broadcast %reduce_sum3A_1047 : i1 to vector<16xi1>
      %reduce_sum3A_1049 = tpu.scan <sum>, %add3A_1000 masked %reduce_sum3A_1048 : vector<16xf32>, vector<16xi1> -> vector<16xf32>
      %reduce_sum3A_1050 = vector.extract %reduce_sum3A_1049[15] : f32 from vector<16xf32>
      %broadcast_in_dim3A_1051 = vector.broadcast %reduce_sum3A_1050 : f32 to vector<16xf32>
      %select_n3A_1052 = arith.select %eq3A_1034, %broadcast_in_dim3A_1051, %select_n3A_945 : vector<16xi1>, vector<16xf32>
      %reduce_sum3A_1053 = arith.constant true
      %reduce_sum3A_1054 = vector.broadcast %reduce_sum3A_1053 : i1 to vector<16xi1>
      %reduce_sum3A_1055 = tpu.scan <sum>, %add3A_1031 masked %reduce_sum3A_1054 : vector<16xf32>, vector<16xi1> -> vector<16xf32>
      %reduce_sum3A_1056 = vector.extract %reduce_sum3A_1055[15] : f32 from vector<16xf32>
      %broadcast_in_dim3A_1057 = vector.broadcast %reduce_sum3A_1056 : f32 to vector<16xf32>
      %select_n3A_1058 = arith.select %eq3A_1034, %broadcast_in_dim3A_1057, %select_n3A_951 : vector<16xi1>, vector<16xf32>
      %mul3A_1059 = arith.constant 16 : i32
      %mul3A_1060 = arith.muli %scan3A_92, %mul3A_1059 : i32
      %add3A_1061 = arith.constant 9 : i32
      %add3A_1062 = arith.addi %mul3A_1060, %add3A_1061 : i32
      %get3A_1063 = arith.index_cast %add3A_1062 : i32 to index
      %get3A_1064 = arith.constant 0 : index
      %get3A_1065 = tpu.vector_load %arg17[%get3A_1063, %get3A_1064] {strides = array<i32>} : memref<256x64xf32, #tpu.memory_space<vmem>>, vector<16xf32>,
      %get3A_1066 = arith.index_cast %add3A_1062 : i32 to index
      %get3A_1067 = arith.constant 16 : index
      %get3A_1068 = tpu.vector_load %arg17[%get3A_1066, %get3A_1067] {strides = array<i32>} : memref<256x64xf32, #tpu.memory_space<vmem>>, vector<16xf32>,
      %get3A_1069 = arith.index_cast %add3A_1062 : i32 to index
      %get3A_1070 = arith.constant 32 : index
      %get3A_1071 = tpu.vector_load %arg17[%get3A_1069, %get3A_1070] {strides = array<i32>} : memref<256x64xf32, #tpu.memory_space<vmem>>, vector<16xf32>,
      %get3A_1072 = arith.index_cast %add3A_1062 : i32 to index
      %get3A_1073 = arith.constant 48 : index
      %get3A_1074 = tpu.vector_load %arg17[%get3A_1072, %get3A_1073] {strides = array<i32>} : memref<256x64xf32, #tpu.memory_space<vmem>>, vector<16xf32>,
      %get3A_1075 = arith.index_cast %add3A_1062 : i32 to index
      %get3A_1076 = arith.constant 0 : index
      %get3A_1077 = tpu.vector_load %arg18[%get3A_1075, %get3A_1076] {strides = array<i32>} : memref<256x64xf32, #tpu.memory_space<vmem>>, vector<16xf32>,
      %get3A_1078 = arith.index_cast %add3A_1062 : i32 to index
      %get3A_1079 = arith.constant 16 : index
      %get3A_1080 = tpu.vector_load %arg18[%get3A_1078, %get3A_1079] {strides = array<i32>} : memref<256x64xf32, #tpu.memory_space<vmem>>, vector<16xf32>,
      %get3A_1081 = arith.index_cast %add3A_1062 : i32 to index
      %get3A_1082 = arith.constant 32 : index
      %get3A_1083 = tpu.vector_load %arg18[%get3A_1081, %get3A_1082] {strides = array<i32>} : memref<256x64xf32, #tpu.memory_space<vmem>>, vector<16xf32>,
      %get3A_1084 = arith.index_cast %add3A_1062 : i32 to index
      %get3A_1085 = arith.constant 48 : index
      %get3A_1086 = tpu.vector_load %arg18[%get3A_1084, %get3A_1085] {strides = array<i32>} : memref<256x64xf32, #tpu.memory_space<vmem>>, vector<16xf32>,
      %mul3A_1087 = arith.mulf %get3A_1065, %get3A_1077 : vector<16xf32>
      %mul3A_1088 = arith.mulf %get3A_1068, %get3A_1080 : vector<16xf32>
      %add3A_1089 = arith.addf %mul3A_1087, %mul3A_1088 : vector<16xf32>
      %mul3A_1090 = arith.mulf %get3A_1071, %get3A_1083 : vector<16xf32>
      %add3A_1091 = arith.addf %add3A_1089, %mul3A_1090 : vector<16xf32>
      %mul3A_1092 = arith.mulf %get3A_1074, %get3A_1086 : vector<16xf32>
      %add3A_1093 = arith.addf %add3A_1091, %mul3A_1092 : vector<16xf32>
      %mul3A_1094 = arith.mulf %get3A_1065, %get3A_1065 : vector<16xf32>
      %mul3A_1095 = arith.mulf %get3A_1068, %get3A_1068 : vector<16xf32>
      %add3A_1096 = arith.addf %mul3A_1094, %mul3A_1095 : vector<16xf32>
      %mul3A_1097 = arith.mulf %get3A_1071, %get3A_1071 : vector<16xf32>
      %add3A_1098 = arith.addf %add3A_1096, %mul3A_1097 : vector<16xf32>
      %mul3A_1099 = arith.mulf %get3A_1074, %get3A_1074 : vector<16xf32>
      %add3A_1100 = arith.addf %add3A_1098, %mul3A_1099 : vector<16xf32>
      %mul3A_1101 = arith.mulf %get3A_1077, %get3A_1077 : vector<16xf32>
      %mul3A_1102 = arith.mulf %get3A_1080, %get3A_1080 : vector<16xf32>
      %add3A_1103 = arith.addf %mul3A_1101, %mul3A_1102 : vector<16xf32>
      %mul3A_1104 = arith.mulf %get3A_1083, %get3A_1083 : vector<16xf32>
      %add3A_1105 = arith.addf %add3A_1103, %mul3A_1104 : vector<16xf32>
      %mul3A_1106 = arith.mulf %get3A_1086, %get3A_1086 : vector<16xf32>
      %add3A_1107 = arith.addf %add3A_1105, %mul3A_1106 : vector<16xf32>
      %get3A_1108 = arith.index_cast %add3A_1062 : i32 to index
      %get3A_1109 = arith.constant 0 : index
      %get3A_1110 = tpu.vector_load %arg19[%get3A_1108, %get3A_1109] {strides = array<i32>} : memref<256x64xf32, #tpu.memory_space<vmem>>, vector<16xf32>,
      %get3A_1111 = arith.index_cast %add3A_1062 : i32 to index
      %get3A_1112 = arith.constant 16 : index
      %get3A_1113 = tpu.vector_load %arg19[%get3A_1111, %get3A_1112] {strides = array<i32>} : memref<256x64xf32, #tpu.memory_space<vmem>>, vector<16xf32>,
      %get3A_1114 = arith.index_cast %add3A_1062 : i32 to index
      %get3A_1115 = arith.constant 32 : index
      %get3A_1116 = tpu.vector_load %arg19[%get3A_1114, %get3A_1115] {strides = array<i32>} : memref<256x64xf32, #tpu.memory_space<vmem>>, vector<16xf32>,
      %get3A_1117 = arith.index_cast %add3A_1062 : i32 to index
      %get3A_1118 = arith.constant 48 : index
      %get3A_1119 = tpu.vector_load %arg19[%get3A_1117, %get3A_1118] {strides = array<i32>} : memref<256x64xf32, #tpu.memory_space<vmem>>, vector<16xf32>,
      %get3A_1120 = arith.index_cast %add3A_1062 : i32 to index
      %get3A_1121 = arith.constant 0 : index
      %get3A_1122 = tpu.vector_load %arg20[%get3A_1120, %get3A_1121] {strides = array<i32>} : memref<256x64xf32, #tpu.memory_space<vmem>>, vector<16xf32>,
      %get3A_1123 = arith.index_cast %add3A_1062 : i32 to index
      %get3A_1124 = arith.constant 16 : index
      %get3A_1125 = tpu.vector_load %arg20[%get3A_1123, %get3A_1124] {strides = array<i32>} : memref<256x64xf32, #tpu.memory_space<vmem>>, vector<16xf32>,
      %get3A_1126 = arith.index_cast %add3A_1062 : i32 to index
      %get3A_1127 = arith.constant 32 : index
      %get3A_1128 = tpu.vector_load %arg20[%get3A_1126, %get3A_1127] {strides = array<i32>} : memref<256x64xf32, #tpu.memory_space<vmem>>, vector<16xf32>,
      %get3A_1129 = arith.index_cast %add3A_1062 : i32 to index
      %get3A_1130 = arith.constant 48 : index
      %get3A_1131 = tpu.vector_load %arg20[%get3A_1129, %get3A_1130] {strides = array<i32>} : memref<256x64xf32, #tpu.memory_space<vmem>>, vector<16xf32>,
      %mul3A_1132 = arith.mulf %get3A_1110, %get3A_1122 : vector<16xf32>
      %mul3A_1133 = arith.mulf %get3A_1113, %get3A_1125 : vector<16xf32>
      %add3A_1134 = arith.addf %mul3A_1132, %mul3A_1133 : vector<16xf32>
      %mul3A_1135 = arith.mulf %get3A_1116, %get3A_1128 : vector<16xf32>
      %add3A_1136 = arith.addf %add3A_1134, %mul3A_1135 : vector<16xf32>
      %mul3A_1137 = arith.mulf %get3A_1119, %get3A_1131 : vector<16xf32>
      %add3A_1138 = arith.addf %add3A_1136, %mul3A_1137 : vector<16xf32>
      %eq3A_1139 = arith.constant 9 : i32
      %eq3A_1140 = vector.broadcast %eq3A_1139 : i32 to vector<16xi32>
      %eq3A_1141 = arith.cmpi eq, %iota3A, %eq3A_1140 : vector<16xi32>
      %reduce_sum3A_1142 = arith.constant true
      %reduce_sum3A_1143 = vector.broadcast %reduce_sum3A_1142 : i1 to vector<16xi1>
      %reduce_sum3A_1144 = tpu.scan <sum>, %add3A_1093 masked %reduce_sum3A_1143 : vector<16xf32>, vector<16xi1> -> vector<16xf32>
      %reduce_sum3A_1145 = vector.extract %reduce_sum3A_1144[15] : f32 from vector<16xf32>
      %broadcast_in_dim3A_1146 = vector.broadcast %reduce_sum3A_1145 : f32 to vector<16xf32>
      %select_n3A_1147 = arith.select %eq3A_1141, %broadcast_in_dim3A_1146, %select_n3A_1040 : vector<16xi1>, vector<16xf32>
      %reduce_sum3A_1148 = arith.constant true
      %reduce_sum3A_1149 = vector.broadcast %reduce_sum3A_1148 : i1 to vector<16xi1>
      %reduce_sum3A_1150 = tpu.scan <sum>, %add3A_1100 masked %reduce_sum3A_1149 : vector<16xf32>, vector<16xi1> -> vector<16xf32>
      %reduce_sum3A_1151 = vector.extract %reduce_sum3A_1150[15] : f32 from vector<16xf32>
      %broadcast_in_dim3A_1152 = vector.broadcast %reduce_sum3A_1151 : f32 to vector<16xf32>
      %select_n3A_1153 = arith.select %eq3A_1141, %broadcast_in_dim3A_1152, %select_n3A_1046 : vector<16xi1>, vector<16xf32>
      %reduce_sum3A_1154 = arith.constant true
      %reduce_sum3A_1155 = vector.broadcast %reduce_sum3A_1154 : i1 to vector<16xi1>
      %reduce_sum3A_1156 = tpu.scan <sum>, %add3A_1107 masked %reduce_sum3A_1155 : vector<16xf32>, vector<16xi1> -> vector<16xf32>
      %reduce_sum3A_1157 = vector.extract %reduce_sum3A_1156[15] : f32 from vector<16xf32>
      %broadcast_in_dim3A_1158 = vector.broadcast %reduce_sum3A_1157 : f32 to vector<16xf32>
      %select_n3A_1159 = arith.select %eq3A_1141, %broadcast_in_dim3A_1158, %select_n3A_1052 : vector<16xi1>, vector<16xf32>
      %reduce_sum3A_1160 = arith.constant true
      %reduce_sum3A_1161 = vector.broadcast %reduce_sum3A_1160 : i1 to vector<16xi1>
      %reduce_sum3A_1162 = tpu.scan <sum>, %add3A_1138 masked %reduce_sum3A_1161 : vector<16xf32>, vector<16xi1> -> vector<16xf32>
      %reduce_sum3A_1163 = vector.extract %reduce_sum3A_1162[15] : f32 from vector<16xf32>
      %broadcast_in_dim3A_1164 = vector.broadcast %reduce_sum3A_1163 : f32 to vector<16xf32>
      %select_n3A_1165 = arith.select %eq3A_1141, %broadcast_in_dim3A_1164, %select_n3A_1058 : vector<16xi1>, vector<16xf32>
      %mul3A_1166 = arith.constant 16 : i32
      %mul3A_1167 = arith.muli %scan3A_92, %mul3A_1166 : i32
      %add3A_1168 = arith.constant 10 : i32
      %add3A_1169 = arith.addi %mul3A_1167, %add3A_1168 : i32
      %get3A_1170 = arith.index_cast %add3A_1169 : i32 to index
      %get3A_1171 = arith.constant 0 : index
      %get3A_1172 = tpu.vector_load %arg17[%get3A_1170, %get3A_1171] {strides = array<i32>} : memref<256x64xf32, #tpu.memory_space<vmem>>, vector<16xf32>,
      %get3A_1173 = arith.index_cast %add3A_1169 : i32 to index
      %get3A_1174 = arith.constant 16 : index
      %get3A_1175 = tpu.vector_load %arg17[%get3A_1173, %get3A_1174] {strides = array<i32>} : memref<256x64xf32, #tpu.memory_space<vmem>>, vector<16xf32>,
      %get3A_1176 = arith.index_cast %add3A_1169 : i32 to index
      %get3A_1177 = arith.constant 32 : index
      %get3A_1178 = tpu.vector_load %arg17[%get3A_1176, %get3A_1177] {strides = array<i32>} : memref<256x64xf32, #tpu.memory_space<vmem>>, vector<16xf32>,
      %get3A_1179 = arith.index_cast %add3A_1169 : i32 to index
      %get3A_1180 = arith.constant 48 : index
      %get3A_1181 = tpu.vector_load %arg17[%get3A_1179, %get3A_1180] {strides = array<i32>} : memref<256x64xf32, #tpu.memory_space<vmem>>, vector<16xf32>,
      %get3A_1182 = arith.index_cast %add3A_1169 : i32 to index
      %get3A_1183 = arith.constant 0 : index
      %get3A_1184 = tpu.vector_load %arg18[%get3A_1182, %get3A_1183] {strides = array<i32>} : memref<256x64xf32, #tpu.memory_space<vmem>>, vector<16xf32>,
      %get3A_1185 = arith.index_cast %add3A_1169 : i32 to index
      %get3A_1186 = arith.constant 16 : index
      %get3A_1187 = tpu.vector_load %arg18[%get3A_1185, %get3A_1186] {strides = array<i32>} : memref<256x64xf32, #tpu.memory_space<vmem>>, vector<16xf32>,
      %get3A_1188 = arith.index_cast %add3A_1169 : i32 to index
      %get3A_1189 = arith.constant 32 : index
      %get3A_1190 = tpu.vector_load %arg18[%get3A_1188, %get3A_1189] {strides = array<i32>} : memref<256x64xf32, #tpu.memory_space<vmem>>, vector<16xf32>,
      %get3A_1191 = arith.index_cast %add3A_1169 : i32 to index
      %get3A_1192 = arith.constant 48 : index
      %get3A_1193 = tpu.vector_load %arg18[%get3A_1191, %get3A_1192] {strides = array<i32>} : memref<256x64xf32, #tpu.memory_space<vmem>>, vector<16xf32>,
      %mul3A_1194 = arith.mulf %get3A_1172, %get3A_1184 : vector<16xf32>
      %mul3A_1195 = arith.mulf %get3A_1175, %get3A_1187 : vector<16xf32>
      %add3A_1196 = arith.addf %mul3A_1194, %mul3A_1195 : vector<16xf32>
      %mul3A_1197 = arith.mulf %get3A_1178, %get3A_1190 : vector<16xf32>
      %add3A_1198 = arith.addf %add3A_1196, %mul3A_1197 : vector<16xf32>
      %mul3A_1199 = arith.mulf %get3A_1181, %get3A_1193 : vector<16xf32>
      %add3A_1200 = arith.addf %add3A_1198, %mul3A_1199 : vector<16xf32>
      %mul3A_1201 = arith.mulf %get3A_1172, %get3A_1172 : vector<16xf32>
      %mul3A_1202 = arith.mulf %get3A_1175, %get3A_1175 : vector<16xf32>
      %add3A_1203 = arith.addf %mul3A_1201, %mul3A_1202 : vector<16xf32>
      %mul3A_1204 = arith.mulf %get3A_1178, %get3A_1178 : vector<16xf32>
      %add3A_1205 = arith.addf %add3A_1203, %mul3A_1204 : vector<16xf32>
      %mul3A_1206 = arith.mulf %get3A_1181, %get3A_1181 : vector<16xf32>
      %add3A_1207 = arith.addf %add3A_1205, %mul3A_1206 : vector<16xf32>
      %mul3A_1208 = arith.mulf %get3A_1184, %get3A_1184 : vector<16xf32>
      %mul3A_1209 = arith.mulf %get3A_1187, %get3A_1187 : vector<16xf32>
      %add3A_1210 = arith.addf %mul3A_1208, %mul3A_1209 : vector<16xf32>
      %mul3A_1211 = arith.mulf %get3A_1190, %get3A_1190 : vector<16xf32>
      %add3A_1212 = arith.addf %add3A_1210, %mul3A_1211 : vector<16xf32>
      %mul3A_1213 = arith.mulf %get3A_1193, %get3A_1193 : vector<16xf32>
      %add3A_1214 = arith.addf %add3A_1212, %mul3A_1213 : vector<16xf32>
      %get3A_1215 = arith.index_cast %add3A_1169 : i32 to index
      %get3A_1216 = arith.constant 0 : index
      %get3A_1217 = tpu.vector_load %arg19[%get3A_1215, %get3A_1216] {strides = array<i32>} : memref<256x64xf32, #tpu.memory_space<vmem>>, vector<16xf32>,
      %get3A_1218 = arith.index_cast %add3A_1169 : i32 to index
      %get3A_1219 = arith.constant 16 : index
      %get3A_1220 = tpu.vector_load %arg19[%get3A_1218, %get3A_1219] {strides = array<i32>} : memref<256x64xf32, #tpu.memory_space<vmem>>, vector<16xf32>,
      %get3A_1221 = arith.index_cast %add3A_1169 : i32 to index
      %get3A_1222 = arith.constant 32 : index
      %get3A_1223 = tpu.vector_load %arg19[%get3A_1221, %get3A_1222] {strides = array<i32>} : memref<256x64xf32, #tpu.memory_space<vmem>>, vector<16xf32>,
      %get3A_1224 = arith.index_cast %add3A_1169 : i32 to index
      %get3A_1225 = arith.constant 48 : index
      %get3A_1226 = tpu.vector_load %arg19[%get3A_1224, %get3A_1225] {strides = array<i32>} : memref<256x64xf32, #tpu.memory_space<vmem>>, vector<16xf32>,
      %get3A_1227 = arith.index_cast %add3A_1169 : i32 to index
      %get3A_1228 = arith.constant 0 : index
      %get3A_1229 = tpu.vector_load %arg20[%get3A_1227, %get3A_1228] {strides = array<i32>} : memref<256x64xf32, #tpu.memory_space<vmem>>, vector<16xf32>,
      %get3A_1230 = arith.index_cast %add3A_1169 : i32 to index
      %get3A_1231 = arith.constant 16 : index
      %get3A_1232 = tpu.vector_load %arg20[%get3A_1230, %get3A_1231] {strides = array<i32>} : memref<256x64xf32, #tpu.memory_space<vmem>>, vector<16xf32>,
      %get3A_1233 = arith.index_cast %add3A_1169 : i32 to index
      %get3A_1234 = arith.constant 32 : index
      %get3A_1235 = tpu.vector_load %arg20[%get3A_1233, %get3A_1234] {strides = array<i32>} : memref<256x64xf32, #tpu.memory_space<vmem>>, vector<16xf32>,
      %get3A_1236 = arith.index_cast %add3A_1169 : i32 to index
      %get3A_1237 = arith.constant 48 : index
      %get3A_1238 = tpu.vector_load %arg20[%get3A_1236, %get3A_1237] {strides = array<i32>} : memref<256x64xf32, #tpu.memory_space<vmem>>, vector<16xf32>,
      %mul3A_1239 = arith.mulf %get3A_1217, %get3A_1229 : vector<16xf32>
      %mul3A_1240 = arith.mulf %get3A_1220, %get3A_1232 : vector<16xf32>
      %add3A_1241 = arith.addf %mul3A_1239, %mul3A_1240 : vector<16xf32>
      %mul3A_1242 = arith.mulf %get3A_1223, %get3A_1235 : vector<16xf32>
      %add3A_1243 = arith.addf %add3A_1241, %mul3A_1242 : vector<16xf32>
      %mul3A_1244 = arith.mulf %get3A_1226, %get3A_1238 : vector<16xf32>
      %add3A_1245 = arith.addf %add3A_1243, %mul3A_1244 : vector<16xf32>
      %eq3A_1246 = arith.constant 10 : i32
      %eq3A_1247 = vector.broadcast %eq3A_1246 : i32 to vector<16xi32>
      %eq3A_1248 = arith.cmpi eq, %iota3A, %eq3A_1247 : vector<16xi32>
      %reduce_sum3A_1249 = arith.constant true
      %reduce_sum3A_1250 = vector.broadcast %reduce_sum3A_1249 : i1 to vector<16xi1>
      %reduce_sum3A_1251 = tpu.scan <sum>, %add3A_1200 masked %reduce_sum3A_1250 : vector<16xf32>, vector<16xi1> -> vector<16xf32>
      %reduce_sum3A_1252 = vector.extract %reduce_sum3A_1251[15] : f32 from vector<16xf32>
      %broadcast_in_dim3A_1253 = vector.broadcast %reduce_sum3A_1252 : f32 to vector<16xf32>
      %select_n3A_1254 = arith.select %eq3A_1248, %broadcast_in_dim3A_1253, %select_n3A_1147 : vector<16xi1>, vector<16xf32>
      %reduce_sum3A_1255 = arith.constant true
      %reduce_sum3A_1256 = vector.broadcast %reduce_sum3A_1255 : i1 to vector<16xi1>
      %reduce_sum3A_1257 = tpu.scan <sum>, %add3A_1207 masked %reduce_sum3A_1256 : vector<16xf32>, vector<16xi1> -> vector<16xf32>
      %reduce_sum3A_1258 = vector.extract %reduce_sum3A_1257[15] : f32 from vector<16xf32>
      %broadcast_in_dim3A_1259 = vector.broadcast %reduce_sum3A_1258 : f32 to vector<16xf32>
      %select_n3A_1260 = arith.select %eq3A_1248, %broadcast_in_dim3A_1259, %select_n3A_1153 : vector<16xi1>, vector<16xf32>
      %reduce_sum3A_1261 = arith.constant true
      %reduce_sum3A_1262 = vector.broadcast %reduce_sum3A_1261 : i1 to vector<16xi1>
      %reduce_sum3A_1263 = tpu.scan <sum>, %add3A_1214 masked %reduce_sum3A_1262 : vector<16xf32>, vector<16xi1> -> vector<16xf32>
      %reduce_sum3A_1264 = vector.extract %reduce_sum3A_1263[15] : f32 from vector<16xf32>
      %broadcast_in_dim3A_1265 = vector.broadcast %reduce_sum3A_1264 : f32 to vector<16xf32>
      %select_n3A_1266 = arith.select %eq3A_1248, %broadcast_in_dim3A_1265, %select_n3A_1159 : vector<16xi1>, vector<16xf32>
      %reduce_sum3A_1267 = arith.constant true
      %reduce_sum3A_1268 = vector.broadcast %reduce_sum3A_1267 : i1 to vector<16xi1>
      %reduce_sum3A_1269 = tpu.scan <sum>, %add3A_1245 masked %reduce_sum3A_1268 : vector<16xf32>, vector<16xi1> -> vector<16xf32>
      %reduce_sum3A_1270 = vector.extract %reduce_sum3A_1269[15] : f32 from vector<16xf32>
      %broadcast_in_dim3A_1271 = vector.broadcast %reduce_sum3A_1270 : f32 to vector<16xf32>
      %select_n3A_1272 = arith.select %eq3A_1248, %broadcast_in_dim3A_1271, %select_n3A_1165 : vector<16xi1>, vector<16xf32>
      %mul3A_1273 = arith.constant 16 : i32
      %mul3A_1274 = arith.muli %scan3A_92, %mul3A_1273 : i32
      %add3A_1275 = arith.constant 11 : i32
      %add3A_1276 = arith.addi %mul3A_1274, %add3A_1275 : i32
      %get3A_1277 = arith.index_cast %add3A_1276 : i32 to index
      %get3A_1278 = arith.constant 0 : index
      %get3A_1279 = tpu.vector_load %arg17[%get3A_1277, %get3A_1278] {strides = array<i32>} : memref<256x64xf32, #tpu.memory_space<vmem>>, vector<16xf32>,
      %get3A_1280 = arith.index_cast %add3A_1276 : i32 to index
      %get3A_1281 = arith.constant 16 : index
      %get3A_1282 = tpu.vector_load %arg17[%get3A_1280, %get3A_1281] {strides = array<i32>} : memref<256x64xf32, #tpu.memory_space<vmem>>, vector<16xf32>,
      %get3A_1283 = arith.index_cast %add3A_1276 : i32 to index
      %get3A_1284 = arith.constant 32 : index
      %get3A_1285 = tpu.vector_load %arg17[%get3A_1283, %get3A_1284] {strides = array<i32>} : memref<256x64xf32, #tpu.memory_space<vmem>>, vector<16xf32>,
      %get3A_1286 = arith.index_cast %add3A_1276 : i32 to index
      %get3A_1287 = arith.constant 48 : index
      %get3A_1288 = tpu.vector_load %arg17[%get3A_1286, %get3A_1287] {strides = array<i32>} : memref<256x64xf32, #tpu.memory_space<vmem>>, vector<16xf32>,
      %get3A_1289 = arith.index_cast %add3A_1276 : i32 to index
      %get3A_1290 = arith.constant 0 : index
      %get3A_1291 = tpu.vector_load %arg18[%get3A_1289, %get3A_1290] {strides = array<i32>} : memref<256x64xf32, #tpu.memory_space<vmem>>, vector<16xf32>,
      %get3A_1292 = arith.index_cast %add3A_1276 : i32 to index
      %get3A_1293 = arith.constant 16 : index
      %get3A_1294 = tpu.vector_load %arg18[%get3A_1292, %get3A_1293] {strides = array<i32>} : memref<256x64xf32, #tpu.memory_space<vmem>>, vector<16xf32>,
      %get3A_1295 = arith.index_cast %add3A_1276 : i32 to index
      %get3A_1296 = arith.constant 32 : index
      %get3A_1297 = tpu.vector_load %arg18[%get3A_1295, %get3A_1296] {strides = array<i32>} : memref<256x64xf32, #tpu.memory_space<vmem>>, vector<16xf32>,
      %get3A_1298 = arith.index_cast %add3A_1276 : i32 to index
      %get3A_1299 = arith.constant 48 : index
      %get3A_1300 = tpu.vector_load %arg18[%get3A_1298, %get3A_1299] {strides = array<i32>} : memref<256x64xf32, #tpu.memory_space<vmem>>, vector<16xf32>,
      %mul3A_1301 = arith.mulf %get3A_1279, %get3A_1291 : vector<16xf32>
      %mul3A_1302 = arith.mulf %get3A_1282, %get3A_1294 : vector<16xf32>
      %add3A_1303 = arith.addf %mul3A_1301, %mul3A_1302 : vector<16xf32>
      %mul3A_1304 = arith.mulf %get3A_1285, %get3A_1297 : vector<16xf32>
      %add3A_1305 = arith.addf %add3A_1303, %mul3A_1304 : vector<16xf32>
      %mul3A_1306 = arith.mulf %get3A_1288, %get3A_1300 : vector<16xf32>
      %add3A_1307 = arith.addf %add3A_1305, %mul3A_1306 : vector<16xf32>
      %mul3A_1308 = arith.mulf %get3A_1279, %get3A_1279 : vector<16xf32>
      %mul3A_1309 = arith.mulf %get3A_1282, %get3A_1282 : vector<16xf32>
      %add3A_1310 = arith.addf %mul3A_1308, %mul3A_1309 : vector<16xf32>
      %mul3A_1311 = arith.mulf %get3A_1285, %get3A_1285 : vector<16xf32>
      %add3A_1312 = arith.addf %add3A_1310, %mul3A_1311 : vector<16xf32>
      %mul3A_1313 = arith.mulf %get3A_1288, %get3A_1288 : vector<16xf32>
      %add3A_1314 = arith.addf %add3A_1312, %mul3A_1313 : vector<16xf32>
      %mul3A_1315 = arith.mulf %get3A_1291, %get3A_1291 : vector<16xf32>
      %mul3A_1316 = arith.mulf %get3A_1294, %get3A_1294 : vector<16xf32>
      %add3A_1317 = arith.addf %mul3A_1315, %mul3A_1316 : vector<16xf32>
      %mul3A_1318 = arith.mulf %get3A_1297, %get3A_1297 : vector<16xf32>
      %add3A_1319 = arith.addf %add3A_1317, %mul3A_1318 : vector<16xf32>
      %mul3A_1320 = arith.mulf %get3A_1300, %get3A_1300 : vector<16xf32>
      %add3A_1321 = arith.addf %add3A_1319, %mul3A_1320 : vector<16xf32>
      %get3A_1322 = arith.index_cast %add3A_1276 : i32 to index
      %get3A_1323 = arith.constant 0 : index
      %get3A_1324 = tpu.vector_load %arg19[%get3A_1322, %get3A_1323] {strides = array<i32>} : memref<256x64xf32, #tpu.memory_space<vmem>>, vector<16xf32>,
      %get3A_1325 = arith.index_cast %add3A_1276 : i32 to index
      %get3A_1326 = arith.constant 16 : index
      %get3A_1327 = tpu.vector_load %arg19[%get3A_1325, %get3A_1326] {strides = array<i32>} : memref<256x64xf32, #tpu.memory_space<vmem>>, vector<16xf32>,
      %get3A_1328 = arith.index_cast %add3A_1276 : i32 to index
      %get3A_1329 = arith.constant 32 : index
      %get3A_1330 = tpu.vector_load %arg19[%get3A_1328, %get3A_1329] {strides = array<i32>} : memref<256x64xf32, #tpu.memory_space<vmem>>, vector<16xf32>,
      %get3A_1331 = arith.index_cast %add3A_1276 : i32 to index
      %get3A_1332 = arith.constant 48 : index
      %get3A_1333 = tpu.vector_load %arg19[%get3A_1331, %get3A_1332] {strides = array<i32>} : memref<256x64xf32, #tpu.memory_space<vmem>>, vector<16xf32>,
      %get3A_1334 = arith.index_cast %add3A_1276 : i32 to index
      %get3A_1335 = arith.constant 0 : index
      %get3A_1336 = tpu.vector_load %arg20[%get3A_1334, %get3A_1335] {strides = array<i32>} : memref<256x64xf32, #tpu.memory_space<vmem>>, vector<16xf32>,
      %get3A_1337 = arith.index_cast %add3A_1276 : i32 to index
      %get3A_1338 = arith.constant 16 : index
      %get3A_1339 = tpu.vector_load %arg20[%get3A_1337, %get3A_1338] {strides = array<i32>} : memref<256x64xf32, #tpu.memory_space<vmem>>, vector<16xf32>,
      %get3A_1340 = arith.index_cast %add3A_1276 : i32 to index
      %get3A_1341 = arith.constant 32 : index
      %get3A_1342 = tpu.vector_load %arg20[%get3A_1340, %get3A_1341] {strides = array<i32>} : memref<256x64xf32, #tpu.memory_space<vmem>>, vector<16xf32>,
      %get3A_1343 = arith.index_cast %add3A_1276 : i32 to index
      %get3A_1344 = arith.constant 48 : index
      %get3A_1345 = tpu.vector_load %arg20[%get3A_1343, %get3A_1344] {strides = array<i32>} : memref<256x64xf32, #tpu.memory_space<vmem>>, vector<16xf32>,
      %mul3A_1346 = arith.mulf %get3A_1324, %get3A_1336 : vector<16xf32>
      %mul3A_1347 = arith.mulf %get3A_1327, %get3A_1339 : vector<16xf32>
      %add3A_1348 = arith.addf %mul3A_1346, %mul3A_1347 : vector<16xf32>
      %mul3A_1349 = arith.mulf %get3A_1330, %get3A_1342 : vector<16xf32>
      %add3A_1350 = arith.addf %add3A_1348, %mul3A_1349 : vector<16xf32>
      %mul3A_1351 = arith.mulf %get3A_1333, %get3A_1345 : vector<16xf32>
      %add3A_1352 = arith.addf %add3A_1350, %mul3A_1351 : vector<16xf32>
      %eq3A_1353 = arith.constant 11 : i32
      %eq3A_1354 = vector.broadcast %eq3A_1353 : i32 to vector<16xi32>
      %eq3A_1355 = arith.cmpi eq, %iota3A, %eq3A_1354 : vector<16xi32>
      %reduce_sum3A_1356 = arith.constant true
      %reduce_sum3A_1357 = vector.broadcast %reduce_sum3A_1356 : i1 to vector<16xi1>
      %reduce_sum3A_1358 = tpu.scan <sum>, %add3A_1307 masked %reduce_sum3A_1357 : vector<16xf32>, vector<16xi1> -> vector<16xf32>
      %reduce_sum3A_1359 = vector.extract %reduce_sum3A_1358[15] : f32 from vector<16xf32>
      %broadcast_in_dim3A_1360 = vector.broadcast %reduce_sum3A_1359 : f32 to vector<16xf32>
      %select_n3A_1361 = arith.select %eq3A_1355, %broadcast_in_dim3A_1360, %select_n3A_1254 : vector<16xi1>, vector<16xf32>
      %reduce_sum3A_1362 = arith.constant true
      %reduce_sum3A_1363 = vector.broadcast %reduce_sum3A_1362 : i1 to vector<16xi1>
      %reduce_sum3A_1364 = tpu.scan <sum>, %add3A_1314 masked %reduce_sum3A_1363 : vector<16xf32>, vector<16xi1> -> vector<16xf32>
      %reduce_sum3A_1365 = vector.extract %reduce_sum3A_1364[15] : f32 from vector<16xf32>
      %broadcast_in_dim3A_1366 = vector.broadcast %reduce_sum3A_1365 : f32 to vector<16xf32>
      %select_n3A_1367 = arith.select %eq3A_1355, %broadcast_in_dim3A_1366, %select_n3A_1260 : vector<16xi1>, vector<16xf32>
      %reduce_sum3A_1368 = arith.constant true
      %reduce_sum3A_1369 = vector.broadcast %reduce_sum3A_1368 : i1 to vector<16xi1>
      %reduce_sum3A_1370 = tpu.scan <sum>, %add3A_1321 masked %reduce_sum3A_1369 : vector<16xf32>, vector<16xi1> -> vector<16xf32>
      %reduce_sum3A_1371 = vector.extract %reduce_sum3A_1370[15] : f32 from vector<16xf32>
      %broadcast_in_dim3A_1372 = vector.broadcast %reduce_sum3A_1371 : f32 to vector<16xf32>
      %select_n3A_1373 = arith.select %eq3A_1355, %broadcast_in_dim3A_1372, %select_n3A_1266 : vector<16xi1>, vector<16xf32>
      %reduce_sum3A_1374 = arith.constant true
      %reduce_sum3A_1375 = vector.broadcast %reduce_sum3A_1374 : i1 to vector<16xi1>
      %reduce_sum3A_1376 = tpu.scan <sum>, %add3A_1352 masked %reduce_sum3A_1375 : vector<16xf32>, vector<16xi1> -> vector<16xf32>
      %reduce_sum3A_1377 = vector.extract %reduce_sum3A_1376[15] : f32 from vector<16xf32>
      %broadcast_in_dim3A_1378 = vector.broadcast %reduce_sum3A_1377 : f32 to vector<16xf32>
      %select_n3A_1379 = arith.select %eq3A_1355, %broadcast_in_dim3A_1378, %select_n3A_1272 : vector<16xi1>, vector<16xf32>
      %mul3A_1380 = arith.constant 16 : i32
      %mul3A_1381 = arith.muli %scan3A_92, %mul3A_1380 : i32
      %add3A_1382 = arith.constant 12 : i32
      %add3A_1383 = arith.addi %mul3A_1381, %add3A_1382 : i32
      %get3A_1384 = arith.index_cast %add3A_1383 : i32 to index
      %get3A_1385 = arith.constant 0 : index
      %get3A_1386 = tpu.vector_load %arg17[%get3A_1384, %get3A_1385] {strides = array<i32>} : memref<256x64xf32, #tpu.memory_space<vmem>>, vector<16xf32>,
      %get3A_1387 = arith.index_cast %add3A_1383 : i32 to index
      %get3A_1388 = arith.constant 16 : index
      %get3A_1389 = tpu.vector_load %arg17[%get3A_1387, %get3A_1388] {strides = array<i32>} : memref<256x64xf32, #tpu.memory_space<vmem>>, vector<16xf32>,
      %get3A_1390 = arith.index_cast %add3A_1383 : i32 to index
      %get3A_1391 = arith.constant 32 : index
      %get3A_1392 = tpu.vector_load %arg17[%get3A_1390, %get3A_1391] {strides = array<i32>} : memref<256x64xf32, #tpu.memory_space<vmem>>, vector<16xf32>,
      %get3A_1393 = arith.index_cast %add3A_1383 : i32 to index
      %get3A_1394 = arith.constant 48 : index
      %get3A_1395 = tpu.vector_load %arg17[%get3A_1393, %get3A_1394] {strides = array<i32>} : memref<256x64xf32, #tpu.memory_space<vmem>>, vector<16xf32>,
      %get3A_1396 = arith.index_cast %add3A_1383 : i32 to index
      %get3A_1397 = arith.constant 0 : index
      %get3A_1398 = tpu.vector_load %arg18[%get3A_1396, %get3A_1397] {strides = array<i32>} : memref<256x64xf32, #tpu.memory_space<vmem>>, vector<16xf32>,
      %get3A_1399 = arith.index_cast %add3A_1383 : i32 to index
      %get3A_1400 = arith.constant 16 : index
      %get3A_1401 = tpu.vector_load %arg18[%get3A_1399, %get3A_1400] {strides = array<i32>} : memref<256x64xf32, #tpu.memory_space<vmem>>, vector<16xf32>,
      %get3A_1402 = arith.index_cast %add3A_1383 : i32 to index
      %get3A_1403 = arith.constant 32 : index
      %get3A_1404 = tpu.vector_load %arg18[%get3A_1402, %get3A_1403] {strides = array<i32>} : memref<256x64xf32, #tpu.memory_space<vmem>>, vector<16xf32>,
      %get3A_1405 = arith.index_cast %add3A_1383 : i32 to index
      %get3A_1406 = arith.constant 48 : index
      %get3A_1407 = tpu.vector_load %arg18[%get3A_1405, %get3A_1406] {strides = array<i32>} : memref<256x64xf32, #tpu.memory_space<vmem>>, vector<16xf32>,
      %mul3A_1408 = arith.mulf %get3A_1386, %get3A_1398 : vector<16xf32>
      %mul3A_1409 = arith.mulf %get3A_1389, %get3A_1401 : vector<16xf32>
      %add3A_1410 = arith.addf %mul3A_1408, %mul3A_1409 : vector<16xf32>
      %mul3A_1411 = arith.mulf %get3A_1392, %get3A_1404 : vector<16xf32>
      %add3A_1412 = arith.addf %add3A_1410, %mul3A_1411 : vector<16xf32>
      %mul3A_1413 = arith.mulf %get3A_1395, %get3A_1407 : vector<16xf32>
      %add3A_1414 = arith.addf %add3A_1412, %mul3A_1413 : vector<16xf32>
      %mul3A_1415 = arith.mulf %get3A_1386, %get3A_1386 : vector<16xf32>
      %mul3A_1416 = arith.mulf %get3A_1389, %get3A_1389 : vector<16xf32>
      %add3A_1417 = arith.addf %mul3A_1415, %mul3A_1416 : vector<16xf32>
      %mul3A_1418 = arith.mulf %get3A_1392, %get3A_1392 : vector<16xf32>
      %add3A_1419 = arith.addf %add3A_1417, %mul3A_1418 : vector<16xf32>
      %mul3A_1420 = arith.mulf %get3A_1395, %get3A_1395 : vector<16xf32>
      %add3A_1421 = arith.addf %add3A_1419, %mul3A_1420 : vector<16xf32>
      %mul3A_1422 = arith.mulf %get3A_1398, %get3A_1398 : vector<16xf32>
      %mul3A_1423 = arith.mulf %get3A_1401, %get3A_1401 : vector<16xf32>
      %add3A_1424 = arith.addf %mul3A_1422, %mul3A_1423 : vector<16xf32>
      %mul3A_1425 = arith.mulf %get3A_1404, %get3A_1404 : vector<16xf32>
      %add3A_1426 = arith.addf %add3A_1424, %mul3A_1425 : vector<16xf32>
      %mul3A_1427 = arith.mulf %get3A_1407, %get3A_1407 : vector<16xf32>
      %add3A_1428 = arith.addf %add3A_1426, %mul3A_1427 : vector<16xf32>
      %get3A_1429 = arith.index_cast %add3A_1383 : i32 to index
      %get3A_1430 = arith.constant 0 : index
      %get3A_1431 = tpu.vector_load %arg19[%get3A_1429, %get3A_1430] {strides = array<i32>} : memref<256x64xf32, #tpu.memory_space<vmem>>, vector<16xf32>,
      %get3A_1432 = arith.index_cast %add3A_1383 : i32 to index
      %get3A_1433 = arith.constant 16 : index
      %get3A_1434 = tpu.vector_load %arg19[%get3A_1432, %get3A_1433] {strides = array<i32>} : memref<256x64xf32, #tpu.memory_space<vmem>>, vector<16xf32>,
      %get3A_1435 = arith.index_cast %add3A_1383 : i32 to index
      %get3A_1436 = arith.constant 32 : index
      %get3A_1437 = tpu.vector_load %arg19[%get3A_1435, %get3A_1436] {strides = array<i32>} : memref<256x64xf32, #tpu.memory_space<vmem>>, vector<16xf32>,
      %get3A_1438 = arith.index_cast %add3A_1383 : i32 to index
      %get3A_1439 = arith.constant 48 : index
      %get3A_1440 = tpu.vector_load %arg19[%get3A_1438, %get3A_1439] {strides = array<i32>} : memref<256x64xf32, #tpu.memory_space<vmem>>, vector<16xf32>,
      %get3A_1441 = arith.index_cast %add3A_1383 : i32 to index
      %get3A_1442 = arith.constant 0 : index
      %get3A_1443 = tpu.vector_load %arg20[%get3A_1441, %get3A_1442] {strides = array<i32>} : memref<256x64xf32, #tpu.memory_space<vmem>>, vector<16xf32>,
      %get3A_1444 = arith.index_cast %add3A_1383 : i32 to index
      %get3A_1445 = arith.constant 16 : index
      %get3A_1446 = tpu.vector_load %arg20[%get3A_1444, %get3A_1445] {strides = array<i32>} : memref<256x64xf32, #tpu.memory_space<vmem>>, vector<16xf32>,
      %get3A_1447 = arith.index_cast %add3A_1383 : i32 to index
      %get3A_1448 = arith.constant 32 : index
      %get3A_1449 = tpu.vector_load %arg20[%get3A_1447, %get3A_1448] {strides = array<i32>} : memref<256x64xf32, #tpu.memory_space<vmem>>, vector<16xf32>,
      %get3A_1450 = arith.index_cast %add3A_1383 : i32 to index
      %get3A_1451 = arith.constant 48 : index
      %get3A_1452 = tpu.vector_load %arg20[%get3A_1450, %get3A_1451] {strides = array<i32>} : memref<256x64xf32, #tpu.memory_space<vmem>>, vector<16xf32>,
      %mul3A_1453 = arith.mulf %get3A_1431, %get3A_1443 : vector<16xf32>
      %mul3A_1454 = arith.mulf %get3A_1434, %get3A_1446 : vector<16xf32>
      %add3A_1455 = arith.addf %mul3A_1453, %mul3A_1454 : vector<16xf32>
      %mul3A_1456 = arith.mulf %get3A_1437, %get3A_1449 : vector<16xf32>
      %add3A_1457 = arith.addf %add3A_1455, %mul3A_1456 : vector<16xf32>
      %mul3A_1458 = arith.mulf %get3A_1440, %get3A_1452 : vector<16xf32>
      %add3A_1459 = arith.addf %add3A_1457, %mul3A_1458 : vector<16xf32>
      %eq3A_1460 = arith.constant 12 : i32
      %eq3A_1461 = vector.broadcast %eq3A_1460 : i32 to vector<16xi32>
      %eq3A_1462 = arith.cmpi eq, %iota3A, %eq3A_1461 : vector<16xi32>
      %reduce_sum3A_1463 = arith.constant true
      %reduce_sum3A_1464 = vector.broadcast %reduce_sum3A_1463 : i1 to vector<16xi1>
      %reduce_sum3A_1465 = tpu.scan <sum>, %add3A_1414 masked %reduce_sum3A_1464 : vector<16xf32>, vector<16xi1> -> vector<16xf32>
      %reduce_sum3A_1466 = vector.extract %reduce_sum3A_1465[15] : f32 from vector<16xf32>
      %broadcast_in_dim3A_1467 = vector.broadcast %reduce_sum3A_1466 : f32 to vector<16xf32>
      %select_n3A_1468 = arith.select %eq3A_1462, %broadcast_in_dim3A_1467, %select_n3A_1361 : vector<16xi1>, vector<16xf32>
      %reduce_sum3A_1469 = arith.constant true
      %reduce_sum3A_1470 = vector.broadcast %reduce_sum3A_1469 : i1 to vector<16xi1>
      %reduce_sum3A_1471 = tpu.scan <sum>, %add3A_1421 masked %reduce_sum3A_1470 : vector<16xf32>, vector<16xi1> -> vector<16xf32>
      %reduce_sum3A_1472 = vector.extract %reduce_sum3A_1471[15] : f32 from vector<16xf32>
      %broadcast_in_dim3A_1473 = vector.broadcast %reduce_sum3A_1472 : f32 to vector<16xf32>
      %select_n3A_1474 = arith.select %eq3A_1462, %broadcast_in_dim3A_1473, %select_n3A_1367 : vector<16xi1>, vector<16xf32>
      %reduce_sum3A_1475 = arith.constant true
      %reduce_sum3A_1476 = vector.broadcast %reduce_sum3A_1475 : i1 to vector<16xi1>
      %reduce_sum3A_1477 = tpu.scan <sum>, %add3A_1428 masked %reduce_sum3A_1476 : vector<16xf32>, vector<16xi1> -> vector<16xf32>
      %reduce_sum3A_1478 = vector.extract %reduce_sum3A_1477[15] : f32 from vector<16xf32>
      %broadcast_in_dim3A_1479 = vector.broadcast %reduce_sum3A_1478 : f32 to vector<16xf32>
      %select_n3A_1480 = arith.select %eq3A_1462, %broadcast_in_dim3A_1479, %select_n3A_1373 : vector<16xi1>, vector<16xf32>
      %reduce_sum3A_1481 = arith.constant true
      %reduce_sum3A_1482 = vector.broadcast %reduce_sum3A_1481 : i1 to vector<16xi1>
      %reduce_sum3A_1483 = tpu.scan <sum>, %add3A_1459 masked %reduce_sum3A_1482 : vector<16xf32>, vector<16xi1> -> vector<16xf32>
      %reduce_sum3A_1484 = vector.extract %reduce_sum3A_1483[15] : f32 from vector<16xf32>
      %broadcast_in_dim3A_1485 = vector.broadcast %reduce_sum3A_1484 : f32 to vector<16xf32>
      %select_n3A_1486 = arith.select %eq3A_1462, %broadcast_in_dim3A_1485, %select_n3A_1379 : vector<16xi1>, vector<16xf32>
      %mul3A_1487 = arith.constant 16 : i32
      %mul3A_1488 = arith.muli %scan3A_92, %mul3A_1487 : i32
      %add3A_1489 = arith.constant 13 : i32
      %add3A_1490 = arith.addi %mul3A_1488, %add3A_1489 : i32
      %get3A_1491 = arith.index_cast %add3A_1490 : i32 to index
      %get3A_1492 = arith.constant 0 : index
      %get3A_1493 = tpu.vector_load %arg17[%get3A_1491, %get3A_1492] {strides = array<i32>} : memref<256x64xf32, #tpu.memory_space<vmem>>, vector<16xf32>,
      %get3A_1494 = arith.index_cast %add3A_1490 : i32 to index
      %get3A_1495 = arith.constant 16 : index
      %get3A_1496 = tpu.vector_load %arg17[%get3A_1494, %get3A_1495] {strides = array<i32>} : memref<256x64xf32, #tpu.memory_space<vmem>>, vector<16xf32>,
      %get3A_1497 = arith.index_cast %add3A_1490 : i32 to index
      %get3A_1498 = arith.constant 32 : index
      %get3A_1499 = tpu.vector_load %arg17[%get3A_1497, %get3A_1498] {strides = array<i32>} : memref<256x64xf32, #tpu.memory_space<vmem>>, vector<16xf32>,
      %get3A_1500 = arith.index_cast %add3A_1490 : i32 to index
      %get3A_1501 = arith.constant 48 : index
      %get3A_1502 = tpu.vector_load %arg17[%get3A_1500, %get3A_1501] {strides = array<i32>} : memref<256x64xf32, #tpu.memory_space<vmem>>, vector<16xf32>,
      %get3A_1503 = arith.index_cast %add3A_1490 : i32 to index
      %get3A_1504 = arith.constant 0 : index
      %get3A_1505 = tpu.vector_load %arg18[%get3A_1503, %get3A_1504] {strides = array<i32>} : memref<256x64xf32, #tpu.memory_space<vmem>>, vector<16xf32>,
      %get3A_1506 = arith.index_cast %add3A_1490 : i32 to index
      %get3A_1507 = arith.constant 16 : index
      %get3A_1508 = tpu.vector_load %arg18[%get3A_1506, %get3A_1507] {strides = array<i32>} : memref<256x64xf32, #tpu.memory_space<vmem>>, vector<16xf32>,
      %get3A_1509 = arith.index_cast %add3A_1490 : i32 to index
      %get3A_1510 = arith.constant 32 : index
      %get3A_1511 = tpu.vector_load %arg18[%get3A_1509, %get3A_1510] {strides = array<i32>} : memref<256x64xf32, #tpu.memory_space<vmem>>, vector<16xf32>,
      %get3A_1512 = arith.index_cast %add3A_1490 : i32 to index
      %get3A_1513 = arith.constant 48 : index
      %get3A_1514 = tpu.vector_load %arg18[%get3A_1512, %get3A_1513] {strides = array<i32>} : memref<256x64xf32, #tpu.memory_space<vmem>>, vector<16xf32>,
      %mul3A_1515 = arith.mulf %get3A_1493, %get3A_1505 : vector<16xf32>
      %mul3A_1516 = arith.mulf %get3A_1496, %get3A_1508 : vector<16xf32>
      %add3A_1517 = arith.addf %mul3A_1515, %mul3A_1516 : vector<16xf32>
      %mul3A_1518 = arith.mulf %get3A_1499, %get3A_1511 : vector<16xf32>
      %add3A_1519 = arith.addf %add3A_1517, %mul3A_1518 : vector<16xf32>
      %mul3A_1520 = arith.mulf %get3A_1502, %get3A_1514 : vector<16xf32>
      %add3A_1521 = arith.addf %add3A_1519, %mul3A_1520 : vector<16xf32>
      %mul3A_1522 = arith.mulf %get3A_1493, %get3A_1493 : vector<16xf32>
      %mul3A_1523 = arith.mulf %get3A_1496, %get3A_1496 : vector<16xf32>
      %add3A_1524 = arith.addf %mul3A_1522, %mul3A_1523 : vector<16xf32>
      %mul3A_1525 = arith.mulf %get3A_1499, %get3A_1499 : vector<16xf32>
      %add3A_1526 = arith.addf %add3A_1524, %mul3A_1525 : vector<16xf32>
      %mul3A_1527 = arith.mulf %get3A_1502, %get3A_1502 : vector<16xf32>
      %add3A_1528 = arith.addf %add3A_1526, %mul3A_1527 : vector<16xf32>
      %mul3A_1529 = arith.mulf %get3A_1505, %get3A_1505 : vector<16xf32>
      %mul3A_1530 = arith.mulf %get3A_1508, %get3A_1508 : vector<16xf32>
      %add3A_1531 = arith.addf %mul3A_1529, %mul3A_1530 : vector<16xf32>
      %mul3A_1532 = arith.mulf %get3A_1511, %get3A_1511 : vector<16xf32>
      %add3A_1533 = arith.addf %add3A_1531, %mul3A_1532 : vector<16xf32>
      %mul3A_1534 = arith.mulf %get3A_1514, %get3A_1514 : vector<16xf32>
      %add3A_1535 = arith.addf %add3A_1533, %mul3A_1534 : vector<16xf32>
      %get3A_1536 = arith.index_cast %add3A_1490 : i32 to index
      %get3A_1537 = arith.constant 0 : index
      %get3A_1538 = tpu.vector_load %arg19[%get3A_1536, %get3A_1537] {strides = array<i32>} : memref<256x64xf32, #tpu.memory_space<vmem>>, vector<16xf32>,
      %get3A_1539 = arith.index_cast %add3A_1490 : i32 to index
      %get3A_1540 = arith.constant 16 : index
      %get3A_1541 = tpu.vector_load %arg19[%get3A_1539, %get3A_1540] {strides = array<i32>} : memref<256x64xf32, #tpu.memory_space<vmem>>, vector<16xf32>,
      %get3A_1542 = arith.index_cast %add3A_1490 : i32 to index
      %get3A_1543 = arith.constant 32 : index
      %get3A_1544 = tpu.vector_load %arg19[%get3A_1542, %get3A_1543] {strides = array<i32>} : memref<256x64xf32, #tpu.memory_space<vmem>>, vector<16xf32>,
      %get3A_1545 = arith.index_cast %add3A_1490 : i32 to index
      %get3A_1546 = arith.constant 48 : index
      %get3A_1547 = tpu.vector_load %arg19[%get3A_1545, %get3A_1546] {strides = array<i32>} : memref<256x64xf32, #tpu.memory_space<vmem>>, vector<16xf32>,
      %get3A_1548 = arith.index_cast %add3A_1490 : i32 to index
      %get3A_1549 = arith.constant 0 : index
      %get3A_1550 = tpu.vector_load %arg20[%get3A_1548, %get3A_1549] {strides = array<i32>} : memref<256x64xf32, #tpu.memory_space<vmem>>, vector<16xf32>,
      %get3A_1551 = arith.index_cast %add3A_1490 : i32 to index
      %get3A_1552 = arith.constant 16 : index
      %get3A_1553 = tpu.vector_load %arg20[%get3A_1551, %get3A_1552] {strides = array<i32>} : memref<256x64xf32, #tpu.memory_space<vmem>>, vector<16xf32>,
      %get3A_1554 = arith.index_cast %add3A_1490 : i32 to index
      %get3A_1555 = arith.constant 32 : index
      %get3A_1556 = tpu.vector_load %arg20[%get3A_1554, %get3A_1555] {strides = array<i32>} : memref<256x64xf32, #tpu.memory_space<vmem>>, vector<16xf32>,
      %get3A_1557 = arith.index_cast %add3A_1490 : i32 to index
      %get3A_1558 = arith.constant 48 : index
      %get3A_1559 = tpu.vector_load %arg20[%get3A_1557, %get3A_1558] {strides = array<i32>} : memref<256x64xf32, #tpu.memory_space<vmem>>, vector<16xf32>,
      %mul3A_1560 = arith.mulf %get3A_1538, %get3A_1550 : vector<16xf32>
      %mul3A_1561 = arith.mulf %get3A_1541, %get3A_1553 : vector<16xf32>
      %add3A_1562 = arith.addf %mul3A_1560, %mul3A_1561 : vector<16xf32>
      %mul3A_1563 = arith.mulf %get3A_1544, %get3A_1556 : vector<16xf32>
      %add3A_1564 = arith.addf %add3A_1562, %mul3A_1563 : vector<16xf32>
      %mul3A_1565 = arith.mulf %get3A_1547, %get3A_1559 : vector<16xf32>
      %add3A_1566 = arith.addf %add3A_1564, %mul3A_1565 : vector<16xf32>
      %eq3A_1567 = arith.constant 13 : i32
      %eq3A_1568 = vector.broadcast %eq3A_1567 : i32 to vector<16xi32>
      %eq3A_1569 = arith.cmpi eq, %iota3A, %eq3A_1568 : vector<16xi32>
      %reduce_sum3A_1570 = arith.constant true
      %reduce_sum3A_1571 = vector.broadcast %reduce_sum3A_1570 : i1 to vector<16xi1>
      %reduce_sum3A_1572 = tpu.scan <sum>, %add3A_1521 masked %reduce_sum3A_1571 : vector<16xf32>, vector<16xi1> -> vector<16xf32>
      %reduce_sum3A_1573 = vector.extract %reduce_sum3A_1572[15] : f32 from vector<16xf32>
      %broadcast_in_dim3A_1574 = vector.broadcast %reduce_sum3A_1573 : f32 to vector<16xf32>
      %select_n3A_1575 = arith.select %eq3A_1569, %broadcast_in_dim3A_1574, %select_n3A_1468 : vector<16xi1>, vector<16xf32>
      %reduce_sum3A_1576 = arith.constant true
      %reduce_sum3A_1577 = vector.broadcast %reduce_sum3A_1576 : i1 to vector<16xi1>
      %reduce_sum3A_1578 = tpu.scan <sum>, %add3A_1528 masked %reduce_sum3A_1577 : vector<16xf32>, vector<16xi1> -> vector<16xf32>
      %reduce_sum3A_1579 = vector.extract %reduce_sum3A_1578[15] : f32 from vector<16xf32>
      %broadcast_in_dim3A_1580 = vector.broadcast %reduce_sum3A_1579 : f32 to vector<16xf32>
      %select_n3A_1581 = arith.select %eq3A_1569, %broadcast_in_dim3A_1580, %select_n3A_1474 : vector<16xi1>, vector<16xf32>
      %reduce_sum3A_1582 = arith.constant true
      %reduce_sum3A_1583 = vector.broadcast %reduce_sum3A_1582 : i1 to vector<16xi1>
      %reduce_sum3A_1584 = tpu.scan <sum>, %add3A_1535 masked %reduce_sum3A_1583 : vector<16xf32>, vector<16xi1> -> vector<16xf32>
      %reduce_sum3A_1585 = vector.extract %reduce_sum3A_1584[15] : f32 from vector<16xf32>
      %broadcast_in_dim3A_1586 = vector.broadcast %reduce_sum3A_1585 : f32 to vector<16xf32>
      %select_n3A_1587 = arith.select %eq3A_1569, %broadcast_in_dim3A_1586, %select_n3A_1480 : vector<16xi1>, vector<16xf32>
      %reduce_sum3A_1588 = arith.constant true
      %reduce_sum3A_1589 = vector.broadcast %reduce_sum3A_1588 : i1 to vector<16xi1>
      %reduce_sum3A_1590 = tpu.scan <sum>, %add3A_1566 masked %reduce_sum3A_1589 : vector<16xf32>, vector<16xi1> -> vector<16xf32>
      %reduce_sum3A_1591 = vector.extract %reduce_sum3A_1590[15] : f32 from vector<16xf32>
      %broadcast_in_dim3A_1592 = vector.broadcast %reduce_sum3A_1591 : f32 to vector<16xf32>
      %select_n3A_1593 = arith.select %eq3A_1569, %broadcast_in_dim3A_1592, %select_n3A_1486 : vector<16xi1>, vector<16xf32>
      %mul3A_1594 = arith.constant 16 : i32
      %mul3A_1595 = arith.muli %scan3A_92, %mul3A_1594 : i32
      %add3A_1596 = arith.constant 14 : i32
      %add3A_1597 = arith.addi %mul3A_1595, %add3A_1596 : i32
      %get3A_1598 = arith.index_cast %add3A_1597 : i32 to index
      %get3A_1599 = arith.constant 0 : index
      %get3A_1600 = tpu.vector_load %arg17[%get3A_1598, %get3A_1599] {strides = array<i32>} : memref<256x64xf32, #tpu.memory_space<vmem>>, vector<16xf32>,
      %get3A_1601 = arith.index_cast %add3A_1597 : i32 to index
      %get3A_1602 = arith.constant 16 : index
      %get3A_1603 = tpu.vector_load %arg17[%get3A_1601, %get3A_1602] {strides = array<i32>} : memref<256x64xf32, #tpu.memory_space<vmem>>, vector<16xf32>,
      %get3A_1604 = arith.index_cast %add3A_1597 : i32 to index
      %get3A_1605 = arith.constant 32 : index
      %get3A_1606 = tpu.vector_load %arg17[%get3A_1604, %get3A_1605] {strides = array<i32>} : memref<256x64xf32, #tpu.memory_space<vmem>>, vector<16xf32>,
      %get3A_1607 = arith.index_cast %add3A_1597 : i32 to index
      %get3A_1608 = arith.constant 48 : index
      %get3A_1609 = tpu.vector_load %arg17[%get3A_1607, %get3A_1608] {strides = array<i32>} : memref<256x64xf32, #tpu.memory_space<vmem>>, vector<16xf32>,
      %get3A_1610 = arith.index_cast %add3A_1597 : i32 to index
      %get3A_1611 = arith.constant 0 : index
      %get3A_1612 = tpu.vector_load %arg18[%get3A_1610, %get3A_1611] {strides = array<i32>} : memref<256x64xf32, #tpu.memory_space<vmem>>, vector<16xf32>,
      %get3A_1613 = arith.index_cast %add3A_1597 : i32 to index
      %get3A_1614 = arith.constant 16 : index
      %get3A_1615 = tpu.vector_load %arg18[%get3A_1613, %get3A_1614] {strides = array<i32>} : memref<256x64xf32, #tpu.memory_space<vmem>>, vector<16xf32>,
      %get3A_1616 = arith.index_cast %add3A_1597 : i32 to index
      %get3A_1617 = arith.constant 32 : index
      %get3A_1618 = tpu.vector_load %arg18[%get3A_1616, %get3A_1617] {strides = array<i32>} : memref<256x64xf32, #tpu.memory_space<vmem>>, vector<16xf32>,
      %get3A_1619 = arith.index_cast %add3A_1597 : i32 to index
      %get3A_1620 = arith.constant 48 : index
      %get3A_1621 = tpu.vector_load %arg18[%get3A_1619, %get3A_1620] {strides = array<i32>} : memref<256x64xf32, #tpu.memory_space<vmem>>, vector<16xf32>,
      %mul3A_1622 = arith.mulf %get3A_1600, %get3A_1612 : vector<16xf32>
      %mul3A_1623 = arith.mulf %get3A_1603, %get3A_1615 : vector<16xf32>
      %add3A_1624 = arith.addf %mul3A_1622, %mul3A_1623 : vector<16xf32>
      %mul3A_1625 = arith.mulf %get3A_1606, %get3A_1618 : vector<16xf32>
      %add3A_1626 = arith.addf %add3A_1624, %mul3A_1625 : vector<16xf32>
      %mul3A_1627 = arith.mulf %get3A_1609, %get3A_1621 : vector<16xf32>
      %add3A_1628 = arith.addf %add3A_1626, %mul3A_1627 : vector<16xf32>
      %mul3A_1629 = arith.mulf %get3A_1600, %get3A_1600 : vector<16xf32>
      %mul3A_1630 = arith.mulf %get3A_1603, %get3A_1603 : vector<16xf32>
      %add3A_1631 = arith.addf %mul3A_1629, %mul3A_1630 : vector<16xf32>
      %mul3A_1632 = arith.mulf %get3A_1606, %get3A_1606 : vector<16xf32>
      %add3A_1633 = arith.addf %add3A_1631, %mul3A_1632 : vector<16xf32>
      %mul3A_1634 = arith.mulf %get3A_1609, %get3A_1609 : vector<16xf32>
      %add3A_1635 = arith.addf %add3A_1633, %mul3A_1634 : vector<16xf32>
      %mul3A_1636 = arith.mulf %get3A_1612, %get3A_1612 : vector<16xf32>
      %mul3A_1637 = arith.mulf %get3A_1615, %get3A_1615 : vector<16xf32>
      %add3A_1638 = arith.addf %mul3A_1636, %mul3A_1637 : vector<16xf32>
      %mul3A_1639 = arith.mulf %get3A_1618, %get3A_1618 : vector<16xf32>
      %add3A_1640 = arith.addf %add3A_1638, %mul3A_1639 : vector<16xf32>
      %mul3A_1641 = arith.mulf %get3A_1621, %get3A_1621 : vector<16xf32>
      %add3A_1642 = arith.addf %add3A_1640, %mul3A_1641 : vector<16xf32>
      %get3A_1643 = arith.index_cast %add3A_1597 : i32 to index
      %get3A_1644 = arith.constant 0 : index
      %get3A_1645 = tpu.vector_load %arg19[%get3A_1643, %get3A_1644] {strides = array<i32>} : memref<256x64xf32, #tpu.memory_space<vmem>>, vector<16xf32>,
      %get3A_1646 = arith.index_cast %add3A_1597 : i32 to index
      %get3A_1647 = arith.constant 16 : index
      %get3A_1648 = tpu.vector_load %arg19[%get3A_1646, %get3A_1647] {strides = array<i32>} : memref<256x64xf32, #tpu.memory_space<vmem>>, vector<16xf32>,
      %get3A_1649 = arith.index_cast %add3A_1597 : i32 to index
      %get3A_1650 = arith.constant 32 : index
      %get3A_1651 = tpu.vector_load %arg19[%get3A_1649, %get3A_1650] {strides = array<i32>} : memref<256x64xf32, #tpu.memory_space<vmem>>, vector<16xf32>,
      %get3A_1652 = arith.index_cast %add3A_1597 : i32 to index
      %get3A_1653 = arith.constant 48 : index
      %get3A_1654 = tpu.vector_load %arg19[%get3A_1652, %get3A_1653] {strides = array<i32>} : memref<256x64xf32, #tpu.memory_space<vmem>>, vector<16xf32>,
      %get3A_1655 = arith.index_cast %add3A_1597 : i32 to index
      %get3A_1656 = arith.constant 0 : index
      %get3A_1657 = tpu.vector_load %arg20[%get3A_1655, %get3A_1656] {strides = array<i32>} : memref<256x64xf32, #tpu.memory_space<vmem>>, vector<16xf32>,
      %get3A_1658 = arith.index_cast %add3A_1597 : i32 to index
      %get3A_1659 = arith.constant 16 : index
      %get3A_1660 = tpu.vector_load %arg20[%get3A_1658, %get3A_1659] {strides = array<i32>} : memref<256x64xf32, #tpu.memory_space<vmem>>, vector<16xf32>,
      %get3A_1661 = arith.index_cast %add3A_1597 : i32 to index
      %get3A_1662 = arith.constant 32 : index
      %get3A_1663 = tpu.vector_load %arg20[%get3A_1661, %get3A_1662] {strides = array<i32>} : memref<256x64xf32, #tpu.memory_space<vmem>>, vector<16xf32>,
      %get3A_1664 = arith.index_cast %add3A_1597 : i32 to index
      %get3A_1665 = arith.constant 48 : index
      %get3A_1666 = tpu.vector_load %arg20[%get3A_1664, %get3A_1665] {strides = array<i32>} : memref<256x64xf32, #tpu.memory_space<vmem>>, vector<16xf32>,
      %mul3A_1667 = arith.mulf %get3A_1645, %get3A_1657 : vector<16xf32>
      %mul3A_1668 = arith.mulf %get3A_1648, %get3A_1660 : vector<16xf32>
      %add3A_1669 = arith.addf %mul3A_1667, %mul3A_1668 : vector<16xf32>
      %mul3A_1670 = arith.mulf %get3A_1651, %get3A_1663 : vector<16xf32>
      %add3A_1671 = arith.addf %add3A_1669, %mul3A_1670 : vector<16xf32>
      %mul3A_1672 = arith.mulf %get3A_1654, %get3A_1666 : vector<16xf32>
      %add3A_1673 = arith.addf %add3A_1671, %mul3A_1672 : vector<16xf32>
      %eq3A_1674 = arith.constant 14 : i32
      %eq3A_1675 = vector.broadcast %eq3A_1674 : i32 to vector<16xi32>
      %eq3A_1676 = arith.cmpi eq, %iota3A, %eq3A_1675 : vector<16xi32>
      %reduce_sum3A_1677 = arith.constant true
      %reduce_sum3A_1678 = vector.broadcast %reduce_sum3A_1677 : i1 to vector<16xi1>
      %reduce_sum3A_1679 = tpu.scan <sum>, %add3A_1628 masked %reduce_sum3A_1678 : vector<16xf32>, vector<16xi1> -> vector<16xf32>
      %reduce_sum3A_1680 = vector.extract %reduce_sum3A_1679[15] : f32 from vector<16xf32>
      %broadcast_in_dim3A_1681 = vector.broadcast %reduce_sum3A_1680 : f32 to vector<16xf32>
      %select_n3A_1682 = arith.select %eq3A_1676, %broadcast_in_dim3A_1681, %select_n3A_1575 : vector<16xi1>, vector<16xf32>
      %reduce_sum3A_1683 = arith.constant true
      %reduce_sum3A_1684 = vector.broadcast %reduce_sum3A_1683 : i1 to vector<16xi1>
      %reduce_sum3A_1685 = tpu.scan <sum>, %add3A_1635 masked %reduce_sum3A_1684 : vector<16xf32>, vector<16xi1> -> vector<16xf32>
      %reduce_sum3A_1686 = vector.extract %reduce_sum3A_1685[15] : f32 from vector<16xf32>
      %broadcast_in_dim3A_1687 = vector.broadcast %reduce_sum3A_1686 : f32 to vector<16xf32>
      %select_n3A_1688 = arith.select %eq3A_1676, %broadcast_in_dim3A_1687, %select_n3A_1581 : vector<16xi1>, vector<16xf32>
      %reduce_sum3A_1689 = arith.constant true
      %reduce_sum3A_1690 = vector.broadcast %reduce_sum3A_1689 : i1 to vector<16xi1>
      %reduce_sum3A_1691 = tpu.scan <sum>, %add3A_1642 masked %reduce_sum3A_1690 : vector<16xf32>, vector<16xi1> -> vector<16xf32>
      %reduce_sum3A_1692 = vector.extract %reduce_sum3A_1691[15] : f32 from vector<16xf32>
      %broadcast_in_dim3A_1693 = vector.broadcast %reduce_sum3A_1692 : f32 to vector<16xf32>
      %select_n3A_1694 = arith.select %eq3A_1676, %broadcast_in_dim3A_1693, %select_n3A_1587 : vector<16xi1>, vector<16xf32>
      %reduce_sum3A_1695 = arith.constant true
      %reduce_sum3A_1696 = vector.broadcast %reduce_sum3A_1695 : i1 to vector<16xi1>
      %reduce_sum3A_1697 = tpu.scan <sum>, %add3A_1673 masked %reduce_sum3A_1696 : vector<16xf32>, vector<16xi1> -> vector<16xf32>
      %reduce_sum3A_1698 = vector.extract %reduce_sum3A_1697[15] : f32 from vector<16xf32>
      %broadcast_in_dim3A_1699 = vector.broadcast %reduce_sum3A_1698 : f32 to vector<16xf32>
      %select_n3A_1700 = arith.select %eq3A_1676, %broadcast_in_dim3A_1699, %select_n3A_1593 : vector<16xi1>, vector<16xf32>
      %mul3A_1701 = arith.constant 16 : i32
      %mul3A_1702 = arith.muli %scan3A_92, %mul3A_1701 : i32
      %add3A_1703 = arith.constant 15 : i32
      %add3A_1704 = arith.addi %mul3A_1702, %add3A_1703 : i32
      %get3A_1705 = arith.index_cast %add3A_1704 : i32 to index
      %get3A_1706 = arith.constant 0 : index
      %get3A_1707 = tpu.vector_load %arg17[%get3A_1705, %get3A_1706] {strides = array<i32>} : memref<256x64xf32, #tpu.memory_space<vmem>>, vector<16xf32>,
      %get3A_1708 = arith.index_cast %add3A_1704 : i32 to index
      %get3A_1709 = arith.constant 16 : index
      %get3A_1710 = tpu.vector_load %arg17[%get3A_1708, %get3A_1709] {strides = array<i32>} : memref<256x64xf32, #tpu.memory_space<vmem>>, vector<16xf32>,
      %get3A_1711 = arith.index_cast %add3A_1704 : i32 to index
      %get3A_1712 = arith.constant 32 : index
      %get3A_1713 = tpu.vector_load %arg17[%get3A_1711, %get3A_1712] {strides = array<i32>} : memref<256x64xf32, #tpu.memory_space<vmem>>, vector<16xf32>,
      %get3A_1714 = arith.index_cast %add3A_1704 : i32 to index
      %get3A_1715 = arith.constant 48 : index
      %get3A_1716 = tpu.vector_load %arg17[%get3A_1714, %get3A_1715] {strides = array<i32>} : memref<256x64xf32, #tpu.memory_space<vmem>>, vector<16xf32>,
      %get3A_1717 = arith.index_cast %add3A_1704 : i32 to index
      %get3A_1718 = arith.constant 0 : index
      %get3A_1719 = tpu.vector_load %arg18[%get3A_1717, %get3A_1718] {strides = array<i32>} : memref<256x64xf32, #tpu.memory_space<vmem>>, vector<16xf32>,
      %get3A_1720 = arith.index_cast %add3A_1704 : i32 to index
      %get3A_1721 = arith.constant 16 : index
      %get3A_1722 = tpu.vector_load %arg18[%get3A_1720, %get3A_1721] {strides = array<i32>} : memref<256x64xf32, #tpu.memory_space<vmem>>, vector<16xf32>,
      %get3A_1723 = arith.index_cast %add3A_1704 : i32 to index
      %get3A_1724 = arith.constant 32 : index
      %get3A_1725 = tpu.vector_load %arg18[%get3A_1723, %get3A_1724] {strides = array<i32>} : memref<256x64xf32, #tpu.memory_space<vmem>>, vector<16xf32>,
      %get3A_1726 = arith.index_cast %add3A_1704 : i32 to index
      %get3A_1727 = arith.constant 48 : index
      %get3A_1728 = tpu.vector_load %arg18[%get3A_1726, %get3A_1727] {strides = array<i32>} : memref<256x64xf32, #tpu.memory_space<vmem>>, vector<16xf32>,
      %mul3A_1729 = arith.mulf %get3A_1707, %get3A_1719 : vector<16xf32>
      %mul3A_1730 = arith.mulf %get3A_1710, %get3A_1722 : vector<16xf32>
      %add3A_1731 = arith.addf %mul3A_1729, %mul3A_1730 : vector<16xf32>
      %mul3A_1732 = arith.mulf %get3A_1713, %get3A_1725 : vector<16xf32>
      %add3A_1733 = arith.addf %add3A_1731, %mul3A_1732 : vector<16xf32>
      %mul3A_1734 = arith.mulf %get3A_1716, %get3A_1728 : vector<16xf32>
      %add3A_1735 = arith.addf %add3A_1733, %mul3A_1734 : vector<16xf32>
      %mul3A_1736 = arith.mulf %get3A_1707, %get3A_1707 : vector<16xf32>
      %mul3A_1737 = arith.mulf %get3A_1710, %get3A_1710 : vector<16xf32>
      %add3A_1738 = arith.addf %mul3A_1736, %mul3A_1737 : vector<16xf32>
      %mul3A_1739 = arith.mulf %get3A_1713, %get3A_1713 : vector<16xf32>
      %add3A_1740 = arith.addf %add3A_1738, %mul3A_1739 : vector<16xf32>
      %mul3A_1741 = arith.mulf %get3A_1716, %get3A_1716 : vector<16xf32>
      %add3A_1742 = arith.addf %add3A_1740, %mul3A_1741 : vector<16xf32>
      %mul3A_1743 = arith.mulf %get3A_1719, %get3A_1719 : vector<16xf32>
      %mul3A_1744 = arith.mulf %get3A_1722, %get3A_1722 : vector<16xf32>
      %add3A_1745 = arith.addf %mul3A_1743, %mul3A_1744 : vector<16xf32>
      %mul3A_1746 = arith.mulf %get3A_1725, %get3A_1725 : vector<16xf32>
      %add3A_1747 = arith.addf %add3A_1745, %mul3A_1746 : vector<16xf32>
      %mul3A_1748 = arith.mulf %get3A_1728, %get3A_1728 : vector<16xf32>
      %add3A_1749 = arith.addf %add3A_1747, %mul3A_1748 : vector<16xf32>
      %get3A_1750 = arith.index_cast %add3A_1704 : i32 to index
      %get3A_1751 = arith.constant 0 : index
      %get3A_1752 = tpu.vector_load %arg19[%get3A_1750, %get3A_1751] {strides = array<i32>} : memref<256x64xf32, #tpu.memory_space<vmem>>, vector<16xf32>,
      %get3A_1753 = arith.index_cast %add3A_1704 : i32 to index
      %get3A_1754 = arith.constant 16 : index
      %get3A_1755 = tpu.vector_load %arg19[%get3A_1753, %get3A_1754] {strides = array<i32>} : memref<256x64xf32, #tpu.memory_space<vmem>>, vector<16xf32>,
      %get3A_1756 = arith.index_cast %add3A_1704 : i32 to index
      %get3A_1757 = arith.constant 32 : index
      %get3A_1758 = tpu.vector_load %arg19[%get3A_1756, %get3A_1757] {strides = array<i32>} : memref<256x64xf32, #tpu.memory_space<vmem>>, vector<16xf32>,
      %get3A_1759 = arith.index_cast %add3A_1704 : i32 to index
      %get3A_1760 = arith.constant 48 : index
      %get3A_1761 = tpu.vector_load %arg19[%get3A_1759, %get3A_1760] {strides = array<i32>} : memref<256x64xf32, #tpu.memory_space<vmem>>, vector<16xf32>,
      %get3A_1762 = arith.index_cast %add3A_1704 : i32 to index
      %get3A_1763 = arith.constant 0 : index
      %get3A_1764 = tpu.vector_load %arg20[%get3A_1762, %get3A_1763] {strides = array<i32>} : memref<256x64xf32, #tpu.memory_space<vmem>>, vector<16xf32>,
      %get3A_1765 = arith.index_cast %add3A_1704 : i32 to index
      %get3A_1766 = arith.constant 16 : index
      %get3A_1767 = tpu.vector_load %arg20[%get3A_1765, %get3A_1766] {strides = array<i32>} : memref<256x64xf32, #tpu.memory_space<vmem>>, vector<16xf32>,
      %get3A_1768 = arith.index_cast %add3A_1704 : i32 to index
      %get3A_1769 = arith.constant 32 : index
      %get3A_1770 = tpu.vector_load %arg20[%get3A_1768, %get3A_1769] {strides = array<i32>} : memref<256x64xf32, #tpu.memory_space<vmem>>, vector<16xf32>,
      %get3A_1771 = arith.index_cast %add3A_1704 : i32 to index
      %get3A_1772 = arith.constant 48 : index
      %get3A_1773 = tpu.vector_load %arg20[%get3A_1771, %get3A_1772] {strides = array<i32>} : memref<256x64xf32, #tpu.memory_space<vmem>>, vector<16xf32>,
      %mul3A_1774 = arith.mulf %get3A_1752, %get3A_1764 : vector<16xf32>
      %mul3A_1775 = arith.mulf %get3A_1755, %get3A_1767 : vector<16xf32>
      %add3A_1776 = arith.addf %mul3A_1774, %mul3A_1775 : vector<16xf32>
      %mul3A_1777 = arith.mulf %get3A_1758, %get3A_1770 : vector<16xf32>
      %add3A_1778 = arith.addf %add3A_1776, %mul3A_1777 : vector<16xf32>
      %mul3A_1779 = arith.mulf %get3A_1761, %get3A_1773 : vector<16xf32>
      %add3A_1780 = arith.addf %add3A_1778, %mul3A_1779 : vector<16xf32>
      %eq3A_1781 = arith.constant 15 : i32
      %eq3A_1782 = vector.broadcast %eq3A_1781 : i32 to vector<16xi32>
      %eq3A_1783 = arith.cmpi eq, %iota3A, %eq3A_1782 : vector<16xi32>
      %reduce_sum3A_1784 = arith.constant true
      %reduce_sum3A_1785 = vector.broadcast %reduce_sum3A_1784 : i1 to vector<16xi1>
      %reduce_sum3A_1786 = tpu.scan <sum>, %add3A_1735 masked %reduce_sum3A_1785 : vector<16xf32>, vector<16xi1> -> vector<16xf32>
      %reduce_sum3A_1787 = vector.extract %reduce_sum3A_1786[15] : f32 from vector<16xf32>
      %broadcast_in_dim3A_1788 = vector.broadcast %reduce_sum3A_1787 : f32 to vector<16xf32>
      %select_n3A_1789 = arith.select %eq3A_1783, %broadcast_in_dim3A_1788, %select_n3A_1682 : vector<16xi1>, vector<16xf32>
      %reduce_sum3A_1790 = arith.constant true
      %reduce_sum3A_1791 = vector.broadcast %reduce_sum3A_1790 : i1 to vector<16xi1>
      %reduce_sum3A_1792 = tpu.scan <sum>, %add3A_1742 masked %reduce_sum3A_1791 : vector<16xf32>, vector<16xi1> -> vector<16xf32>
      %reduce_sum3A_1793 = vector.extract %reduce_sum3A_1792[15] : f32 from vector<16xf32>
      %broadcast_in_dim3A_1794 = vector.broadcast %reduce_sum3A_1793 : f32 to vector<16xf32>
      %select_n3A_1795 = arith.select %eq3A_1783, %broadcast_in_dim3A_1794, %select_n3A_1688 : vector<16xi1>, vector<16xf32>
      %reduce_sum3A_1796 = arith.constant true
      %reduce_sum3A_1797 = vector.broadcast %reduce_sum3A_1796 : i1 to vector<16xi1>
      %reduce_sum3A_1798 = tpu.scan <sum>, %add3A_1749 masked %reduce_sum3A_1797 : vector<16xf32>, vector<16xi1> -> vector<16xf32>
      %reduce_sum3A_1799 = vector.extract %reduce_sum3A_1798[15] : f32 from vector<16xf32>
      %broadcast_in_dim3A_1800 = vector.broadcast %reduce_sum3A_1799 : f32 to vector<16xf32>
      %select_n3A_1801 = arith.select %eq3A_1783, %broadcast_in_dim3A_1800, %select_n3A_1694 : vector<16xi1>, vector<16xf32>
      %reduce_sum3A_1802 = arith.constant true
      %reduce_sum3A_1803 = vector.broadcast %reduce_sum3A_1802 : i1 to vector<16xi1>
      %reduce_sum3A_1804 = tpu.scan <sum>, %add3A_1780 masked %reduce_sum3A_1803 : vector<16xf32>, vector<16xi1> -> vector<16xf32>
      %reduce_sum3A_1805 = vector.extract %reduce_sum3A_1804[15] : f32 from vector<16xf32>
      %broadcast_in_dim3A_1806 = vector.broadcast %reduce_sum3A_1805 : f32 to vector<16xf32>
      %select_n3A_1807 = arith.select %eq3A_1783, %broadcast_in_dim3A_1806, %select_n3A_1700 : vector<16xi1>, vector<16xf32>
      %mul3A_1808 = arith.constant 16 : i32
      %mul3A_1809 = arith.muli %scan3A_92, %mul3A_1808 : i32
      %add3A_1810 = arith.constant 0 : i32
      %add3A_1811 = arith.addi %add3A_1810, %mul3A_1809 : i32
      %swap3A = arith.index_cast %add3A_1811 : i32 to index
      %swap3A_1812 = tpu.vector_load %arg21[%swap3A] {strides = array<i32>} : memref<512xf32, #tpu.memory_space<vmem>>, vector<16xf32>,
      tpu.vector_store %arg21[%swap3A], %select_n3A_1789 {strides = array<i32>} : memref<512xf32, #tpu.memory_space<vmem>>, vector<16xf32>,
      %swap3A_1813 = arith.index_cast %add3A_1811 : i32 to index
      %swap3A_1814 = tpu.vector_load %arg22[%swap3A_1813] {strides = array<i32>} : memref<512xf32, #tpu.memory_space<vmem>>, vector<16xf32>,
      tpu.vector_store %arg22[%swap3A_1813], %select_n3A_1795 {strides = array<i32>} : memref<512xf32, #tpu.memory_space<vmem>>, vector<16xf32>,
      %swap3A_1815 = arith.index_cast %add3A_1811 : i32 to index
      %swap3A_1816 = tpu.vector_load %arg23[%swap3A_1815] {strides = array<i32>} : memref<512xf32, #tpu.memory_space<vmem>>, vector<16xf32>,
      tpu.vector_store %arg23[%swap3A_1815], %select_n3A_1801 {strides = array<i32>} : memref<512xf32, #tpu.memory_space<vmem>>, vector<16xf32>,
      %swap3A_1817 = arith.index_cast %add3A_1811 : i32 to index
      %swap3A_1818 = tpu.vector_load %arg24[%swap3A_1817] {strides = array<i32>} : memref<512xf32, #tpu.memory_space<vmem>>, vector<16xf32>,
      tpu.vector_store %arg24[%swap3A_1817], %select_n3A_1807 {strides = array<i32>} : memref<512xf32, #tpu.memory_space<vmem>>, vector<16xf32>,
    }
    %scan3A_45 = arith.constant 16 : i32
    %dma_start3A_46 = arith.constant 256 : i32
    %dma_start3A_47 = tpu.memref_slice %arg13[%dma_start3A_46] : memref<512xi32, #tpu.memory_space<vmem>> -> memref<256xi32, #tpu.memory_space<vmem>>
    %dma_start3A_48 = arith.constant 0 : i32
    %dma_start3A_49 = arith.constant 0 : i32
    %dma_start3A_50 = tpu.memref_slice %arg6[%dma_start3A_48, %dma_start3A_49] : memref<1000000x64xf32, #tpu.memory_space<hbm>> -> memref<1000000x64xf32, #tpu.memory_space<hbm>>
    tpu.enqueue_indirect_dma source(%dma_start3A_50 : memref<1000000x64xf32, #tpu.memory_space<hbm>>) target(%arg17 : memref<256x64xf32, #tpu.memory_space<vmem>>) offsets(%dma_start3A_47 : memref<256xi32, #tpu.memory_space<vmem>>) semaphore(%arg25 : memref<!tpu.dma_semaphore, #tpu.memory_space<semaphore_mem>>)
    %dma_wait3A_51 = arith.constant 256 : i32
    %dma_wait3A_52 = tpu.memref_slice %arg13[%dma_wait3A_51] : memref<512xi32, #tpu.memory_space<vmem>> -> memref<256xi32, #tpu.memory_space<vmem>>
    %dma_wait3A_53 = arith.constant 0 : i32
    %dma_wait3A_54 = arith.constant 0 : i32
    %dma_wait3A_55 = tpu.memref_slice %arg6[%dma_wait3A_53, %dma_wait3A_54] : memref<1000000x64xf32, #tpu.memory_space<hbm>> -> memref<1000000x64xf32, #tpu.memory_space<hbm>>
    tpu.wait_indirect_dma semaphore(%arg25 : memref<!tpu.dma_semaphore, #tpu.memory_space<semaphore_mem>>) src(%dma_wait3A_55 : memref<1000000x64xf32, #tpu.memory_space<hbm>>) dst(%arg17 : memref<256x64xf32, #tpu.memory_space<vmem>>)
    %dma_start3A_56 = arith.constant 256 : i32
    %dma_start3A_57 = tpu.memref_slice %arg14[%dma_start3A_56] : memref<512xi32, #tpu.memory_space<vmem>> -> memref<256xi32, #tpu.memory_space<vmem>>
    %dma_start3A_58 = arith.constant 0 : i32
    %dma_start3A_59 = arith.constant 0 : i32
    %dma_start3A_60 = tpu.memref_slice %arg7[%dma_start3A_58, %dma_start3A_59] : memref<1000000x64xf32, #tpu.memory_space<hbm>> -> memref<1000000x64xf32, #tpu.memory_space<hbm>>
    tpu.enqueue_indirect_dma source(%dma_start3A_60 : memref<1000000x64xf32, #tpu.memory_space<hbm>>) target(%arg18 : memref<256x64xf32, #tpu.memory_space<vmem>>) offsets(%dma_start3A_57 : memref<256xi32, #tpu.memory_space<vmem>>) semaphore(%arg25 : memref<!tpu.dma_semaphore, #tpu.memory_space<semaphore_mem>>)
    %dma_wait3A_61 = arith.constant 256 : i32
    %dma_wait3A_62 = tpu.memref_slice %arg14[%dma_wait3A_61] : memref<512xi32, #tpu.memory_space<vmem>> -> memref<256xi32, #tpu.memory_space<vmem>>
    %dma_wait3A_63 = arith.constant 0 : i32
    %dma_wait3A_64 = arith.constant 0 : i32
    %dma_wait3A_65 = tpu.memref_slice %arg7[%dma_wait3A_63, %dma_wait3A_64] : memref<1000000x64xf32, #tpu.memory_space<hbm>> -> memref<1000000x64xf32, #tpu.memory_space<hbm>>
    tpu.wait_indirect_dma semaphore(%arg25 : memref<!tpu.dma_semaphore, #tpu.memory_space<semaphore_mem>>) src(%dma_wait3A_65 : memref<1000000x64xf32, #tpu.memory_space<hbm>>) dst(%arg18 : memref<256x64xf32, #tpu.memory_space<vmem>>)
    %dma_start3A_66 = arith.constant 256 : i32
    %dma_start3A_67 = tpu.memref_slice %arg15[%dma_start3A_66] : memref<512xi32, #tpu.memory_space<vmem>> -> memref<256xi32, #tpu.memory_space<vmem>>
    %dma_start3A_68 = arith.constant 0 : i32
    %dma_start3A_69 = arith.constant 0 : i32
    %dma_start3A_70 = tpu.memref_slice %arg6[%dma_start3A_68, %dma_start3A_69] : memref<1000000x64xf32, #tpu.memory_space<hbm>> -> memref<1000000x64xf32, #tpu.memory_space<hbm>>
    tpu.enqueue_indirect_dma source(%dma_start3A_70 : memref<1000000x64xf32, #tpu.memory_space<hbm>>) target(%arg19 : memref<256x64xf32, #tpu.memory_space<vmem>>) offsets(%dma_start3A_67 : memref<256xi32, #tpu.memory_space<vmem>>) semaphore(%arg25 : memref<!tpu.dma_semaphore, #tpu.memory_space<semaphore_mem>>)
    %dma_wait3A_71 = arith.constant 256 : i32
    %dma_wait3A_72 = tpu.memref_slice %arg15[%dma_wait3A_71] : memref<512xi32, #tpu.memory_space<vmem>> -> memref<256xi32, #tpu.memory_space<vmem>>
    %dma_wait3A_73 = arith.constant 0 : i32
    %dma_wait3A_74 = arith.constant 0 : i32
    %dma_wait3A_75 = tpu.memref_slice %arg6[%dma_wait3A_73, %dma_wait3A_74] : memref<1000000x64xf32, #tpu.memory_space<hbm>> -> memref<1000000x64xf32, #tpu.memory_space<hbm>>
    tpu.wait_indirect_dma semaphore(%arg25 : memref<!tpu.dma_semaphore, #tpu.memory_space<semaphore_mem>>) src(%dma_wait3A_75 : memref<1000000x64xf32, #tpu.memory_space<hbm>>) dst(%arg19 : memref<256x64xf32, #tpu.memory_space<vmem>>)
    %dma_start3A_76 = arith.constant 256 : i32
    %dma_start3A_77 = tpu.memref_slice %arg16[%dma_start3A_76] : memref<512xi32, #tpu.memory_space<vmem>> -> memref<256xi32, #tpu.memory_space<vmem>>
    %dma_start3A_78 = arith.constant 0 : i32
    %dma_start3A_79 = arith.constant 0 : i32
    %dma_start3A_80 = tpu.memref_slice %arg8[%dma_start3A_78, %dma_start3A_79] : memref<100000x64xf32, #tpu.memory_space<hbm>> -> memref<100000x64xf32, #tpu.memory_space<hbm>>
    tpu.enqueue_indirect_dma source(%dma_start3A_80 : memref<100000x64xf32, #tpu.memory_space<hbm>>) target(%arg20 : memref<256x64xf32, #tpu.memory_space<vmem>>) offsets(%dma_start3A_77 : memref<256xi32, #tpu.memory_space<vmem>>) semaphore(%arg25 : memref<!tpu.dma_semaphore, #tpu.memory_space<semaphore_mem>>)
    %dma_wait3A_81 = arith.constant 256 : i32
    %dma_wait3A_82 = tpu.memref_slice %arg16[%dma_wait3A_81] : memref<512xi32, #tpu.memory_space<vmem>> -> memref<256xi32, #tpu.memory_space<vmem>>
    %dma_wait3A_83 = arith.constant 0 : i32
    %dma_wait3A_84 = arith.constant 0 : i32
    %dma_wait3A_85 = tpu.memref_slice %arg8[%dma_wait3A_83, %dma_wait3A_84] : memref<100000x64xf32, #tpu.memory_space<hbm>> -> memref<100000x64xf32, #tpu.memory_space<hbm>>
    tpu.wait_indirect_dma semaphore(%arg25 : memref<!tpu.dma_semaphore, #tpu.memory_space<semaphore_mem>>) src(%dma_wait3A_85 : memref<100000x64xf32, #tpu.memory_space<hbm>>) dst(%arg20 : memref<256x64xf32, #tpu.memory_space<vmem>>)
    %scan3A_86 = arith.constant 0 : i32
    %scan3A_87 = arith.constant 0 : i32
    %scan3A_88 = arith.constant 16 : i32
    %scan3A_89 = arith.addi %scan3A_87, %scan3A_88 : i32
    %scan3A_90 = arith.constant 1 : i32
    scf.for %scan3A_92 = %scan3A_87 to %scan3A_89 step %scan3A_90  : i32 {
      %broadcast_in_dim3A = arith.constant 0.000000e+00 : f32
      %broadcast_in_dim3A_93 = vector.broadcast %broadcast_in_dim3A : f32 to vector<16xf32>
      %broadcast_in_dim3A_94 = arith.constant 0.000000e+00 : f32
      %broadcast_in_dim3A_95 = vector.broadcast %broadcast_in_dim3A_94 : f32 to vector<16xf32>
      %broadcast_in_dim3A_96 = arith.constant 0.000000e+00 : f32
      %broadcast_in_dim3A_97 = vector.broadcast %broadcast_in_dim3A_96 : f32 to vector<16xf32>
      %broadcast_in_dim3A_98 = arith.constant 0.000000e+00 : f32
      %broadcast_in_dim3A_99 = vector.broadcast %broadcast_in_dim3A_98 : f32 to vector<16xf32>
      %mul3A_100 = arith.constant 16 : i32
      %mul3A_101 = arith.muli %scan3A_92, %mul3A_100 : i32
      %add3A_102 = arith.constant 0 : i32
      %add3A_103 = arith.addi %mul3A_101, %add3A_102 : i32
      %get3A = arith.index_cast %add3A_103 : i32 to index
      %get3A_104 = arith.constant 0 : index
      %get3A_105 = tpu.vector_load %arg17[%get3A, %get3A_104] {strides = array<i32>} : memref<256x64xf32, #tpu.memory_space<vmem>>, vector<16xf32>,
      %get3A_106 = arith.index_cast %add3A_103 : i32 to index
      %get3A_107 = arith.constant 16 : index
      %get3A_108 = tpu.vector_load %arg17[%get3A_106, %get3A_107] {strides = array<i32>} : memref<256x64xf32, #tpu.memory_space<vmem>>, vector<16xf32>,
      %get3A_109 = arith.index_cast %add3A_103 : i32 to index
      %get3A_110 = arith.constant 32 : index
      %get3A_111 = tpu.vector_load %arg17[%get3A_109, %get3A_110] {strides = array<i32>} : memref<256x64xf32, #tpu.memory_space<vmem>>, vector<16xf32>,
      %get3A_112 = arith.index_cast %add3A_103 : i32 to index
      %get3A_113 = arith.constant 48 : index
      %get3A_114 = tpu.vector_load %arg17[%get3A_112, %get3A_113] {strides = array<i32>} : memref<256x64xf32, #tpu.memory_space<vmem>>, vector<16xf32>,
      %get3A_115 = arith.index_cast %add3A_103 : i32 to index
      %get3A_116 = arith.constant 0 : index
      %get3A_117 = tpu.vector_load %arg18[%get3A_115, %get3A_116] {strides = array<i32>} : memref<256x64xf32, #tpu.memory_space<vmem>>, vector<16xf32>,
      %get3A_118 = arith.index_cast %add3A_103 : i32 to index
      %get3A_119 = arith.constant 16 : index
      %get3A_120 = tpu.vector_load %arg18[%get3A_118, %get3A_119] {strides = array<i32>} : memref<256x64xf32, #tpu.memory_space<vmem>>, vector<16xf32>,
      %get3A_121 = arith.index_cast %add3A_103 : i32 to index
      %get3A_122 = arith.constant 32 : index
      %get3A_123 = tpu.vector_load %arg18[%get3A_121, %get3A_122] {strides = array<i32>} : memref<256x64xf32, #tpu.memory_space<vmem>>, vector<16xf32>,
      %get3A_124 = arith.index_cast %add3A_103 : i32 to index
      %get3A_125 = arith.constant 48 : index
      %get3A_126 = tpu.vector_load %arg18[%get3A_124, %get3A_125] {strides = array<i32>} : memref<256x64xf32, #tpu.memory_space<vmem>>, vector<16xf32>,
      %mul3A_127 = arith.mulf %get3A_105, %get3A_117 : vector<16xf32>
      %mul3A_128 = arith.mulf %get3A_108, %get3A_120 : vector<16xf32>
      %add3A_129 = arith.addf %mul3A_127, %mul3A_128 : vector<16xf32>
      %mul3A_130 = arith.mulf %get3A_111, %get3A_123 : vector<16xf32>
      %add3A_131 = arith.addf %add3A_129, %mul3A_130 : vector<16xf32>
      %mul3A_132 = arith.mulf %get3A_114, %get3A_126 : vector<16xf32>
      %add3A_133 = arith.addf %add3A_131, %mul3A_132 : vector<16xf32>
      %mul3A_134 = arith.mulf %get3A_105, %get3A_105 : vector<16xf32>
      %mul3A_135 = arith.mulf %get3A_108, %get3A_108 : vector<16xf32>
      %add3A_136 = arith.addf %mul3A_134, %mul3A_135 : vector<16xf32>
      %mul3A_137 = arith.mulf %get3A_111, %get3A_111 : vector<16xf32>
      %add3A_138 = arith.addf %add3A_136, %mul3A_137 : vector<16xf32>
      %mul3A_139 = arith.mulf %get3A_114, %get3A_114 : vector<16xf32>
      %add3A_140 = arith.addf %add3A_138, %mul3A_139 : vector<16xf32>
      %mul3A_141 = arith.mulf %get3A_117, %get3A_117 : vector<16xf32>
      %mul3A_142 = arith.mulf %get3A_120, %get3A_120 : vector<16xf32>
      %add3A_143 = arith.addf %mul3A_141, %mul3A_142 : vector<16xf32>
      %mul3A_144 = arith.mulf %get3A_123, %get3A_123 : vector<16xf32>
      %add3A_145 = arith.addf %add3A_143, %mul3A_144 : vector<16xf32>
      %mul3A_146 = arith.mulf %get3A_126, %get3A_126 : vector<16xf32>
      %add3A_147 = arith.addf %add3A_145, %mul3A_146 : vector<16xf32>
      %get3A_148 = arith.index_cast %add3A_103 : i32 to index
      %get3A_149 = arith.constant 0 : index
      %get3A_150 = tpu.vector_load %arg19[%get3A_148, %get3A_149] {strides = array<i32>} : memref<256x64xf32, #tpu.memory_space<vmem>>, vector<16xf32>,
      %get3A_151 = arith.index_cast %add3A_103 : i32 to index
      %get3A_152 = arith.constant 16 : index
      %get3A_153 = tpu.vector_load %arg19[%get3A_151, %get3A_152] {strides = array<i32>} : memref<256x64xf32, #tpu.memory_space<vmem>>, vector<16xf32>,
      %get3A_154 = arith.index_cast %add3A_103 : i32 to index
      %get3A_155 = arith.constant 32 : index
      %get3A_156 = tpu.vector_load %arg19[%get3A_154, %get3A_155] {strides = array<i32>} : memref<256x64xf32, #tpu.memory_space<vmem>>, vector<16xf32>,
      %get3A_157 = arith.index_cast %add3A_103 : i32 to index
      %get3A_158 = arith.constant 48 : index
      %get3A_159 = tpu.vector_load %arg19[%get3A_157, %get3A_158] {strides = array<i32>} : memref<256x64xf32, #tpu.memory_space<vmem>>, vector<16xf32>,
      %get3A_160 = arith.index_cast %add3A_103 : i32 to index
      %get3A_161 = arith.constant 0 : index
      %get3A_162 = tpu.vector_load %arg20[%get3A_160, %get3A_161] {strides = array<i32>} : memref<256x64xf32, #tpu.memory_space<vmem>>, vector<16xf32>,
      %get3A_163 = arith.index_cast %add3A_103 : i32 to index
      %get3A_164 = arith.constant 16 : index
      %get3A_165 = tpu.vector_load %arg20[%get3A_163, %get3A_164] {strides = array<i32>} : memref<256x64xf32, #tpu.memory_space<vmem>>, vector<16xf32>,
      %get3A_166 = arith.index_cast %add3A_103 : i32 to index
      %get3A_167 = arith.constant 32 : index
      %get3A_168 = tpu.vector_load %arg20[%get3A_166, %get3A_167] {strides = array<i32>} : memref<256x64xf32, #tpu.memory_space<vmem>>, vector<16xf32>,
      %get3A_169 = arith.index_cast %add3A_103 : i32 to index
      %get3A_170 = arith.constant 48 : index
      %get3A_171 = tpu.vector_load %arg20[%get3A_169, %get3A_170] {strides = array<i32>} : memref<256x64xf32, #tpu.memory_space<vmem>>, vector<16xf32>,
      %mul3A_172 = arith.mulf %get3A_150, %get3A_162 : vector<16xf32>
      %mul3A_173 = arith.mulf %get3A_153, %get3A_165 : vector<16xf32>
      %add3A_174 = arith.addf %mul3A_172, %mul3A_173 : vector<16xf32>
      %mul3A_175 = arith.mulf %get3A_156, %get3A_168 : vector<16xf32>
      %add3A_176 = arith.addf %add3A_174, %mul3A_175 : vector<16xf32>
      %mul3A_177 = arith.mulf %get3A_159, %get3A_171 : vector<16xf32>
      %add3A_178 = arith.addf %add3A_176, %mul3A_177 : vector<16xf32>
      %eq3A = arith.constant 0 : i32
      %eq3A_179 = vector.broadcast %eq3A : i32 to vector<16xi32>
      %eq3A_180 = arith.cmpi eq, %iota3A, %eq3A_179 : vector<16xi32>
      %reduce_sum3A = arith.constant true
      %reduce_sum3A_181 = vector.broadcast %reduce_sum3A : i1 to vector<16xi1>
      %reduce_sum3A_182 = tpu.scan <sum>, %add3A_133 masked %reduce_sum3A_181 : vector<16xf32>, vector<16xi1> -> vector<16xf32>
      %reduce_sum3A_183 = vector.extract %reduce_sum3A_182[15] : f32 from vector<16xf32>
      %broadcast_in_dim3A_184 = vector.broadcast %reduce_sum3A_183 : f32 to vector<16xf32>
      %select_n3A = arith.select %eq3A_180, %broadcast_in_dim3A_184, %broadcast_in_dim3A_93 : vector<16xi1>, vector<16xf32>
      %reduce_sum3A_185 = arith.constant true
      %reduce_sum3A_186 = vector.broadcast %reduce_sum3A_185 : i1 to vector<16xi1>
      %reduce_sum3A_187 = tpu.scan <sum>, %add3A_140 masked %reduce_sum3A_186 : vector<16xf32>, vector<16xi1> -> vector<16xf32>
      %reduce_sum3A_188 = vector.extract %reduce_sum3A_187[15] : f32 from vector<16xf32>
      %broadcast_in_dim3A_189 = vector.broadcast %reduce_sum3A_188 : f32 to vector<16xf32>
      %select_n3A_190 = arith.select %eq3A_180, %broadcast_in_dim3A_189, %broadcast_in_dim3A_95 : vector<16xi1>, vector<16xf32>
      %reduce_sum3A_191 = arith.constant true
      %reduce_sum3A_192 = vector.broadcast %reduce_sum3A_191 : i1 to vector<16xi1>
      %reduce_sum3A_193 = tpu.scan <sum>, %add3A_147 masked %reduce_sum3A_192 : vector<16xf32>, vector<16xi1> -> vector<16xf32>
      %reduce_sum3A_194 = vector.extract %reduce_sum3A_193[15] : f32 from vector<16xf32>
      %broadcast_in_dim3A_195 = vector.broadcast %reduce_sum3A_194 : f32 to vector<16xf32>
      %select_n3A_196 = arith.select %eq3A_180, %broadcast_in_dim3A_195, %broadcast_in_dim3A_97 : vector<16xi1>, vector<16xf32>
      %reduce_sum3A_197 = arith.constant true
      %reduce_sum3A_198 = vector.broadcast %reduce_sum3A_197 : i1 to vector<16xi1>
      %reduce_sum3A_199 = tpu.scan <sum>, %add3A_178 masked %reduce_sum3A_198 : vector<16xf32>, vector<16xi1> -> vector<16xf32>
      %reduce_sum3A_200 = vector.extract %reduce_sum3A_199[15] : f32 from vector<16xf32>
      %broadcast_in_dim3A_201 = vector.broadcast %reduce_sum3A_200 : f32 to vector<16xf32>
      %select_n3A_202 = arith.select %eq3A_180, %broadcast_in_dim3A_201, %broadcast_in_dim3A_99 : vector<16xi1>, vector<16xf32>
      %mul3A_203 = arith.constant 16 : i32
      %mul3A_204 = arith.muli %scan3A_92, %mul3A_203 : i32
      %add3A_205 = arith.constant 1 : i32
      %add3A_206 = arith.addi %mul3A_204, %add3A_205 : i32
      %get3A_207 = arith.index_cast %add3A_206 : i32 to index
      %get3A_208 = arith.constant 0 : index
      %get3A_209 = tpu.vector_load %arg17[%get3A_207, %get3A_208] {strides = array<i32>} : memref<256x64xf32, #tpu.memory_space<vmem>>, vector<16xf32>,
      %get3A_210 = arith.index_cast %add3A_206 : i32 to index
      %get3A_211 = arith.constant 16 : index
      %get3A_212 = tpu.vector_load %arg17[%get3A_210, %get3A_211] {strides = array<i32>} : memref<256x64xf32, #tpu.memory_space<vmem>>, vector<16xf32>,
      %get3A_213 = arith.index_cast %add3A_206 : i32 to index
      %get3A_214 = arith.constant 32 : index
      %get3A_215 = tpu.vector_load %arg17[%get3A_213, %get3A_214] {strides = array<i32>} : memref<256x64xf32, #tpu.memory_space<vmem>>, vector<16xf32>,
      %get3A_216 = arith.index_cast %add3A_206 : i32 to index
      %get3A_217 = arith.constant 48 : index
      %get3A_218 = tpu.vector_load %arg17[%get3A_216, %get3A_217] {strides = array<i32>} : memref<256x64xf32, #tpu.memory_space<vmem>>, vector<16xf32>,
      %get3A_219 = arith.index_cast %add3A_206 : i32 to index
      %get3A_220 = arith.constant 0 : index
      %get3A_221 = tpu.vector_load %arg18[%get3A_219, %get3A_220] {strides = array<i32>} : memref<256x64xf32, #tpu.memory_space<vmem>>, vector<16xf32>,
      %get3A_222 = arith.index_cast %add3A_206 : i32 to index
      %get3A_223 = arith.constant 16 : index
      %get3A_224 = tpu.vector_load %arg18[%get3A_222, %get3A_223] {strides = array<i32>} : memref<256x64xf32, #tpu.memory_space<vmem>>, vector<16xf32>,
      %get3A_225 = arith.index_cast %add3A_206 : i32 to index
      %get3A_226 = arith.constant 32 : index
      %get3A_227 = tpu.vector_load %arg18[%get3A_225, %get3A_226] {strides = array<i32>} : memref<256x64xf32, #tpu.memory_space<vmem>>, vector<16xf32>,
      %get3A_228 = arith.index_cast %add3A_206 : i32 to index
      %get3A_229 = arith.constant 48 : index
      %get3A_230 = tpu.vector_load %arg18[%get3A_228, %get3A_229] {strides = array<i32>} : memref<256x64xf32, #tpu.memory_space<vmem>>, vector<16xf32>,
      %mul3A_231 = arith.mulf %get3A_209, %get3A_221 : vector<16xf32>
      %mul3A_232 = arith.mulf %get3A_212, %get3A_224 : vector<16xf32>
      %add3A_233 = arith.addf %mul3A_231, %mul3A_232 : vector<16xf32>
      %mul3A_234 = arith.mulf %get3A_215, %get3A_227 : vector<16xf32>
      %add3A_235 = arith.addf %add3A_233, %mul3A_234 : vector<16xf32>
      %mul3A_236 = arith.mulf %get3A_218, %get3A_230 : vector<16xf32>
      %add3A_237 = arith.addf %add3A_235, %mul3A_236 : vector<16xf32>
      %mul3A_238 = arith.mulf %get3A_209, %get3A_209 : vector<16xf32>
      %mul3A_239 = arith.mulf %get3A_212, %get3A_212 : vector<16xf32>
      %add3A_240 = arith.addf %mul3A_238, %mul3A_239 : vector<16xf32>
      %mul3A_241 = arith.mulf %get3A_215, %get3A_215 : vector<16xf32>
      %add3A_242 = arith.addf %add3A_240, %mul3A_241 : vector<16xf32>
      %mul3A_243 = arith.mulf %get3A_218, %get3A_218 : vector<16xf32>
      %add3A_244 = arith.addf %add3A_242, %mul3A_243 : vector<16xf32>
      %mul3A_245 = arith.mulf %get3A_221, %get3A_221 : vector<16xf32>
      %mul3A_246 = arith.mulf %get3A_224, %get3A_224 : vector<16xf32>
      %add3A_247 = arith.addf %mul3A_245, %mul3A_246 : vector<16xf32>
      %mul3A_248 = arith.mulf %get3A_227, %get3A_227 : vector<16xf32>
      %add3A_249 = arith.addf %add3A_247, %mul3A_248 : vector<16xf32>
      %mul3A_250 = arith.mulf %get3A_230, %get3A_230 : vector<16xf32>
      %add3A_251 = arith.addf %add3A_249, %mul3A_250 : vector<16xf32>
      %get3A_252 = arith.index_cast %add3A_206 : i32 to index
      %get3A_253 = arith.constant 0 : index
      %get3A_254 = tpu.vector_load %arg19[%get3A_252, %get3A_253] {strides = array<i32>} : memref<256x64xf32, #tpu.memory_space<vmem>>, vector<16xf32>,
      %get3A_255 = arith.index_cast %add3A_206 : i32 to index
      %get3A_256 = arith.constant 16 : index
      %get3A_257 = tpu.vector_load %arg19[%get3A_255, %get3A_256] {strides = array<i32>} : memref<256x64xf32, #tpu.memory_space<vmem>>, vector<16xf32>,
      %get3A_258 = arith.index_cast %add3A_206 : i32 to index
      %get3A_259 = arith.constant 32 : index
      %get3A_260 = tpu.vector_load %arg19[%get3A_258, %get3A_259] {strides = array<i32>} : memref<256x64xf32, #tpu.memory_space<vmem>>, vector<16xf32>,
      %get3A_261 = arith.index_cast %add3A_206 : i32 to index
      %get3A_262 = arith.constant 48 : index
      %get3A_263 = tpu.vector_load %arg19[%get3A_261, %get3A_262] {strides = array<i32>} : memref<256x64xf32, #tpu.memory_space<vmem>>, vector<16xf32>,
      %get3A_264 = arith.index_cast %add3A_206 : i32 to index
      %get3A_265 = arith.constant 0 : index
      %get3A_266 = tpu.vector_load %arg20[%get3A_264, %get3A_265] {strides = array<i32>} : memref<256x64xf32, #tpu.memory_space<vmem>>, vector<16xf32>,
      %get3A_267 = arith.index_cast %add3A_206 : i32 to index
      %get3A_268 = arith.constant 16 : index
      %get3A_269 = tpu.vector_load %arg20[%get3A_267, %get3A_268] {strides = array<i32>} : memref<256x64xf32, #tpu.memory_space<vmem>>, vector<16xf32>,
      %get3A_270 = arith.index_cast %add3A_206 : i32 to index
      %get3A_271 = arith.constant 32 : index
      %get3A_272 = tpu.vector_load %arg20[%get3A_270, %get3A_271] {strides = array<i32>} : memref<256x64xf32, #tpu.memory_space<vmem>>, vector<16xf32>,
      %get3A_273 = arith.index_cast %add3A_206 : i32 to index
      %get3A_274 = arith.constant 48 : index
      %get3A_275 = tpu.vector_load %arg20[%get3A_273, %get3A_274] {strides = array<i32>} : memref<256x64xf32, #tpu.memory_space<vmem>>, vector<16xf32>,
      %mul3A_276 = arith.mulf %get3A_254, %get3A_266 : vector<16xf32>
      %mul3A_277 = arith.mulf %get3A_257, %get3A_269 : vector<16xf32>
      %add3A_278 = arith.addf %mul3A_276, %mul3A_277 : vector<16xf32>
      %mul3A_279 = arith.mulf %get3A_260, %get3A_272 : vector<16xf32>
      %add3A_280 = arith.addf %add3A_278, %mul3A_279 : vector<16xf32>
      %mul3A_281 = arith.mulf %get3A_263, %get3A_275 : vector<16xf32>
      %add3A_282 = arith.addf %add3A_280, %mul3A_281 : vector<16xf32>
      %eq3A_283 = arith.constant 1 : i32
      %eq3A_284 = vector.broadcast %eq3A_283 : i32 to vector<16xi32>
      %eq3A_285 = arith.cmpi eq, %iota3A, %eq3A_284 : vector<16xi32>
      %reduce_sum3A_286 = arith.constant true
      %reduce_sum3A_287 = vector.broadcast %reduce_sum3A_286 : i1 to vector<16xi1>
      %reduce_sum3A_288 = tpu.scan <sum>, %add3A_237 masked %reduce_sum3A_287 : vector<16xf32>, vector<16xi1> -> vector<16xf32>
      %reduce_sum3A_289 = vector.extract %reduce_sum3A_288[15] : f32 from vector<16xf32>
      %broadcast_in_dim3A_290 = vector.broadcast %reduce_sum3A_289 : f32 to vector<16xf32>
      %select_n3A_291 = arith.select %eq3A_285, %broadcast_in_dim3A_290, %select_n3A : vector<16xi1>, vector<16xf32>
      %reduce_sum3A_292 = arith.constant true
      %reduce_sum3A_293 = vector.broadcast %reduce_sum3A_292 : i1 to vector<16xi1>
      %reduce_sum3A_294 = tpu.scan <sum>, %add3A_244 masked %reduce_sum3A_293 : vector<16xf32>, vector<16xi1> -> vector<16xf32>
      %reduce_sum3A_295 = vector.extract %reduce_sum3A_294[15] : f32 from vector<16xf32>
      %broadcast_in_dim3A_296 = vector.broadcast %reduce_sum3A_295 : f32 to vector<16xf32>
      %select_n3A_297 = arith.select %eq3A_285, %broadcast_in_dim3A_296, %select_n3A_190 : vector<16xi1>, vector<16xf32>
      %reduce_sum3A_298 = arith.constant true
      %reduce_sum3A_299 = vector.broadcast %reduce_sum3A_298 : i1 to vector<16xi1>
      %reduce_sum3A_300 = tpu.scan <sum>, %add3A_251 masked %reduce_sum3A_299 : vector<16xf32>, vector<16xi1> -> vector<16xf32>
      %reduce_sum3A_301 = vector.extract %reduce_sum3A_300[15] : f32 from vector<16xf32>
      %broadcast_in_dim3A_302 = vector.broadcast %reduce_sum3A_301 : f32 to vector<16xf32>
      %select_n3A_303 = arith.select %eq3A_285, %broadcast_in_dim3A_302, %select_n3A_196 : vector<16xi1>, vector<16xf32>
      %reduce_sum3A_304 = arith.constant true
      %reduce_sum3A_305 = vector.broadcast %reduce_sum3A_304 : i1 to vector<16xi1>
      %reduce_sum3A_306 = tpu.scan <sum>, %add3A_282 masked %reduce_sum3A_305 : vector<16xf32>, vector<16xi1> -> vector<16xf32>
      %reduce_sum3A_307 = vector.extract %reduce_sum3A_306[15] : f32 from vector<16xf32>
      %broadcast_in_dim3A_308 = vector.broadcast %reduce_sum3A_307 : f32 to vector<16xf32>
      %select_n3A_309 = arith.select %eq3A_285, %broadcast_in_dim3A_308, %select_n3A_202 : vector<16xi1>, vector<16xf32>
      %mul3A_310 = arith.constant 16 : i32
      %mul3A_311 = arith.muli %scan3A_92, %mul3A_310 : i32
      %add3A_312 = arith.constant 2 : i32
      %add3A_313 = arith.addi %mul3A_311, %add3A_312 : i32
      %get3A_314 = arith.index_cast %add3A_313 : i32 to index
      %get3A_315 = arith.constant 0 : index
      %get3A_316 = tpu.vector_load %arg17[%get3A_314, %get3A_315] {strides = array<i32>} : memref<256x64xf32, #tpu.memory_space<vmem>>, vector<16xf32>,
      %get3A_317 = arith.index_cast %add3A_313 : i32 to index
      %get3A_318 = arith.constant 16 : index
      %get3A_319 = tpu.vector_load %arg17[%get3A_317, %get3A_318] {strides = array<i32>} : memref<256x64xf32, #tpu.memory_space<vmem>>, vector<16xf32>,
      %get3A_320 = arith.index_cast %add3A_313 : i32 to index
      %get3A_321 = arith.constant 32 : index
      %get3A_322 = tpu.vector_load %arg17[%get3A_320, %get3A_321] {strides = array<i32>} : memref<256x64xf32, #tpu.memory_space<vmem>>, vector<16xf32>,
      %get3A_323 = arith.index_cast %add3A_313 : i32 to index
      %get3A_324 = arith.constant 48 : index
      %get3A_325 = tpu.vector_load %arg17[%get3A_323, %get3A_324] {strides = array<i32>} : memref<256x64xf32, #tpu.memory_space<vmem>>, vector<16xf32>,
      %get3A_326 = arith.index_cast %add3A_313 : i32 to index
      %get3A_327 = arith.constant 0 : index
      %get3A_328 = tpu.vector_load %arg18[%get3A_326, %get3A_327] {strides = array<i32>} : memref<256x64xf32, #tpu.memory_space<vmem>>, vector<16xf32>,
      %get3A_329 = arith.index_cast %add3A_313 : i32 to index
      %get3A_330 = arith.constant 16 : index
      %get3A_331 = tpu.vector_load %arg18[%get3A_329, %get3A_330] {strides = array<i32>} : memref<256x64xf32, #tpu.memory_space<vmem>>, vector<16xf32>,
      %get3A_332 = arith.index_cast %add3A_313 : i32 to index
      %get3A_333 = arith.constant 32 : index
      %get3A_334 = tpu.vector_load %arg18[%get3A_332, %get3A_333] {strides = array<i32>} : memref<256x64xf32, #tpu.memory_space<vmem>>, vector<16xf32>,
      %get3A_335 = arith.index_cast %add3A_313 : i32 to index
      %get3A_336 = arith.constant 48 : index
      %get3A_337 = tpu.vector_load %arg18[%get3A_335, %get3A_336] {strides = array<i32>} : memref<256x64xf32, #tpu.memory_space<vmem>>, vector<16xf32>,
      %mul3A_338 = arith.mulf %get3A_316, %get3A_328 : vector<16xf32>
      %mul3A_339 = arith.mulf %get3A_319, %get3A_331 : vector<16xf32>
      %add3A_340 = arith.addf %mul3A_338, %mul3A_339 : vector<16xf32>
      %mul3A_341 = arith.mulf %get3A_322, %get3A_334 : vector<16xf32>
      %add3A_342 = arith.addf %add3A_340, %mul3A_341 : vector<16xf32>
      %mul3A_343 = arith.mulf %get3A_325, %get3A_337 : vector<16xf32>
      %add3A_344 = arith.addf %add3A_342, %mul3A_343 : vector<16xf32>
      %mul3A_345 = arith.mulf %get3A_316, %get3A_316 : vector<16xf32>
      %mul3A_346 = arith.mulf %get3A_319, %get3A_319 : vector<16xf32>
      %add3A_347 = arith.addf %mul3A_345, %mul3A_346 : vector<16xf32>
      %mul3A_348 = arith.mulf %get3A_322, %get3A_322 : vector<16xf32>
      %add3A_349 = arith.addf %add3A_347, %mul3A_348 : vector<16xf32>
      %mul3A_350 = arith.mulf %get3A_325, %get3A_325 : vector<16xf32>
      %add3A_351 = arith.addf %add3A_349, %mul3A_350 : vector<16xf32>
      %mul3A_352 = arith.mulf %get3A_328, %get3A_328 : vector<16xf32>
      %mul3A_353 = arith.mulf %get3A_331, %get3A_331 : vector<16xf32>
      %add3A_354 = arith.addf %mul3A_352, %mul3A_353 : vector<16xf32>
      %mul3A_355 = arith.mulf %get3A_334, %get3A_334 : vector<16xf32>
      %add3A_356 = arith.addf %add3A_354, %mul3A_355 : vector<16xf32>
      %mul3A_357 = arith.mulf %get3A_337, %get3A_337 : vector<16xf32>
      %add3A_358 = arith.addf %add3A_356, %mul3A_357 : vector<16xf32>
      %get3A_359 = arith.index_cast %add3A_313 : i32 to index
      %get3A_360 = arith.constant 0 : index
      %get3A_361 = tpu.vector_load %arg19[%get3A_359, %get3A_360] {strides = array<i32>} : memref<256x64xf32, #tpu.memory_space<vmem>>, vector<16xf32>,
      %get3A_362 = arith.index_cast %add3A_313 : i32 to index
      %get3A_363 = arith.constant 16 : index
      %get3A_364 = tpu.vector_load %arg19[%get3A_362, %get3A_363] {strides = array<i32>} : memref<256x64xf32, #tpu.memory_space<vmem>>, vector<16xf32>,
      %get3A_365 = arith.index_cast %add3A_313 : i32 to index
      %get3A_366 = arith.constant 32 : index
      %get3A_367 = tpu.vector_load %arg19[%get3A_365, %get3A_366] {strides = array<i32>} : memref<256x64xf32, #tpu.memory_space<vmem>>, vector<16xf32>,
      %get3A_368 = arith.index_cast %add3A_313 : i32 to index
      %get3A_369 = arith.constant 48 : index
      %get3A_370 = tpu.vector_load %arg19[%get3A_368, %get3A_369] {strides = array<i32>} : memref<256x64xf32, #tpu.memory_space<vmem>>, vector<16xf32>,
      %get3A_371 = arith.index_cast %add3A_313 : i32 to index
      %get3A_372 = arith.constant 0 : index
      %get3A_373 = tpu.vector_load %arg20[%get3A_371, %get3A_372] {strides = array<i32>} : memref<256x64xf32, #tpu.memory_space<vmem>>, vector<16xf32>,
      %get3A_374 = arith.index_cast %add3A_313 : i32 to index
      %get3A_375 = arith.constant 16 : index
      %get3A_376 = tpu.vector_load %arg20[%get3A_374, %get3A_375] {strides = array<i32>} : memref<256x64xf32, #tpu.memory_space<vmem>>, vector<16xf32>,
      %get3A_377 = arith.index_cast %add3A_313 : i32 to index
      %get3A_378 = arith.constant 32 : index
      %get3A_379 = tpu.vector_load %arg20[%get3A_377, %get3A_378] {strides = array<i32>} : memref<256x64xf32, #tpu.memory_space<vmem>>, vector<16xf32>,
      %get3A_380 = arith.index_cast %add3A_313 : i32 to index
      %get3A_381 = arith.constant 48 : index
      %get3A_382 = tpu.vector_load %arg20[%get3A_380, %get3A_381] {strides = array<i32>} : memref<256x64xf32, #tpu.memory_space<vmem>>, vector<16xf32>,
      %mul3A_383 = arith.mulf %get3A_361, %get3A_373 : vector<16xf32>
      %mul3A_384 = arith.mulf %get3A_364, %get3A_376 : vector<16xf32>
      %add3A_385 = arith.addf %mul3A_383, %mul3A_384 : vector<16xf32>
      %mul3A_386 = arith.mulf %get3A_367, %get3A_379 : vector<16xf32>
      %add3A_387 = arith.addf %add3A_385, %mul3A_386 : vector<16xf32>
      %mul3A_388 = arith.mulf %get3A_370, %get3A_382 : vector<16xf32>
      %add3A_389 = arith.addf %add3A_387, %mul3A_388 : vector<16xf32>
      %eq3A_390 = arith.constant 2 : i32
      %eq3A_391 = vector.broadcast %eq3A_390 : i32 to vector<16xi32>
      %eq3A_392 = arith.cmpi eq, %iota3A, %eq3A_391 : vector<16xi32>
      %reduce_sum3A_393 = arith.constant true
      %reduce_sum3A_394 = vector.broadcast %reduce_sum3A_393 : i1 to vector<16xi1>
      %reduce_sum3A_395 = tpu.scan <sum>, %add3A_344 masked %reduce_sum3A_394 : vector<16xf32>, vector<16xi1> -> vector<16xf32>
      %reduce_sum3A_396 = vector.extract %reduce_sum3A_395[15] : f32 from vector<16xf32>
      %broadcast_in_dim3A_397 = vector.broadcast %reduce_sum3A_396 : f32 to vector<16xf32>
      %select_n3A_398 = arith.select %eq3A_392, %broadcast_in_dim3A_397, %select_n3A_291 : vector<16xi1>, vector<16xf32>
      %reduce_sum3A_399 = arith.constant true
      %reduce_sum3A_400 = vector.broadcast %reduce_sum3A_399 : i1 to vector<16xi1>
      %reduce_sum3A_401 = tpu.scan <sum>, %add3A_351 masked %reduce_sum3A_400 : vector<16xf32>, vector<16xi1> -> vector<16xf32>
      %reduce_sum3A_402 = vector.extract %reduce_sum3A_401[15] : f32 from vector<16xf32>
      %broadcast_in_dim3A_403 = vector.broadcast %reduce_sum3A_402 : f32 to vector<16xf32>
      %select_n3A_404 = arith.select %eq3A_392, %broadcast_in_dim3A_403, %select_n3A_297 : vector<16xi1>, vector<16xf32>
      %reduce_sum3A_405 = arith.constant true
      %reduce_sum3A_406 = vector.broadcast %reduce_sum3A_405 : i1 to vector<16xi1>
      %reduce_sum3A_407 = tpu.scan <sum>, %add3A_358 masked %reduce_sum3A_406 : vector<16xf32>, vector<16xi1> -> vector<16xf32>
      %reduce_sum3A_408 = vector.extract %reduce_sum3A_407[15] : f32 from vector<16xf32>
      %broadcast_in_dim3A_409 = vector.broadcast %reduce_sum3A_408 : f32 to vector<16xf32>
      %select_n3A_410 = arith.select %eq3A_392, %broadcast_in_dim3A_409, %select_n3A_303 : vector<16xi1>, vector<16xf32>
      %reduce_sum3A_411 = arith.constant true
      %reduce_sum3A_412 = vector.broadcast %reduce_sum3A_411 : i1 to vector<16xi1>
      %reduce_sum3A_413 = tpu.scan <sum>, %add3A_389 masked %reduce_sum3A_412 : vector<16xf32>, vector<16xi1> -> vector<16xf32>
      %reduce_sum3A_414 = vector.extract %reduce_sum3A_413[15] : f32 from vector<16xf32>
      %broadcast_in_dim3A_415 = vector.broadcast %reduce_sum3A_414 : f32 to vector<16xf32>
      %select_n3A_416 = arith.select %eq3A_392, %broadcast_in_dim3A_415, %select_n3A_309 : vector<16xi1>, vector<16xf32>
      %mul3A_417 = arith.constant 16 : i32
      %mul3A_418 = arith.muli %scan3A_92, %mul3A_417 : i32
      %add3A_419 = arith.constant 3 : i32
      %add3A_420 = arith.addi %mul3A_418, %add3A_419 : i32
      %get3A_421 = arith.index_cast %add3A_420 : i32 to index
      %get3A_422 = arith.constant 0 : index
      %get3A_423 = tpu.vector_load %arg17[%get3A_421, %get3A_422] {strides = array<i32>} : memref<256x64xf32, #tpu.memory_space<vmem>>, vector<16xf32>,
      %get3A_424 = arith.index_cast %add3A_420 : i32 to index
      %get3A_425 = arith.constant 16 : index
      %get3A_426 = tpu.vector_load %arg17[%get3A_424, %get3A_425] {strides = array<i32>} : memref<256x64xf32, #tpu.memory_space<vmem>>, vector<16xf32>,
      %get3A_427 = arith.index_cast %add3A_420 : i32 to index
      %get3A_428 = arith.constant 32 : index
      %get3A_429 = tpu.vector_load %arg17[%get3A_427, %get3A_428] {strides = array<i32>} : memref<256x64xf32, #tpu.memory_space<vmem>>, vector<16xf32>,
      %get3A_430 = arith.index_cast %add3A_420 : i32 to index
      %get3A_431 = arith.constant 48 : index
      %get3A_432 = tpu.vector_load %arg17[%get3A_430, %get3A_431] {strides = array<i32>} : memref<256x64xf32, #tpu.memory_space<vmem>>, vector<16xf32>,
      %get3A_433 = arith.index_cast %add3A_420 : i32 to index
      %get3A_434 = arith.constant 0 : index
      %get3A_435 = tpu.vector_load %arg18[%get3A_433, %get3A_434] {strides = array<i32>} : memref<256x64xf32, #tpu.memory_space<vmem>>, vector<16xf32>,
      %get3A_436 = arith.index_cast %add3A_420 : i32 to index
      %get3A_437 = arith.constant 16 : index
      %get3A_438 = tpu.vector_load %arg18[%get3A_436, %get3A_437] {strides = array<i32>} : memref<256x64xf32, #tpu.memory_space<vmem>>, vector<16xf32>,
      %get3A_439 = arith.index_cast %add3A_420 : i32 to index
      %get3A_440 = arith.constant 32 : index
      %get3A_441 = tpu.vector_load %arg18[%get3A_439, %get3A_440] {strides = array<i32>} : memref<256x64xf32, #tpu.memory_space<vmem>>, vector<16xf32>,
      %get3A_442 = arith.index_cast %add3A_420 : i32 to index
      %get3A_443 = arith.constant 48 : index
      %get3A_444 = tpu.vector_load %arg18[%get3A_442, %get3A_443] {strides = array<i32>} : memref<256x64xf32, #tpu.memory_space<vmem>>, vector<16xf32>,
      %mul3A_445 = arith.mulf %get3A_423, %get3A_435 : vector<16xf32>
      %mul3A_446 = arith.mulf %get3A_426, %get3A_438 : vector<16xf32>
      %add3A_447 = arith.addf %mul3A_445, %mul3A_446 : vector<16xf32>
      %mul3A_448 = arith.mulf %get3A_429, %get3A_441 : vector<16xf32>
      %add3A_449 = arith.addf %add3A_447, %mul3A_448 : vector<16xf32>
      %mul3A_450 = arith.mulf %get3A_432, %get3A_444 : vector<16xf32>
      %add3A_451 = arith.addf %add3A_449, %mul3A_450 : vector<16xf32>
      %mul3A_452 = arith.mulf %get3A_423, %get3A_423 : vector<16xf32>
      %mul3A_453 = arith.mulf %get3A_426, %get3A_426 : vector<16xf32>
      %add3A_454 = arith.addf %mul3A_452, %mul3A_453 : vector<16xf32>
      %mul3A_455 = arith.mulf %get3A_429, %get3A_429 : vector<16xf32>
      %add3A_456 = arith.addf %add3A_454, %mul3A_455 : vector<16xf32>
      %mul3A_457 = arith.mulf %get3A_432, %get3A_432 : vector<16xf32>
      %add3A_458 = arith.addf %add3A_456, %mul3A_457 : vector<16xf32>
      %mul3A_459 = arith.mulf %get3A_435, %get3A_435 : vector<16xf32>
      %mul3A_460 = arith.mulf %get3A_438, %get3A_438 : vector<16xf32>
      %add3A_461 = arith.addf %mul3A_459, %mul3A_460 : vector<16xf32>
      %mul3A_462 = arith.mulf %get3A_441, %get3A_441 : vector<16xf32>
      %add3A_463 = arith.addf %add3A_461, %mul3A_462 : vector<16xf32>
      %mul3A_464 = arith.mulf %get3A_444, %get3A_444 : vector<16xf32>
      %add3A_465 = arith.addf %add3A_463, %mul3A_464 : vector<16xf32>
      %get3A_466 = arith.index_cast %add3A_420 : i32 to index
      %get3A_467 = arith.constant 0 : index
      %get3A_468 = tpu.vector_load %arg19[%get3A_466, %get3A_467] {strides = array<i32>} : memref<256x64xf32, #tpu.memory_space<vmem>>, vector<16xf32>,
      %get3A_469 = arith.index_cast %add3A_420 : i32 to index
      %get3A_470 = arith.constant 16 : index
      %get3A_471 = tpu.vector_load %arg19[%get3A_469, %get3A_470] {strides = array<i32>} : memref<256x64xf32, #tpu.memory_space<vmem>>, vector<16xf32>,
      %get3A_472 = arith.index_cast %add3A_420 : i32 to index
      %get3A_473 = arith.constant 32 : index
      %get3A_474 = tpu.vector_load %arg19[%get3A_472, %get3A_473] {strides = array<i32>} : memref<256x64xf32, #tpu.memory_space<vmem>>, vector<16xf32>,
      %get3A_475 = arith.index_cast %add3A_420 : i32 to index
      %get3A_476 = arith.constant 48 : index
      %get3A_477 = tpu.vector_load %arg19[%get3A_475, %get3A_476] {strides = array<i32>} : memref<256x64xf32, #tpu.memory_space<vmem>>, vector<16xf32>,
      %get3A_478 = arith.index_cast %add3A_420 : i32 to index
      %get3A_479 = arith.constant 0 : index
      %get3A_480 = tpu.vector_load %arg20[%get3A_478, %get3A_479] {strides = array<i32>} : memref<256x64xf32, #tpu.memory_space<vmem>>, vector<16xf32>,
      %get3A_481 = arith.index_cast %add3A_420 : i32 to index
      %get3A_482 = arith.constant 16 : index
      %get3A_483 = tpu.vector_load %arg20[%get3A_481, %get3A_482] {strides = array<i32>} : memref<256x64xf32, #tpu.memory_space<vmem>>, vector<16xf32>,
      %get3A_484 = arith.index_cast %add3A_420 : i32 to index
      %get3A_485 = arith.constant 32 : index
      %get3A_486 = tpu.vector_load %arg20[%get3A_484, %get3A_485] {strides = array<i32>} : memref<256x64xf32, #tpu.memory_space<vmem>>, vector<16xf32>,
      %get3A_487 = arith.index_cast %add3A_420 : i32 to index
      %get3A_488 = arith.constant 48 : index
      %get3A_489 = tpu.vector_load %arg20[%get3A_487, %get3A_488] {strides = array<i32>} : memref<256x64xf32, #tpu.memory_space<vmem>>, vector<16xf32>,
      %mul3A_490 = arith.mulf %get3A_468, %get3A_480 : vector<16xf32>
      %mul3A_491 = arith.mulf %get3A_471, %get3A_483 : vector<16xf32>
      %add3A_492 = arith.addf %mul3A_490, %mul3A_491 : vector<16xf32>
      %mul3A_493 = arith.mulf %get3A_474, %get3A_486 : vector<16xf32>
      %add3A_494 = arith.addf %add3A_492, %mul3A_493 : vector<16xf32>
      %mul3A_495 = arith.mulf %get3A_477, %get3A_489 : vector<16xf32>
      %add3A_496 = arith.addf %add3A_494, %mul3A_495 : vector<16xf32>
      %eq3A_497 = arith.constant 3 : i32
      %eq3A_498 = vector.broadcast %eq3A_497 : i32 to vector<16xi32>
      %eq3A_499 = arith.cmpi eq, %iota3A, %eq3A_498 : vector<16xi32>
      %reduce_sum3A_500 = arith.constant true
      %reduce_sum3A_501 = vector.broadcast %reduce_sum3A_500 : i1 to vector<16xi1>
      %reduce_sum3A_502 = tpu.scan <sum>, %add3A_451 masked %reduce_sum3A_501 : vector<16xf32>, vector<16xi1> -> vector<16xf32>
      %reduce_sum3A_503 = vector.extract %reduce_sum3A_502[15] : f32 from vector<16xf32>
      %broadcast_in_dim3A_504 = vector.broadcast %reduce_sum3A_503 : f32 to vector<16xf32>
      %select_n3A_505 = arith.select %eq3A_499, %broadcast_in_dim3A_504, %select_n3A_398 : vector<16xi1>, vector<16xf32>
      %reduce_sum3A_506 = arith.constant true
      %reduce_sum3A_507 = vector.broadcast %reduce_sum3A_506 : i1 to vector<16xi1>
      %reduce_sum3A_508 = tpu.scan <sum>, %add3A_458 masked %reduce_sum3A_507 : vector<16xf32>, vector<16xi1> -> vector<16xf32>
      %reduce_sum3A_509 = vector.extract %reduce_sum3A_508[15] : f32 from vector<16xf32>
      %broadcast_in_dim3A_510 = vector.broadcast %reduce_sum3A_509 : f32 to vector<16xf32>
      %select_n3A_511 = arith.select %eq3A_499, %broadcast_in_dim3A_510, %select_n3A_404 : vector<16xi1>, vector<16xf32>
      %reduce_sum3A_512 = arith.constant true
      %reduce_sum3A_513 = vector.broadcast %reduce_sum3A_512 : i1 to vector<16xi1>
      %reduce_sum3A_514 = tpu.scan <sum>, %add3A_465 masked %reduce_sum3A_513 : vector<16xf32>, vector<16xi1> -> vector<16xf32>
      %reduce_sum3A_515 = vector.extract %reduce_sum3A_514[15] : f32 from vector<16xf32>
      %broadcast_in_dim3A_516 = vector.broadcast %reduce_sum3A_515 : f32 to vector<16xf32>
      %select_n3A_517 = arith.select %eq3A_499, %broadcast_in_dim3A_516, %select_n3A_410 : vector<16xi1>, vector<16xf32>
      %reduce_sum3A_518 = arith.constant true
      %reduce_sum3A_519 = vector.broadcast %reduce_sum3A_518 : i1 to vector<16xi1>
      %reduce_sum3A_520 = tpu.scan <sum>, %add3A_496 masked %reduce_sum3A_519 : vector<16xf32>, vector<16xi1> -> vector<16xf32>
      %reduce_sum3A_521 = vector.extract %reduce_sum3A_520[15] : f32 from vector<16xf32>
      %broadcast_in_dim3A_522 = vector.broadcast %reduce_sum3A_521 : f32 to vector<16xf32>
      %select_n3A_523 = arith.select %eq3A_499, %broadcast_in_dim3A_522, %select_n3A_416 : vector<16xi1>, vector<16xf32>
      %mul3A_524 = arith.constant 16 : i32
      %mul3A_525 = arith.muli %scan3A_92, %mul3A_524 : i32
      %add3A_526 = arith.constant 4 : i32
      %add3A_527 = arith.addi %mul3A_525, %add3A_526 : i32
      %get3A_528 = arith.index_cast %add3A_527 : i32 to index
      %get3A_529 = arith.constant 0 : index
      %get3A_530 = tpu.vector_load %arg17[%get3A_528, %get3A_529] {strides = array<i32>} : memref<256x64xf32, #tpu.memory_space<vmem>>, vector<16xf32>,
      %get3A_531 = arith.index_cast %add3A_527 : i32 to index
      %get3A_532 = arith.constant 16 : index
      %get3A_533 = tpu.vector_load %arg17[%get3A_531, %get3A_532] {strides = array<i32>} : memref<256x64xf32, #tpu.memory_space<vmem>>, vector<16xf32>,
      %get3A_534 = arith.index_cast %add3A_527 : i32 to index
      %get3A_535 = arith.constant 32 : index
      %get3A_536 = tpu.vector_load %arg17[%get3A_534, %get3A_535] {strides = array<i32>} : memref<256x64xf32, #tpu.memory_space<vmem>>, vector<16xf32>,
      %get3A_537 = arith.index_cast %add3A_527 : i32 to index
      %get3A_538 = arith.constant 48 : index
      %get3A_539 = tpu.vector_load %arg17[%get3A_537, %get3A_538] {strides = array<i32>} : memref<256x64xf32, #tpu.memory_space<vmem>>, vector<16xf32>,
      %get3A_540 = arith.index_cast %add3A_527 : i32 to index
      %get3A_541 = arith.constant 0 : index
      %get3A_542 = tpu.vector_load %arg18[%get3A_540, %get3A_541] {strides = array<i32>} : memref<256x64xf32, #tpu.memory_space<vmem>>, vector<16xf32>,
      %get3A_543 = arith.index_cast %add3A_527 : i32 to index
      %get3A_544 = arith.constant 16 : index
      %get3A_545 = tpu.vector_load %arg18[%get3A_543, %get3A_544] {strides = array<i32>} : memref<256x64xf32, #tpu.memory_space<vmem>>, vector<16xf32>,
      %get3A_546 = arith.index_cast %add3A_527 : i32 to index
      %get3A_547 = arith.constant 32 : index
      %get3A_548 = tpu.vector_load %arg18[%get3A_546, %get3A_547] {strides = array<i32>} : memref<256x64xf32, #tpu.memory_space<vmem>>, vector<16xf32>,
      %get3A_549 = arith.index_cast %add3A_527 : i32 to index
      %get3A_550 = arith.constant 48 : index
      %get3A_551 = tpu.vector_load %arg18[%get3A_549, %get3A_550] {strides = array<i32>} : memref<256x64xf32, #tpu.memory_space<vmem>>, vector<16xf32>,
      %mul3A_552 = arith.mulf %get3A_530, %get3A_542 : vector<16xf32>
      %mul3A_553 = arith.mulf %get3A_533, %get3A_545 : vector<16xf32>
      %add3A_554 = arith.addf %mul3A_552, %mul3A_553 : vector<16xf32>
      %mul3A_555 = arith.mulf %get3A_536, %get3A_548 : vector<16xf32>
      %add3A_556 = arith.addf %add3A_554, %mul3A_555 : vector<16xf32>
      %mul3A_557 = arith.mulf %get3A_539, %get3A_551 : vector<16xf32>
      %add3A_558 = arith.addf %add3A_556, %mul3A_557 : vector<16xf32>
      %mul3A_559 = arith.mulf %get3A_530, %get3A_530 : vector<16xf32>
      %mul3A_560 = arith.mulf %get3A_533, %get3A_533 : vector<16xf32>
      %add3A_561 = arith.addf %mul3A_559, %mul3A_560 : vector<16xf32>
      %mul3A_562 = arith.mulf %get3A_536, %get3A_536 : vector<16xf32>
      %add3A_563 = arith.addf %add3A_561, %mul3A_562 : vector<16xf32>
      %mul3A_564 = arith.mulf %get3A_539, %get3A_539 : vector<16xf32>
      %add3A_565 = arith.addf %add3A_563, %mul3A_564 : vector<16xf32>
      %mul3A_566 = arith.mulf %get3A_542, %get3A_542 : vector<16xf32>
      %mul3A_567 = arith.mulf %get3A_545, %get3A_545 : vector<16xf32>
      %add3A_568 = arith.addf %mul3A_566, %mul3A_567 : vector<16xf32>
      %mul3A_569 = arith.mulf %get3A_548, %get3A_548 : vector<16xf32>
      %add3A_570 = arith.addf %add3A_568, %mul3A_569 : vector<16xf32>
      %mul3A_571 = arith.mulf %get3A_551, %get3A_551 : vector<16xf32>
      %add3A_572 = arith.addf %add3A_570, %mul3A_571 : vector<16xf32>
      %get3A_573 = arith.index_cast %add3A_527 : i32 to index
      %get3A_574 = arith.constant 0 : index
      %get3A_575 = tpu.vector_load %arg19[%get3A_573, %get3A_574] {strides = array<i32>} : memref<256x64xf32, #tpu.memory_space<vmem>>, vector<16xf32>,
      %get3A_576 = arith.index_cast %add3A_527 : i32 to index
      %get3A_577 = arith.constant 16 : index
      %get3A_578 = tpu.vector_load %arg19[%get3A_576, %get3A_577] {strides = array<i32>} : memref<256x64xf32, #tpu.memory_space<vmem>>, vector<16xf32>,
      %get3A_579 = arith.index_cast %add3A_527 : i32 to index
      %get3A_580 = arith.constant 32 : index
      %get3A_581 = tpu.vector_load %arg19[%get3A_579, %get3A_580] {strides = array<i32>} : memref<256x64xf32, #tpu.memory_space<vmem>>, vector<16xf32>,
      %get3A_582 = arith.index_cast %add3A_527 : i32 to index
      %get3A_583 = arith.constant 48 : index
      %get3A_584 = tpu.vector_load %arg19[%get3A_582, %get3A_583] {strides = array<i32>} : memref<256x64xf32, #tpu.memory_space<vmem>>, vector<16xf32>,
      %get3A_585 = arith.index_cast %add3A_527 : i32 to index
      %get3A_586 = arith.constant 0 : index
      %get3A_587 = tpu.vector_load %arg20[%get3A_585, %get3A_586] {strides = array<i32>} : memref<256x64xf32, #tpu.memory_space<vmem>>, vector<16xf32>,
      %get3A_588 = arith.index_cast %add3A_527 : i32 to index
      %get3A_589 = arith.constant 16 : index
      %get3A_590 = tpu.vector_load %arg20[%get3A_588, %get3A_589] {strides = array<i32>} : memref<256x64xf32, #tpu.memory_space<vmem>>, vector<16xf32>,
      %get3A_591 = arith.index_cast %add3A_527 : i32 to index
      %get3A_592 = arith.constant 32 : index
      %get3A_593 = tpu.vector_load %arg20[%get3A_591, %get3A_592] {strides = array<i32>} : memref<256x64xf32, #tpu.memory_space<vmem>>, vector<16xf32>,
      %get3A_594 = arith.index_cast %add3A_527 : i32 to index
      %get3A_595 = arith.constant 48 : index
      %get3A_596 = tpu.vector_load %arg20[%get3A_594, %get3A_595] {strides = array<i32>} : memref<256x64xf32, #tpu.memory_space<vmem>>, vector<16xf32>,
      %mul3A_597 = arith.mulf %get3A_575, %get3A_587 : vector<16xf32>
      %mul3A_598 = arith.mulf %get3A_578, %get3A_590 : vector<16xf32>
      %add3A_599 = arith.addf %mul3A_597, %mul3A_598 : vector<16xf32>
      %mul3A_600 = arith.mulf %get3A_581, %get3A_593 : vector<16xf32>
      %add3A_601 = arith.addf %add3A_599, %mul3A_600 : vector<16xf32>
      %mul3A_602 = arith.mulf %get3A_584, %get3A_596 : vector<16xf32>
      %add3A_603 = arith.addf %add3A_601, %mul3A_602 : vector<16xf32>
      %eq3A_604 = arith.constant 4 : i32
      %eq3A_605 = vector.broadcast %eq3A_604 : i32 to vector<16xi32>
      %eq3A_606 = arith.cmpi eq, %iota3A, %eq3A_605 : vector<16xi32>
      %reduce_sum3A_607 = arith.constant true
      %reduce_sum3A_608 = vector.broadcast %reduce_sum3A_607 : i1 to vector<16xi1>
      %reduce_sum3A_609 = tpu.scan <sum>, %add3A_558 masked %reduce_sum3A_608 : vector<16xf32>, vector<16xi1> -> vector<16xf32>
      %reduce_sum3A_610 = vector.extract %reduce_sum3A_609[15] : f32 from vector<16xf32>
      %broadcast_in_dim3A_611 = vector.broadcast %reduce_sum3A_610 : f32 to vector<16xf32>
      %select_n3A_612 = arith.select %eq3A_606, %broadcast_in_dim3A_611, %select_n3A_505 : vector<16xi1>, vector<16xf32>
      %reduce_sum3A_613 = arith.constant true
      %reduce_sum3A_614 = vector.broadcast %reduce_sum3A_613 : i1 to vector<16xi1>
      %reduce_sum3A_615 = tpu.scan <sum>, %add3A_565 masked %reduce_sum3A_614 : vector<16xf32>, vector<16xi1> -> vector<16xf32>
      %reduce_sum3A_616 = vector.extract %reduce_sum3A_615[15] : f32 from vector<16xf32>
      %broadcast_in_dim3A_617 = vector.broadcast %reduce_sum3A_616 : f32 to vector<16xf32>
      %select_n3A_618 = arith.select %eq3A_606, %broadcast_in_dim3A_617, %select_n3A_511 : vector<16xi1>, vector<16xf32>
      %reduce_sum3A_619 = arith.constant true
      %reduce_sum3A_620 = vector.broadcast %reduce_sum3A_619 : i1 to vector<16xi1>
      %reduce_sum3A_621 = tpu.scan <sum>, %add3A_572 masked %reduce_sum3A_620 : vector<16xf32>, vector<16xi1> -> vector<16xf32>
      %reduce_sum3A_622 = vector.extract %reduce_sum3A_621[15] : f32 from vector<16xf32>
      %broadcast_in_dim3A_623 = vector.broadcast %reduce_sum3A_622 : f32 to vector<16xf32>
      %select_n3A_624 = arith.select %eq3A_606, %broadcast_in_dim3A_623, %select_n3A_517 : vector<16xi1>, vector<16xf32>
      %reduce_sum3A_625 = arith.constant true
      %reduce_sum3A_626 = vector.broadcast %reduce_sum3A_625 : i1 to vector<16xi1>
      %reduce_sum3A_627 = tpu.scan <sum>, %add3A_603 masked %reduce_sum3A_626 : vector<16xf32>, vector<16xi1> -> vector<16xf32>
      %reduce_sum3A_628 = vector.extract %reduce_sum3A_627[15] : f32 from vector<16xf32>
      %broadcast_in_dim3A_629 = vector.broadcast %reduce_sum3A_628 : f32 to vector<16xf32>
      %select_n3A_630 = arith.select %eq3A_606, %broadcast_in_dim3A_629, %select_n3A_523 : vector<16xi1>, vector<16xf32>
      %mul3A_631 = arith.constant 16 : i32
      %mul3A_632 = arith.muli %scan3A_92, %mul3A_631 : i32
      %add3A_633 = arith.constant 5 : i32
      %add3A_634 = arith.addi %mul3A_632, %add3A_633 : i32
      %get3A_635 = arith.index_cast %add3A_634 : i32 to index
      %get3A_636 = arith.constant 0 : index
      %get3A_637 = tpu.vector_load %arg17[%get3A_635, %get3A_636] {strides = array<i32>} : memref<256x64xf32, #tpu.memory_space<vmem>>, vector<16xf32>,
      %get3A_638 = arith.index_cast %add3A_634 : i32 to index
      %get3A_639 = arith.constant 16 : index
      %get3A_640 = tpu.vector_load %arg17[%get3A_638, %get3A_639] {strides = array<i32>} : memref<256x64xf32, #tpu.memory_space<vmem>>, vector<16xf32>,
      %get3A_641 = arith.index_cast %add3A_634 : i32 to index
      %get3A_642 = arith.constant 32 : index
      %get3A_643 = tpu.vector_load %arg17[%get3A_641, %get3A_642] {strides = array<i32>} : memref<256x64xf32, #tpu.memory_space<vmem>>, vector<16xf32>,
      %get3A_644 = arith.index_cast %add3A_634 : i32 to index
      %get3A_645 = arith.constant 48 : index
      %get3A_646 = tpu.vector_load %arg17[%get3A_644, %get3A_645] {strides = array<i32>} : memref<256x64xf32, #tpu.memory_space<vmem>>, vector<16xf32>,
      %get3A_647 = arith.index_cast %add3A_634 : i32 to index
      %get3A_648 = arith.constant 0 : index
      %get3A_649 = tpu.vector_load %arg18[%get3A_647, %get3A_648] {strides = array<i32>} : memref<256x64xf32, #tpu.memory_space<vmem>>, vector<16xf32>,
      %get3A_650 = arith.index_cast %add3A_634 : i32 to index
      %get3A_651 = arith.constant 16 : index
      %get3A_652 = tpu.vector_load %arg18[%get3A_650, %get3A_651] {strides = array<i32>} : memref<256x64xf32, #tpu.memory_space<vmem>>, vector<16xf32>,
      %get3A_653 = arith.index_cast %add3A_634 : i32 to index
      %get3A_654 = arith.constant 32 : index
      %get3A_655 = tpu.vector_load %arg18[%get3A_653, %get3A_654] {strides = array<i32>} : memref<256x64xf32, #tpu.memory_space<vmem>>, vector<16xf32>,
      %get3A_656 = arith.index_cast %add3A_634 : i32 to index
      %get3A_657 = arith.constant 48 : index
      %get3A_658 = tpu.vector_load %arg18[%get3A_656, %get3A_657] {strides = array<i32>} : memref<256x64xf32, #tpu.memory_space<vmem>>, vector<16xf32>,
      %mul3A_659 = arith.mulf %get3A_637, %get3A_649 : vector<16xf32>
      %mul3A_660 = arith.mulf %get3A_640, %get3A_652 : vector<16xf32>
      %add3A_661 = arith.addf %mul3A_659, %mul3A_660 : vector<16xf32>
      %mul3A_662 = arith.mulf %get3A_643, %get3A_655 : vector<16xf32>
      %add3A_663 = arith.addf %add3A_661, %mul3A_662 : vector<16xf32>
      %mul3A_664 = arith.mulf %get3A_646, %get3A_658 : vector<16xf32>
      %add3A_665 = arith.addf %add3A_663, %mul3A_664 : vector<16xf32>
      %mul3A_666 = arith.mulf %get3A_637, %get3A_637 : vector<16xf32>
      %mul3A_667 = arith.mulf %get3A_640, %get3A_640 : vector<16xf32>
      %add3A_668 = arith.addf %mul3A_666, %mul3A_667 : vector<16xf32>
      %mul3A_669 = arith.mulf %get3A_643, %get3A_643 : vector<16xf32>
      %add3A_670 = arith.addf %add3A_668, %mul3A_669 : vector<16xf32>
      %mul3A_671 = arith.mulf %get3A_646, %get3A_646 : vector<16xf32>
      %add3A_672 = arith.addf %add3A_670, %mul3A_671 : vector<16xf32>
      %mul3A_673 = arith.mulf %get3A_649, %get3A_649 : vector<16xf32>
      %mul3A_674 = arith.mulf %get3A_652, %get3A_652 : vector<16xf32>
      %add3A_675 = arith.addf %mul3A_673, %mul3A_674 : vector<16xf32>
      %mul3A_676 = arith.mulf %get3A_655, %get3A_655 : vector<16xf32>
      %add3A_677 = arith.addf %add3A_675, %mul3A_676 : vector<16xf32>
      %mul3A_678 = arith.mulf %get3A_658, %get3A_658 : vector<16xf32>
      %add3A_679 = arith.addf %add3A_677, %mul3A_678 : vector<16xf32>
      %get3A_680 = arith.index_cast %add3A_634 : i32 to index
      %get3A_681 = arith.constant 0 : index
      %get3A_682 = tpu.vector_load %arg19[%get3A_680, %get3A_681] {strides = array<i32>} : memref<256x64xf32, #tpu.memory_space<vmem>>, vector<16xf32>,
      %get3A_683 = arith.index_cast %add3A_634 : i32 to index
      %get3A_684 = arith.constant 16 : index
      %get3A_685 = tpu.vector_load %arg19[%get3A_683, %get3A_684] {strides = array<i32>} : memref<256x64xf32, #tpu.memory_space<vmem>>, vector<16xf32>,
      %get3A_686 = arith.index_cast %add3A_634 : i32 to index
      %get3A_687 = arith.constant 32 : index
      %get3A_688 = tpu.vector_load %arg19[%get3A_686, %get3A_687] {strides = array<i32>} : memref<256x64xf32, #tpu.memory_space<vmem>>, vector<16xf32>,
      %get3A_689 = arith.index_cast %add3A_634 : i32 to index
      %get3A_690 = arith.constant 48 : index
      %get3A_691 = tpu.vector_load %arg19[%get3A_689, %get3A_690] {strides = array<i32>} : memref<256x64xf32, #tpu.memory_space<vmem>>, vector<16xf32>,
      %get3A_692 = arith.index_cast %add3A_634 : i32 to index
      %get3A_693 = arith.constant 0 : index
      %get3A_694 = tpu.vector_load %arg20[%get3A_692, %get3A_693] {strides = array<i32>} : memref<256x64xf32, #tpu.memory_space<vmem>>, vector<16xf32>,
      %get3A_695 = arith.index_cast %add3A_634 : i32 to index
      %get3A_696 = arith.constant 16 : index
      %get3A_697 = tpu.vector_load %arg20[%get3A_695, %get3A_696] {strides = array<i32>} : memref<256x64xf32, #tpu.memory_space<vmem>>, vector<16xf32>,
      %get3A_698 = arith.index_cast %add3A_634 : i32 to index
      %get3A_699 = arith.constant 32 : index
      %get3A_700 = tpu.vector_load %arg20[%get3A_698, %get3A_699] {strides = array<i32>} : memref<256x64xf32, #tpu.memory_space<vmem>>, vector<16xf32>,
      %get3A_701 = arith.index_cast %add3A_634 : i32 to index
      %get3A_702 = arith.constant 48 : index
      %get3A_703 = tpu.vector_load %arg20[%get3A_701, %get3A_702] {strides = array<i32>} : memref<256x64xf32, #tpu.memory_space<vmem>>, vector<16xf32>,
      %mul3A_704 = arith.mulf %get3A_682, %get3A_694 : vector<16xf32>
      %mul3A_705 = arith.mulf %get3A_685, %get3A_697 : vector<16xf32>
      %add3A_706 = arith.addf %mul3A_704, %mul3A_705 : vector<16xf32>
      %mul3A_707 = arith.mulf %get3A_688, %get3A_700 : vector<16xf32>
      %add3A_708 = arith.addf %add3A_706, %mul3A_707 : vector<16xf32>
      %mul3A_709 = arith.mulf %get3A_691, %get3A_703 : vector<16xf32>
      %add3A_710 = arith.addf %add3A_708, %mul3A_709 : vector<16xf32>
      %eq3A_711 = arith.constant 5 : i32
      %eq3A_712 = vector.broadcast %eq3A_711 : i32 to vector<16xi32>
      %eq3A_713 = arith.cmpi eq, %iota3A, %eq3A_712 : vector<16xi32>
      %reduce_sum3A_714 = arith.constant true
      %reduce_sum3A_715 = vector.broadcast %reduce_sum3A_714 : i1 to vector<16xi1>
      %reduce_sum3A_716 = tpu.scan <sum>, %add3A_665 masked %reduce_sum3A_715 : vector<16xf32>, vector<16xi1> -> vector<16xf32>
      %reduce_sum3A_717 = vector.extract %reduce_sum3A_716[15] : f32 from vector<16xf32>
      %broadcast_in_dim3A_718 = vector.broadcast %reduce_sum3A_717 : f32 to vector<16xf32>
      %select_n3A_719 = arith.select %eq3A_713, %broadcast_in_dim3A_718, %select_n3A_612 : vector<16xi1>, vector<16xf32>
      %reduce_sum3A_720 = arith.constant true
      %reduce_sum3A_721 = vector.broadcast %reduce_sum3A_720 : i1 to vector<16xi1>
      %reduce_sum3A_722 = tpu.scan <sum>, %add3A_672 masked %reduce_sum3A_721 : vector<16xf32>, vector<16xi1> -> vector<16xf32>
      %reduce_sum3A_723 = vector.extract %reduce_sum3A_722[15] : f32 from vector<16xf32>
      %broadcast_in_dim3A_724 = vector.broadcast %reduce_sum3A_723 : f32 to vector<16xf32>
      %select_n3A_725 = arith.select %eq3A_713, %broadcast_in_dim3A_724, %select_n3A_618 : vector<16xi1>, vector<16xf32>
      %reduce_sum3A_726 = arith.constant true
      %reduce_sum3A_727 = vector.broadcast %reduce_sum3A_726 : i1 to vector<16xi1>
      %reduce_sum3A_728 = tpu.scan <sum>, %add3A_679 masked %reduce_sum3A_727 : vector<16xf32>, vector<16xi1> -> vector<16xf32>
      %reduce_sum3A_729 = vector.extract %reduce_sum3A_728[15] : f32 from vector<16xf32>
      %broadcast_in_dim3A_730 = vector.broadcast %reduce_sum3A_729 : f32 to vector<16xf32>
      %select_n3A_731 = arith.select %eq3A_713, %broadcast_in_dim3A_730, %select_n3A_624 : vector<16xi1>, vector<16xf32>
      %reduce_sum3A_732 = arith.constant true
      %reduce_sum3A_733 = vector.broadcast %reduce_sum3A_732 : i1 to vector<16xi1>
      %reduce_sum3A_734 = tpu.scan <sum>, %add3A_710 masked %reduce_sum3A_733 : vector<16xf32>, vector<16xi1> -> vector<16xf32>
      %reduce_sum3A_735 = vector.extract %reduce_sum3A_734[15] : f32 from vector<16xf32>
      %broadcast_in_dim3A_736 = vector.broadcast %reduce_sum3A_735 : f32 to vector<16xf32>
      %select_n3A_737 = arith.select %eq3A_713, %broadcast_in_dim3A_736, %select_n3A_630 : vector<16xi1>, vector<16xf32>
      %mul3A_738 = arith.constant 16 : i32
      %mul3A_739 = arith.muli %scan3A_92, %mul3A_738 : i32
      %add3A_740 = arith.constant 6 : i32
      %add3A_741 = arith.addi %mul3A_739, %add3A_740 : i32
      %get3A_742 = arith.index_cast %add3A_741 : i32 to index
      %get3A_743 = arith.constant 0 : index
      %get3A_744 = tpu.vector_load %arg17[%get3A_742, %get3A_743] {strides = array<i32>} : memref<256x64xf32, #tpu.memory_space<vmem>>, vector<16xf32>,
      %get3A_745 = arith.index_cast %add3A_741 : i32 to index
      %get3A_746 = arith.constant 16 : index
      %get3A_747 = tpu.vector_load %arg17[%get3A_745, %get3A_746] {strides = array<i32>} : memref<256x64xf32, #tpu.memory_space<vmem>>, vector<16xf32>,
      %get3A_748 = arith.index_cast %add3A_741 : i32 to index
      %get3A_749 = arith.constant 32 : index
      %get3A_750 = tpu.vector_load %arg17[%get3A_748, %get3A_749] {strides = array<i32>} : memref<256x64xf32, #tpu.memory_space<vmem>>, vector<16xf32>,
      %get3A_751 = arith.index_cast %add3A_741 : i32 to index
      %get3A_752 = arith.constant 48 : index
      %get3A_753 = tpu.vector_load %arg17[%get3A_751, %get3A_752] {strides = array<i32>} : memref<256x64xf32, #tpu.memory_space<vmem>>, vector<16xf32>,
      %get3A_754 = arith.index_cast %add3A_741 : i32 to index
      %get3A_755 = arith.constant 0 : index
      %get3A_756 = tpu.vector_load %arg18[%get3A_754, %get3A_755] {strides = array<i32>} : memref<256x64xf32, #tpu.memory_space<vmem>>, vector<16xf32>,
      %get3A_757 = arith.index_cast %add3A_741 : i32 to index
      %get3A_758 = arith.constant 16 : index
      %get3A_759 = tpu.vector_load %arg18[%get3A_757, %get3A_758] {strides = array<i32>} : memref<256x64xf32, #tpu.memory_space<vmem>>, vector<16xf32>,
      %get3A_760 = arith.index_cast %add3A_741 : i32 to index
      %get3A_761 = arith.constant 32 : index
      %get3A_762 = tpu.vector_load %arg18[%get3A_760, %get3A_761] {strides = array<i32>} : memref<256x64xf32, #tpu.memory_space<vmem>>, vector<16xf32>,
      %get3A_763 = arith.index_cast %add3A_741 : i32 to index
      %get3A_764 = arith.constant 48 : index
      %get3A_765 = tpu.vector_load %arg18[%get3A_763, %get3A_764] {strides = array<i32>} : memref<256x64xf32, #tpu.memory_space<vmem>>, vector<16xf32>,
      %mul3A_766 = arith.mulf %get3A_744, %get3A_756 : vector<16xf32>
      %mul3A_767 = arith.mulf %get3A_747, %get3A_759 : vector<16xf32>
      %add3A_768 = arith.addf %mul3A_766, %mul3A_767 : vector<16xf32>
      %mul3A_769 = arith.mulf %get3A_750, %get3A_762 : vector<16xf32>
      %add3A_770 = arith.addf %add3A_768, %mul3A_769 : vector<16xf32>
      %mul3A_771 = arith.mulf %get3A_753, %get3A_765 : vector<16xf32>
      %add3A_772 = arith.addf %add3A_770, %mul3A_771 : vector<16xf32>
      %mul3A_773 = arith.mulf %get3A_744, %get3A_744 : vector<16xf32>
      %mul3A_774 = arith.mulf %get3A_747, %get3A_747 : vector<16xf32>
      %add3A_775 = arith.addf %mul3A_773, %mul3A_774 : vector<16xf32>
      %mul3A_776 = arith.mulf %get3A_750, %get3A_750 : vector<16xf32>
      %add3A_777 = arith.addf %add3A_775, %mul3A_776 : vector<16xf32>
      %mul3A_778 = arith.mulf %get3A_753, %get3A_753 : vector<16xf32>
      %add3A_779 = arith.addf %add3A_777, %mul3A_778 : vector<16xf32>
      %mul3A_780 = arith.mulf %get3A_756, %get3A_756 : vector<16xf32>
      %mul3A_781 = arith.mulf %get3A_759, %get3A_759 : vector<16xf32>
      %add3A_782 = arith.addf %mul3A_780, %mul3A_781 : vector<16xf32>
      %mul3A_783 = arith.mulf %get3A_762, %get3A_762 : vector<16xf32>
      %add3A_784 = arith.addf %add3A_782, %mul3A_783 : vector<16xf32>
      %mul3A_785 = arith.mulf %get3A_765, %get3A_765 : vector<16xf32>
      %add3A_786 = arith.addf %add3A_784, %mul3A_785 : vector<16xf32>
      %get3A_787 = arith.index_cast %add3A_741 : i32 to index
      %get3A_788 = arith.constant 0 : index
      %get3A_789 = tpu.vector_load %arg19[%get3A_787, %get3A_788] {strides = array<i32>} : memref<256x64xf32, #tpu.memory_space<vmem>>, vector<16xf32>,
      %get3A_790 = arith.index_cast %add3A_741 : i32 to index
      %get3A_791 = arith.constant 16 : index
      %get3A_792 = tpu.vector_load %arg19[%get3A_790, %get3A_791] {strides = array<i32>} : memref<256x64xf32, #tpu.memory_space<vmem>>, vector<16xf32>,
      %get3A_793 = arith.index_cast %add3A_741 : i32 to index
      %get3A_794 = arith.constant 32 : index
      %get3A_795 = tpu.vector_load %arg19[%get3A_793, %get3A_794] {strides = array<i32>} : memref<256x64xf32, #tpu.memory_space<vmem>>, vector<16xf32>,
      %get3A_796 = arith.index_cast %add3A_741 : i32 to index
      %get3A_797 = arith.constant 48 : index
      %get3A_798 = tpu.vector_load %arg19[%get3A_796, %get3A_797] {strides = array<i32>} : memref<256x64xf32, #tpu.memory_space<vmem>>, vector<16xf32>,
      %get3A_799 = arith.index_cast %add3A_741 : i32 to index
      %get3A_800 = arith.constant 0 : index
      %get3A_801 = tpu.vector_load %arg20[%get3A_799, %get3A_800] {strides = array<i32>} : memref<256x64xf32, #tpu.memory_space<vmem>>, vector<16xf32>,
      %get3A_802 = arith.index_cast %add3A_741 : i32 to index
      %get3A_803 = arith.constant 16 : index
      %get3A_804 = tpu.vector_load %arg20[%get3A_802, %get3A_803] {strides = array<i32>} : memref<256x64xf32, #tpu.memory_space<vmem>>, vector<16xf32>,
      %get3A_805 = arith.index_cast %add3A_741 : i32 to index
      %get3A_806 = arith.constant 32 : index
      %get3A_807 = tpu.vector_load %arg20[%get3A_805, %get3A_806] {strides = array<i32>} : memref<256x64xf32, #tpu.memory_space<vmem>>, vector<16xf32>,
      %get3A_808 = arith.index_cast %add3A_741 : i32 to index
      %get3A_809 = arith.constant 48 : index
      %get3A_810 = tpu.vector_load %arg20[%get3A_808, %get3A_809] {strides = array<i32>} : memref<256x64xf32, #tpu.memory_space<vmem>>, vector<16xf32>,
      %mul3A_811 = arith.mulf %get3A_789, %get3A_801 : vector<16xf32>
      %mul3A_812 = arith.mulf %get3A_792, %get3A_804 : vector<16xf32>
      %add3A_813 = arith.addf %mul3A_811, %mul3A_812 : vector<16xf32>
      %mul3A_814 = arith.mulf %get3A_795, %get3A_807 : vector<16xf32>
      %add3A_815 = arith.addf %add3A_813, %mul3A_814 : vector<16xf32>
      %mul3A_816 = arith.mulf %get3A_798, %get3A_810 : vector<16xf32>
      %add3A_817 = arith.addf %add3A_815, %mul3A_816 : vector<16xf32>
      %eq3A_818 = arith.constant 6 : i32
      %eq3A_819 = vector.broadcast %eq3A_818 : i32 to vector<16xi32>
      %eq3A_820 = arith.cmpi eq, %iota3A, %eq3A_819 : vector<16xi32>
      %reduce_sum3A_821 = arith.constant true
      %reduce_sum3A_822 = vector.broadcast %reduce_sum3A_821 : i1 to vector<16xi1>
      %reduce_sum3A_823 = tpu.scan <sum>, %add3A_772 masked %reduce_sum3A_822 : vector<16xf32>, vector<16xi1> -> vector<16xf32>
      %reduce_sum3A_824 = vector.extract %reduce_sum3A_823[15] : f32 from vector<16xf32>
      %broadcast_in_dim3A_825 = vector.broadcast %reduce_sum3A_824 : f32 to vector<16xf32>
      %select_n3A_826 = arith.select %eq3A_820, %broadcast_in_dim3A_825, %select_n3A_719 : vector<16xi1>, vector<16xf32>
      %reduce_sum3A_827 = arith.constant true
      %reduce_sum3A_828 = vector.broadcast %reduce_sum3A_827 : i1 to vector<16xi1>
      %reduce_sum3A_829 = tpu.scan <sum>, %add3A_779 masked %reduce_sum3A_828 : vector<16xf32>, vector<16xi1> -> vector<16xf32>
      %reduce_sum3A_830 = vector.extract %reduce_sum3A_829[15] : f32 from vector<16xf32>
      %broadcast_in_dim3A_831 = vector.broadcast %reduce_sum3A_830 : f32 to vector<16xf32>
      %select_n3A_832 = arith.select %eq3A_820, %broadcast_in_dim3A_831, %select_n3A_725 : vector<16xi1>, vector<16xf32>
      %reduce_sum3A_833 = arith.constant true
      %reduce_sum3A_834 = vector.broadcast %reduce_sum3A_833 : i1 to vector<16xi1>
      %reduce_sum3A_835 = tpu.scan <sum>, %add3A_786 masked %reduce_sum3A_834 : vector<16xf32>, vector<16xi1> -> vector<16xf32>
      %reduce_sum3A_836 = vector.extract %reduce_sum3A_835[15] : f32 from vector<16xf32>
      %broadcast_in_dim3A_837 = vector.broadcast %reduce_sum3A_836 : f32 to vector<16xf32>
      %select_n3A_838 = arith.select %eq3A_820, %broadcast_in_dim3A_837, %select_n3A_731 : vector<16xi1>, vector<16xf32>
      %reduce_sum3A_839 = arith.constant true
      %reduce_sum3A_840 = vector.broadcast %reduce_sum3A_839 : i1 to vector<16xi1>
      %reduce_sum3A_841 = tpu.scan <sum>, %add3A_817 masked %reduce_sum3A_840 : vector<16xf32>, vector<16xi1> -> vector<16xf32>
      %reduce_sum3A_842 = vector.extract %reduce_sum3A_841[15] : f32 from vector<16xf32>
      %broadcast_in_dim3A_843 = vector.broadcast %reduce_sum3A_842 : f32 to vector<16xf32>
      %select_n3A_844 = arith.select %eq3A_820, %broadcast_in_dim3A_843, %select_n3A_737 : vector<16xi1>, vector<16xf32>
      %mul3A_845 = arith.constant 16 : i32
      %mul3A_846 = arith.muli %scan3A_92, %mul3A_845 : i32
      %add3A_847 = arith.constant 7 : i32
      %add3A_848 = arith.addi %mul3A_846, %add3A_847 : i32
      %get3A_849 = arith.index_cast %add3A_848 : i32 to index
      %get3A_850 = arith.constant 0 : index
      %get3A_851 = tpu.vector_load %arg17[%get3A_849, %get3A_850] {strides = array<i32>} : memref<256x64xf32, #tpu.memory_space<vmem>>, vector<16xf32>,
      %get3A_852 = arith.index_cast %add3A_848 : i32 to index
      %get3A_853 = arith.constant 16 : index
      %get3A_854 = tpu.vector_load %arg17[%get3A_852, %get3A_853] {strides = array<i32>} : memref<256x64xf32, #tpu.memory_space<vmem>>, vector<16xf32>,
      %get3A_855 = arith.index_cast %add3A_848 : i32 to index
      %get3A_856 = arith.constant 32 : index
      %get3A_857 = tpu.vector_load %arg17[%get3A_855, %get3A_856] {strides = array<i32>} : memref<256x64xf32, #tpu.memory_space<vmem>>, vector<16xf32>,
      %get3A_858 = arith.index_cast %add3A_848 : i32 to index
      %get3A_859 = arith.constant 48 : index
      %get3A_860 = tpu.vector_load %arg17[%get3A_858, %get3A_859] {strides = array<i32>} : memref<256x64xf32, #tpu.memory_space<vmem>>, vector<16xf32>,
      %get3A_861 = arith.index_cast %add3A_848 : i32 to index
      %get3A_862 = arith.constant 0 : index
      %get3A_863 = tpu.vector_load %arg18[%get3A_861, %get3A_862] {strides = array<i32>} : memref<256x64xf32, #tpu.memory_space<vmem>>, vector<16xf32>,
      %get3A_864 = arith.index_cast %add3A_848 : i32 to index
      %get3A_865 = arith.constant 16 : index
      %get3A_866 = tpu.vector_load %arg18[%get3A_864, %get3A_865] {strides = array<i32>} : memref<256x64xf32, #tpu.memory_space<vmem>>, vector<16xf32>,
      %get3A_867 = arith.index_cast %add3A_848 : i32 to index
      %get3A_868 = arith.constant 32 : index
      %get3A_869 = tpu.vector_load %arg18[%get3A_867, %get3A_868] {strides = array<i32>} : memref<256x64xf32, #tpu.memory_space<vmem>>, vector<16xf32>,
      %get3A_870 = arith.index_cast %add3A_848 : i32 to index
      %get3A_871 = arith.constant 48 : index
      %get3A_872 = tpu.vector_load %arg18[%get3A_870, %get3A_871] {strides = array<i32>} : memref<256x64xf32, #tpu.memory_space<vmem>>, vector<16xf32>,
      %mul3A_873 = arith.mulf %get3A_851, %get3A_863 : vector<16xf32>
      %mul3A_874 = arith.mulf %get3A_854, %get3A_866 : vector<16xf32>
      %add3A_875 = arith.addf %mul3A_873, %mul3A_874 : vector<16xf32>
      %mul3A_876 = arith.mulf %get3A_857, %get3A_869 : vector<16xf32>
      %add3A_877 = arith.addf %add3A_875, %mul3A_876 : vector<16xf32>
      %mul3A_878 = arith.mulf %get3A_860, %get3A_872 : vector<16xf32>
      %add3A_879 = arith.addf %add3A_877, %mul3A_878 : vector<16xf32>
      %mul3A_880 = arith.mulf %get3A_851, %get3A_851 : vector<16xf32>
      %mul3A_881 = arith.mulf %get3A_854, %get3A_854 : vector<16xf32>
      %add3A_882 = arith.addf %mul3A_880, %mul3A_881 : vector<16xf32>
      %mul3A_883 = arith.mulf %get3A_857, %get3A_857 : vector<16xf32>
      %add3A_884 = arith.addf %add3A_882, %mul3A_883 : vector<16xf32>
      %mul3A_885 = arith.mulf %get3A_860, %get3A_860 : vector<16xf32>
      %add3A_886 = arith.addf %add3A_884, %mul3A_885 : vector<16xf32>
      %mul3A_887 = arith.mulf %get3A_863, %get3A_863 : vector<16xf32>
      %mul3A_888 = arith.mulf %get3A_866, %get3A_866 : vector<16xf32>
      %add3A_889 = arith.addf %mul3A_887, %mul3A_888 : vector<16xf32>
      %mul3A_890 = arith.mulf %get3A_869, %get3A_869 : vector<16xf32>
      %add3A_891 = arith.addf %add3A_889, %mul3A_890 : vector<16xf32>
      %mul3A_892 = arith.mulf %get3A_872, %get3A_872 : vector<16xf32>
      %add3A_893 = arith.addf %add3A_891, %mul3A_892 : vector<16xf32>
      %get3A_894 = arith.index_cast %add3A_848 : i32 to index
      %get3A_895 = arith.constant 0 : index
      %get3A_896 = tpu.vector_load %arg19[%get3A_894, %get3A_895] {strides = array<i32>} : memref<256x64xf32, #tpu.memory_space<vmem>>, vector<16xf32>,
      %get3A_897 = arith.index_cast %add3A_848 : i32 to index
      %get3A_898 = arith.constant 16 : index
      %get3A_899 = tpu.vector_load %arg19[%get3A_897, %get3A_898] {strides = array<i32>} : memref<256x64xf32, #tpu.memory_space<vmem>>, vector<16xf32>,
      %get3A_900 = arith.index_cast %add3A_848 : i32 to index
      %get3A_901 = arith.constant 32 : index
      %get3A_902 = tpu.vector_load %arg19[%get3A_900, %get3A_901] {strides = array<i32>} : memref<256x64xf32, #tpu.memory_space<vmem>>, vector<16xf32>,
      %get3A_903 = arith.index_cast %add3A_848 : i32 to index
      %get3A_904 = arith.constant 48 : index
      %get3A_905 = tpu.vector_load %arg19[%get3A_903, %get3A_904] {strides = array<i32>} : memref<256x64xf32, #tpu.memory_space<vmem>>, vector<16xf32>,
      %get3A_906 = arith.index_cast %add3A_848 : i32 to index
      %get3A_907 = arith.constant 0 : index
      %get3A_908 = tpu.vector_load %arg20[%get3A_906, %get3A_907] {strides = array<i32>} : memref<256x64xf32, #tpu.memory_space<vmem>>, vector<16xf32>,
      %get3A_909 = arith.index_cast %add3A_848 : i32 to index
      %get3A_910 = arith.constant 16 : index
      %get3A_911 = tpu.vector_load %arg20[%get3A_909, %get3A_910] {strides = array<i32>} : memref<256x64xf32, #tpu.memory_space<vmem>>, vector<16xf32>,
      %get3A_912 = arith.index_cast %add3A_848 : i32 to index
      %get3A_913 = arith.constant 32 : index
      %get3A_914 = tpu.vector_load %arg20[%get3A_912, %get3A_913] {strides = array<i32>} : memref<256x64xf32, #tpu.memory_space<vmem>>, vector<16xf32>,
      %get3A_915 = arith.index_cast %add3A_848 : i32 to index
      %get3A_916 = arith.constant 48 : index
      %get3A_917 = tpu.vector_load %arg20[%get3A_915, %get3A_916] {strides = array<i32>} : memref<256x64xf32, #tpu.memory_space<vmem>>, vector<16xf32>,
      %mul3A_918 = arith.mulf %get3A_896, %get3A_908 : vector<16xf32>
      %mul3A_919 = arith.mulf %get3A_899, %get3A_911 : vector<16xf32>
      %add3A_920 = arith.addf %mul3A_918, %mul3A_919 : vector<16xf32>
      %mul3A_921 = arith.mulf %get3A_902, %get3A_914 : vector<16xf32>
      %add3A_922 = arith.addf %add3A_920, %mul3A_921 : vector<16xf32>
      %mul3A_923 = arith.mulf %get3A_905, %get3A_917 : vector<16xf32>
      %add3A_924 = arith.addf %add3A_922, %mul3A_923 : vector<16xf32>
      %eq3A_925 = arith.constant 7 : i32
      %eq3A_926 = vector.broadcast %eq3A_925 : i32 to vector<16xi32>
      %eq3A_927 = arith.cmpi eq, %iota3A, %eq3A_926 : vector<16xi32>
      %reduce_sum3A_928 = arith.constant true
      %reduce_sum3A_929 = vector.broadcast %reduce_sum3A_928 : i1 to vector<16xi1>
      %reduce_sum3A_930 = tpu.scan <sum>, %add3A_879 masked %reduce_sum3A_929 : vector<16xf32>, vector<16xi1> -> vector<16xf32>
      %reduce_sum3A_931 = vector.extract %reduce_sum3A_930[15] : f32 from vector<16xf32>
      %broadcast_in_dim3A_932 = vector.broadcast %reduce_sum3A_931 : f32 to vector<16xf32>
      %select_n3A_933 = arith.select %eq3A_927, %broadcast_in_dim3A_932, %select_n3A_826 : vector<16xi1>, vector<16xf32>
      %reduce_sum3A_934 = arith.constant true
      %reduce_sum3A_935 = vector.broadcast %reduce_sum3A_934 : i1 to vector<16xi1>
      %reduce_sum3A_936 = tpu.scan <sum>, %add3A_886 masked %reduce_sum3A_935 : vector<16xf32>, vector<16xi1> -> vector<16xf32>
      %reduce_sum3A_937 = vector.extract %reduce_sum3A_936[15] : f32 from vector<16xf32>
      %broadcast_in_dim3A_938 = vector.broadcast %reduce_sum3A_937 : f32 to vector<16xf32>
      %select_n3A_939 = arith.select %eq3A_927, %broadcast_in_dim3A_938, %select_n3A_832 : vector<16xi1>, vector<16xf32>
      %reduce_sum3A_940 = arith.constant true
      %reduce_sum3A_941 = vector.broadcast %reduce_sum3A_940 : i1 to vector<16xi1>
      %reduce_sum3A_942 = tpu.scan <sum>, %add3A_893 masked %reduce_sum3A_941 : vector<16xf32>, vector<16xi1> -> vector<16xf32>
      %reduce_sum3A_943 = vector.extract %reduce_sum3A_942[15] : f32 from vector<16xf32>
      %broadcast_in_dim3A_944 = vector.broadcast %reduce_sum3A_943 : f32 to vector<16xf32>
      %select_n3A_945 = arith.select %eq3A_927, %broadcast_in_dim3A_944, %select_n3A_838 : vector<16xi1>, vector<16xf32>
      %reduce_sum3A_946 = arith.constant true
      %reduce_sum3A_947 = vector.broadcast %reduce_sum3A_946 : i1 to vector<16xi1>
      %reduce_sum3A_948 = tpu.scan <sum>, %add3A_924 masked %reduce_sum3A_947 : vector<16xf32>, vector<16xi1> -> vector<16xf32>
      %reduce_sum3A_949 = vector.extract %reduce_sum3A_948[15] : f32 from vector<16xf32>
      %broadcast_in_dim3A_950 = vector.broadcast %reduce_sum3A_949 : f32 to vector<16xf32>
      %select_n3A_951 = arith.select %eq3A_927, %broadcast_in_dim3A_950, %select_n3A_844 : vector<16xi1>, vector<16xf32>
      %mul3A_952 = arith.constant 16 : i32
      %mul3A_953 = arith.muli %scan3A_92, %mul3A_952 : i32
      %add3A_954 = arith.constant 8 : i32
      %add3A_955 = arith.addi %mul3A_953, %add3A_954 : i32
      %get3A_956 = arith.index_cast %add3A_955 : i32 to index
      %get3A_957 = arith.constant 0 : index
      %get3A_958 = tpu.vector_load %arg17[%get3A_956, %get3A_957] {strides = array<i32>} : memref<256x64xf32, #tpu.memory_space<vmem>>, vector<16xf32>,
      %get3A_959 = arith.index_cast %add3A_955 : i32 to index
      %get3A_960 = arith.constant 16 : index
      %get3A_961 = tpu.vector_load %arg17[%get3A_959, %get3A_960] {strides = array<i32>} : memref<256x64xf32, #tpu.memory_space<vmem>>, vector<16xf32>,
      %get3A_962 = arith.index_cast %add3A_955 : i32 to index
      %get3A_963 = arith.constant 32 : index
      %get3A_964 = tpu.vector_load %arg17[%get3A_962, %get3A_963] {strides = array<i32>} : memref<256x64xf32, #tpu.memory_space<vmem>>, vector<16xf32>,
      %get3A_965 = arith.index_cast %add3A_955 : i32 to index
      %get3A_966 = arith.constant 48 : index
      %get3A_967 = tpu.vector_load %arg17[%get3A_965, %get3A_966] {strides = array<i32>} : memref<256x64xf32, #tpu.memory_space<vmem>>, vector<16xf32>,
      %get3A_968 = arith.index_cast %add3A_955 : i32 to index
      %get3A_969 = arith.constant 0 : index
      %get3A_970 = tpu.vector_load %arg18[%get3A_968, %get3A_969] {strides = array<i32>} : memref<256x64xf32, #tpu.memory_space<vmem>>, vector<16xf32>,
      %get3A_971 = arith.index_cast %add3A_955 : i32 to index
      %get3A_972 = arith.constant 16 : index
      %get3A_973 = tpu.vector_load %arg18[%get3A_971, %get3A_972] {strides = array<i32>} : memref<256x64xf32, #tpu.memory_space<vmem>>, vector<16xf32>,
      %get3A_974 = arith.index_cast %add3A_955 : i32 to index
      %get3A_975 = arith.constant 32 : index
      %get3A_976 = tpu.vector_load %arg18[%get3A_974, %get3A_975] {strides = array<i32>} : memref<256x64xf32, #tpu.memory_space<vmem>>, vector<16xf32>,
      %get3A_977 = arith.index_cast %add3A_955 : i32 to index
      %get3A_978 = arith.constant 48 : index
      %get3A_979 = tpu.vector_load %arg18[%get3A_977, %get3A_978] {strides = array<i32>} : memref<256x64xf32, #tpu.memory_space<vmem>>, vector<16xf32>,
      %mul3A_980 = arith.mulf %get3A_958, %get3A_970 : vector<16xf32>
      %mul3A_981 = arith.mulf %get3A_961, %get3A_973 : vector<16xf32>
      %add3A_982 = arith.addf %mul3A_980, %mul3A_981 : vector<16xf32>
      %mul3A_983 = arith.mulf %get3A_964, %get3A_976 : vector<16xf32>
      %add3A_984 = arith.addf %add3A_982, %mul3A_983 : vector<16xf32>
      %mul3A_985 = arith.mulf %get3A_967, %get3A_979 : vector<16xf32>
      %add3A_986 = arith.addf %add3A_984, %mul3A_985 : vector<16xf32>
      %mul3A_987 = arith.mulf %get3A_958, %get3A_958 : vector<16xf32>
      %mul3A_988 = arith.mulf %get3A_961, %get3A_961 : vector<16xf32>
      %add3A_989 = arith.addf %mul3A_987, %mul3A_988 : vector<16xf32>
      %mul3A_990 = arith.mulf %get3A_964, %get3A_964 : vector<16xf32>
      %add3A_991 = arith.addf %add3A_989, %mul3A_990 : vector<16xf32>
      %mul3A_992 = arith.mulf %get3A_967, %get3A_967 : vector<16xf32>
      %add3A_993 = arith.addf %add3A_991, %mul3A_992 : vector<16xf32>
      %mul3A_994 = arith.mulf %get3A_970, %get3A_970 : vector<16xf32>
      %mul3A_995 = arith.mulf %get3A_973, %get3A_973 : vector<16xf32>
      %add3A_996 = arith.addf %mul3A_994, %mul3A_995 : vector<16xf32>
      %mul3A_997 = arith.mulf %get3A_976, %get3A_976 : vector<16xf32>
      %add3A_998 = arith.addf %add3A_996, %mul3A_997 : vector<16xf32>
      %mul3A_999 = arith.mulf %get3A_979, %get3A_979 : vector<16xf32>
      %add3A_1000 = arith.addf %add3A_998, %mul3A_999 : vector<16xf32>
      %get3A_1001 = arith.index_cast %add3A_955 : i32 to index
      %get3A_1002 = arith.constant 0 : index
      %get3A_1003 = tpu.vector_load %arg19[%get3A_1001, %get3A_1002] {strides = array<i32>} : memref<256x64xf32, #tpu.memory_space<vmem>>, vector<16xf32>,
      %get3A_1004 = arith.index_cast %add3A_955 : i32 to index
      %get3A_1005 = arith.constant 16 : index
      %get3A_1006 = tpu.vector_load %arg19[%get3A_1004, %get3A_1005] {strides = array<i32>} : memref<256x64xf32, #tpu.memory_space<vmem>>, vector<16xf32>,
      %get3A_1007 = arith.index_cast %add3A_955 : i32 to index
      %get3A_1008 = arith.constant 32 : index
      %get3A_1009 = tpu.vector_load %arg19[%get3A_1007, %get3A_1008] {strides = array<i32>} : memref<256x64xf32, #tpu.memory_space<vmem>>, vector<16xf32>,
      %get3A_1010 = arith.index_cast %add3A_955 : i32 to index
      %get3A_1011 = arith.constant 48 : index
      %get3A_1012 = tpu.vector_load %arg19[%get3A_1010, %get3A_1011] {strides = array<i32>} : memref<256x64xf32, #tpu.memory_space<vmem>>, vector<16xf32>,
      %get3A_1013 = arith.index_cast %add3A_955 : i32 to index
      %get3A_1014 = arith.constant 0 : index
      %get3A_1015 = tpu.vector_load %arg20[%get3A_1013, %get3A_1014] {strides = array<i32>} : memref<256x64xf32, #tpu.memory_space<vmem>>, vector<16xf32>,
      %get3A_1016 = arith.index_cast %add3A_955 : i32 to index
      %get3A_1017 = arith.constant 16 : index
      %get3A_1018 = tpu.vector_load %arg20[%get3A_1016, %get3A_1017] {strides = array<i32>} : memref<256x64xf32, #tpu.memory_space<vmem>>, vector<16xf32>,
      %get3A_1019 = arith.index_cast %add3A_955 : i32 to index
      %get3A_1020 = arith.constant 32 : index
      %get3A_1021 = tpu.vector_load %arg20[%get3A_1019, %get3A_1020] {strides = array<i32>} : memref<256x64xf32, #tpu.memory_space<vmem>>, vector<16xf32>,
      %get3A_1022 = arith.index_cast %add3A_955 : i32 to index
      %get3A_1023 = arith.constant 48 : index
      %get3A_1024 = tpu.vector_load %arg20[%get3A_1022, %get3A_1023] {strides = array<i32>} : memref<256x64xf32, #tpu.memory_space<vmem>>, vector<16xf32>,
      %mul3A_1025 = arith.mulf %get3A_1003, %get3A_1015 : vector<16xf32>
      %mul3A_1026 = arith.mulf %get3A_1006, %get3A_1018 : vector<16xf32>
      %add3A_1027 = arith.addf %mul3A_1025, %mul3A_1026 : vector<16xf32>
      %mul3A_1028 = arith.mulf %get3A_1009, %get3A_1021 : vector<16xf32>
      %add3A_1029 = arith.addf %add3A_1027, %mul3A_1028 : vector<16xf32>
      %mul3A_1030 = arith.mulf %get3A_1012, %get3A_1024 : vector<16xf32>
      %add3A_1031 = arith.addf %add3A_1029, %mul3A_1030 : vector<16xf32>
      %eq3A_1032 = arith.constant 8 : i32
      %eq3A_1033 = vector.broadcast %eq3A_1032 : i32 to vector<16xi32>
      %eq3A_1034 = arith.cmpi eq, %iota3A, %eq3A_1033 : vector<16xi32>
      %reduce_sum3A_1035 = arith.constant true
      %reduce_sum3A_1036 = vector.broadcast %reduce_sum3A_1035 : i1 to vector<16xi1>
      %reduce_sum3A_1037 = tpu.scan <sum>, %add3A_986 masked %reduce_sum3A_1036 : vector<16xf32>, vector<16xi1> -> vector<16xf32>
      %reduce_sum3A_1038 = vector.extract %reduce_sum3A_1037[15] : f32 from vector<16xf32>
      %broadcast_in_dim3A_1039 = vector.broadcast %reduce_sum3A_1038 : f32 to vector<16xf32>
      %select_n3A_1040 = arith.select %eq3A_1034, %broadcast_in_dim3A_1039, %select_n3A_933 : vector<16xi1>, vector<16xf32>
      %reduce_sum3A_1041 = arith.constant true
      %reduce_sum3A_1042 = vector.broadcast %reduce_sum3A_1041 : i1 to vector<16xi1>
      %reduce_sum3A_1043 = tpu.scan <sum>, %add3A_993 masked %reduce_sum3A_1042 : vector<16xf32>, vector<16xi1> -> vector<16xf32>
      %reduce_sum3A_1044 = vector.extract %reduce_sum3A_1043[15] : f32 from vector<16xf32>
      %broadcast_in_dim3A_1045 = vector.broadcast %reduce_sum3A_1044 : f32 to vector<16xf32>
      %select_n3A_1046 = arith.select %eq3A_1034, %broadcast_in_dim3A_1045, %select_n3A_939 : vector<16xi1>, vector<16xf32>
      %reduce_sum3A_1047 = arith.constant true
      %reduce_sum3A_1048 = vector.broadcast %reduce_sum3A_1047 : i1 to vector<16xi1>
      %reduce_sum3A_1049 = tpu.scan <sum>, %add3A_1000 masked %reduce_sum3A_1048 : vector<16xf32>, vector<16xi1> -> vector<16xf32>
      %reduce_sum3A_1050 = vector.extract %reduce_sum3A_1049[15] : f32 from vector<16xf32>
      %broadcast_in_dim3A_1051 = vector.broadcast %reduce_sum3A_1050 : f32 to vector<16xf32>
      %select_n3A_1052 = arith.select %eq3A_1034, %broadcast_in_dim3A_1051, %select_n3A_945 : vector<16xi1>, vector<16xf32>
      %reduce_sum3A_1053 = arith.constant true
      %reduce_sum3A_1054 = vector.broadcast %reduce_sum3A_1053 : i1 to vector<16xi1>
      %reduce_sum3A_1055 = tpu.scan <sum>, %add3A_1031 masked %reduce_sum3A_1054 : vector<16xf32>, vector<16xi1> -> vector<16xf32>
      %reduce_sum3A_1056 = vector.extract %reduce_sum3A_1055[15] : f32 from vector<16xf32>
      %broadcast_in_dim3A_1057 = vector.broadcast %reduce_sum3A_1056 : f32 to vector<16xf32>
      %select_n3A_1058 = arith.select %eq3A_1034, %broadcast_in_dim3A_1057, %select_n3A_951 : vector<16xi1>, vector<16xf32>
      %mul3A_1059 = arith.constant 16 : i32
      %mul3A_1060 = arith.muli %scan3A_92, %mul3A_1059 : i32
      %add3A_1061 = arith.constant 9 : i32
      %add3A_1062 = arith.addi %mul3A_1060, %add3A_1061 : i32
      %get3A_1063 = arith.index_cast %add3A_1062 : i32 to index
      %get3A_1064 = arith.constant 0 : index
      %get3A_1065 = tpu.vector_load %arg17[%get3A_1063, %get3A_1064] {strides = array<i32>} : memref<256x64xf32, #tpu.memory_space<vmem>>, vector<16xf32>,
      %get3A_1066 = arith.index_cast %add3A_1062 : i32 to index
      %get3A_1067 = arith.constant 16 : index
      %get3A_1068 = tpu.vector_load %arg17[%get3A_1066, %get3A_1067] {strides = array<i32>} : memref<256x64xf32, #tpu.memory_space<vmem>>, vector<16xf32>,
      %get3A_1069 = arith.index_cast %add3A_1062 : i32 to index
      %get3A_1070 = arith.constant 32 : index
      %get3A_1071 = tpu.vector_load %arg17[%get3A_1069, %get3A_1070] {strides = array<i32>} : memref<256x64xf32, #tpu.memory_space<vmem>>, vector<16xf32>,
      %get3A_1072 = arith.index_cast %add3A_1062 : i32 to index
      %get3A_1073 = arith.constant 48 : index
      %get3A_1074 = tpu.vector_load %arg17[%get3A_1072, %get3A_1073] {strides = array<i32>} : memref<256x64xf32, #tpu.memory_space<vmem>>, vector<16xf32>,
      %get3A_1075 = arith.index_cast %add3A_1062 : i32 to index
      %get3A_1076 = arith.constant 0 : index
      %get3A_1077 = tpu.vector_load %arg18[%get3A_1075, %get3A_1076] {strides = array<i32>} : memref<256x64xf32, #tpu.memory_space<vmem>>, vector<16xf32>,
      %get3A_1078 = arith.index_cast %add3A_1062 : i32 to index
      %get3A_1079 = arith.constant 16 : index
      %get3A_1080 = tpu.vector_load %arg18[%get3A_1078, %get3A_1079] {strides = array<i32>} : memref<256x64xf32, #tpu.memory_space<vmem>>, vector<16xf32>,
      %get3A_1081 = arith.index_cast %add3A_1062 : i32 to index
      %get3A_1082 = arith.constant 32 : index
      %get3A_1083 = tpu.vector_load %arg18[%get3A_1081, %get3A_1082] {strides = array<i32>} : memref<256x64xf32, #tpu.memory_space<vmem>>, vector<16xf32>,
      %get3A_1084 = arith.index_cast %add3A_1062 : i32 to index
      %get3A_1085 = arith.constant 48 : index
      %get3A_1086 = tpu.vector_load %arg18[%get3A_1084, %get3A_1085] {strides = array<i32>} : memref<256x64xf32, #tpu.memory_space<vmem>>, vector<16xf32>,
      %mul3A_1087 = arith.mulf %get3A_1065, %get3A_1077 : vector<16xf32>
      %mul3A_1088 = arith.mulf %get3A_1068, %get3A_1080 : vector<16xf32>
      %add3A_1089 = arith.addf %mul3A_1087, %mul3A_1088 : vector<16xf32>
      %mul3A_1090 = arith.mulf %get3A_1071, %get3A_1083 : vector<16xf32>
      %add3A_1091 = arith.addf %add3A_1089, %mul3A_1090 : vector<16xf32>
      %mul3A_1092 = arith.mulf %get3A_1074, %get3A_1086 : vector<16xf32>
      %add3A_1093 = arith.addf %add3A_1091, %mul3A_1092 : vector<16xf32>
      %mul3A_1094 = arith.mulf %get3A_1065, %get3A_1065 : vector<16xf32>
      %mul3A_1095 = arith.mulf %get3A_1068, %get3A_1068 : vector<16xf32>
      %add3A_1096 = arith.addf %mul3A_1094, %mul3A_1095 : vector<16xf32>
      %mul3A_1097 = arith.mulf %get3A_1071, %get3A_1071 : vector<16xf32>
      %add3A_1098 = arith.addf %add3A_1096, %mul3A_1097 : vector<16xf32>
      %mul3A_1099 = arith.mulf %get3A_1074, %get3A_1074 : vector<16xf32>
      %add3A_1100 = arith.addf %add3A_1098, %mul3A_1099 : vector<16xf32>
      %mul3A_1101 = arith.mulf %get3A_1077, %get3A_1077 : vector<16xf32>
      %mul3A_1102 = arith.mulf %get3A_1080, %get3A_1080 : vector<16xf32>
      %add3A_1103 = arith.addf %mul3A_1101, %mul3A_1102 : vector<16xf32>
      %mul3A_1104 = arith.mulf %get3A_1083, %get3A_1083 : vector<16xf32>
      %add3A_1105 = arith.addf %add3A_1103, %mul3A_1104 : vector<16xf32>
      %mul3A_1106 = arith.mulf %get3A_1086, %get3A_1086 : vector<16xf32>
      %add3A_1107 = arith.addf %add3A_1105, %mul3A_1106 : vector<16xf32>
      %get3A_1108 = arith.index_cast %add3A_1062 : i32 to index
      %get3A_1109 = arith.constant 0 : index
      %get3A_1110 = tpu.vector_load %arg19[%get3A_1108, %get3A_1109] {strides = array<i32>} : memref<256x64xf32, #tpu.memory_space<vmem>>, vector<16xf32>,
      %get3A_1111 = arith.index_cast %add3A_1062 : i32 to index
      %get3A_1112 = arith.constant 16 : index
      %get3A_1113 = tpu.vector_load %arg19[%get3A_1111, %get3A_1112] {strides = array<i32>} : memref<256x64xf32, #tpu.memory_space<vmem>>, vector<16xf32>,
      %get3A_1114 = arith.index_cast %add3A_1062 : i32 to index
      %get3A_1115 = arith.constant 32 : index
      %get3A_1116 = tpu.vector_load %arg19[%get3A_1114, %get3A_1115] {strides = array<i32>} : memref<256x64xf32, #tpu.memory_space<vmem>>, vector<16xf32>,
      %get3A_1117 = arith.index_cast %add3A_1062 : i32 to index
      %get3A_1118 = arith.constant 48 : index
      %get3A_1119 = tpu.vector_load %arg19[%get3A_1117, %get3A_1118] {strides = array<i32>} : memref<256x64xf32, #tpu.memory_space<vmem>>, vector<16xf32>,
      %get3A_1120 = arith.index_cast %add3A_1062 : i32 to index
      %get3A_1121 = arith.constant 0 : index
      %get3A_1122 = tpu.vector_load %arg20[%get3A_1120, %get3A_1121] {strides = array<i32>} : memref<256x64xf32, #tpu.memory_space<vmem>>, vector<16xf32>,
      %get3A_1123 = arith.index_cast %add3A_1062 : i32 to index
      %get3A_1124 = arith.constant 16 : index
      %get3A_1125 = tpu.vector_load %arg20[%get3A_1123, %get3A_1124] {strides = array<i32>} : memref<256x64xf32, #tpu.memory_space<vmem>>, vector<16xf32>,
      %get3A_1126 = arith.index_cast %add3A_1062 : i32 to index
      %get3A_1127 = arith.constant 32 : index
      %get3A_1128 = tpu.vector_load %arg20[%get3A_1126, %get3A_1127] {strides = array<i32>} : memref<256x64xf32, #tpu.memory_space<vmem>>, vector<16xf32>,
      %get3A_1129 = arith.index_cast %add3A_1062 : i32 to index
      %get3A_1130 = arith.constant 48 : index
      %get3A_1131 = tpu.vector_load %arg20[%get3A_1129, %get3A_1130] {strides = array<i32>} : memref<256x64xf32, #tpu.memory_space<vmem>>, vector<16xf32>,
      %mul3A_1132 = arith.mulf %get3A_1110, %get3A_1122 : vector<16xf32>
      %mul3A_1133 = arith.mulf %get3A_1113, %get3A_1125 : vector<16xf32>
      %add3A_1134 = arith.addf %mul3A_1132, %mul3A_1133 : vector<16xf32>
      %mul3A_1135 = arith.mulf %get3A_1116, %get3A_1128 : vector<16xf32>
      %add3A_1136 = arith.addf %add3A_1134, %mul3A_1135 : vector<16xf32>
      %mul3A_1137 = arith.mulf %get3A_1119, %get3A_1131 : vector<16xf32>
      %add3A_1138 = arith.addf %add3A_1136, %mul3A_1137 : vector<16xf32>
      %eq3A_1139 = arith.constant 9 : i32
      %eq3A_1140 = vector.broadcast %eq3A_1139 : i32 to vector<16xi32>
      %eq3A_1141 = arith.cmpi eq, %iota3A, %eq3A_1140 : vector<16xi32>
      %reduce_sum3A_1142 = arith.constant true
      %reduce_sum3A_1143 = vector.broadcast %reduce_sum3A_1142 : i1 to vector<16xi1>
      %reduce_sum3A_1144 = tpu.scan <sum>, %add3A_1093 masked %reduce_sum3A_1143 : vector<16xf32>, vector<16xi1> -> vector<16xf32>
      %reduce_sum3A_1145 = vector.extract %reduce_sum3A_1144[15] : f32 from vector<16xf32>
      %broadcast_in_dim3A_1146 = vector.broadcast %reduce_sum3A_1145 : f32 to vector<16xf32>
      %select_n3A_1147 = arith.select %eq3A_1141, %broadcast_in_dim3A_1146, %select_n3A_1040 : vector<16xi1>, vector<16xf32>
      %reduce_sum3A_1148 = arith.constant true
      %reduce_sum3A_1149 = vector.broadcast %reduce_sum3A_1148 : i1 to vector<16xi1>
      %reduce_sum3A_1150 = tpu.scan <sum>, %add3A_1100 masked %reduce_sum3A_1149 : vector<16xf32>, vector<16xi1> -> vector<16xf32>
      %reduce_sum3A_1151 = vector.extract %reduce_sum3A_1150[15] : f32 from vector<16xf32>
      %broadcast_in_dim3A_1152 = vector.broadcast %reduce_sum3A_1151 : f32 to vector<16xf32>
      %select_n3A_1153 = arith.select %eq3A_1141, %broadcast_in_dim3A_1152, %select_n3A_1046 : vector<16xi1>, vector<16xf32>
      %reduce_sum3A_1154 = arith.constant true
      %reduce_sum3A_1155 = vector.broadcast %reduce_sum3A_1154 : i1 to vector<16xi1>
      %reduce_sum3A_1156 = tpu.scan <sum>, %add3A_1107 masked %reduce_sum3A_1155 : vector<16xf32>, vector<16xi1> -> vector<16xf32>
      %reduce_sum3A_1157 = vector.extract %reduce_sum3A_1156[15] : f32 from vector<16xf32>
      %broadcast_in_dim3A_1158 = vector.broadcast %reduce_sum3A_1157 : f32 to vector<16xf32>
      %select_n3A_1159 = arith.select %eq3A_1141, %broadcast_in_dim3A_1158, %select_n3A_1052 : vector<16xi1>, vector<16xf32>
      %reduce_sum3A_1160 = arith.constant true
      %reduce_sum3A_1161 = vector.broadcast %reduce_sum3A_1160 : i1 to vector<16xi1>
      %reduce_sum3A_1162 = tpu.scan <sum>, %add3A_1138 masked %reduce_sum3A_1161 : vector<16xf32>, vector<16xi1> -> vector<16xf32>
      %reduce_sum3A_1163 = vector.extract %reduce_sum3A_1162[15] : f32 from vector<16xf32>
      %broadcast_in_dim3A_1164 = vector.broadcast %reduce_sum3A_1163 : f32 to vector<16xf32>
      %select_n3A_1165 = arith.select %eq3A_1141, %broadcast_in_dim3A_1164, %select_n3A_1058 : vector<16xi1>, vector<16xf32>
      %mul3A_1166 = arith.constant 16 : i32
      %mul3A_1167 = arith.muli %scan3A_92, %mul3A_1166 : i32
      %add3A_1168 = arith.constant 10 : i32
      %add3A_1169 = arith.addi %mul3A_1167, %add3A_1168 : i32
      %get3A_1170 = arith.index_cast %add3A_1169 : i32 to index
      %get3A_1171 = arith.constant 0 : index
      %get3A_1172 = tpu.vector_load %arg17[%get3A_1170, %get3A_1171] {strides = array<i32>} : memref<256x64xf32, #tpu.memory_space<vmem>>, vector<16xf32>,
      %get3A_1173 = arith.index_cast %add3A_1169 : i32 to index
      %get3A_1174 = arith.constant 16 : index
      %get3A_1175 = tpu.vector_load %arg17[%get3A_1173, %get3A_1174] {strides = array<i32>} : memref<256x64xf32, #tpu.memory_space<vmem>>, vector<16xf32>,
      %get3A_1176 = arith.index_cast %add3A_1169 : i32 to index
      %get3A_1177 = arith.constant 32 : index
      %get3A_1178 = tpu.vector_load %arg17[%get3A_1176, %get3A_1177] {strides = array<i32>} : memref<256x64xf32, #tpu.memory_space<vmem>>, vector<16xf32>,
      %get3A_1179 = arith.index_cast %add3A_1169 : i32 to index
      %get3A_1180 = arith.constant 48 : index
      %get3A_1181 = tpu.vector_load %arg17[%get3A_1179, %get3A_1180] {strides = array<i32>} : memref<256x64xf32, #tpu.memory_space<vmem>>, vector<16xf32>,
      %get3A_1182 = arith.index_cast %add3A_1169 : i32 to index
      %get3A_1183 = arith.constant 0 : index
      %get3A_1184 = tpu.vector_load %arg18[%get3A_1182, %get3A_1183] {strides = array<i32>} : memref<256x64xf32, #tpu.memory_space<vmem>>, vector<16xf32>,
      %get3A_1185 = arith.index_cast %add3A_1169 : i32 to index
      %get3A_1186 = arith.constant 16 : index
      %get3A_1187 = tpu.vector_load %arg18[%get3A_1185, %get3A_1186] {strides = array<i32>} : memref<256x64xf32, #tpu.memory_space<vmem>>, vector<16xf32>,
      %get3A_1188 = arith.index_cast %add3A_1169 : i32 to index
      %get3A_1189 = arith.constant 32 : index
      %get3A_1190 = tpu.vector_load %arg18[%get3A_1188, %get3A_1189] {strides = array<i32>} : memref<256x64xf32, #tpu.memory_space<vmem>>, vector<16xf32>,
      %get3A_1191 = arith.index_cast %add3A_1169 : i32 to index
      %get3A_1192 = arith.constant 48 : index
      %get3A_1193 = tpu.vector_load %arg18[%get3A_1191, %get3A_1192] {strides = array<i32>} : memref<256x64xf32, #tpu.memory_space<vmem>>, vector<16xf32>,
      %mul3A_1194 = arith.mulf %get3A_1172, %get3A_1184 : vector<16xf32>
      %mul3A_1195 = arith.mulf %get3A_1175, %get3A_1187 : vector<16xf32>
      %add3A_1196 = arith.addf %mul3A_1194, %mul3A_1195 : vector<16xf32>
      %mul3A_1197 = arith.mulf %get3A_1178, %get3A_1190 : vector<16xf32>
      %add3A_1198 = arith.addf %add3A_1196, %mul3A_1197 : vector<16xf32>
      %mul3A_1199 = arith.mulf %get3A_1181, %get3A_1193 : vector<16xf32>
      %add3A_1200 = arith.addf %add3A_1198, %mul3A_1199 : vector<16xf32>
      %mul3A_1201 = arith.mulf %get3A_1172, %get3A_1172 : vector<16xf32>
      %mul3A_1202 = arith.mulf %get3A_1175, %get3A_1175 : vector<16xf32>
      %add3A_1203 = arith.addf %mul3A_1201, %mul3A_1202 : vector<16xf32>
      %mul3A_1204 = arith.mulf %get3A_1178, %get3A_1178 : vector<16xf32>
      %add3A_1205 = arith.addf %add3A_1203, %mul3A_1204 : vector<16xf32>
      %mul3A_1206 = arith.mulf %get3A_1181, %get3A_1181 : vector<16xf32>
      %add3A_1207 = arith.addf %add3A_1205, %mul3A_1206 : vector<16xf32>
      %mul3A_1208 = arith.mulf %get3A_1184, %get3A_1184 : vector<16xf32>
      %mul3A_1209 = arith.mulf %get3A_1187, %get3A_1187 : vector<16xf32>
      %add3A_1210 = arith.addf %mul3A_1208, %mul3A_1209 : vector<16xf32>
      %mul3A_1211 = arith.mulf %get3A_1190, %get3A_1190 : vector<16xf32>
      %add3A_1212 = arith.addf %add3A_1210, %mul3A_1211 : vector<16xf32>
      %mul3A_1213 = arith.mulf %get3A_1193, %get3A_1193 : vector<16xf32>
      %add3A_1214 = arith.addf %add3A_1212, %mul3A_1213 : vector<16xf32>
      %get3A_1215 = arith.index_cast %add3A_1169 : i32 to index
      %get3A_1216 = arith.constant 0 : index
      %get3A_1217 = tpu.vector_load %arg19[%get3A_1215, %get3A_1216] {strides = array<i32>} : memref<256x64xf32, #tpu.memory_space<vmem>>, vector<16xf32>,
      %get3A_1218 = arith.index_cast %add3A_1169 : i32 to index
      %get3A_1219 = arith.constant 16 : index
      %get3A_1220 = tpu.vector_load %arg19[%get3A_1218, %get3A_1219] {strides = array<i32>} : memref<256x64xf32, #tpu.memory_space<vmem>>, vector<16xf32>,
      %get3A_1221 = arith.index_cast %add3A_1169 : i32 to index
      %get3A_1222 = arith.constant 32 : index
      %get3A_1223 = tpu.vector_load %arg19[%get3A_1221, %get3A_1222] {strides = array<i32>} : memref<256x64xf32, #tpu.memory_space<vmem>>, vector<16xf32>,
      %get3A_1224 = arith.index_cast %add3A_1169 : i32 to index
      %get3A_1225 = arith.constant 48 : index
      %get3A_1226 = tpu.vector_load %arg19[%get3A_1224, %get3A_1225] {strides = array<i32>} : memref<256x64xf32, #tpu.memory_space<vmem>>, vector<16xf32>,
      %get3A_1227 = arith.index_cast %add3A_1169 : i32 to index
      %get3A_1228 = arith.constant 0 : index
      %get3A_1229 = tpu.vector_load %arg20[%get3A_1227, %get3A_1228] {strides = array<i32>} : memref<256x64xf32, #tpu.memory_space<vmem>>, vector<16xf32>,
      %get3A_1230 = arith.index_cast %add3A_1169 : i32 to index
      %get3A_1231 = arith.constant 16 : index
      %get3A_1232 = tpu.vector_load %arg20[%get3A_1230, %get3A_1231] {strides = array<i32>} : memref<256x64xf32, #tpu.memory_space<vmem>>, vector<16xf32>,
      %get3A_1233 = arith.index_cast %add3A_1169 : i32 to index
      %get3A_1234 = arith.constant 32 : index
      %get3A_1235 = tpu.vector_load %arg20[%get3A_1233, %get3A_1234] {strides = array<i32>} : memref<256x64xf32, #tpu.memory_space<vmem>>, vector<16xf32>,
      %get3A_1236 = arith.index_cast %add3A_1169 : i32 to index
      %get3A_1237 = arith.constant 48 : index
      %get3A_1238 = tpu.vector_load %arg20[%get3A_1236, %get3A_1237] {strides = array<i32>} : memref<256x64xf32, #tpu.memory_space<vmem>>, vector<16xf32>,
      %mul3A_1239 = arith.mulf %get3A_1217, %get3A_1229 : vector<16xf32>
      %mul3A_1240 = arith.mulf %get3A_1220, %get3A_1232 : vector<16xf32>
      %add3A_1241 = arith.addf %mul3A_1239, %mul3A_1240 : vector<16xf32>
      %mul3A_1242 = arith.mulf %get3A_1223, %get3A_1235 : vector<16xf32>
      %add3A_1243 = arith.addf %add3A_1241, %mul3A_1242 : vector<16xf32>
      %mul3A_1244 = arith.mulf %get3A_1226, %get3A_1238 : vector<16xf32>
      %add3A_1245 = arith.addf %add3A_1243, %mul3A_1244 : vector<16xf32>
      %eq3A_1246 = arith.constant 10 : i32
      %eq3A_1247 = vector.broadcast %eq3A_1246 : i32 to vector<16xi32>
      %eq3A_1248 = arith.cmpi eq, %iota3A, %eq3A_1247 : vector<16xi32>
      %reduce_sum3A_1249 = arith.constant true
      %reduce_sum3A_1250 = vector.broadcast %reduce_sum3A_1249 : i1 to vector<16xi1>
      %reduce_sum3A_1251 = tpu.scan <sum>, %add3A_1200 masked %reduce_sum3A_1250 : vector<16xf32>, vector<16xi1> -> vector<16xf32>
      %reduce_sum3A_1252 = vector.extract %reduce_sum3A_1251[15] : f32 from vector<16xf32>
      %broadcast_in_dim3A_1253 = vector.broadcast %reduce_sum3A_1252 : f32 to vector<16xf32>
      %select_n3A_1254 = arith.select %eq3A_1248, %broadcast_in_dim3A_1253, %select_n3A_1147 : vector<16xi1>, vector<16xf32>
      %reduce_sum3A_1255 = arith.constant true
      %reduce_sum3A_1256 = vector.broadcast %reduce_sum3A_1255 : i1 to vector<16xi1>
      %reduce_sum3A_1257 = tpu.scan <sum>, %add3A_1207 masked %reduce_sum3A_1256 : vector<16xf32>, vector<16xi1> -> vector<16xf32>
      %reduce_sum3A_1258 = vector.extract %reduce_sum3A_1257[15] : f32 from vector<16xf32>
      %broadcast_in_dim3A_1259 = vector.broadcast %reduce_sum3A_1258 : f32 to vector<16xf32>
      %select_n3A_1260 = arith.select %eq3A_1248, %broadcast_in_dim3A_1259, %select_n3A_1153 : vector<16xi1>, vector<16xf32>
      %reduce_sum3A_1261 = arith.constant true
      %reduce_sum3A_1262 = vector.broadcast %reduce_sum3A_1261 : i1 to vector<16xi1>
      %reduce_sum3A_1263 = tpu.scan <sum>, %add3A_1214 masked %reduce_sum3A_1262 : vector<16xf32>, vector<16xi1> -> vector<16xf32>
      %reduce_sum3A_1264 = vector.extract %reduce_sum3A_1263[15] : f32 from vector<16xf32>
      %broadcast_in_dim3A_1265 = vector.broadcast %reduce_sum3A_1264 : f32 to vector<16xf32>
      %select_n3A_1266 = arith.select %eq3A_1248, %broadcast_in_dim3A_1265, %select_n3A_1159 : vector<16xi1>, vector<16xf32>
      %reduce_sum3A_1267 = arith.constant true
      %reduce_sum3A_1268 = vector.broadcast %reduce_sum3A_1267 : i1 to vector<16xi1>
      %reduce_sum3A_1269 = tpu.scan <sum>, %add3A_1245 masked %reduce_sum3A_1268 : vector<16xf32>, vector<16xi1> -> vector<16xf32>
      %reduce_sum3A_1270 = vector.extract %reduce_sum3A_1269[15] : f32 from vector<16xf32>
      %broadcast_in_dim3A_1271 = vector.broadcast %reduce_sum3A_1270 : f32 to vector<16xf32>
      %select_n3A_1272 = arith.select %eq3A_1248, %broadcast_in_dim3A_1271, %select_n3A_1165 : vector<16xi1>, vector<16xf32>
      %mul3A_1273 = arith.constant 16 : i32
      %mul3A_1274 = arith.muli %scan3A_92, %mul3A_1273 : i32
      %add3A_1275 = arith.constant 11 : i32
      %add3A_1276 = arith.addi %mul3A_1274, %add3A_1275 : i32
      %get3A_1277 = arith.index_cast %add3A_1276 : i32 to index
      %get3A_1278 = arith.constant 0 : index
      %get3A_1279 = tpu.vector_load %arg17[%get3A_1277, %get3A_1278] {strides = array<i32>} : memref<256x64xf32, #tpu.memory_space<vmem>>, vector<16xf32>,
      %get3A_1280 = arith.index_cast %add3A_1276 : i32 to index
      %get3A_1281 = arith.constant 16 : index
      %get3A_1282 = tpu.vector_load %arg17[%get3A_1280, %get3A_1281] {strides = array<i32>} : memref<256x64xf32, #tpu.memory_space<vmem>>, vector<16xf32>,
      %get3A_1283 = arith.index_cast %add3A_1276 : i32 to index
      %get3A_1284 = arith.constant 32 : index
      %get3A_1285 = tpu.vector_load %arg17[%get3A_1283, %get3A_1284] {strides = array<i32>} : memref<256x64xf32, #tpu.memory_space<vmem>>, vector<16xf32>,
      %get3A_1286 = arith.index_cast %add3A_1276 : i32 to index
      %get3A_1287 = arith.constant 48 : index
      %get3A_1288 = tpu.vector_load %arg17[%get3A_1286, %get3A_1287] {strides = array<i32>} : memref<256x64xf32, #tpu.memory_space<vmem>>, vector<16xf32>,
      %get3A_1289 = arith.index_cast %add3A_1276 : i32 to index
      %get3A_1290 = arith.constant 0 : index
      %get3A_1291 = tpu.vector_load %arg18[%get3A_1289, %get3A_1290] {strides = array<i32>} : memref<256x64xf32, #tpu.memory_space<vmem>>, vector<16xf32>,
      %get3A_1292 = arith.index_cast %add3A_1276 : i32 to index
      %get3A_1293 = arith.constant 16 : index
      %get3A_1294 = tpu.vector_load %arg18[%get3A_1292, %get3A_1293] {strides = array<i32>} : memref<256x64xf32, #tpu.memory_space<vmem>>, vector<16xf32>,
      %get3A_1295 = arith.index_cast %add3A_1276 : i32 to index
      %get3A_1296 = arith.constant 32 : index
      %get3A_1297 = tpu.vector_load %arg18[%get3A_1295, %get3A_1296] {strides = array<i32>} : memref<256x64xf32, #tpu.memory_space<vmem>>, vector<16xf32>,
      %get3A_1298 = arith.index_cast %add3A_1276 : i32 to index
      %get3A_1299 = arith.constant 48 : index
      %get3A_1300 = tpu.vector_load %arg18[%get3A_1298, %get3A_1299] {strides = array<i32>} : memref<256x64xf32, #tpu.memory_space<vmem>>, vector<16xf32>,
      %mul3A_1301 = arith.mulf %get3A_1279, %get3A_1291 : vector<16xf32>
      %mul3A_1302 = arith.mulf %get3A_1282, %get3A_1294 : vector<16xf32>
      %add3A_1303 = arith.addf %mul3A_1301, %mul3A_1302 : vector<16xf32>
      %mul3A_1304 = arith.mulf %get3A_1285, %get3A_1297 : vector<16xf32>
      %add3A_1305 = arith.addf %add3A_1303, %mul3A_1304 : vector<16xf32>
      %mul3A_1306 = arith.mulf %get3A_1288, %get3A_1300 : vector<16xf32>
      %add3A_1307 = arith.addf %add3A_1305, %mul3A_1306 : vector<16xf32>
      %mul3A_1308 = arith.mulf %get3A_1279, %get3A_1279 : vector<16xf32>
      %mul3A_1309 = arith.mulf %get3A_1282, %get3A_1282 : vector<16xf32>
      %add3A_1310 = arith.addf %mul3A_1308, %mul3A_1309 : vector<16xf32>
      %mul3A_1311 = arith.mulf %get3A_1285, %get3A_1285 : vector<16xf32>
      %add3A_1312 = arith.addf %add3A_1310, %mul3A_1311 : vector<16xf32>
      %mul3A_1313 = arith.mulf %get3A_1288, %get3A_1288 : vector<16xf32>
      %add3A_1314 = arith.addf %add3A_1312, %mul3A_1313 : vector<16xf32>
      %mul3A_1315 = arith.mulf %get3A_1291, %get3A_1291 : vector<16xf32>
      %mul3A_1316 = arith.mulf %get3A_1294, %get3A_1294 : vector<16xf32>
      %add3A_1317 = arith.addf %mul3A_1315, %mul3A_1316 : vector<16xf32>
      %mul3A_1318 = arith.mulf %get3A_1297, %get3A_1297 : vector<16xf32>
      %add3A_1319 = arith.addf %add3A_1317, %mul3A_1318 : vector<16xf32>
      %mul3A_1320 = arith.mulf %get3A_1300, %get3A_1300 : vector<16xf32>
      %add3A_1321 = arith.addf %add3A_1319, %mul3A_1320 : vector<16xf32>
      %get3A_1322 = arith.index_cast %add3A_1276 : i32 to index
      %get3A_1323 = arith.constant 0 : index
      %get3A_1324 = tpu.vector_load %arg19[%get3A_1322, %get3A_1323] {strides = array<i32>} : memref<256x64xf32, #tpu.memory_space<vmem>>, vector<16xf32>,
      %get3A_1325 = arith.index_cast %add3A_1276 : i32 to index
      %get3A_1326 = arith.constant 16 : index
      %get3A_1327 = tpu.vector_load %arg19[%get3A_1325, %get3A_1326] {strides = array<i32>} : memref<256x64xf32, #tpu.memory_space<vmem>>, vector<16xf32>,
      %get3A_1328 = arith.index_cast %add3A_1276 : i32 to index
      %get3A_1329 = arith.constant 32 : index
      %get3A_1330 = tpu.vector_load %arg19[%get3A_1328, %get3A_1329] {strides = array<i32>} : memref<256x64xf32, #tpu.memory_space<vmem>>, vector<16xf32>,
      %get3A_1331 = arith.index_cast %add3A_1276 : i32 to index
      %get3A_1332 = arith.constant 48 : index
      %get3A_1333 = tpu.vector_load %arg19[%get3A_1331, %get3A_1332] {strides = array<i32>} : memref<256x64xf32, #tpu.memory_space<vmem>>, vector<16xf32>,
      %get3A_1334 = arith.index_cast %add3A_1276 : i32 to index
      %get3A_1335 = arith.constant 0 : index
      %get3A_1336 = tpu.vector_load %arg20[%get3A_1334, %get3A_1335] {strides = array<i32>} : memref<256x64xf32, #tpu.memory_space<vmem>>, vector<16xf32>,
      %get3A_1337 = arith.index_cast %add3A_1276 : i32 to index
      %get3A_1338 = arith.constant 16 : index
      %get3A_1339 = tpu.vector_load %arg20[%get3A_1337, %get3A_1338] {strides = array<i32>} : memref<256x64xf32, #tpu.memory_space<vmem>>, vector<16xf32>,
      %get3A_1340 = arith.index_cast %add3A_1276 : i32 to index
      %get3A_1341 = arith.constant 32 : index
      %get3A_1342 = tpu.vector_load %arg20[%get3A_1340, %get3A_1341] {strides = array<i32>} : memref<256x64xf32, #tpu.memory_space<vmem>>, vector<16xf32>,
      %get3A_1343 = arith.index_cast %add3A_1276 : i32 to index
      %get3A_1344 = arith.constant 48 : index
      %get3A_1345 = tpu.vector_load %arg20[%get3A_1343, %get3A_1344] {strides = array<i32>} : memref<256x64xf32, #tpu.memory_space<vmem>>, vector<16xf32>,
      %mul3A_1346 = arith.mulf %get3A_1324, %get3A_1336 : vector<16xf32>
      %mul3A_1347 = arith.mulf %get3A_1327, %get3A_1339 : vector<16xf32>
      %add3A_1348 = arith.addf %mul3A_1346, %mul3A_1347 : vector<16xf32>
      %mul3A_1349 = arith.mulf %get3A_1330, %get3A_1342 : vector<16xf32>
      %add3A_1350 = arith.addf %add3A_1348, %mul3A_1349 : vector<16xf32>
      %mul3A_1351 = arith.mulf %get3A_1333, %get3A_1345 : vector<16xf32>
      %add3A_1352 = arith.addf %add3A_1350, %mul3A_1351 : vector<16xf32>
      %eq3A_1353 = arith.constant 11 : i32
      %eq3A_1354 = vector.broadcast %eq3A_1353 : i32 to vector<16xi32>
      %eq3A_1355 = arith.cmpi eq, %iota3A, %eq3A_1354 : vector<16xi32>
      %reduce_sum3A_1356 = arith.constant true
      %reduce_sum3A_1357 = vector.broadcast %reduce_sum3A_1356 : i1 to vector<16xi1>
      %reduce_sum3A_1358 = tpu.scan <sum>, %add3A_1307 masked %reduce_sum3A_1357 : vector<16xf32>, vector<16xi1> -> vector<16xf32>
      %reduce_sum3A_1359 = vector.extract %reduce_sum3A_1358[15] : f32 from vector<16xf32>
      %broadcast_in_dim3A_1360 = vector.broadcast %reduce_sum3A_1359 : f32 to vector<16xf32>
      %select_n3A_1361 = arith.select %eq3A_1355, %broadcast_in_dim3A_1360, %select_n3A_1254 : vector<16xi1>, vector<16xf32>
      %reduce_sum3A_1362 = arith.constant true
      %reduce_sum3A_1363 = vector.broadcast %reduce_sum3A_1362 : i1 to vector<16xi1>
      %reduce_sum3A_1364 = tpu.scan <sum>, %add3A_1314 masked %reduce_sum3A_1363 : vector<16xf32>, vector<16xi1> -> vector<16xf32>
      %reduce_sum3A_1365 = vector.extract %reduce_sum3A_1364[15] : f32 from vector<16xf32>
      %broadcast_in_dim3A_1366 = vector.broadcast %reduce_sum3A_1365 : f32 to vector<16xf32>
      %select_n3A_1367 = arith.select %eq3A_1355, %broadcast_in_dim3A_1366, %select_n3A_1260 : vector<16xi1>, vector<16xf32>
      %reduce_sum3A_1368 = arith.constant true
      %reduce_sum3A_1369 = vector.broadcast %reduce_sum3A_1368 : i1 to vector<16xi1>
      %reduce_sum3A_1370 = tpu.scan <sum>, %add3A_1321 masked %reduce_sum3A_1369 : vector<16xf32>, vector<16xi1> -> vector<16xf32>
      %reduce_sum3A_1371 = vector.extract %reduce_sum3A_1370[15] : f32 from vector<16xf32>
      %broadcast_in_dim3A_1372 = vector.broadcast %reduce_sum3A_1371 : f32 to vector<16xf32>
      %select_n3A_1373 = arith.select %eq3A_1355, %broadcast_in_dim3A_1372, %select_n3A_1266 : vector<16xi1>, vector<16xf32>
      %reduce_sum3A_1374 = arith.constant true
      %reduce_sum3A_1375 = vector.broadcast %reduce_sum3A_1374 : i1 to vector<16xi1>
      %reduce_sum3A_1376 = tpu.scan <sum>, %add3A_1352 masked %reduce_sum3A_1375 : vector<16xf32>, vector<16xi1> -> vector<16xf32>
      %reduce_sum3A_1377 = vector.extract %reduce_sum3A_1376[15] : f32 from vector<16xf32>
      %broadcast_in_dim3A_1378 = vector.broadcast %reduce_sum3A_1377 : f32 to vector<16xf32>
      %select_n3A_1379 = arith.select %eq3A_1355, %broadcast_in_dim3A_1378, %select_n3A_1272 : vector<16xi1>, vector<16xf32>
      %mul3A_1380 = arith.constant 16 : i32
      %mul3A_1381 = arith.muli %scan3A_92, %mul3A_1380 : i32
      %add3A_1382 = arith.constant 12 : i32
      %add3A_1383 = arith.addi %mul3A_1381, %add3A_1382 : i32
      %get3A_1384 = arith.index_cast %add3A_1383 : i32 to index
      %get3A_1385 = arith.constant 0 : index
      %get3A_1386 = tpu.vector_load %arg17[%get3A_1384, %get3A_1385] {strides = array<i32>} : memref<256x64xf32, #tpu.memory_space<vmem>>, vector<16xf32>,
      %get3A_1387 = arith.index_cast %add3A_1383 : i32 to index
      %get3A_1388 = arith.constant 16 : index
      %get3A_1389 = tpu.vector_load %arg17[%get3A_1387, %get3A_1388] {strides = array<i32>} : memref<256x64xf32, #tpu.memory_space<vmem>>, vector<16xf32>,
      %get3A_1390 = arith.index_cast %add3A_1383 : i32 to index
      %get3A_1391 = arith.constant 32 : index
      %get3A_1392 = tpu.vector_load %arg17[%get3A_1390, %get3A_1391] {strides = array<i32>} : memref<256x64xf32, #tpu.memory_space<vmem>>, vector<16xf32>,
      %get3A_1393 = arith.index_cast %add3A_1383 : i32 to index
      %get3A_1394 = arith.constant 48 : index
      %get3A_1395 = tpu.vector_load %arg17[%get3A_1393, %get3A_1394] {strides = array<i32>} : memref<256x64xf32, #tpu.memory_space<vmem>>, vector<16xf32>,
      %get3A_1396 = arith.index_cast %add3A_1383 : i32 to index
      %get3A_1397 = arith.constant 0 : index
      %get3A_1398 = tpu.vector_load %arg18[%get3A_1396, %get3A_1397] {strides = array<i32>} : memref<256x64xf32, #tpu.memory_space<vmem>>, vector<16xf32>,
      %get3A_1399 = arith.index_cast %add3A_1383 : i32 to index
      %get3A_1400 = arith.constant 16 : index
      %get3A_1401 = tpu.vector_load %arg18[%get3A_1399, %get3A_1400] {strides = array<i32>} : memref<256x64xf32, #tpu.memory_space<vmem>>, vector<16xf32>,
      %get3A_1402 = arith.index_cast %add3A_1383 : i32 to index
      %get3A_1403 = arith.constant 32 : index
      %get3A_1404 = tpu.vector_load %arg18[%get3A_1402, %get3A_1403] {strides = array<i32>} : memref<256x64xf32, #tpu.memory_space<vmem>>, vector<16xf32>,
      %get3A_1405 = arith.index_cast %add3A_1383 : i32 to index
      %get3A_1406 = arith.constant 48 : index
      %get3A_1407 = tpu.vector_load %arg18[%get3A_1405, %get3A_1406] {strides = array<i32>} : memref<256x64xf32, #tpu.memory_space<vmem>>, vector<16xf32>,
      %mul3A_1408 = arith.mulf %get3A_1386, %get3A_1398 : vector<16xf32>
      %mul3A_1409 = arith.mulf %get3A_1389, %get3A_1401 : vector<16xf32>
      %add3A_1410 = arith.addf %mul3A_1408, %mul3A_1409 : vector<16xf32>
      %mul3A_1411 = arith.mulf %get3A_1392, %get3A_1404 : vector<16xf32>
      %add3A_1412 = arith.addf %add3A_1410, %mul3A_1411 : vector<16xf32>
      %mul3A_1413 = arith.mulf %get3A_1395, %get3A_1407 : vector<16xf32>
      %add3A_1414 = arith.addf %add3A_1412, %mul3A_1413 : vector<16xf32>
      %mul3A_1415 = arith.mulf %get3A_1386, %get3A_1386 : vector<16xf32>
      %mul3A_1416 = arith.mulf %get3A_1389, %get3A_1389 : vector<16xf32>
      %add3A_1417 = arith.addf %mul3A_1415, %mul3A_1416 : vector<16xf32>
      %mul3A_1418 = arith.mulf %get3A_1392, %get3A_1392 : vector<16xf32>
      %add3A_1419 = arith.addf %add3A_1417, %mul3A_1418 : vector<16xf32>
      %mul3A_1420 = arith.mulf %get3A_1395, %get3A_1395 : vector<16xf32>
      %add3A_1421 = arith.addf %add3A_1419, %mul3A_1420 : vector<16xf32>
      %mul3A_1422 = arith.mulf %get3A_1398, %get3A_1398 : vector<16xf32>
      %mul3A_1423 = arith.mulf %get3A_1401, %get3A_1401 : vector<16xf32>
      %add3A_1424 = arith.addf %mul3A_1422, %mul3A_1423 : vector<16xf32>
      %mul3A_1425 = arith.mulf %get3A_1404, %get3A_1404 : vector<16xf32>
      %add3A_1426 = arith.addf %add3A_1424, %mul3A_1425 : vector<16xf32>
      %mul3A_1427 = arith.mulf %get3A_1407, %get3A_1407 : vector<16xf32>
      %add3A_1428 = arith.addf %add3A_1426, %mul3A_1427 : vector<16xf32>
      %get3A_1429 = arith.index_cast %add3A_1383 : i32 to index
      %get3A_1430 = arith.constant 0 : index
      %get3A_1431 = tpu.vector_load %arg19[%get3A_1429, %get3A_1430] {strides = array<i32>} : memref<256x64xf32, #tpu.memory_space<vmem>>, vector<16xf32>,
      %get3A_1432 = arith.index_cast %add3A_1383 : i32 to index
      %get3A_1433 = arith.constant 16 : index
      %get3A_1434 = tpu.vector_load %arg19[%get3A_1432, %get3A_1433] {strides = array<i32>} : memref<256x64xf32, #tpu.memory_space<vmem>>, vector<16xf32>,
      %get3A_1435 = arith.index_cast %add3A_1383 : i32 to index
      %get3A_1436 = arith.constant 32 : index
      %get3A_1437 = tpu.vector_load %arg19[%get3A_1435, %get3A_1436] {strides = array<i32>} : memref<256x64xf32, #tpu.memory_space<vmem>>, vector<16xf32>,
      %get3A_1438 = arith.index_cast %add3A_1383 : i32 to index
      %get3A_1439 = arith.constant 48 : index
      %get3A_1440 = tpu.vector_load %arg19[%get3A_1438, %get3A_1439] {strides = array<i32>} : memref<256x64xf32, #tpu.memory_space<vmem>>, vector<16xf32>,
      %get3A_1441 = arith.index_cast %add3A_1383 : i32 to index
      %get3A_1442 = arith.constant 0 : index
      %get3A_1443 = tpu.vector_load %arg20[%get3A_1441, %get3A_1442] {strides = array<i32>} : memref<256x64xf32, #tpu.memory_space<vmem>>, vector<16xf32>,
      %get3A_1444 = arith.index_cast %add3A_1383 : i32 to index
      %get3A_1445 = arith.constant 16 : index
      %get3A_1446 = tpu.vector_load %arg20[%get3A_1444, %get3A_1445] {strides = array<i32>} : memref<256x64xf32, #tpu.memory_space<vmem>>, vector<16xf32>,
      %get3A_1447 = arith.index_cast %add3A_1383 : i32 to index
      %get3A_1448 = arith.constant 32 : index
      %get3A_1449 = tpu.vector_load %arg20[%get3A_1447, %get3A_1448] {strides = array<i32>} : memref<256x64xf32, #tpu.memory_space<vmem>>, vector<16xf32>,
      %get3A_1450 = arith.index_cast %add3A_1383 : i32 to index
      %get3A_1451 = arith.constant 48 : index
      %get3A_1452 = tpu.vector_load %arg20[%get3A_1450, %get3A_1451] {strides = array<i32>} : memref<256x64xf32, #tpu.memory_space<vmem>>, vector<16xf32>,
      %mul3A_1453 = arith.mulf %get3A_1431, %get3A_1443 : vector<16xf32>
      %mul3A_1454 = arith.mulf %get3A_1434, %get3A_1446 : vector<16xf32>
      %add3A_1455 = arith.addf %mul3A_1453, %mul3A_1454 : vector<16xf32>
      %mul3A_1456 = arith.mulf %get3A_1437, %get3A_1449 : vector<16xf32>
      %add3A_1457 = arith.addf %add3A_1455, %mul3A_1456 : vector<16xf32>
      %mul3A_1458 = arith.mulf %get3A_1440, %get3A_1452 : vector<16xf32>
      %add3A_1459 = arith.addf %add3A_1457, %mul3A_1458 : vector<16xf32>
      %eq3A_1460 = arith.constant 12 : i32
      %eq3A_1461 = vector.broadcast %eq3A_1460 : i32 to vector<16xi32>
      %eq3A_1462 = arith.cmpi eq, %iota3A, %eq3A_1461 : vector<16xi32>
      %reduce_sum3A_1463 = arith.constant true
      %reduce_sum3A_1464 = vector.broadcast %reduce_sum3A_1463 : i1 to vector<16xi1>
      %reduce_sum3A_1465 = tpu.scan <sum>, %add3A_1414 masked %reduce_sum3A_1464 : vector<16xf32>, vector<16xi1> -> vector<16xf32>
      %reduce_sum3A_1466 = vector.extract %reduce_sum3A_1465[15] : f32 from vector<16xf32>
      %broadcast_in_dim3A_1467 = vector.broadcast %reduce_sum3A_1466 : f32 to vector<16xf32>
      %select_n3A_1468 = arith.select %eq3A_1462, %broadcast_in_dim3A_1467, %select_n3A_1361 : vector<16xi1>, vector<16xf32>
      %reduce_sum3A_1469 = arith.constant true
      %reduce_sum3A_1470 = vector.broadcast %reduce_sum3A_1469 : i1 to vector<16xi1>
      %reduce_sum3A_1471 = tpu.scan <sum>, %add3A_1421 masked %reduce_sum3A_1470 : vector<16xf32>, vector<16xi1> -> vector<16xf32>
      %reduce_sum3A_1472 = vector.extract %reduce_sum3A_1471[15] : f32 from vector<16xf32>
      %broadcast_in_dim3A_1473 = vector.broadcast %reduce_sum3A_1472 : f32 to vector<16xf32>
      %select_n3A_1474 = arith.select %eq3A_1462, %broadcast_in_dim3A_1473, %select_n3A_1367 : vector<16xi1>, vector<16xf32>
      %reduce_sum3A_1475 = arith.constant true
      %reduce_sum3A_1476 = vector.broadcast %reduce_sum3A_1475 : i1 to vector<16xi1>
      %reduce_sum3A_1477 = tpu.scan <sum>, %add3A_1428 masked %reduce_sum3A_1476 : vector<16xf32>, vector<16xi1> -> vector<16xf32>
      %reduce_sum3A_1478 = vector.extract %reduce_sum3A_1477[15] : f32 from vector<16xf32>
      %broadcast_in_dim3A_1479 = vector.broadcast %reduce_sum3A_1478 : f32 to vector<16xf32>
      %select_n3A_1480 = arith.select %eq3A_1462, %broadcast_in_dim3A_1479, %select_n3A_1373 : vector<16xi1>, vector<16xf32>
      %reduce_sum3A_1481 = arith.constant true
      %reduce_sum3A_1482 = vector.broadcast %reduce_sum3A_1481 : i1 to vector<16xi1>
      %reduce_sum3A_1483 = tpu.scan <sum>, %add3A_1459 masked %reduce_sum3A_1482 : vector<16xf32>, vector<16xi1> -> vector<16xf32>
      %reduce_sum3A_1484 = vector.extract %reduce_sum3A_1483[15] : f32 from vector<16xf32>
      %broadcast_in_dim3A_1485 = vector.broadcast %reduce_sum3A_1484 : f32 to vector<16xf32>
      %select_n3A_1486 = arith.select %eq3A_1462, %broadcast_in_dim3A_1485, %select_n3A_1379 : vector<16xi1>, vector<16xf32>
      %mul3A_1487 = arith.constant 16 : i32
      %mul3A_1488 = arith.muli %scan3A_92, %mul3A_1487 : i32
      %add3A_1489 = arith.constant 13 : i32
      %add3A_1490 = arith.addi %mul3A_1488, %add3A_1489 : i32
      %get3A_1491 = arith.index_cast %add3A_1490 : i32 to index
      %get3A_1492 = arith.constant 0 : index
      %get3A_1493 = tpu.vector_load %arg17[%get3A_1491, %get3A_1492] {strides = array<i32>} : memref<256x64xf32, #tpu.memory_space<vmem>>, vector<16xf32>,
      %get3A_1494 = arith.index_cast %add3A_1490 : i32 to index
      %get3A_1495 = arith.constant 16 : index
      %get3A_1496 = tpu.vector_load %arg17[%get3A_1494, %get3A_1495] {strides = array<i32>} : memref<256x64xf32, #tpu.memory_space<vmem>>, vector<16xf32>,
      %get3A_1497 = arith.index_cast %add3A_1490 : i32 to index
      %get3A_1498 = arith.constant 32 : index
      %get3A_1499 = tpu.vector_load %arg17[%get3A_1497, %get3A_1498] {strides = array<i32>} : memref<256x64xf32, #tpu.memory_space<vmem>>, vector<16xf32>,
      %get3A_1500 = arith.index_cast %add3A_1490 : i32 to index
      %get3A_1501 = arith.constant 48 : index
      %get3A_1502 = tpu.vector_load %arg17[%get3A_1500, %get3A_1501] {strides = array<i32>} : memref<256x64xf32, #tpu.memory_space<vmem>>, vector<16xf32>,
      %get3A_1503 = arith.index_cast %add3A_1490 : i32 to index
      %get3A_1504 = arith.constant 0 : index
      %get3A_1505 = tpu.vector_load %arg18[%get3A_1503, %get3A_1504] {strides = array<i32>} : memref<256x64xf32, #tpu.memory_space<vmem>>, vector<16xf32>,
      %get3A_1506 = arith.index_cast %add3A_1490 : i32 to index
      %get3A_1507 = arith.constant 16 : index
      %get3A_1508 = tpu.vector_load %arg18[%get3A_1506, %get3A_1507] {strides = array<i32>} : memref<256x64xf32, #tpu.memory_space<vmem>>, vector<16xf32>,
      %get3A_1509 = arith.index_cast %add3A_1490 : i32 to index
      %get3A_1510 = arith.constant 32 : index
      %get3A_1511 = tpu.vector_load %arg18[%get3A_1509, %get3A_1510] {strides = array<i32>} : memref<256x64xf32, #tpu.memory_space<vmem>>, vector<16xf32>,
      %get3A_1512 = arith.index_cast %add3A_1490 : i32 to index
      %get3A_1513 = arith.constant 48 : index
      %get3A_1514 = tpu.vector_load %arg18[%get3A_1512, %get3A_1513] {strides = array<i32>} : memref<256x64xf32, #tpu.memory_space<vmem>>, vector<16xf32>,
      %mul3A_1515 = arith.mulf %get3A_1493, %get3A_1505 : vector<16xf32>
      %mul3A_1516 = arith.mulf %get3A_1496, %get3A_1508 : vector<16xf32>
      %add3A_1517 = arith.addf %mul3A_1515, %mul3A_1516 : vector<16xf32>
      %mul3A_1518 = arith.mulf %get3A_1499, %get3A_1511 : vector<16xf32>
      %add3A_1519 = arith.addf %add3A_1517, %mul3A_1518 : vector<16xf32>
      %mul3A_1520 = arith.mulf %get3A_1502, %get3A_1514 : vector<16xf32>
      %add3A_1521 = arith.addf %add3A_1519, %mul3A_1520 : vector<16xf32>
      %mul3A_1522 = arith.mulf %get3A_1493, %get3A_1493 : vector<16xf32>
      %mul3A_1523 = arith.mulf %get3A_1496, %get3A_1496 : vector<16xf32>
      %add3A_1524 = arith.addf %mul3A_1522, %mul3A_1523 : vector<16xf32>
      %mul3A_1525 = arith.mulf %get3A_1499, %get3A_1499 : vector<16xf32>
      %add3A_1526 = arith.addf %add3A_1524, %mul3A_1525 : vector<16xf32>
      %mul3A_1527 = arith.mulf %get3A_1502, %get3A_1502 : vector<16xf32>
      %add3A_1528 = arith.addf %add3A_1526, %mul3A_1527 : vector<16xf32>
      %mul3A_1529 = arith.mulf %get3A_1505, %get3A_1505 : vector<16xf32>
      %mul3A_1530 = arith.mulf %get3A_1508, %get3A_1508 : vector<16xf32>
      %add3A_1531 = arith.addf %mul3A_1529, %mul3A_1530 : vector<16xf32>
      %mul3A_1532 = arith.mulf %get3A_1511, %get3A_1511 : vector<16xf32>
      %add3A_1533 = arith.addf %add3A_1531, %mul3A_1532 : vector<16xf32>
      %mul3A_1534 = arith.mulf %get3A_1514, %get3A_1514 : vector<16xf32>
      %add3A_1535 = arith.addf %add3A_1533, %mul3A_1534 : vector<16xf32>
      %get3A_1536 = arith.index_cast %add3A_1490 : i32 to index
      %get3A_1537 = arith.constant 0 : index
      %get3A_1538 = tpu.vector_load %arg19[%get3A_1536, %get3A_1537] {strides = array<i32>} : memref<256x64xf32, #tpu.memory_space<vmem>>, vector<16xf32>,
      %get3A_1539 = arith.index_cast %add3A_1490 : i32 to index
      %get3A_1540 = arith.constant 16 : index
      %get3A_1541 = tpu.vector_load %arg19[%get3A_1539, %get3A_1540] {strides = array<i32>} : memref<256x64xf32, #tpu.memory_space<vmem>>, vector<16xf32>,
      %get3A_1542 = arith.index_cast %add3A_1490 : i32 to index
      %get3A_1543 = arith.constant 32 : index
      %get3A_1544 = tpu.vector_load %arg19[%get3A_1542, %get3A_1543] {strides = array<i32>} : memref<256x64xf32, #tpu.memory_space<vmem>>, vector<16xf32>,
      %get3A_1545 = arith.index_cast %add3A_1490 : i32 to index
      %get3A_1546 = arith.constant 48 : index
      %get3A_1547 = tpu.vector_load %arg19[%get3A_1545, %get3A_1546] {strides = array<i32>} : memref<256x64xf32, #tpu.memory_space<vmem>>, vector<16xf32>,
      %get3A_1548 = arith.index_cast %add3A_1490 : i32 to index
      %get3A_1549 = arith.constant 0 : index
      %get3A_1550 = tpu.vector_load %arg20[%get3A_1548, %get3A_1549] {strides = array<i32>} : memref<256x64xf32, #tpu.memory_space<vmem>>, vector<16xf32>,
      %get3A_1551 = arith.index_cast %add3A_1490 : i32 to index
      %get3A_1552 = arith.constant 16 : index
      %get3A_1553 = tpu.vector_load %arg20[%get3A_1551, %get3A_1552] {strides = array<i32>} : memref<256x64xf32, #tpu.memory_space<vmem>>, vector<16xf32>,
      %get3A_1554 = arith.index_cast %add3A_1490 : i32 to index
      %get3A_1555 = arith.constant 32 : index
      %get3A_1556 = tpu.vector_load %arg20[%get3A_1554, %get3A_1555] {strides = array<i32>} : memref<256x64xf32, #tpu.memory_space<vmem>>, vector<16xf32>,
      %get3A_1557 = arith.index_cast %add3A_1490 : i32 to index
      %get3A_1558 = arith.constant 48 : index
      %get3A_1559 = tpu.vector_load %arg20[%get3A_1557, %get3A_1558] {strides = array<i32>} : memref<256x64xf32, #tpu.memory_space<vmem>>, vector<16xf32>,
      %mul3A_1560 = arith.mulf %get3A_1538, %get3A_1550 : vector<16xf32>
      %mul3A_1561 = arith.mulf %get3A_1541, %get3A_1553 : vector<16xf32>
      %add3A_1562 = arith.addf %mul3A_1560, %mul3A_1561 : vector<16xf32>
      %mul3A_1563 = arith.mulf %get3A_1544, %get3A_1556 : vector<16xf32>
      %add3A_1564 = arith.addf %add3A_1562, %mul3A_1563 : vector<16xf32>
      %mul3A_1565 = arith.mulf %get3A_1547, %get3A_1559 : vector<16xf32>
      %add3A_1566 = arith.addf %add3A_1564, %mul3A_1565 : vector<16xf32>
      %eq3A_1567 = arith.constant 13 : i32
      %eq3A_1568 = vector.broadcast %eq3A_1567 : i32 to vector<16xi32>
      %eq3A_1569 = arith.cmpi eq, %iota3A, %eq3A_1568 : vector<16xi32>
      %reduce_sum3A_1570 = arith.constant true
      %reduce_sum3A_1571 = vector.broadcast %reduce_sum3A_1570 : i1 to vector<16xi1>
      %reduce_sum3A_1572 = tpu.scan <sum>, %add3A_1521 masked %reduce_sum3A_1571 : vector<16xf32>, vector<16xi1> -> vector<16xf32>
      %reduce_sum3A_1573 = vector.extract %reduce_sum3A_1572[15] : f32 from vector<16xf32>
      %broadcast_in_dim3A_1574 = vector.broadcast %reduce_sum3A_1573 : f32 to vector<16xf32>
      %select_n3A_1575 = arith.select %eq3A_1569, %broadcast_in_dim3A_1574, %select_n3A_1468 : vector<16xi1>, vector<16xf32>
      %reduce_sum3A_1576 = arith.constant true
      %reduce_sum3A_1577 = vector.broadcast %reduce_sum3A_1576 : i1 to vector<16xi1>
      %reduce_sum3A_1578 = tpu.scan <sum>, %add3A_1528 masked %reduce_sum3A_1577 : vector<16xf32>, vector<16xi1> -> vector<16xf32>
      %reduce_sum3A_1579 = vector.extract %reduce_sum3A_1578[15] : f32 from vector<16xf32>
      %broadcast_in_dim3A_1580 = vector.broadcast %reduce_sum3A_1579 : f32 to vector<16xf32>
      %select_n3A_1581 = arith.select %eq3A_1569, %broadcast_in_dim3A_1580, %select_n3A_1474 : vector<16xi1>, vector<16xf32>
      %reduce_sum3A_1582 = arith.constant true
      %reduce_sum3A_1583 = vector.broadcast %reduce_sum3A_1582 : i1 to vector<16xi1>
      %reduce_sum3A_1584 = tpu.scan <sum>, %add3A_1535 masked %reduce_sum3A_1583 : vector<16xf32>, vector<16xi1> -> vector<16xf32>
      %reduce_sum3A_1585 = vector.extract %reduce_sum3A_1584[15] : f32 from vector<16xf32>
      %broadcast_in_dim3A_1586 = vector.broadcast %reduce_sum3A_1585 : f32 to vector<16xf32>
      %select_n3A_1587 = arith.select %eq3A_1569, %broadcast_in_dim3A_1586, %select_n3A_1480 : vector<16xi1>, vector<16xf32>
      %reduce_sum3A_1588 = arith.constant true
      %reduce_sum3A_1589 = vector.broadcast %reduce_sum3A_1588 : i1 to vector<16xi1>
      %reduce_sum3A_1590 = tpu.scan <sum>, %add3A_1566 masked %reduce_sum3A_1589 : vector<16xf32>, vector<16xi1> -> vector<16xf32>
      %reduce_sum3A_1591 = vector.extract %reduce_sum3A_1590[15] : f32 from vector<16xf32>
      %broadcast_in_dim3A_1592 = vector.broadcast %reduce_sum3A_1591 : f32 to vector<16xf32>
      %select_n3A_1593 = arith.select %eq3A_1569, %broadcast_in_dim3A_1592, %select_n3A_1486 : vector<16xi1>, vector<16xf32>
      %mul3A_1594 = arith.constant 16 : i32
      %mul3A_1595 = arith.muli %scan3A_92, %mul3A_1594 : i32
      %add3A_1596 = arith.constant 14 : i32
      %add3A_1597 = arith.addi %mul3A_1595, %add3A_1596 : i32
      %get3A_1598 = arith.index_cast %add3A_1597 : i32 to index
      %get3A_1599 = arith.constant 0 : index
      %get3A_1600 = tpu.vector_load %arg17[%get3A_1598, %get3A_1599] {strides = array<i32>} : memref<256x64xf32, #tpu.memory_space<vmem>>, vector<16xf32>,
      %get3A_1601 = arith.index_cast %add3A_1597 : i32 to index
      %get3A_1602 = arith.constant 16 : index
      %get3A_1603 = tpu.vector_load %arg17[%get3A_1601, %get3A_1602] {strides = array<i32>} : memref<256x64xf32, #tpu.memory_space<vmem>>, vector<16xf32>,
      %get3A_1604 = arith.index_cast %add3A_1597 : i32 to index
      %get3A_1605 = arith.constant 32 : index
      %get3A_1606 = tpu.vector_load %arg17[%get3A_1604, %get3A_1605] {strides = array<i32>} : memref<256x64xf32, #tpu.memory_space<vmem>>, vector<16xf32>,
      %get3A_1607 = arith.index_cast %add3A_1597 : i32 to index
      %get3A_1608 = arith.constant 48 : index
      %get3A_1609 = tpu.vector_load %arg17[%get3A_1607, %get3A_1608] {strides = array<i32>} : memref<256x64xf32, #tpu.memory_space<vmem>>, vector<16xf32>,
      %get3A_1610 = arith.index_cast %add3A_1597 : i32 to index
      %get3A_1611 = arith.constant 0 : index
      %get3A_1612 = tpu.vector_load %arg18[%get3A_1610, %get3A_1611] {strides = array<i32>} : memref<256x64xf32, #tpu.memory_space<vmem>>, vector<16xf32>,
      %get3A_1613 = arith.index_cast %add3A_1597 : i32 to index
      %get3A_1614 = arith.constant 16 : index
      %get3A_1615 = tpu.vector_load %arg18[%get3A_1613, %get3A_1614] {strides = array<i32>} : memref<256x64xf32, #tpu.memory_space<vmem>>, vector<16xf32>,
      %get3A_1616 = arith.index_cast %add3A_1597 : i32 to index
      %get3A_1617 = arith.constant 32 : index
      %get3A_1618 = tpu.vector_load %arg18[%get3A_1616, %get3A_1617] {strides = array<i32>} : memref<256x64xf32, #tpu.memory_space<vmem>>, vector<16xf32>,
      %get3A_1619 = arith.index_cast %add3A_1597 : i32 to index
      %get3A_1620 = arith.constant 48 : index
      %get3A_1621 = tpu.vector_load %arg18[%get3A_1619, %get3A_1620] {strides = array<i32>} : memref<256x64xf32, #tpu.memory_space<vmem>>, vector<16xf32>,
      %mul3A_1622 = arith.mulf %get3A_1600, %get3A_1612 : vector<16xf32>
      %mul3A_1623 = arith.mulf %get3A_1603, %get3A_1615 : vector<16xf32>
      %add3A_1624 = arith.addf %mul3A_1622, %mul3A_1623 : vector<16xf32>
      %mul3A_1625 = arith.mulf %get3A_1606, %get3A_1618 : vector<16xf32>
      %add3A_1626 = arith.addf %add3A_1624, %mul3A_1625 : vector<16xf32>
      %mul3A_1627 = arith.mulf %get3A_1609, %get3A_1621 : vector<16xf32>
      %add3A_1628 = arith.addf %add3A_1626, %mul3A_1627 : vector<16xf32>
      %mul3A_1629 = arith.mulf %get3A_1600, %get3A_1600 : vector<16xf32>
      %mul3A_1630 = arith.mulf %get3A_1603, %get3A_1603 : vector<16xf32>
      %add3A_1631 = arith.addf %mul3A_1629, %mul3A_1630 : vector<16xf32>
      %mul3A_1632 = arith.mulf %get3A_1606, %get3A_1606 : vector<16xf32>
      %add3A_1633 = arith.addf %add3A_1631, %mul3A_1632 : vector<16xf32>
      %mul3A_1634 = arith.mulf %get3A_1609, %get3A_1609 : vector<16xf32>
      %add3A_1635 = arith.addf %add3A_1633, %mul3A_1634 : vector<16xf32>
      %mul3A_1636 = arith.mulf %get3A_1612, %get3A_1612 : vector<16xf32>
      %mul3A_1637 = arith.mulf %get3A_1615, %get3A_1615 : vector<16xf32>
      %add3A_1638 = arith.addf %mul3A_1636, %mul3A_1637 : vector<16xf32>
      %mul3A_1639 = arith.mulf %get3A_1618, %get3A_1618 : vector<16xf32>
      %add3A_1640 = arith.addf %add3A_1638, %mul3A_1639 : vector<16xf32>
      %mul3A_1641 = arith.mulf %get3A_1621, %get3A_1621 : vector<16xf32>
      %add3A_1642 = arith.addf %add3A_1640, %mul3A_1641 : vector<16xf32>
      %get3A_1643 = arith.index_cast %add3A_1597 : i32 to index
      %get3A_1644 = arith.constant 0 : index
      %get3A_1645 = tpu.vector_load %arg19[%get3A_1643, %get3A_1644] {strides = array<i32>} : memref<256x64xf32, #tpu.memory_space<vmem>>, vector<16xf32>,
      %get3A_1646 = arith.index_cast %add3A_1597 : i32 to index
      %get3A_1647 = arith.constant 16 : index
      %get3A_1648 = tpu.vector_load %arg19[%get3A_1646, %get3A_1647] {strides = array<i32>} : memref<256x64xf32, #tpu.memory_space<vmem>>, vector<16xf32>,
      %get3A_1649 = arith.index_cast %add3A_1597 : i32 to index
      %get3A_1650 = arith.constant 32 : index
      %get3A_1651 = tpu.vector_load %arg19[%get3A_1649, %get3A_1650] {strides = array<i32>} : memref<256x64xf32, #tpu.memory_space<vmem>>, vector<16xf32>,
      %get3A_1652 = arith.index_cast %add3A_1597 : i32 to index
      %get3A_1653 = arith.constant 48 : index
      %get3A_1654 = tpu.vector_load %arg19[%get3A_1652, %get3A_1653] {strides = array<i32>} : memref<256x64xf32, #tpu.memory_space<vmem>>, vector<16xf32>,
      %get3A_1655 = arith.index_cast %add3A_1597 : i32 to index
      %get3A_1656 = arith.constant 0 : index
      %get3A_1657 = tpu.vector_load %arg20[%get3A_1655, %get3A_1656] {strides = array<i32>} : memref<256x64xf32, #tpu.memory_space<vmem>>, vector<16xf32>,
      %get3A_1658 = arith.index_cast %add3A_1597 : i32 to index
      %get3A_1659 = arith.constant 16 : index
      %get3A_1660 = tpu.vector_load %arg20[%get3A_1658, %get3A_1659] {strides = array<i32>} : memref<256x64xf32, #tpu.memory_space<vmem>>, vector<16xf32>,
      %get3A_1661 = arith.index_cast %add3A_1597 : i32 to index
      %get3A_1662 = arith.constant 32 : index
      %get3A_1663 = tpu.vector_load %arg20[%get3A_1661, %get3A_1662] {strides = array<i32>} : memref<256x64xf32, #tpu.memory_space<vmem>>, vector<16xf32>,
      %get3A_1664 = arith.index_cast %add3A_1597 : i32 to index
      %get3A_1665 = arith.constant 48 : index
      %get3A_1666 = tpu.vector_load %arg20[%get3A_1664, %get3A_1665] {strides = array<i32>} : memref<256x64xf32, #tpu.memory_space<vmem>>, vector<16xf32>,
      %mul3A_1667 = arith.mulf %get3A_1645, %get3A_1657 : vector<16xf32>
      %mul3A_1668 = arith.mulf %get3A_1648, %get3A_1660 : vector<16xf32>
      %add3A_1669 = arith.addf %mul3A_1667, %mul3A_1668 : vector<16xf32>
      %mul3A_1670 = arith.mulf %get3A_1651, %get3A_1663 : vector<16xf32>
      %add3A_1671 = arith.addf %add3A_1669, %mul3A_1670 : vector<16xf32>
      %mul3A_1672 = arith.mulf %get3A_1654, %get3A_1666 : vector<16xf32>
      %add3A_1673 = arith.addf %add3A_1671, %mul3A_1672 : vector<16xf32>
      %eq3A_1674 = arith.constant 14 : i32
      %eq3A_1675 = vector.broadcast %eq3A_1674 : i32 to vector<16xi32>
      %eq3A_1676 = arith.cmpi eq, %iota3A, %eq3A_1675 : vector<16xi32>
      %reduce_sum3A_1677 = arith.constant true
      %reduce_sum3A_1678 = vector.broadcast %reduce_sum3A_1677 : i1 to vector<16xi1>
      %reduce_sum3A_1679 = tpu.scan <sum>, %add3A_1628 masked %reduce_sum3A_1678 : vector<16xf32>, vector<16xi1> -> vector<16xf32>
      %reduce_sum3A_1680 = vector.extract %reduce_sum3A_1679[15] : f32 from vector<16xf32>
      %broadcast_in_dim3A_1681 = vector.broadcast %reduce_sum3A_1680 : f32 to vector<16xf32>
      %select_n3A_1682 = arith.select %eq3A_1676, %broadcast_in_dim3A_1681, %select_n3A_1575 : vector<16xi1>, vector<16xf32>
      %reduce_sum3A_1683 = arith.constant true
      %reduce_sum3A_1684 = vector.broadcast %reduce_sum3A_1683 : i1 to vector<16xi1>
      %reduce_sum3A_1685 = tpu.scan <sum>, %add3A_1635 masked %reduce_sum3A_1684 : vector<16xf32>, vector<16xi1> -> vector<16xf32>
      %reduce_sum3A_1686 = vector.extract %reduce_sum3A_1685[15] : f32 from vector<16xf32>
      %broadcast_in_dim3A_1687 = vector.broadcast %reduce_sum3A_1686 : f32 to vector<16xf32>
      %select_n3A_1688 = arith.select %eq3A_1676, %broadcast_in_dim3A_1687, %select_n3A_1581 : vector<16xi1>, vector<16xf32>
      %reduce_sum3A_1689 = arith.constant true
      %reduce_sum3A_1690 = vector.broadcast %reduce_sum3A_1689 : i1 to vector<16xi1>
      %reduce_sum3A_1691 = tpu.scan <sum>, %add3A_1642 masked %reduce_sum3A_1690 : vector<16xf32>, vector<16xi1> -> vector<16xf32>
      %reduce_sum3A_1692 = vector.extract %reduce_sum3A_1691[15] : f32 from vector<16xf32>
      %broadcast_in_dim3A_1693 = vector.broadcast %reduce_sum3A_1692 : f32 to vector<16xf32>
      %select_n3A_1694 = arith.select %eq3A_1676, %broadcast_in_dim3A_1693, %select_n3A_1587 : vector<16xi1>, vector<16xf32>
      %reduce_sum3A_1695 = arith.constant true
      %reduce_sum3A_1696 = vector.broadcast %reduce_sum3A_1695 : i1 to vector<16xi1>
      %reduce_sum3A_1697 = tpu.scan <sum>, %add3A_1673 masked %reduce_sum3A_1696 : vector<16xf32>, vector<16xi1> -> vector<16xf32>
      %reduce_sum3A_1698 = vector.extract %reduce_sum3A_1697[15] : f32 from vector<16xf32>
      %broadcast_in_dim3A_1699 = vector.broadcast %reduce_sum3A_1698 : f32 to vector<16xf32>
      %select_n3A_1700 = arith.select %eq3A_1676, %broadcast_in_dim3A_1699, %select_n3A_1593 : vector<16xi1>, vector<16xf32>
      %mul3A_1701 = arith.constant 16 : i32
      %mul3A_1702 = arith.muli %scan3A_92, %mul3A_1701 : i32
      %add3A_1703 = arith.constant 15 : i32
      %add3A_1704 = arith.addi %mul3A_1702, %add3A_1703 : i32
      %get3A_1705 = arith.index_cast %add3A_1704 : i32 to index
      %get3A_1706 = arith.constant 0 : index
      %get3A_1707 = tpu.vector_load %arg17[%get3A_1705, %get3A_1706] {strides = array<i32>} : memref<256x64xf32, #tpu.memory_space<vmem>>, vector<16xf32>,
      %get3A_1708 = arith.index_cast %add3A_1704 : i32 to index
      %get3A_1709 = arith.constant 16 : index
      %get3A_1710 = tpu.vector_load %arg17[%get3A_1708, %get3A_1709] {strides = array<i32>} : memref<256x64xf32, #tpu.memory_space<vmem>>, vector<16xf32>,
      %get3A_1711 = arith.index_cast %add3A_1704 : i32 to index
      %get3A_1712 = arith.constant 32 : index
      %get3A_1713 = tpu.vector_load %arg17[%get3A_1711, %get3A_1712] {strides = array<i32>} : memref<256x64xf32, #tpu.memory_space<vmem>>, vector<16xf32>,
      %get3A_1714 = arith.index_cast %add3A_1704 : i32 to index
      %get3A_1715 = arith.constant 48 : index
      %get3A_1716 = tpu.vector_load %arg17[%get3A_1714, %get3A_1715] {strides = array<i32>} : memref<256x64xf32, #tpu.memory_space<vmem>>, vector<16xf32>,
      %get3A_1717 = arith.index_cast %add3A_1704 : i32 to index
      %get3A_1718 = arith.constant 0 : index
      %get3A_1719 = tpu.vector_load %arg18[%get3A_1717, %get3A_1718] {strides = array<i32>} : memref<256x64xf32, #tpu.memory_space<vmem>>, vector<16xf32>,
      %get3A_1720 = arith.index_cast %add3A_1704 : i32 to index
      %get3A_1721 = arith.constant 16 : index
      %get3A_1722 = tpu.vector_load %arg18[%get3A_1720, %get3A_1721] {strides = array<i32>} : memref<256x64xf32, #tpu.memory_space<vmem>>, vector<16xf32>,
      %get3A_1723 = arith.index_cast %add3A_1704 : i32 to index
      %get3A_1724 = arith.constant 32 : index
      %get3A_1725 = tpu.vector_load %arg18[%get3A_1723, %get3A_1724] {strides = array<i32>} : memref<256x64xf32, #tpu.memory_space<vmem>>, vector<16xf32>,
      %get3A_1726 = arith.index_cast %add3A_1704 : i32 to index
      %get3A_1727 = arith.constant 48 : index
      %get3A_1728 = tpu.vector_load %arg18[%get3A_1726, %get3A_1727] {strides = array<i32>} : memref<256x64xf32, #tpu.memory_space<vmem>>, vector<16xf32>,
      %mul3A_1729 = arith.mulf %get3A_1707, %get3A_1719 : vector<16xf32>
      %mul3A_1730 = arith.mulf %get3A_1710, %get3A_1722 : vector<16xf32>
      %add3A_1731 = arith.addf %mul3A_1729, %mul3A_1730 : vector<16xf32>
      %mul3A_1732 = arith.mulf %get3A_1713, %get3A_1725 : vector<16xf32>
      %add3A_1733 = arith.addf %add3A_1731, %mul3A_1732 : vector<16xf32>
      %mul3A_1734 = arith.mulf %get3A_1716, %get3A_1728 : vector<16xf32>
      %add3A_1735 = arith.addf %add3A_1733, %mul3A_1734 : vector<16xf32>
      %mul3A_1736 = arith.mulf %get3A_1707, %get3A_1707 : vector<16xf32>
      %mul3A_1737 = arith.mulf %get3A_1710, %get3A_1710 : vector<16xf32>
      %add3A_1738 = arith.addf %mul3A_1736, %mul3A_1737 : vector<16xf32>
      %mul3A_1739 = arith.mulf %get3A_1713, %get3A_1713 : vector<16xf32>
      %add3A_1740 = arith.addf %add3A_1738, %mul3A_1739 : vector<16xf32>
      %mul3A_1741 = arith.mulf %get3A_1716, %get3A_1716 : vector<16xf32>
      %add3A_1742 = arith.addf %add3A_1740, %mul3A_1741 : vector<16xf32>
      %mul3A_1743 = arith.mulf %get3A_1719, %get3A_1719 : vector<16xf32>
      %mul3A_1744 = arith.mulf %get3A_1722, %get3A_1722 : vector<16xf32>
      %add3A_1745 = arith.addf %mul3A_1743, %mul3A_1744 : vector<16xf32>
      %mul3A_1746 = arith.mulf %get3A_1725, %get3A_1725 : vector<16xf32>
      %add3A_1747 = arith.addf %add3A_1745, %mul3A_1746 : vector<16xf32>
      %mul3A_1748 = arith.mulf %get3A_1728, %get3A_1728 : vector<16xf32>
      %add3A_1749 = arith.addf %add3A_1747, %mul3A_1748 : vector<16xf32>
      %get3A_1750 = arith.index_cast %add3A_1704 : i32 to index
      %get3A_1751 = arith.constant 0 : index
      %get3A_1752 = tpu.vector_load %arg19[%get3A_1750, %get3A_1751] {strides = array<i32>} : memref<256x64xf32, #tpu.memory_space<vmem>>, vector<16xf32>,
      %get3A_1753 = arith.index_cast %add3A_1704 : i32 to index
      %get3A_1754 = arith.constant 16 : index
      %get3A_1755 = tpu.vector_load %arg19[%get3A_1753, %get3A_1754] {strides = array<i32>} : memref<256x64xf32, #tpu.memory_space<vmem>>, vector<16xf32>,
      %get3A_1756 = arith.index_cast %add3A_1704 : i32 to index
      %get3A_1757 = arith.constant 32 : index
      %get3A_1758 = tpu.vector_load %arg19[%get3A_1756, %get3A_1757] {strides = array<i32>} : memref<256x64xf32, #tpu.memory_space<vmem>>, vector<16xf32>,
      %get3A_1759 = arith.index_cast %add3A_1704 : i32 to index
      %get3A_1760 = arith.constant 48 : index
      %get3A_1761 = tpu.vector_load %arg19[%get3A_1759, %get3A_1760] {strides = array<i32>} : memref<256x64xf32, #tpu.memory_space<vmem>>, vector<16xf32>,
      %get3A_1762 = arith.index_cast %add3A_1704 : i32 to index
      %get3A_1763 = arith.constant 0 : index
      %get3A_1764 = tpu.vector_load %arg20[%get3A_1762, %get3A_1763] {strides = array<i32>} : memref<256x64xf32, #tpu.memory_space<vmem>>, vector<16xf32>,
      %get3A_1765 = arith.index_cast %add3A_1704 : i32 to index
      %get3A_1766 = arith.constant 16 : index
      %get3A_1767 = tpu.vector_load %arg20[%get3A_1765, %get3A_1766] {strides = array<i32>} : memref<256x64xf32, #tpu.memory_space<vmem>>, vector<16xf32>,
      %get3A_1768 = arith.index_cast %add3A_1704 : i32 to index
      %get3A_1769 = arith.constant 32 : index
      %get3A_1770 = tpu.vector_load %arg20[%get3A_1768, %get3A_1769] {strides = array<i32>} : memref<256x64xf32, #tpu.memory_space<vmem>>, vector<16xf32>,
      %get3A_1771 = arith.index_cast %add3A_1704 : i32 to index
      %get3A_1772 = arith.constant 48 : index
      %get3A_1773 = tpu.vector_load %arg20[%get3A_1771, %get3A_1772] {strides = array<i32>} : memref<256x64xf32, #tpu.memory_space<vmem>>, vector<16xf32>,
      %mul3A_1774 = arith.mulf %get3A_1752, %get3A_1764 : vector<16xf32>
      %mul3A_1775 = arith.mulf %get3A_1755, %get3A_1767 : vector<16xf32>
      %add3A_1776 = arith.addf %mul3A_1774, %mul3A_1775 : vector<16xf32>
      %mul3A_1777 = arith.mulf %get3A_1758, %get3A_1770 : vector<16xf32>
      %add3A_1778 = arith.addf %add3A_1776, %mul3A_1777 : vector<16xf32>
      %mul3A_1779 = arith.mulf %get3A_1761, %get3A_1773 : vector<16xf32>
      %add3A_1780 = arith.addf %add3A_1778, %mul3A_1779 : vector<16xf32>
      %eq3A_1781 = arith.constant 15 : i32
      %eq3A_1782 = vector.broadcast %eq3A_1781 : i32 to vector<16xi32>
      %eq3A_1783 = arith.cmpi eq, %iota3A, %eq3A_1782 : vector<16xi32>
      %reduce_sum3A_1784 = arith.constant true
      %reduce_sum3A_1785 = vector.broadcast %reduce_sum3A_1784 : i1 to vector<16xi1>
      %reduce_sum3A_1786 = tpu.scan <sum>, %add3A_1735 masked %reduce_sum3A_1785 : vector<16xf32>, vector<16xi1> -> vector<16xf32>
      %reduce_sum3A_1787 = vector.extract %reduce_sum3A_1786[15] : f32 from vector<16xf32>
      %broadcast_in_dim3A_1788 = vector.broadcast %reduce_sum3A_1787 : f32 to vector<16xf32>
      %select_n3A_1789 = arith.select %eq3A_1783, %broadcast_in_dim3A_1788, %select_n3A_1682 : vector<16xi1>, vector<16xf32>
      %reduce_sum3A_1790 = arith.constant true
      %reduce_sum3A_1791 = vector.broadcast %reduce_sum3A_1790 : i1 to vector<16xi1>
      %reduce_sum3A_1792 = tpu.scan <sum>, %add3A_1742 masked %reduce_sum3A_1791 : vector<16xf32>, vector<16xi1> -> vector<16xf32>
      %reduce_sum3A_1793 = vector.extract %reduce_sum3A_1792[15] : f32 from vector<16xf32>
      %broadcast_in_dim3A_1794 = vector.broadcast %reduce_sum3A_1793 : f32 to vector<16xf32>
      %select_n3A_1795 = arith.select %eq3A_1783, %broadcast_in_dim3A_1794, %select_n3A_1688 : vector<16xi1>, vector<16xf32>
      %reduce_sum3A_1796 = arith.constant true
      %reduce_sum3A_1797 = vector.broadcast %reduce_sum3A_1796 : i1 to vector<16xi1>
      %reduce_sum3A_1798 = tpu.scan <sum>, %add3A_1749 masked %reduce_sum3A_1797 : vector<16xf32>, vector<16xi1> -> vector<16xf32>
      %reduce_sum3A_1799 = vector.extract %reduce_sum3A_1798[15] : f32 from vector<16xf32>
      %broadcast_in_dim3A_1800 = vector.broadcast %reduce_sum3A_1799 : f32 to vector<16xf32>
      %select_n3A_1801 = arith.select %eq3A_1783, %broadcast_in_dim3A_1800, %select_n3A_1694 : vector<16xi1>, vector<16xf32>
      %reduce_sum3A_1802 = arith.constant true
      %reduce_sum3A_1803 = vector.broadcast %reduce_sum3A_1802 : i1 to vector<16xi1>
      %reduce_sum3A_1804 = tpu.scan <sum>, %add3A_1780 masked %reduce_sum3A_1803 : vector<16xf32>, vector<16xi1> -> vector<16xf32>
      %reduce_sum3A_1805 = vector.extract %reduce_sum3A_1804[15] : f32 from vector<16xf32>
      %broadcast_in_dim3A_1806 = vector.broadcast %reduce_sum3A_1805 : f32 to vector<16xf32>
      %select_n3A_1807 = arith.select %eq3A_1783, %broadcast_in_dim3A_1806, %select_n3A_1700 : vector<16xi1>, vector<16xf32>
      %mul3A_1808 = arith.constant 16 : i32
      %mul3A_1809 = arith.muli %scan3A_92, %mul3A_1808 : i32
      %add3A_1810 = arith.constant 256 : i32
      %add3A_1811 = arith.addi %add3A_1810, %mul3A_1809 : i32
      %swap3A = arith.index_cast %add3A_1811 : i32 to index
      %swap3A_1812 = tpu.vector_load %arg21[%swap3A] {strides = array<i32>} : memref<512xf32, #tpu.memory_space<vmem>>, vector<16xf32>,
      tpu.vector_store %arg21[%swap3A], %select_n3A_1789 {strides = array<i32>} : memref<512xf32, #tpu.memory_space<vmem>>, vector<16xf32>,
      %swap3A_1813 = arith.index_cast %add3A_1811 : i32 to index
      %swap3A_1814 = tpu.vector_load %arg22[%swap3A_1813] {strides = array<i32>} : memref<512xf32, #tpu.memory_space<vmem>>, vector<16xf32>,
      tpu.vector_store %arg22[%swap3A_1813], %select_n3A_1795 {strides = array<i32>} : memref<512xf32, #tpu.memory_space<vmem>>, vector<16xf32>,
      %swap3A_1815 = arith.index_cast %add3A_1811 : i32 to index
      %swap3A_1816 = tpu.vector_load %arg23[%swap3A_1815] {strides = array<i32>} : memref<512xf32, #tpu.memory_space<vmem>>, vector<16xf32>,
      tpu.vector_store %arg23[%swap3A_1815], %select_n3A_1801 {strides = array<i32>} : memref<512xf32, #tpu.memory_space<vmem>>, vector<16xf32>,
      %swap3A_1817 = arith.index_cast %add3A_1811 : i32 to index
      %swap3A_1818 = tpu.vector_load %arg24[%swap3A_1817] {strides = array<i32>} : memref<512xf32, #tpu.memory_space<vmem>>, vector<16xf32>,
      tpu.vector_store %arg24[%swap3A_1817], %select_n3A_1807 {strides = array<i32>} : memref<512xf32, #tpu.memory_space<vmem>>, vector<16xf32>,
    }
    %scan3A_91 = arith.constant 16 : i32
    "tpu.region"() ({
      %run_scoped3A = tpu.sem_alloc : memref<!tpu.dma_semaphore, #tpu.memory_space<semaphore_mem>>
      %dma_start3A_92 = tpu.memref_slice %arg9[%mul3A_2] : memref<16384xf32, #tpu.memory_space<hbm>> -> memref<512xf32, #tpu.memory_space<hbm>>
      %dma_start3A_93 = tpu.memref_slice %arg9[%mul3A_2] : memref<16384xf32, #tpu.memory_space<hbm>> -> memref<512xf32, #tpu.memory_space<hbm>>
      tpu.enqueue_dma source(%arg21 : memref<512xf32, #tpu.memory_space<vmem>>) target(%dma_start3A_93 : memref<512xf32, #tpu.memory_space<hbm>>) target_semaphore(%run_scoped3A : memref<!tpu.dma_semaphore, #tpu.memory_space<semaphore_mem>>)
      %dma_wait3A_94 = tpu.memref_slice %arg9[%mul3A_2] : memref<16384xf32, #tpu.memory_space<hbm>> -> memref<512xf32, #tpu.memory_space<hbm>>
      %dma_wait3A_95 = tpu.memref_slice %arg9[%mul3A_2] : memref<16384xf32, #tpu.memory_space<hbm>> -> memref<512xf32, #tpu.memory_space<hbm>>
      tpu.wait_dma2 semaphore(%run_scoped3A : memref<!tpu.dma_semaphore, #tpu.memory_space<semaphore_mem>>) src(%arg21 : memref<512xf32, #tpu.memory_space<vmem>>) dst(%dma_wait3A_95 : memref<512xf32, #tpu.memory_space<hbm>>)
      tpu.yield
    }) : () -> ()
    "tpu.region"() ({
      %run_scoped3A = tpu.sem_alloc : memref<!tpu.dma_semaphore, #tpu.memory_space<semaphore_mem>>
      %dma_start3A_92 = tpu.memref_slice %arg10[%mul3A_2] : memref<16384xf32, #tpu.memory_space<hbm>> -> memref<512xf32, #tpu.memory_space<hbm>>
      %dma_start3A_93 = tpu.memref_slice %arg10[%mul3A_2] : memref<16384xf32, #tpu.memory_space<hbm>> -> memref<512xf32, #tpu.memory_space<hbm>>
      tpu.enqueue_dma source(%arg22 : memref<512xf32, #tpu.memory_space<vmem>>) target(%dma_start3A_93 : memref<512xf32, #tpu.memory_space<hbm>>) target_semaphore(%run_scoped3A : memref<!tpu.dma_semaphore, #tpu.memory_space<semaphore_mem>>)
      %dma_wait3A_94 = tpu.memref_slice %arg10[%mul3A_2] : memref<16384xf32, #tpu.memory_space<hbm>> -> memref<512xf32, #tpu.memory_space<hbm>>
      %dma_wait3A_95 = tpu.memref_slice %arg10[%mul3A_2] : memref<16384xf32, #tpu.memory_space<hbm>> -> memref<512xf32, #tpu.memory_space<hbm>>
      tpu.wait_dma2 semaphore(%run_scoped3A : memref<!tpu.dma_semaphore, #tpu.memory_space<semaphore_mem>>) src(%arg22 : memref<512xf32, #tpu.memory_space<vmem>>) dst(%dma_wait3A_95 : memref<512xf32, #tpu.memory_space<hbm>>)
      tpu.yield
    }) : () -> ()
    "tpu.region"() ({
      %run_scoped3A = tpu.sem_alloc : memref<!tpu.dma_semaphore, #tpu.memory_space<semaphore_mem>>
      %dma_start3A_92 = tpu.memref_slice %arg11[%mul3A_2] : memref<16384xf32, #tpu.memory_space<hbm>> -> memref<512xf32, #tpu.memory_space<hbm>>
      %dma_start3A_93 = tpu.memref_slice %arg11[%mul3A_2] : memref<16384xf32, #tpu.memory_space<hbm>> -> memref<512xf32, #tpu.memory_space<hbm>>
      tpu.enqueue_dma source(%arg23 : memref<512xf32, #tpu.memory_space<vmem>>) target(%dma_start3A_93 : memref<512xf32, #tpu.memory_space<hbm>>) target_semaphore(%run_scoped3A : memref<!tpu.dma_semaphore, #tpu.memory_space<semaphore_mem>>)
      %dma_wait3A_94 = tpu.memref_slice %arg11[%mul3A_2] : memref<16384xf32, #tpu.memory_space<hbm>> -> memref<512xf32, #tpu.memory_space<hbm>>
      %dma_wait3A_95 = tpu.memref_slice %arg11[%mul3A_2] : memref<16384xf32, #tpu.memory_space<hbm>> -> memref<512xf32, #tpu.memory_space<hbm>>
      tpu.wait_dma2 semaphore(%run_scoped3A : memref<!tpu.dma_semaphore, #tpu.memory_space<semaphore_mem>>) src(%arg23 : memref<512xf32, #tpu.memory_space<vmem>>) dst(%dma_wait3A_95 : memref<512xf32, #tpu.memory_space<hbm>>)
      tpu.yield
    }) : () -> ()
    "tpu.region"() ({
      %run_scoped3A = tpu.sem_alloc : memref<!tpu.dma_semaphore, #tpu.memory_space<semaphore_mem>>
      %dma_start3A_92 = tpu.memref_slice %arg12[%mul3A_2] : memref<16384xf32, #tpu.memory_space<hbm>> -> memref<512xf32, #tpu.memory_space<hbm>>
      %dma_start3A_93 = tpu.memref_slice %arg12[%mul3A_2] : memref<16384xf32, #tpu.memory_space<hbm>> -> memref<512xf32, #tpu.memory_space<hbm>>
      tpu.enqueue_dma source(%arg24 : memref<512xf32, #tpu.memory_space<vmem>>) target(%dma_start3A_93 : memref<512xf32, #tpu.memory_space<hbm>>) target_semaphore(%run_scoped3A : memref<!tpu.dma_semaphore, #tpu.memory_space<semaphore_mem>>)
      %dma_wait3A_94 = tpu.memref_slice %arg12[%mul3A_2] : memref<16384xf32, #tpu.memory_space<hbm>> -> memref<512xf32, #tpu.memory_space<hbm>>
      %dma_wait3A_95 = tpu.memref_slice %arg12[%mul3A_2] : memref<16384xf32, #tpu.memory_space<hbm>> -> memref<512xf32, #tpu.memory_space<hbm>>
      tpu.wait_dma2 semaphore(%run_scoped3A : memref<!tpu.dma_semaphore, #tpu.memory_space<semaphore_mem>>) src(%arg24 : memref<512xf32, #tpu.memory_space<vmem>>) dst(%dma_wait3A_95 : memref<512xf32, #tpu.memory_space<hbm>>)
      tpu.yield
    }) : () -> ()
    return
  }
}

module attributes {stable_mosaic.version = 14 : i64} {
  func.func @_finish_body(%arg0: memref<128x128xf32, #tpu.memory_space<vmem>>, %arg1: memref<128x128xf32, #tpu.memory_space<vmem>>, %arg2: memref<128x128xf32, #tpu.memory_space<vmem>>, %arg3: memref<128x128xf32, #tpu.memory_space<vmem>>, %arg4: memref<128x128xf32, #tpu.memory_space<vmem>>, %arg5: memref<1x1xf32, #tpu.memory_space<smem>>) attributes {dimension_semantics = [], scalar_prefetch = 0 : i64, scratch_operands = 0 : i64, tpu.core_type = #tpu.core_type<tc>} {
    %get3A = arith.constant 0 : index
    %get3A_0 = arith.constant 0 : index
    %get3A_1 = vector.load %arg0[%get3A, %get3A_0] : memref<128x128xf32, #tpu.memory_space<vmem>>, vector<128x128xf32>
    %get3A_2 = arith.constant 0 : index
    %get3A_3 = arith.constant 0 : index
    %get3A_4 = vector.load %arg1[%get3A_2, %get3A_3] : memref<128x128xf32, #tpu.memory_space<vmem>>, vector<128x128xf32>
    %get3A_5 = arith.constant 0 : index
    %get3A_6 = arith.constant 0 : index
    %get3A_7 = vector.load %arg2[%get3A_5, %get3A_6] : memref<128x128xf32, #tpu.memory_space<vmem>>, vector<128x128xf32>
    %get3A_8 = arith.constant 0 : index
    %get3A_9 = arith.constant 0 : index
    %get3A_10 = vector.load %arg3[%get3A_8, %get3A_9] : memref<128x128xf32, #tpu.memory_space<vmem>>, vector<128x128xf32>
    %get3A_11 = arith.constant 0 : index
    %get3A_12 = arith.constant 0 : index
    %get3A_13 = vector.load %arg4[%get3A_11, %get3A_12] : memref<128x128xf32, #tpu.memory_space<vmem>>, vector<128x128xf32>
    %sqrt3A = math.sqrt %get3A_4 : vector<128x128xf32>
    %max3A = arith.constant 9.99999996E-13 : f32
    %max3A_14 = vector.broadcast %max3A : f32 to vector<128x128xf32>
    %max3A_15 = arith.maximumf %sqrt3A, %max3A_14 : vector<128x128xf32>
    %sqrt3A_16 = math.sqrt %get3A_7 : vector<128x128xf32>
    %max3A_17 = arith.constant 9.99999996E-13 : f32
    %max3A_18 = vector.broadcast %max3A_17 : f32 to vector<128x128xf32>
    %max3A_19 = arith.maximumf %sqrt3A_16, %max3A_18 : vector<128x128xf32>
    %mul3A = arith.mulf %max3A_15, %max3A_19 : vector<128x128xf32>
    %div3A = arith.divf %get3A_1, %mul3A : vector<128x128xf32>
    %logistic3A = arith.negf %div3A : vector<128x128xf32>
    %logistic3A_20 = math.exp %logistic3A : vector<128x128xf32>
    %logistic3A_21 = arith.constant 1.000000e+00 : f32
    %logistic3A_22 = vector.broadcast %logistic3A_21 : f32 to vector<128x128xf32>
    %logistic3A_23 = arith.addf %logistic3A_22, %logistic3A_20 : vector<128x128xf32>
    %logistic3A_24 = arith.divf %logistic3A_22, %logistic3A_23 : vector<128x128xf32>
    %log3A = math.log %logistic3A_24 : vector<128x128xf32>
    %mul3A_25 = arith.mulf %get3A_13, %log3A : vector<128x128xf32>
    %sub3A = arith.constant 1.000000e+00 : f32
    %sub3A_26 = vector.broadcast %sub3A : f32 to vector<128x128xf32>
    %sub3A_27 = arith.subf %sub3A_26, %get3A_13 : vector<128x128xf32>
    %sub3A_28 = arith.constant 1.000000e+00 : f32
    %sub3A_29 = vector.broadcast %sub3A_28 : f32 to vector<128x128xf32>
    %sub3A_30 = arith.subf %sub3A_29, %logistic3A_24 : vector<128x128xf32>
    %log3A_31 = math.log %sub3A_30 : vector<128x128xf32>
    %mul3A_32 = arith.mulf %sub3A_27, %log3A_31 : vector<128x128xf32>
    %add3A = arith.addf %mul3A_25, %mul3A_32 : vector<128x128xf32>
    %jit3A = arith.constant -1.500000e+01 : f32
    %jit3A_33 = arith.constant 1.500000e+01 : f32
    %max3A_34 = vector.broadcast %jit3A : f32 to vector<128x128xf32>
    %max3A_35 = arith.maximumf %max3A_34, %get3A_10 : vector<128x128xf32>
    %min3A = vector.broadcast %jit3A_33 : f32 to vector<128x128xf32>
    %min3A_36 = arith.minimumf %min3A, %max3A_35 : vector<128x128xf32>
    %logistic3A_37 = arith.negf %min3A_36 : vector<128x128xf32>
    %logistic3A_38 = math.exp %logistic3A_37 : vector<128x128xf32>
    %logistic3A_39 = arith.constant 1.000000e+00 : f32
    %logistic3A_40 = vector.broadcast %logistic3A_39 : f32 to vector<128x128xf32>
    %logistic3A_41 = arith.addf %logistic3A_40, %logistic3A_38 : vector<128x128xf32>
    %logistic3A_42 = arith.divf %logistic3A_40, %logistic3A_41 : vector<128x128xf32>
    %reduce_sum3A = vector.shape_cast %add3A : vector<128x128xf32> to vector<1x128x128xf32>
    %reduce_sum3A_43 = arith.constant dense<0.000000e+00> : vector<1xf32>
    %reduce_sum3A_44 = vector.multi_reduction <add>, %reduce_sum3A, %reduce_sum3A_43 [1, 2] : vector<1x128x128xf32> to vector<1xf32>
    %reduce_sum3A_45 = vector.shape_cast %reduce_sum3A_44 : vector<1xf32> to vector<1x1x1xf32>
    %reduce_sum3A_46 = vector.extract %reduce_sum3A_45[0, 0, 0] : f32 from vector<1x1x1xf32>
    %div3A_47 = arith.constant 1.638400e+04 : f32
    %div3A_48 = arith.divf %reduce_sum3A_46, %div3A_47 : f32
    %neg3A = arith.constant 0.000000e+00 : f32
    %neg3A_49 = arith.subf %neg3A, %div3A_48 : f32
    %log3A_50 = math.log %logistic3A_42 : vector<128x128xf32>
    %reduce_sum3A_51 = vector.shape_cast %log3A_50 : vector<128x128xf32> to vector<1x128x128xf32>
    %reduce_sum3A_52 = arith.constant dense<0.000000e+00> : vector<1xf32>
    %reduce_sum3A_53 = vector.multi_reduction <add>, %reduce_sum3A_51, %reduce_sum3A_52 [1, 2] : vector<1x128x128xf32> to vector<1xf32>
    %reduce_sum3A_54 = vector.shape_cast %reduce_sum3A_53 : vector<1xf32> to vector<1x1x1xf32>
    %reduce_sum3A_55 = vector.extract %reduce_sum3A_54[0, 0, 0] : f32 from vector<1x1x1xf32>
    %div3A_56 = arith.constant 1.638400e+04 : f32
    %div3A_57 = arith.divf %reduce_sum3A_55, %div3A_56 : f32
    %mul3A_58 = arith.constant 1.000000e-01 : f32
    %mul3A_59 = arith.mulf %mul3A_58, %div3A_57 : f32
    %sub3A_60 = arith.subf %neg3A_49, %mul3A_59 : f32
    %swap3A = arith.constant 0 : index
    %swap3A_61 = arith.constant 0 : index
    %swap3A_62 = memref.load %arg5[%swap3A, %swap3A_61] : memref<1x1xf32, #tpu.memory_space<smem>>
    memref.store %sub3A_60, %arg5[%swap3A, %swap3A_61] : memref<1x1xf32, #tpu.memory_space<smem>>
    return
  }
}

</mosaic_0001>

<sc_bundles>
// kernel: kernel.4.cloned.1.call-start
scs
__scs_entry_jumppad:
0x0: {  	(pc) =	sbr.rel $0x88, $3  }
0x1: {  	(tag) =	ssettag $0x0;
	lr =	simm.s32 $0x1  }
0x2: {  	[smem:$0x3F99] =	sst lr;
	_ =	strace $0xD0000000  }
0x3: {  	_ = 	snop  }
0x4: {  	_ = 	snop  }
0x5: {  	_ = 	snop  }
0x6: {  	_ = 	snop  }
0x7: {  	_ = 	snop  }
__scs_overlays_trampoline_lowered:
0x8: {  	[smem:$0x3FA8] =	sst s0  }
0x9: {  	[smem:$0x3FA9] =	sst s1  }
0xa: {  	[smem:$0x3FAA] =	sst s2  }
0xb: {  	[smem:$0x3FAB] =	sst s3  }
0xc: {  	[smem:$0x3FAC] =	sst s4  }
0xd: {  	[smem:$0x3FAD] =	sst s5  }
0xe: {  	[smem:$0x3FAE] =	sst s6  }
0xf: {  	[smem:$0x3FAF] =	sst s7  }
0x10: {  	[smem:$0x3FB0] =	sst s8  }
0x11: {  	[smem:$0x3FB1] =	sst s9;
	s0 =	simm.s32 @!p0 $0x0  }
0x12: {  	s1 =	sld [smem:$0x3F97];
	s0 =	simm.s32 @p0 $0x1  }
0x13: {  	[smem:$0x3FB2] =	sst s0;
	s0 =	simm.s32 @!p1 $0x0  }
0x14: {  	s2 =	sld [smem:$0x3F96];
	s0 =	simm.s32 @p1 $0x1  }
0x15: {  	[smem:$0x3FB3] =	sst s0;
	s0 =	simm.s32 @!p2 $0x0  }
0x16: {  	s3 =	sld [smem:$0x3FDB];
	s0 =	simm.s32 @p2 $0x1  }
0x17: {  	s4 =	simm.s32 $0x1BF5;
	[smem:$0x3FB5] =	sst s0  }
0x18: {  	s0 =	sld [smem:$0x3F98];
	_ =	swait.ge [sflag:s4], $0x0  }
0x19: {  	s7 =	sld [smem:$0x3F99]  }
0x1a: {  	s8 =	sadd.s32 $0xFFFFE003, lr  }
0x1b: {  	s9 =	sadd.s32 $0xFFFFFEF7, lr;
	s5 =	simm.s32 $0xFFFFFFFF;
	p2 =	slt.u32 s8, $0xFFFFF086  }
0x1c: {  	p1 =	slt.u32 s9, $0xF7A;
	s5 =	simm.s32 @!p2 $0x0  }
0x1d: {  	s5 =	simm.s32 @p1 $0x1;
	p0 =	seq.s32 s7, s2  }
0x1e: {  	s7 =	smul.u32 @!p0 $0xF7A, s2;
	p2 =	seq.s32 @!p0 s5, $0x0  }
0x1f: {  	s9 =	smul.u32 $0xF7A, s1;
	s8 =	simm.s32 @!p0 $0x1BF5;
	p2 =	por !p2, p0  }
0x20: {  	[sflag:s8] =	ssyncset.s32 @!p0 $0xFFFFF086;
	s6 =	sadd.s32 @!p0 s3, s7;
	s7 =	simm.s32 @!p0 $0x108  }
0x21: {  	s3 =	sadd.s32 s3, s9;
	s6 =	sadd.s32 @!p0 $0x88, s6;
	s7 =	simm.s32 @p2 $0x1082  }
0x22: {  	[simem:s7], [sflag:s8] =	dma.local @!p0 [hbm:s6], $0xF7A  }
0x23: {  	s9 =	sor.u32 $0xD0000000, s2;
	s6 =	simm.s32 $0x108;
	_ =	swait.ge @!p0 [sflag:s8], $0x0  }
0x24: {  	s3 =	sadd.s32 $0x88, s3;
	s6 =	simm.s32 @!p1 $0x1082;
	[sflag:s4] =	ssyncset.s32 $0xFFFFF086  }
0x25: {  	[simem:s6], [sflag:s4] =	dma.local [hbm:s3], $0xF7A  }
0x26: {  	[smem:$0x3F99] =	sst s1;
	(tag) =	ssettag s2;
	_ =	strace s9  }
0x27: {  	s1 =	sld [smem:$0x3FA9]  }
0x28: {  	s2 =	sld [smem:$0x3FAA]  }
0x29: {  	s4 =	sld [smem:$0x3FAC]  }
0x2a: {  	p0 =	seq.s32 s5, $0x0;
	s5 =	sld [smem:$0x3FAD]  }
0x2b: {  	s6 =	sld [smem:$0x3FAE]  }
0x2c: {  	s7 =	sld [smem:$0x3FAF]  }
0x2d: {  	s3 =	simm.s32 $0x108;
	s8 =	sld [smem:$0x3FB0]  }
0x2e: {  	s3 =	simm.s32 @!p0 $0x1082;
	s9 =	sld [smem:$0x3FB1]  }
0x2f: {  	lr =	sadd.s32 s0, s3;
	s0 =	sld [smem:$0x3FA8]  }
0x30: {  	s3 =	sld [smem:$0x3FAB]  }
0x31: {  	[smem:$0x3FB4] =	sst s10  }
0x32: {  	s10 =	sld [smem:$0x3FB2];
	_ =	sdelay $0x3  }
0x33: {  	p0 =	seq.s32 s10, $0x1;
	s10 =	sld [smem:$0x3FB4];
	_ =	sdelay $0x3  }
0x34: {  	[smem:$0x3FB4] =	sst s10  }
0x35: {  	s10 =	sld [smem:$0x3FB3];
	_ =	sdelay $0x3  }
0x36: {  	p1 =	seq.s32 s10, $0x1;
	s10 =	sld [smem:$0x3FB4];
	_ =	sdelay $0x3  }
0x37: {  	[smem:$0x3FB4] =	sst s10  }
0x38: {  	s10 =	sld [smem:$0x3FB5]  }
0x39: {  	_ = 	snop;
	(pc) =	sbr.ind lr, $3  }
0x3a: {  	_ = 	snop  }
0x3b: {  	_ = 	snop  }
0x3c: {  	p2 =	seq.s32 s10, $0x1;
	s10 =	sld [smem:$0x3FB4]  }
0x3d: {  	_ =	shalt  }
0x3e: {  	_ =	shalt  }
0x3f: {  	_ =	shalt  }
0x40: {  	_ =	shalt  }
0x41: {  	_ =	shalt  }
0x42: {  	_ =	shalt  }
0x43: {  	_ =	shalt  }
0x44: {  	_ =	shalt  }
0x45: {  	_ =	shalt  }
0x46: {  	_ =	shalt  }
0x47: {  	_ =	shalt  }
0x48: {  	_ =	shalt  }
0x49: {  	_ =	shalt  }
0x4a: {  	_ =	shalt  }
0x4b: {  	_ =	shalt  }
0x4c: {  	_ =	shalt  }
0x4d: {  	_ =	shalt  }
0x4e: {  	_ =	shalt  }
0x4f: {  	_ =	shalt  }
0x50: {  	_ =	shalt  }
0x51: {  	_ =	shalt  }
0x52: {  	_ =	shalt  }
0x53: {  	_ =	shalt  }
0x54: {  	_ =	shalt  }
0x55: {  	_ =	shalt  }
0x56: {  	_ =	shalt  }
0x57: {  	_ =	shalt  }
0x58: {  	_ =	shalt  }
0x59: {  	_ =	shalt  }
0x5a: {  	_ =	shalt  }
0x5b: {  	_ =	shalt  }
0x5c: {  	_ =	shalt  }
0x5d: {  	_ =	shalt  }
0x5e: {  	_ =	shalt  }
0x5f: {  	_ =	shalt  }
0x60: {  	_ =	shalt  }
0x61: {  	_ =	shalt  }
0x62: {  	_ =	shalt  }
0x63: {  	_ =	shalt  }
0x64: {  	_ =	shalt  }
0x65: {  	_ =	shalt  }
0x66: {  	_ =	shalt  }
0x67: {  	_ =	shalt  }
0x68: {  	_ =	shalt  }
0x69: {  	_ =	shalt  }
0x6a: {  	_ =	shalt  }
0x6b: {  	_ =	shalt  }
0x6c: {  	_ =	shalt  }
0x6d: {  	_ =	shalt  }
0x6e: {  	_ =	shalt  }
0x6f: {  	_ =	shalt  }
0x70: {  	_ =	shalt  }
0x71: {  	_ =	shalt  }
0x72: {  	_ =	shalt  }
0x73: {  	_ =	shalt  }
0x74: {  	_ =	shalt  }
0x75: {  	_ =	shalt  }
0x76: {  	_ =	shalt  }
0x77: {  	_ =	shalt  }
0x78: {  	_ =	shalt  }
0x79: {  	_ =	shalt  }
0x7a: {  	_ =	shalt  }
0x7b: {  	_ =	shalt  }
0x7c: {  	_ =	shalt  }
0x7d: {  	_ =	shalt  }
0x7e: {  	_ =	shalt  }
0x7f: {  	_ =	shalt  }
0x80: {  	_ =	shalt  }
0x81: {  	_ =	shalt  }
0x82: {  	_ =	shalt  }
0x83: {  	_ =	shalt  }
0x84: {  	_ =	shalt  }
0x85: {  	_ =	shalt  }
0x86: {  	_ =	shalt  }
0x87: {  	_ =	shalt  }
.Lfunc_end0:
.L_simem_size_0:
called_computation_lowered:
.L_overlay_start_0:
0x88: {  	s2 =	sld [smem:$0x3FD9]  }
0x89: {  	s3 =	sld [smem:$0x3FFE];
	_ =	sdelay $0x1  }
0x8a: {  	s1 =	srdreg.scid  }
0x8b: {  	s0 =	sand.u32 $0x1, s1  }
0x8c: {  	s17 =	sshll.u32 s0, $0xA;
	s2 =	sadd.s32 s3, s2  }
0x8d: {  	s2 =	sadd.s32 s2, s17  }
0x8e: {  	[smem:$0x3FC0] =	sst s2  }
0x8f: {  	_ = 	snop  }
0x90: {  	s2 =	sld [smem:$0x3FC9]  }
0x91: {  	s18 =	sld [smem:$0x3FC8]  }
0x92: {  	s4 =	sld [smem:$0x3FC6]  }
0x93: {  	s5 =	sld [smem:$0x3FC5];
	(tm) =	ssettm $0x1  }
0x94: {  	s6 =	sld [smem:$0x3FFB];
	_ =	sdelay $0x3  }
0x95: {  	_ =	strace s6  }
0x96: {  	s6 =	sld [smem:$0x3FFC];
	_ =	sdelay $0x3  }
0x97: {  	_ =	strace s6  }
0x98: {  	s6 =	sld [smem:$0x3FFD];
	_ =	sdelay $0x3  }
0x99: {  	_ =	strace s6  }
0x9a: {  	_ =	strace $0x8FFFFFFF  }
0x9b: {  	s19 =	sld [smem:$0x3FDB];
	_ =	sdelay $0x1  }
0x9c: {  	s7 =	simm.s32 $_scs_section_size  }
0x9d: {  	s8 =	simm.s32 $_size__tile_overlayer_lowered;
	s9 =	simm.s32 $_tile_overlayer_lowered  }
0x9e: {  	s22 =	simm.s32 $0x1BFF;
	s21 =	sshll.u32 s9, $0x1;
	s6 =	sadd.s32 s7, s19  }
0x9f: {  	s10 =	simm.s32 $0x0;
	s20 =	sshll.u32 s8, $0x1;
	s8 =	sadd.s32 s21, s6  }
0xa0: {  	[timem:s10], [sflag:s22] =	dma.local [hbm:s8], s20  }
0xa1: {  	_ =	swait.ge [sflag:s22], s20  }
0xa2: {  	s7 =	ssub.s32 $0x0, s20;
	[sflag:s22] =	ssyncset.done $0x0  }
0xa3: {  	[sflag:s22] =	ssyncadd.s32 s7;
	_ =	sdelay $0x1  }
0xa4: {  	s23 =	simm.s32 $0x1B8B  }
0xa5: {  	_ =	swait.ge [sflag:s23], $0x1  }
0xa6: {  	[sflag:s23] =	ssyncset.done $0x0  }
0xa7: {  	s25 =	simm.s32 $0x1B8E;
	s24 =	sld [smem:$0x3FFE];
	[sflag:s23] =	ssyncadd.s32 $0xFFFFFFFF  }
0xa8: {  	s26 =	simm.s32 $execute0_lowered;
	[smem:$0x3FD2] =	sst s25  }
0xa9: {  	s8 =	sshll.u32 s26, $0x1;
	_ =	strace $0x80000046;
	[dreg:$0x1] =	wrdreg $0xFFFFFFFF  }
0xaa: {  	s28 =	simm.s32 $_size_execute0_lowered;
	s6 =	sadd.s32 s6, s8;
	[dreg:$0x0] =	wrdreg $0x0  }
0xab: {  	s8 =	sshll.u32 s28, $0x1;
	[dreg:$0x2] =	wrdreg s6  }
0xac: {  	[dreg:$0x3] =	wrdreg s8  }
0xad: {  	[dreg:$0x4] =	wrdreg $0xC0  }
0xae: {  	_ =	task [dreg:s10], $0x5FFFF  }
0xaf: {  	[dreg:$0x1] =	wrdreg $0xFFFFFFFF  }
0xb0: {  	[dreg:$0x0] =	wrdreg $0x60  }
0xb1: {  	[dreg:$0x2] =	wrdreg s2  }
0xb2: {  	[dreg:$0x3] =	wrdreg s18  }
0xb3: {  	[dreg:$0x4] =	wrdreg s5  }
0xb4: {  	[dreg:$0x5] =	wrdreg s4  }
0xb5: {  	[dreg:$0x6] =	wrdreg s24  }
0xb6: {  	[dreg:$0x7] =	wrdreg $0x9  }
0xb7: {  	_ =	task.clear_ibuf [dreg:s10], $0x8FFFF;
	_ =	strace $0x90000046  }
0xb8: {  	s29 =	simm.s32 $0x9;
	_ =	strace $0x80000048  }
0xb9: {  	_ =	swait.ge [sflag:s29], $0x1  }
0xba: {  	[sflag:s29] =	ssyncadd.s32 $0xFFFFFFFF  }
0xbb: {  	_ =	strace $0x90000048  }
0xbc: {  	_ =	sfence  }
0xbd: {  	s30 =	sld [smem:$0x0];
	_ =	sdelay $0x2  }
0xbe: {  	s31 =	sshll.u32 s1, $0xD;
	s1 =	sshrl.u32 s1, $0x2  }
0xbf: {  	s3 =	sand.u32 $0x4000, s31;
	s1 =	sadd.s32 s1, s30  }
0xc0: {  	s0 =	sor.u32 s3, s0;
	s1 =	sshll.u32 s1, $0x11  }
0xc1: {  	s0 =	sor.u32 s1, s0  }
0xc2: {  	s0 =	sadd.s32 $0x8F2B, s0  }
0xc3: {  	[sflag:s0] =	ssyncadd.remote.s32 $0x1  }
0xc4: {  	_ =	sfence.sel $0xFFFF  }
0xc5: {  	[dreg:$0x0] =	wrdreg $0xFFFFFFFF;
	(pc) =	sbr.abs _section_cstart, $3  }
0xc6: {  	[dreg:$0x1] =	wrdreg $0xFFFFFFFF  }
0xc7: {  	_ =	task.clear_ibuf [dreg:s10], $0x2FFFF;
	_ =	strace $0x9FFFFFFF  }
0xc8: {  	(tm) =	ssettm $0x7FFFFFFF  }
0xc9: {  	_ =	shalt  }
tec
execute0_lowered:
.L_overlay_start_1:
0x0: {  	(tag) =	ssettag $0x1  }
0x1: {  	s0 =	rddreg [dreg:$0x0]  }
0x2: {  	s2 =	rddreg [dreg:$0x1]  }
0x3: {  	s8 =	rddreg [dreg:$0x2]  }
0x4: {  	s9 =	rddreg [dreg:$0x3]  }
0x5: {  	s6 =	rddreg [dreg:$0x4];
	s1 =	simm.s32 $0x0;
	s4 =	srdreg.scid  }
0x6: {  	s5 =	stileid.u32;
	s15 =	simm.s32 $0x2;
	s16 =	simm.s32 $0x200  }
0x7: {  	s17 =	simm.s32 $0x400;
	s18 =	simm.s32 $0x600;
	s19 =	simm.s32 $0x100  }
0x8: {  	s20 =	simm.s32 $0x800;
	s21 =	simm.s32 $0x1;
	s22 =	simm.s32 $0x4800  }
0x9: {  	s23 =	simm.s32 $0x8800;
	s24 =	simm.s32 $0xC800;
	s28 =	simm.s32 $0x700  }
0xa: {  	s29 =	simm.s32 $0x10800;
	s30 =	simm.s32 $0x10A00;
	s31 =	simm.s32 $0x10C00  }
0xb: {  	[smem:$0x7FF] =	sst s1;
	s3 =	sadd.s32 $0x16E4A00, s6;
	s4 =	sand.u32 $0x1, s4  }
0xc: {  	s5 =	sshll.u32 s5, $0x7;
	_ =	strace $0x80000047;
	s7 =	sshll.u32 s4, $0x6  }
0xd: {  	s10 =	ssub.s32 $0x2, s4;
	s4 =	sadd.s32 $0xF43800, s6;
	s11 =	sor.u32 s7, s5  }
0xe: {  	vm0 =	vmmov $0x1;
	vm1 =	vmmov $0x3;
	vm2 =	vmmov $0x7;
	s26 =	sshrl.u32 s10, $0x1;
	s5 =	sadd.s32 $0x187E00, s6;
	s13 =	sadd.s32 s11, s6  }
0xf: {  	vm3 =	vmmov $0xf;
	vm4 =	vmmov $0x1f;
	vm5 =	vmmov $0x3f;
	s14 =	ssub.s32 s10, s26;
	s6 =	sadd.s32 s0, s11;
	s7 =	sadd.s32 s2, s11  }
0x10: {  	vm6 =	vmmov $0x7f;
	vm7 =	vmmov $0xff;
	vm8 =	vmmov $0x1ff;
	s8 =	sadd.s32 s8, s11;
	s9 =	sadd.s32 s9, s11;
	s0 =	simm.s32 $0x10E00  }
0x11: {  	vm9 =	vmmov $0x3ff;
	vm10 =	vmmov $0x7ff;
	vm11 =	vmmov $0xfff;
	s2 =	simm.s32 $0x0;
	s10 =	sadd.s32 $0x1400, s13;
	s11 =	sadd.s32 $0x1C00, s13  }
0x12: {  	vm12 =	vmmov $0x1fff;
	vm13 =	vmmov $0x3fff;
	vm14 =	vmmov $0x7fff;
	s12 =	sadd.s32 $0x2400, s13;
	s13 =	sadd.s32 $0x2C00, s13;
	s14 =	smax.u32 s14, $0x1  }
.LBB2_1:
0x13: {  	[tilespmem:s1], [sflag:$0x2] =	stream.linear.gather [hbm4b:s6+s1], $0x200, $0x38;
	[tilespmem:$0x11000] =	vst v63  }
0x14: {  	_ =	swait.ge [sflag:s15], $0x200  }
0x15: {  	[sflag:s15] =	ssyncset.done $0x0  }
0x16: {  	[sflag:s15] =	ssyncadd.s32 $0xFFFFFE00  }
0x17: {  	[tilespmem:s16], [sflag:$0x2] =	stream.linear.gather [hbm4b:s7+s1], $0x200, $0x38;
	[tilespmem:$0x11000] =	vst v63  }
0x18: {  	_ =	swait.ge [sflag:s15], $0x200  }
0x19: {  	[sflag:s15] =	ssyncset.done $0x0  }
0x1a: {  	[sflag:s15] =	ssyncadd.s32 $0xFFFFFE00  }
0x1b: {  	[tilespmem:s17], [sflag:$0x2] =	stream.linear.gather [hbm4b:s8+s1], $0x200, $0x38;
	[tilespmem:$0x11000] =	vst v63  }
0x1c: {  	_ =	swait.ge [sflag:s15], $0x200  }
0x1d: {  	[sflag:s15] =	ssyncset.done $0x0  }
0x1e: {  	[sflag:s15] =	ssyncadd.s32 $0xFFFFFE00  }
0x1f: {  	[tilespmem:s18], [sflag:$0x2] =	stream.linear.gather [hbm4b:s9+s1], $0x200, $0x38;
	[tilespmem:$0x11000] =	vst v63  }
0x20: {  	_ =	swait.ge [sflag:s15], $0x200  }
0x21: {  	[sflag:s15] =	ssyncset.done $0x0  }
0x22: {  	[sflag:s15] =	ssyncadd.s32 $0xFFFFFE00  }
0x23: {  	[tilespmem:s20], [sflag:$0x1] =	stream.indirect.gather [hbm4b:s3+s19], $0x40, s1, s19, $0xb8;
	[tilespmem:$0x11000] =	vst v63  }
0x24: {  	_ =	swait.ge [sflag:s21], $0x4000  }
0x25: {  	[sflag:s21] =	ssyncset.done $0x0  }
0x26: {  	[sflag:s21] =	ssyncadd.s32 $0xFFFFC000  }
0x27: {  	[tilespmem:s22], [sflag:$0x1] =	stream.indirect.gather [hbm4b:s4+s19], $0x40, s16, s19, $0xb8;
	[tilespmem:$0x11000] =	vst v63  }
0x28: {  	_ =	swait.ge [sflag:s21], $0x4000  }
0x29: {  	[sflag:s21] =	ssyncset.done $0x0  }
0x2a: {  	[sflag:s21] =	ssyncadd.s32 $0xFFFFC000  }
0x2b: {  	[tilespmem:s23], [sflag:$0x1] =	stream.indirect.gather [hbm4b:s3+s19], $0x40, s17, s19, $0xb8;
	[tilespmem:$0x11000] =	vst v63  }
0x2c: {  	_ =	swait.ge [sflag:s21], $0x4000  }
0x2d: {  	[sflag:s21] =	ssyncset.done $0x0  }
0x2e: {  	[sflag:s21] =	ssyncadd.s32 $0xFFFFC000  }
0x2f: {  	[tilespmem:s24], [sflag:$0x1] =	stream.indirect.gather [hbm4b:s5+s19], $0x40, s18, s19, $0xb8;
	[tilespmem:$0x11000] =	vst v63  }
0x30: {  	_ =	swait.ge [sflag:s21], $0x4000  }
0x31: {  	[sflag:s21] =	ssyncset.done $0x0  }
0x32: {  	s25 =	simm.s32 $0x0;
	[sflag:s21] =	ssyncadd.s32 $0xFFFFC000  }
.LBB2_2:
0x33: {  	s26 =	sshll.u32 s25, $0xA  }
0x34: {  	v59 =	vld [tilespmem:s26+$0xC8B0]  }
0x35: {  	v6 =	vld [tilespmem:s26+$0x800]  }
0x36: {  	v8 =	vld [tilespmem:s26+$0x810]  }
0x37: {  	v12 =	vld [tilespmem:s26+$0x820]  }
0x38: {  	v14 =	vld [tilespmem:s26+$0x830]  }
0x39: {  	[tilespmem:$0x1FD50] =	vst v59;
	v59 =	vld [tilespmem:s26+$0x8900]  }
0x3a: {  	v15 =	vld [tilespmem:s26+$0x4800]  }
0x3b: {  	v16 =	vld [tilespmem:s26+$0x4810]  }
0x3c: {  	v19 =	vld [tilespmem:s26+$0x4820]  }
0x3d: {  	v24 =	vld [tilespmem:s26+$0x4830]  }
0x3e: {  	[tilespmem:$0x1FDE0] =	vst v59;
	v59 =	vld [tilespmem:s26+$0x8910]  }
0x3f: {  	v44 =	vld [tilespmem:s26+$0x8800]  }
0x40: {  	v27 =	vld [tilespmem:s26+$0x8810]  }
0x41: {  	v30 =	vld [tilespmem:s26+$0x8820]  }
0x42: {  	v34 =	vld [tilespmem:s26+$0x8830]  }
0x43: {  	[tilespmem:$0x1FE00] =	vst v59;
	v59 =	vld [tilespmem:s26+$0x8920]  }
0x44: {  	v21 =	vld [tilespmem:s26+$0xC800]  }
0x45: {  	v22 =	vld [tilespmem:s26+$0xC810]  }
0x46: {  	v26 =	vld [tilespmem:s26+$0xC820]  }
0x47: {  	v31 =	vld [tilespmem:s26+$0xC830]  }
0x48: {  	[tilespmem:$0x1FE20] =	vst v59;
	v59 =	vld [tilespmem:s26+$0x8930]  }
0x49: {  	v4 =	vld [tilespmem:s26+$0x840]  }
0x4a: {  	v5 =	vld [tilespmem:s26+$0x850]  }
0x4b: {  	v9 =	vld [tilespmem:s26+$0x860]  }
0x4c: {  	v10 =	vld [tilespmem:s26+$0x870]  }
0x4d: {  	[tilespmem:$0x1FE40] =	vst v59;
	v59 =	vld [tilespmem:s26+$0xC900]  }
0x4e: {  	v2 =	vld [tilespmem:s26+$0x4840]  }
0x4f: {  	v3 =	vld [tilespmem:s26+$0x4850]  }
0x50: {  	v7 =	vld [tilespmem:s26+$0x4860]  }
0x51: {  	v11 =	vld [tilespmem:s26+$0x4870]  }
0x52: {  	[tilespmem:$0x1FDF0] =	vst v59;
	v59 =	vld [tilespmem:s26+$0xC910]  }
0x53: {  	v40 =	vld [tilespmem:s26+$0x8840]  }
0x54: {  	v43 =	vld [tilespmem:s26+$0x8850]  }
0x55: {  	v46 =	vld [tilespmem:s26+$0x8860]  }
0x56: {  	v49 =	vld [tilespmem:s26+$0x8870]  }
0x57: {  	[tilespmem:$0x1FE10] =	vst v59;
	v59 =	vld [tilespmem:s26+$0xC920]  }
0x58: {  	v33 =	vld [tilespmem:s26+$0xC840]  }
0x59: {  	v42 =	vld [tilespmem:s26+$0xC850]  }
0x5a: {  	v45 =	vld [tilespmem:s26+$0xC860]  }
0x5b: {  	v47 =	vld [tilespmem:s26+$0xC870]  }
0x5c: {  	[tilespmem:$0x1FE30] =	vst v59;
	v59 =	vld [tilespmem:s26+$0xC930]  }
0x5d: {  	v13 =	vld [tilespmem:s26+$0x880]  }
0x5e: {  	v17 =	vld [tilespmem:s26+$0x890]  }
0x5f: {  	v20 =	vld [tilespmem:s26+$0x8A0]  }
0x60: {  	v29 =	vld [tilespmem:s26+$0x8B0]  }
0x61: {  	[tilespmem:$0x1FE50] =	vst v59;
	v59 =	vld [tilespmem:s26+$0x940]  }
0x62: {  	v18 =	vld [tilespmem:s26+$0x4880]  }
0x63: {  	v35 =	vld [tilespmem:s26+$0x4890]  }
0x64: {  	v32 =	vld [tilespmem:s26+$0x48A0]  }
0x65: {  	v28 =	vld [tilespmem:s26+$0x48B0]  }
0x66: {  	[tilespmem:$0x1FE70] =	vst v59;
	v59 =	vld [tilespmem:s26+$0x950]  }
0x67: {  	v57 =	vld [tilespmem:s26+$0x8880]  }
0x68: {  	v54 =	vld [tilespmem:s26+$0x8890]  }
0x69: {  	v0 =	vld [tilespmem:s26+$0x88A0]  }
0x6a: {  	v58 =	vld [tilespmem:s26+$0x88B0]  }
0x6b: {  	[tilespmem:$0x1FE90] =	vst v59;
	v59 =	vld [tilespmem:s26+$0x960]  }
0x6c: {  	v52 =	vld [tilespmem:s26+$0xC880]  }
0x6d: {  	v50 =	vld [tilespmem:s26+$0xC890]  }
0x6e: {  	v62 =	vld [tilespmem:s26+$0xC8A0]  }
0x6f: {  	v25 =	vld [tilespmem:s26+$0x8C0]  }
0x70: {  	[tilespmem:$0x1FEB0] =	vst v59;
	v59 =	vld [tilespmem:s26+$0x970]  }
0x71: {  	v23 =	vld [tilespmem:s26+$0x8D0]  }
0x72: {  	v36 =	vld [tilespmem:s26+$0x8E0]  }
0x73: {  	v37 =	vld [tilespmem:s26+$0x8F0]  }
0x74: {  	v39 =	vld [tilespmem:s26+$0x48C0]  }
0x75: {  	[tilespmem:$0x1FEC0] =	vst v59;
	v59 =	vld [tilespmem:s26+$0x4940]  }
0x76: {  	v63 =	vld [tilespmem:s26+$0x48D0]  }
0x77: {  	v38 =	vld [tilespmem:s26+$0x48E0]  }
0x78: {  	v41 =	vld [tilespmem:s26+$0x48F0]  }
0x79: {  	v60 =	vld [tilespmem:s26+$0x88C0]  }
0x7a: {  	[tilespmem:$0x1FE60] =	vst v59;
	v59 =	vld [tilespmem:s26+$0x4950]  }
0x7b: {  	v61 =	vld [tilespmem:s26+$0x88D0]  }
0x7c: {  	v48 =	vld [tilespmem:s26+$0x88E0]  }
0x7d: {  	v51 =	vld [tilespmem:s26+$0x88F0]  }
0x7e: {  	v53 =	vld [tilespmem:s26+$0xC8C0]  }
0x7f: {  	[tilespmem:$0x1FE80] =	vst v59;
	v59 =	vld [tilespmem:s26+$0x4960]  }
0x80: {  	v55 =	vld [tilespmem:s26+$0xC8D0]  }
0x81: {  	v56 =	vld [tilespmem:s26+$0xC8E0];
	[tilespmem:$0x1FD30] =	vst v0  }
0x82: {  	[tilespmem:$0x1FD40] =	vst v58;
	v58 =	vld [tilespmem:s26+$0xC8F0]  }
0x83: {  	[tilespmem:$0x1FD60] =	vst v60;
	v60 =	vld [tilespmem:s26+$0x900];
	v1 =	vmul.f32 v15, v6;
	v0 =	vmul.f32 v16, v8  }
0x84: {  	[tilespmem:$0x1FEA0] =	vst v59;
	v59 =	vld [tilespmem:s26+$0x4970]  }
0x85: {  	[tilespmem:$0x1FD80] =	vst v61;
	v61 =	vld [tilespmem:s26+$0x910];
	v0 =	vadd.f32 v0, v1;
	v1 =	vmul.f32 v19, v12  }
0x86: {  	[tilespmem:$0x1FDB0] =	vst v56;
	v56 =	vld [tilespmem:s26+$0x920];
	v6 =	vmul.f32 v6, v6;
	v8 =	vmul.f32 v8, v8  }
0x87: {  	[tilespmem:$0x1FD70] =	vst v53;
	v53 =	vld [tilespmem:s26+$0x930];
	v0 =	vadd.f32 v1, v0;
	v1 =	vmul.f32 v24, v14  }
0x88: {  	[tilespmem:$0x1FD90] =	vst v55;
	v55 =	vld [tilespmem:s26+$0x4900];
	v6 =	vadd.f32 v8, v6;
	v8 =	vmul.f32 v12, v12  }
0x89: {  	v12 =	vmul.f32 v16, v16;
	v0 =	vadd.f32 v1, v0;
	v1 =	vmul.f32 v15, v15;
	[tilespmem:$0x1FED0] =	vst v59;
	v59 =	vld [tilespmem:s26+$0x8940]  }
0x8a: {  	[tilespmem:$0x1FDC0] =	vst v51;
	v51 =	vld [tilespmem:s26+$0x4920]  }
0x8b: {  	[tilespmem:$0x1FDA0] =	vst v48;
	v48 =	vld [tilespmem:s26+$0x4930];
	v1 =	vadd.f32 v12, v1;
	v12 =	vmul.f32 v26, v30;
	v26 =	vmul.f32 v19, v19  }
0x8c: {  	[tilespmem:$0x1FDD0] =	vst v58;
	v58 =	vld [tilespmem:s26+$0x4910]  }
0x8d: {  	v1 =	vadd.f32 v26, v1;
	v26 =	vmul.f32 v31, v34;
	v34 =	vld [tilespmem:s26+$0xC970]  }
0x8e: {  	[tilespmem:$0x1FEE0] =	vst v59;
	v59 =	vld [tilespmem:s26+$0x8950]  }
0x8f: {  	v15 =	vmul.f32 v24, v24;
	v24 =	vld [tilespmem:s26+$0xC950]  }
0x90: {  	v30 =	vld [tilespmem:s26+$0xC940]  }
0x91: {  	v19 =	vld [tilespmem:s26+$0x4980]  }
0x92: {  	v14 =	vmul.f32 v14, v14;
	[tilespmem:$0x1FF40] =	vst v34;
	v34 =	vld [tilespmem:s26+$0x980]  }
0x93: {  	v6 =	vadd.f32 v8, v6;
	[tilespmem:$0x1FF00] =	vst v59;
	v59 =	vmul.f32 v21, v44;
	v21 =	vmul.f32 v22, v27;
	v27 =	vld [tilespmem:s26+$0x8970]  }
0x94: {  	v31 =	vmul.f32 v7, v9;
	v22 =	vld [tilespmem:s26+$0x8960]  }
0x95: {  	v9 =	vmul.f32 v9, v9;
	v8 =	vadd.f32 v21, v59;
	v21 =	vadd.f32 v14, v6;
	v14 =	vld [tilespmem:s26+$0x9A0]  }
0x96: {  	(xrf2) =	vadd.scan.msk.f32 $0xffff, v0;
	v44 =	vmul.f32 v2, v4;
	v59 =	vmul.f32 v3, v5;
	v6 =	vld [tilespmem:s26+$0x4990]  }
0x97: {  	v1 =	vadd.f32 v15, v1;
	v15 =	vmul.f32 v11, v10;
	[tilespmem:$0x1FEF0] =	vst v30;
	(xrf2) =	vadd.scan.msk.f32 $0xffff, v21;
	v21 =	vld [tilespmem:$0x1FE10]  }
0x98: {  	v2 =	vmul.f32 v2, v2;
	v3 =	vmul.f32 v3, v3;
	v30 =	vadd.f32 v59, v44;
	[tilespmem:$0x1FF30] =	vst v27;
	v27 =	vld [tilespmem:s26+$0xC960]  }
0x99: {  	v4 =	vmul.f32 v4, v4;
	v5 =	vmul.f32 v5, v5;
	[tilespmem:$0x1FF10] =	vst v22;
	v22 =	vadd.f32 v12, v8;
	v8 =	vld [tilespmem:s26+$0x990]  }
0x9a: {  	v2 =	vadd.f32 v3, v2;
	v12 =	vmul.f32 v7, v7;
	v44 =	vadd.f32 v31, v30;
	v30 =	vld [tilespmem:s26+$0x9B0]  }
0x9b: {  	v4 =	vadd.f32 v5, v4;
	v59 =	vmul.f32 v33, v40;
	v31 =	vmul.f32 v45, v46;
	v46 =	vld [tilespmem:s26+$0x8980]  }
0x9c: {  	v22 =	vadd.f32 v26, v22;
	v26 =	vmul.f32 v42, v43;
	v2 =	vadd.f32 v12, v2;
	v12 =	vld [tilespmem:s26+$0x49A0]  }
0x9d: {  	v45 =	vmul.f32 v17, v17;
	v43 =	vmul.f32 v13, v13;
	v7 =	vadd.f32 v15, v44;
	v44 =	vld [tilespmem:s26+$0x49B0]  }
0x9e: {  	v5 =	vadd.f32 v26, v59;
	v59 =	vld [tilespmem:s26+$0x8990]  }
0x9f: {  	v47 =	vmul.f32 v47, v49;
	v4 =	vadd.f32 v9, v4;
	v9 =	vadd.f32 v45, v43;
	v43 =	vld [tilespmem:s26+$0xC980]  }
0xa0: {  	v49 =	vmul.f32 v32, v20;
	v26 =	vmul.f32 v20, v20;
	v20 =	vld [tilespmem:s26+$0xCA20]  }
0xa1: {  	v33 =	vmul.f32 v18, v13;
	v40 =	vmul.f32 v35, v17;
	[tilespmem:$0x1FF20] =	vst v27;
	v5 =	vadd.f32 v31, v5;
	v31 =	vld [tilespmem:s26+$0x89A0]  }
0xa2: {  	v27 =	vmul.f32 v11, v11;
	[tilespmem:$0x1FF50] =	vst v46;
	v46 =	vmul.f32 v32, v32;
	v32 =	vld [tilespmem:$0x1FD40]  }
0xa3: {  	v42 =	vmul.f32 v29, v29;
	v9 =	vadd.f32 v26, v9;
	v26 =	vld [tilespmem:$0x1FD90]  }
0xa4: {  	v3 =	vadd.f32 v27, v2;
	v2 =	vadd.f32 v40, v33;
	v27 =	vmul.f32 v18, v18;
	v40 =	vld [tilespmem:s26+$0x89B0]  }
0xa5: {  	v33 =	vmul.f32 v35, v35;
	v5 =	vadd.f32 v47, v5;
	v47 =	vmul.f32 v52, v57;
	v57 =	vld [tilespmem:s26+$0xC9B0]  }
0xa6: {  	v35 =	vmul.f32 v28, v29;
	v9 =	vadd.f32 v42, v9;
	v42 =	vmul.f32 v28, v28;
	v28 =	vld [tilespmem:s26+$0x9F0]  }
0xa7: {  	v45 =	vadd.f32 v33, v27;
	v33 =	vld [tilespmem:s26+$0xC990]  }
0xa8: {  	v2 =	vadd.f32 v49, v2;
	v49 =	vmul.f32 v50, v54;
	v50 =	vld [tilespmem:s26+$0xC9A0]  }
0xa9: {  	[tilespmem:$0x1FF70] =	vst v59;
	v59 =	vld [tilespmem:$0x1FD30]  }
0xaa: {  	v29 =	vmul.f32 v38, v38;
	[tilespmem:$0x1FF60] =	vst v43;
	v43 =	vmul.f32 v38, v36;
	v38 =	vld [tilespmem:s26+$0x49F0]  }
0xab: {  	v52 =	vmul.f32 v39, v25;
	v54 =	vmul.f32 v63, v23;
	v13 =	vadd.f32 v35, v2;
	v35 =	vld [tilespmem:$0x1FD50]  }
0xac: {  	[tilespmem:$0x1FF80] =	vst v31;
	v31 =	vld [tilespmem:s26+$0x9C0]  }
0xad: {  	v10 =	vmul.f32 v10, v10;
	v18 =	vadd.f32 v54, v52;
	v52 =	vmul.f32 v36, v36;
	v36 =	vld [tilespmem:s26+$0x49C0]  }
0xae: {  	v54 =	vmul.f32 v39, v39;
	v39 =	vld [tilespmem:s26+$0x49D0]  }
0xaf: {  	v4 =	vadd.f32 v10, v4;
	v10 =	vadd.f32 v46, v45;
	v46 =	vmul.f32 v25, v25;
	v25 =	vld [tilespmem:$0x1FD80]  }
0xb0: {  	(xrf2) =	vadd.scan.msk.f32 $0xffff, v1;
	v11 =	vadd.f32 v49, v47;
	v2 =	vld [tilespmem:$0x1FEC0];
	v62 =	vmul.f32 v62, v59  }
0xb1: {  	(xrf2) =	vadd.scan.msk.f32 $0xffff, v22;
	v59 =	vld [tilespmem:$0x1FD60]  }
0xb2: {  	v47 =	vmul.f32 v23, v23;
	v49 =	vmul.f32 v41, v37;
	[tilespmem:$0x1FFA0] =	vst v40;
	v45 =	vadd.f32 v62, v11;
	v62 =	vld [tilespmem:$0x1FD70]  }
0xb3: {  	[tilespmem:$0x1FFB0] =	vst v57;
	v18 =	vadd.f32 v43, v18;
	v57 =	vmul.f32 v63, v63;
	v63 =	vmul.f32 v37, v37;
	v37 =	vld [tilespmem:s26+$0x49E0]  }
0xb4: {  	v10 =	vadd.f32 v42, v10;
	[tilespmem:$0x1FF90] =	vst v50;
	v50 =	vadd.f32 v47, v46;
	v47 =	vld [tilespmem:$0x1FDA0];
	v40 =	vmul.f32 v35, v32  }
0xb5: {  	(xrf2) =	vadd.scan.msk.f32 $0xffff, v7;
	v42 =	vmul.f32 v58, v61;
	v17 =	vadd.f32 v49, v18;
	v18 =	vadd.f32 v57, v54;
	v49 =	vld [tilespmem:$0x1FDB0]  }
0xb6: {  	(xrf2) =	vadd.scan.msk.f32 $0xffff, v4;
	v57 =	vmul.f32 v60, v60;
	v0 =	vadd.f32 v40, v45;
	v40 =	vmul.f32 v55, v60;
	v60 =	vld [tilespmem:s26+$0x89F0]  }
0xb7: {  	(xrf2) =	vadd.scan.msk.f32 $0xffff, v3;
	v7 =	vmul.f32 v62, v59;
	v59 =	vmul.f32 v61, v61;
	v61 =	vld [tilespmem:$0x1FDC0]  }
0xb8: {  	(xrf2) =	vadd.scan.msk.f32 $0xffff, v5;
	v1 =	vadd.f32 v52, v50;
	v62 =	vld [tilespmem:$0x1FDD0]  }
0xb9: {  	v43 =	vld [tilespmem:s26+$0x89C0];
	(xrf2) =	vadd.scan.msk.f32 $0xffff, v13;
	v27 =	vmul.f32 v26, v25  }
0xba: {  	v46 =	vmul.f32 v41, v41;
	(xrf2) =	vadd.scan.msk.f32 $0xffff, v9;
	v54 =	vld [tilespmem:s26+$0x89E0];
	v1 =	vadd.f32 v63, v1  }
0xbb: {  	v9, _, _ =	vpop (xrf2);
	(xrf2) =	vadd.scan.msk.f32 $0xffff, v10;
	v45 =	vadd.f32 v29, v18;
	v18 =	vld [tilespmem:$0x1FE00];
	v5 =	vmul.f32 v49, v47;
	v7 =	vadd.f32 v27, v7  }
0xbc: {  	v41 =	vmul.f32 v58, v58;
	v26, _, _ =	vpop (xrf2);
	v4 =	vadd.f32 v42, v40;
	(xrf2) =	vadd.scan.msk.f32 $0xffff, v0;
	v63 =	vadd.f32 v59, v57;
	v59 =	vld [tilespmem:$0x1FDE0]  }
0xbd: {  	v40 =	vmul.f32 v55, v55;
	[tilespmem:$0x1FFE0] =	vst v60;
	v60 =	vld [tilespmem:$0x1FDF0];
	v5 =	vadd.f32 v5, v7;
	v7 =	vmul.f32 v62, v61  }
0xbe: {  	v35 =	vld [tilespmem:s26+$0x9D0];
	v3 =	vadd.f32 v46, v45;
	v42, _, _ =	vpop (xrf2);
	(xrf2) =	vadd.scan.msk.f32 $0xffff, v17  }
0xbf: {  	v50 =	vmul.f32 v51, v56;
	v17, _, _ =	vpop (xrf2);
	(xrf2) =	vadd.scan.msk.f32 $0xffff, v1;
	v58 =	vadd.f32 v41, v40;
	v40 =	vld [tilespmem:$0x1FE30];
	v29 =	vadd.f32 v7, v5  }
0xc0: {  	v27 =	vmul.f32 v48, v53;
	v1 =	vmul.f32 v21, v18;
	v21 =	vld [tilespmem:$0x1FE70];
	v62, _, _ =	vpop (xrf2);
	(xrf2) =	vadd.scan.msk.f32 $0xffff, v3  }
0xc1: {  	v4 =	vadd.f32 v50, v4;
	v61 =	vmul.f32 v51, v51;
	(xrf2) =	vadd.scan.msk.f32 $0xffff, v29;
	v29 =	vld [tilespmem:$0x1FE20]  }
0xc2: {  	v25 =	vmul.f32 v56, v56;
	v5 =	vmul.f32 v60, v59;
	v60 =	vld [tilespmem:$0x1FE40]  }
0xc3: {  	v57 =	vmul.f32 v53, v53;
	v4 =	vadd.f32 v27, v4;
	v23, _, _ =	vpop (xrf2);
	v16 =	vadd.f32 v61, v58;
	v61 =	vld [tilespmem:$0x1FE50]  }
0xc4: {  	v10 =	vadd.f32 v25, v63;
	v25 =	vbroadcast v26, $0xF;
	v26 =	vbroadcast v23, $0xF;
	v27, _, _ =	vpop (xrf2);
	v23 =	vld [tilespmem:$0x1FE60]  }
0xc5: {  	v22 =	vmul.f32 v48, v48;
	v45 =	vbroadcast v27, $0xF;
	v27 =	vld [tilespmem:$0x1FE80]  }
0xc6: {  	v63 =	vadd.f32 v57, v10;
	v1 =	vadd.f32 v1, v5;
	v5 =	vmul.f32 v40, v29;
	v29 =	vld [tilespmem:$0x1FE90]  }
0xc7: {  	v9 =	vbroadcast v9, $0xF;
	v32 =	vld [tilespmem:s26+$0x9E0];
	v42 =	vbroadcast v42, $0xF  }
0xc8: {  	v52 =	vld [tilespmem:s26+$0x89D0];
	v41, _, _ =	vpop (xrf2);
	v0 =	vadd.f32 v22, v16;
	(xrf2) =	vadd.scan.msk.f32 $0xffff, v4;
	v1 =	vadd.f32 v5, v1;
	v5 =	vmul.f32 v61, v60  }
0xc9: {  	v15 =	vbroadcast v62, $0xF;
	v62 =	vbroadcast v17, $0xF;
	v53, _, _ =	vpop (xrf2);
	v16 =	vld [tilespmem:$0x1FEB0];
	(xrf2) =	vadd.scan.msk.f32 $0xffff, v63  }
0xca: {  	v4 =	vsel vm0, v25, v26;
	v7 =	vsel vm0, v42, v45;
	v45 =	vbroadcast v53, $0xF;
	v26 =	vld [tilespmem:$0x1FEA0];
	v63, _, _ =	vpop (xrf2);
	(xrf2) =	vadd.scan.msk.f32 $0xffff, v0  }
0xcb: {  	v56 =	vld [tilespmem:s26+$0xC9D0];
	v53, _, _ =	vpop (xrf2);
	v22 =	vmul.f32 v23, v21;
	v40 =	vmul.f32 v27, v29  }
0xcc: {  	v9 =	vsel vm0, v9, v15;
	v15 =	vld [tilespmem:$0x1FED0];
	v3 =	vbroadcast v41, $0xF;
	v1 =	vadd.f32 v5, v1;
	v5, _, _ =	vpop (xrf2)  }
0xcd: {  	[tilespmem:$0x1FFC0] =	vst v43;
	v43 =	vld [tilespmem:s26+$0xC9C0];
	v9 =	vsel vm1, v9, v45;
	v41, _, _ =	vpop (xrf2);
	v45 =	vadd.f32 v40, v22  }
0xce: {  	v55 =	vld [tilespmem:s26+$0xC9E0];
	v3 =	vsel vm0, v62, v3;
	v61 =	vbroadcast v5, $0xF;
	v62 =	vbroadcast v41, $0xF  }
0xcf: {  	v46 =	vld [tilespmem:s26+$0xC9F0];
	v11 =	vbroadcast v53, $0xF;
	v53 =	vmul.f32 v26, v16;
	v13, _, _ =	vpop (xrf2)  }
0xd0: {  	[tilespmem:$0x1FFD0] =	vst v54;
	v54 =	vld [tilespmem:s26+$0xA10];
	v0 =	vbroadcast v63, $0xF;
	v63, _, _ =	vpop (xrf2);
	v3 =	vsel vm1, v3, v61;
	v61 =	vbroadcast v13, $0xF  }
0xd1: {  	v49 =	vld [tilespmem:s26+$0xA20];
	(xrf2) =	vadd.scan.msk.f32 $0xffff, v1;
	v1 =	vadd.f32 v53, v45;
	v53 =	vmul.f32 v15, v2;
	v45, _, _ =	vpop (xrf2)  }
0xd2: {  	v47 =	vld [tilespmem:s26+$0x4A00];
	v0 =	vsel vm1, v4, v0;
	v4 =	vsel vm2, v9, v62;
	v62, _, _ =	vpop (xrf2)  }
0xd3: {  	v50 =	vld [tilespmem:s26+$0x4A20];
	v10 =	vbroadcast v63, $0xF;
	v1 =	vadd.f32 v53, v1;
	v53 =	vmul.f32 v29, v29;
	v63, _, _ =	vpop (xrf2)  }
0xd4: {  	v5 =	vsel vm2, v0, v61;
	v29 =	vld [tilespmem:$0x1FEE0];
	v13 =	vbroadcast v45, $0xF;
	v41 =	vbroadcast v63, $0xF;
	v61, _, _ =	vpop (xrf2)  }
0xd5: {  	v45 =	vmul.f32 v21, v21;
	v21 =	vbroadcast v61, $0xF;
	v61 =	vld [tilespmem:$0x1FF00]  }
0xd6: {  	v18 =	vsel vm1, v7, v11;
	v7 =	vbroadcast v62, $0xF;
	v62 =	vsel vm3, v5, v41;
	v41 =	vld [tilespmem:$0x1FEF0]  }
0xd7: {  	v48 =	vld [tilespmem:s26+$0xA30];
	v10 =	vsel vm2, v18, v10  }
0xd8: {  	v59 =	vld [tilespmem:s26+$0x8A00];
	(xrf2) =	vadd.scan.msk.f32 $0xffff, v1;
	v13 =	vsel vm2, v3, v13;
	v1 =	vadd.f32 v53, v45;
	v3 =	vmul.f32 v16, v16  }
0xd9: {  	v58 =	vld [tilespmem:s26+$0x8A20];
	v27 =	vmul.f32 v27, v27;
	v53 =	vsel vm3, v10, v21;
	v10 =	vmul.f32 v23, v23  }
0xda: {  	v25 =	vld [tilespmem:s26+$0xCA00];
	v9 =	vadd.f32 v3, v1  }
0xdb: {  	v10 =	vadd.f32 v27, v10;
	v27 =	vld [tilespmem:$0x1FF30];
	v1 =	vmul.f32 v24, v61;
	v45 =	vmul.f32 v41, v29  }
0xdc: {  	v61 =	vld [tilespmem:$0x1FF20]  }
0xdd: {  	v29, _, _ =	vpop (xrf2);
	v18 =	vadd.f32 v1, v45;
	v45 =	vld [tilespmem:$0x1FF10]  }
0xde: {  	v41 =	vbroadcast v29, $0xF;
	v29 =	vld [tilespmem:$0x1FF40]  }
0xdf: {  	v51 =	vld [tilespmem:s26+$0xA00];
	v26 =	vmul.f32 v26, v26  }
0xe0: {  	v57 =	vld [tilespmem:s26+$0x4A10];
	v58 =	vmul.f32 v20, v58;
	v25 =	vmul.f32 v25, v59  }
0xe1: {  	v42 =	vld [tilespmem:s26+$0x4A30];
	v0 =	vmul.f32 v6, v8;
	v3 =	vmul.f32 v2, v2;
	v10 =	vadd.f32 v26, v10  }
0xe2: {  	v20 =	vld [tilespmem:s26+$0x4AC0];
	v41 =	vsel vm3, v13, v41;
	v13 =	vmul.f32 v15, v15;
	v1 =	vmul.f32 v61, v45  }
0xe3: {  	v11 =	vld [tilespmem:s26+$0xA40];
	v2 =	vmul.f32 v29, v27;
	v45 =	vadd.f32 v3, v9;
	v3 =	vmul.f32 v19, v34  }
0xe4: {  	v60 =	vld [tilespmem:s26+$0x8A10];
	v8 =	vmul.f32 v8, v8;
	v29 =	vadd.f32 v13, v10;
	v26 =	vadd.f32 v1, v18  }
0xe5: {  	v22 =	vld [tilespmem:s26+$0xCA10];
	v1 =	vmul.f32 v34, v34;
	v13 =	vadd.f32 v0, v3;
	v3 =	vmul.f32 v12, v14  }
0xe6: {  	v40 =	vld [tilespmem:s26+$0x8A30];
	v6 =	vmul.f32 v6, v6;
	v19 =	vmul.f32 v19, v19;
	v15 =	vadd.f32 v2, v26  }
0xe7: {  	v63 =	vld [tilespmem:s26+$0xCA30];
	v0 =	vmul.f32 v44, v30;
	v2, _, _ =	vpop (xrf2);
	v8 =	vadd.f32 v8, v1;
	v1 =	vadd.f32 v3, v13  }
0xe8: {  	v16 =	vld [tilespmem:s26+$0xA60];
	v4 =	vsel vm3, v4, v7;
	v14 =	vmul.f32 v14, v14;
	v17 =	vbroadcast v2, $0xF  }
0xe9: {  	v3 =	vadd.f32 v0, v1;
	v1 =	vadd.f32 v6, v19;
	v6 =	vmul.f32 v12, v12;
	v12 =	vld [tilespmem:$0x1FF60]  }
0xea: {  	v22 =	vmul.f32 v22, v60;
	v34 =	vsel vm4, v4, v17;
	v4 =	vadd.f32 v14, v8;
	v8 =	vld [tilespmem:$0x1FF50]  }
0xeb: {  	v14 =	vld [tilespmem:$0x1FF70]  }
0xec: {  	v22 =	vadd.f32 v22, v25;
	v25 =	vld [tilespmem:s26+$0x4AF0]  }
0xed: {  	v7 =	vld [tilespmem:s26+$0xA50]  }
0xee: {  	v5 =	vld [tilespmem:s26+$0x4A40];
	v30 =	vmul.f32 v30, v30  }
0xef: {  	[tilespmem:$0x1FFF0] =	vst v62;
	v62 =	vld [tilespmem:s26+$0xA70]  }
0xf0: {  	v24 =	vld [tilespmem:s26+$0x4A50];
	v30 =	vadd.f32 v30, v4;
	v4 =	vmul.f32 v12, v8;
	v19 =	vmul.f32 v33, v14  }
0xf1: {  	v12 =	vld [tilespmem:$0x1FF80]  }
0xf2: {  	v4 =	vadd.f32 v19, v4;
	v19 =	vld [tilespmem:$0x1FF90]  }
0xf3: {  	v23 =	vld [tilespmem:s26+$0x4A60]  }
0xf4: {  	v21 =	vld [tilespmem:s26+$0x8A40]  }
0xf5: {  	v59 =	vmul.f32 v5, v11;
	v11 =	vmul.f32 v11, v11;
	v27 =	vld [tilespmem:s26+$0x8A70]  }
0xf6: {  	v60 =	vmul.f32 v24, v7;
	v7 =	vmul.f32 v7, v7;
	v0 =	vld [tilespmem:$0x1FFA0]  }
0xf7: {  	v19 =	vmul.f32 v19, v12;
	v12 =	vld [tilespmem:$0x1FFB0]  }
0xf8: {  	v10 =	vld [tilespmem:s26+$0xCA40];
	v7 =	vadd.f32 v7, v11  }
0xf9: {  	v11 =	vld [tilespmem:s26+$0xCAC0];
	v2 =	vadd.f32 v6, v1;
	v6 =	vmul.f32 v36, v31;
	v14 =	vmul.f32 v39, v35  }
0xfa: {  	v61 =	vld [tilespmem:s26+$0x4A70]  }
0xfb: {  	v9 =	vld [tilespmem:s26+$0xCA50];
	v6 =	vadd.f32 v14, v6;
	v14 =	vmul.f32 v44, v44  }
0xfc: {  	v18 =	vld [tilespmem:s26+$0x8A50];
	v1 =	vmul.f32 v12, v0;
	v0 =	vmul.f32 v37, v32  }
0xfd: {  	v26 =	vld [tilespmem:s26+$0x8A60]  }
0xfe: {  	v13 =	vld [tilespmem:s26+$0xCA60];
	v2 =	vadd.f32 v14, v2;
	v14 =	vmul.f32 v38, v28;
	v0 =	vadd.f32 v0, v6  }
0xff: {  	(xrf2) =	vadd.scan.msk.f32 $0xffff, v45;
	v10 =	vmul.f32 v10, v21;
	v21 =	vld [tilespmem:s26+$0xB20]  }
0x100: {  	(xrf2) =	vadd.scan.msk.f32 $0xffff, v29;
	v0 =	vadd.f32 v14, v0;
	v14 =	vmul.f32 v36, v36;
	v36 =	vld [tilespmem:$0x1FFC0]  }
0x101: {  	(xrf2) =	vadd.scan.msk.f32 $0xffff, v15;
	v15 =	vld [tilespmem:s26+$0xAE0];
	v31 =	vmul.f32 v31, v31;
	v35 =	vmul.f32 v35, v35;
	v19 =	vadd.f32 v19, v4  }
0x102: {  	v17 =	vld [tilespmem:s26+$0xCA70];
	v9 =	vmul.f32 v9, v18  }
0x103: {  	v18 =	vld [tilespmem:s26+$0xCAD0];
	v1 =	vadd.f32 v1, v19;
	v19 =	vadd.f32 v35, v31;
	v31 =	vmul.f32 v32, v32  }
0x104: {  	v10 =	vadd.f32 v9, v10;
	v9 =	vld [tilespmem:s26+$0xCAF0]  }
0x105: {  	v52 =	vmul.f32 v56, v52;
	v33 =	vld [tilespmem:s26+$0xA80];
	v19 =	vadd.f32 v31, v19;
	v31 =	vmul.f32 v43, v36  }
0x106: {  	v8 =	vld [tilespmem:s26+$0xA90]  }
0x107: {  	v31 =	vadd.f32 v52, v31;
	v52 =	vld [tilespmem:$0x1FFD0]  }
0x108: {  	v44 =	vld [tilespmem:s26+$0xAB0]  }
0x109: {  	v4 =	vld [tilespmem:s26+$0x4A80]  }
0x10a: {  	v56 =	vmul.f32 v28, v28;
	v12 =	vld [tilespmem:s26+$0xAA0]  }
0x10b: {  	v28 =	vmul.f32 v37, v37;
	v6 =	vld [tilespmem:s26+$0x4A90];
	v35 =	vmul.f32 v39, v39  }
0x10c: {  	v37 =	vmul.f32 v38, v38;
	v32 =	vld [tilespmem:s26+$0x4AA0];
	v38 =	vmul.f32 v55, v52  }
0x10d: {  	v39 =	vld [tilespmem:s26+$0x4AB0];
	v14 =	vadd.f32 v35, v14  }
0x10e: {  	v56 =	vadd.f32 v56, v19;
	v19 =	vadd.f32 v38, v31;
	v38 =	vld [tilespmem:$0x1FFE0]  }
0x10f: {  	(xrf2) =	vadd.scan.msk.f32 $0xffff, v3;
	v35 =	vld [tilespmem:s26+$0x8AA0]  }
0x110: {  	(xrf2) =	vadd.scan.msk.f32 $0xffff, v30;
	v14 =	vadd.f32 v28, v14;
	v28 =	vld [tilespmem:s26+$0x8AB0];
	v52 =	vmul.f32 v47, v51;
	v55 =	vmul.f32 v57, v54  }
0x111: {  	v5 =	vmul.f32 v5, v5;
	(xrf2) =	vadd.scan.msk.f32 $0xffff, v2;
	v36 =	vld [tilespmem:s26+$0x8A80]  }
0x112: {  	v45 =	vmul.f32 v50, v49;
	(xrf2) =	vadd.scan.msk.f32 $0xffff, v1;
	v43 =	vld [tilespmem:s26+$0x8A90];
	v37 =	vadd.f32 v37, v14;
	v14 =	vadd.f32 v55, v52  }
0x113: {  	v49 =	vmul.f32 v49, v49;
	v30 =	vadd.f32 v60, v59;
	(xrf2) =	vadd.scan.msk.f32 $0xffff, v0;
	v52 =	vld [tilespmem:s26+$0xCA90];
	v31 =	vmul.f32 v46, v38  }
0x114: {  	v59 =	vmul.f32 v61, v62;
	(xrf2) =	vadd.scan.msk.f32 $0xffff, v56;
	v56 =	vmul.f32 v16, v16;
	v45 =	vadd.f32 v45, v14;
	v14 =	vld [tilespmem:s26+$0xAC0]  }
0x115: {  	v46 =	vld [tilespmem:s26+$0xCA80];
	v55 =	vadd.f32 v31, v19;
	v19 =	vmul.f32 v51, v51;
	v31 =	vmul.f32 v54, v54  }
0x116: {  	v7 =	vadd.f32 v56, v7;
	v47 =	vmul.f32 v47, v47;
	v38 =	vld [tilespmem:s26+$0xCAB0];
	v54 =	vmul.f32 v57, v57  }
0x117: {  	v51 =	vld [tilespmem:s26+$0xCAA0];
	v57 =	vmul.f32 v42, v48;
	v48 =	vmul.f32 v48, v48;
	v31 =	vadd.f32 v31, v19  }
0x118: {  	v42 =	vmul.f32 v42, v42;
	v29 =	vadd.f32 v54, v47;
	v54 =	vmul.f32 v50, v50;
	v19 =	vld [tilespmem:s26+$0xAD0]  }
0x119: {  	v3 =	vadd.f32 v57, v45;
	v45 =	vld [tilespmem:s26+$0xAF0];
	v57 =	vmul.f32 v24, v24;
	v31 =	vadd.f32 v49, v31  }
0x11a: {  	v50 =	vmul.f32 v63, v40;
	v29 =	vadd.f32 v54, v29;
	v49 =	vadd.f32 v58, v22;
	v22 =	vld [tilespmem:s26+$0x4AE0]  }
0x11b: {  	v63 =	vmul.f32 v62, v62;
	v54 =	vmul.f32 v23, v16;
	v16 =	vadd.f32 v57, v5;
	v5 =	vld [tilespmem:s26+$0x8AF0]  }
0x11c: {  	v23 =	vmul.f32 v23, v23;
	v47 =	vadd.f32 v48, v31;
	v2 =	vadd.f32 v42, v29;
	v42 =	vld [tilespmem:s26+$0x4AD0];
	v48, _, _ =	vpop (xrf2);
	(xrf2) =	vadd.scan.msk.f32 $0xffff, v37  }
0x11d: {  	v29 =	vld [tilespmem:s26+$0x8AC0];
	v0 =	vadd.f32 v50, v49;
	v58 =	vadd.f32 v54, v30;
	v49 =	vmul.f32 v13, v26;
	(xrf2) =	vadd.scan.msk.f32 $0xffff, v55  }
0x11e: {  	v57 =	vadd.f32 v63, v7;
	v31 =	vld [tilespmem:s26+$0x8AD0];
	v1 =	vbroadcast v48, $0xF;
	v60, _, _ =	vpop (xrf2);
	v48 =	vmul.f32 v17, v27;
	(xrf2) =	vadd.scan.msk.f32 $0xffff, v3  }
0x11f: {  	v30 =	vld [tilespmem:s26+$0x8AE0];
	v54, _, _ =	vpop (xrf2);
	v24 =	vadd.f32 v59, v58;
	v55 =	vbroadcast v60, $0xF;
	(xrf2) =	vadd.scan.msk.f32 $0xffff, v47;
	v47 =	vmul.f32 v61, v61  }
0x120: {  	v50 =	vld [tilespmem:$0x1FFF0];
	v58 =	vadd.f32 v23, v16;
	v60 =	vbroadcast v54, $0xF;
	v54 =	vmul.f32 v4, v33  }
0x121: {  	v13 =	vld [tilespmem:s26+$0xCAE0];
	v63 =	vadd.f32 v49, v10;
	v56, _, _ =	vpop (xrf2);
	v33 =	vmul.f32 v33, v33;
	v5 =	vmul.f32 v9, v5  }
0x122: {  	v26 =	vld [tilespmem:s26+$0x4B10];
	v53 =	vsel vm4, v53, v55;
	v55 =	vmul.f32 v6, v8;
	v37 =	vbroadcast v56, $0xF  }
0x123: {  	v17 =	vld [tilespmem:s26+$0xB30];
	(xrf2) =	vadd.scan.msk.f32 $0xffff, v2;
	v59, _, _ =	vpop (xrf2);
	v3 =	vadd.f32 v48, v63;
	v8 =	vmul.f32 v8, v8;
	v6 =	vmul.f32 v6, v6  }
0x124: {  	v27 =	vld [tilespmem:s26+$0x4B30];
	(xrf2) =	vadd.scan.msk.f32 $0xffff, v0;
	v49 =	vsel vm4, v41, v60;
	v7 =	vbroadcast v59, $0xF;
	v60 =	vmul.f32 v32, v12  }
0x125: {  	v10 =	vld [tilespmem:s26+$0xB00];
	v1 =	vsel vm4, v50, v1;
	v61, _, _ =	vpop (xrf2);
	v12 =	vmul.f32 v12, v12;
	v11 =	vmul.f32 v11, v29;
	(xrf2) =	vadd.scan.msk.f32 $0xffff, v24  }
0x126: {  	v23 =	vld [tilespmem:s26+$0xB10];
	v0 =	vadd.f32 v47, v58;
	v18 =	vmul.f32 v18, v31;
	v13 =	vmul.f32 v13, v30;
	v62, _, _ =	vpop (xrf2)  }
0x127: {  	v48 =	vld [tilespmem:s26+$0x8B20];
	v59 =	vadd.f32 v55, v54;
	v34 =	vsel vm5, v34, v37;
	v8 =	vadd.f32 v8, v33;
	(xrf2) =	vadd.scan.msk.f32 $0xffff, v57;
	v50, _, _ =	vpop (xrf2)  }
0x128: {  	v41 =	vld [tilespmem:s26+$0x8B00];
	v57 =	vbroadcast v61, $0xF;
	v1 =	vsel vm5, v1, v7;
	v61 =	vbroadcast v62, $0xF;
	v56, _, _ =	vpop (xrf2)  }
0x129: {  	v30 =	vld [tilespmem:s26+$0xCB60];
	v11 =	vadd.f32 v18, v11;
	v40 =	vadd.f32 v60, v59;
	v54 =	vbroadcast v50, $0xF;
	v58, _, _ =	vpop (xrf2)  }
0x12a: {  	v29 =	vld [tilespmem:s26+$0xB80];
	(xrf2) =	vadd.scan.msk.f32 $0xffff, v0;
	v8 =	vadd.f32 v12, v8;
	v0 =	vsel vm5, v53, v57;
	v53 =	vmul.f32 v39, v44;
	v62, _, _ =	vpop (xrf2)  }
0x12b: {  	v31 =	vld [tilespmem:s26+$0x8BB0];
	v2 =	vsel vm5, v49, v61;
	v47 =	vbroadcast v56, $0xF;
	v11 =	vadd.f32 v13, v11;
	v63, _, _ =	vpop (xrf2)  }
0x12c: {  	v24 =	vld [tilespmem:s26+$0x4B00];
	(xrf2) =	vadd.scan.msk.f32 $0xffff, v3;
	v7 =	vsel vm6, v34, v54;
	v16 =	vbroadcast v58, $0xF;
	v40 =	vadd.f32 v53, v40;
	v55, _, _ =	vpop (xrf2)  }
0x12d: {  	v33 =	vld [tilespmem:s26+$0xCB20];
	v1 =	vsel vm6, v1, v47;
	v37 =	vbroadcast v62, $0xF;
	v3 =	vbroadcast v63, $0xF;
	v56, _, _ =	vpop (xrf2)  }
0x12e: {  	v18 =	vld [tilespmem:s26+$0xCB50];
	v0 =	vsel vm6, v0, v16;
	v58 =	vbroadcast v55, $0xF;
	v57, _, _ =	vpop (xrf2);
	v60 =	vbroadcast v56, $0xF  }
0x12f: {  	v50 =	vld [tilespmem:s26+$0xCB00];
	v3 =	vsel vm7, v7, v3;
	v59, _, _ =	vpop (xrf2);
	v34 =	vbroadcast v57, $0xF;
	v57 =	vmul.f32 v44, v44  }
0x130: {  	v12 =	vld [tilespmem:s26+$0xB60];
	v1 =	vsel vm7, v1, v58;
	v58 =	vmul.f32 v4, v4;
	v62 =	vbroadcast v59, $0xF  }
0x131: {  	v47 =	vld [tilespmem:s26+$0x8B30];
	v61, _, _ =	vpop (xrf2);
	v7 =	vsel vm7, v0, v60;
	v59 =	vmul.f32 v46, v36;
	v60 =	vmul.f32 v52, v43  }
0x132: {  	v2 =	vsel vm6, v2, v37;
	v37 =	vld [tilespmem:s26+$0xCB30];
	v63 =	vbroadcast v61, $0xF;
	v61 =	vmul.f32 v32, v32  }
0x133: {  	v49 =	vld [tilespmem:s26+$0x4B20];
	v4 =	vadd.f32 v57, v8;
	v57 =	vmul.f32 v22, v15;
	v15 =	vmul.f32 v15, v15  }
0x134: {  	v16 =	vld [tilespmem:s26+$0x8B40];
	v53, _, _ =	vpop (xrf2);
	v6 =	vadd.f32 v6, v58;
	v58 =	vmul.f32 v25, v45;
	v25 =	vmul.f32 v25, v25  }
0x135: {  	(xrf2) =	vadd.scan.msk.f32 $0xffff, v40;
	v40 =	vld [tilespmem:s26+$0x8B10];
	v3 =	vsel vm8, v3, v62;
	v54 =	vbroadcast v53, $0xF;
	v62 =	vmul.f32 v39, v39  }
0x136: {  	v44 =	vld [tilespmem:s26+$0xB40];
	v2 =	vsel vm7, v2, v34;
	v55, _, _ =	vpop (xrf2);
	v53 =	vmul.f32 v20, v14;
	v14 =	vmul.f32 v14, v14  }
0x137: {  	v43 =	vld [tilespmem:s26+$0xB50];
	v37 =	vmul.f32 v37, v47;
	v0 =	vsel vm8, v1, v63;
	v56 =	vbroadcast v55, $0xF  }
0x138: {  	v36 =	vld [tilespmem:s26+$0xB70];
	v63 =	vmul.f32 v51, v35;
	v6 =	vadd.f32 v61, v6;
	v51 =	vmul.f32 v38, v28  }
0x139: {  	v34 =	vld [tilespmem:s26+$0xCB10];
	v55 =	vmul.f32 v19, v19;
	v61 =	vmul.f32 v42, v42;
	v1 =	vsel vm8, v7, v54  }
0x13a: {  	v32 =	vld [tilespmem:s26+$0x4B90];
	v7 =	vadd.f32 v60, v59;
	v54 =	vmul.f32 v42, v19;
	v59 =	vmul.f32 v45, v45  }
0x13b: {  	v39 =	vld [tilespmem:s26+$0x4B50];
	v60 =	vmul.f32 v20, v20;
	v2 =	vsel vm8, v2, v56;
	v6 =	vadd.f32 v62, v6  }
0x13c: {  	v35 =	vld [tilespmem:s26+$0x4B40];
	v14 =	vadd.f32 v55, v14;
	v62 =	vmul.f32 v22, v22;
	v55 =	vmul.f32 v27, v17  }
0x13d: {  	v38 =	vld [tilespmem:s26+$0x4B70];
	v7 =	vadd.f32 v63, v7;
	v63 =	vmul.f32 v24, v10;
	v10 =	vmul.f32 v10, v10  }
0x13e: {  	v28 =	vld [tilespmem:s26+$0x8B70];
	v56 =	vadd.f32 v54, v53;
	v53 =	vmul.f32 v49, v21;
	v54 =	vmul.f32 v21, v21  }
0x13f: {  	v19 =	vld [tilespmem:s26+$0x4B60];
	v14 =	vadd.f32 v15, v14;
	v15 =	vadd.f32 v61, v60;
	v60 =	vmul.f32 v50, v41  }
0x140: {  	v5 =	vadd.f32 v5, v11;
	v45 =	vld [tilespmem:s26+$0x8B50];
	v46, _, _ =	vpop (xrf2);
	v61 =	vmul.f32 v34, v40;
	v50 =	vmul.f32 v43, v43  }
0x141: {  	v42 =	vld [tilespmem:s26+$0x8B60];
	v52 =	vbroadcast v46, $0xF;
	v7 =	vadd.f32 v51, v7;
	v46 =	vmul.f32 v26, v23  }
0x142: {  	v20 =	vld [tilespmem:s26+$0xBA0];
	v8 =	vadd.f32 v57, v56;
	v51 =	vmul.f32 v23, v23;
	v56 =	vmul.f32 v17, v17  }
0x143: {  	v22 =	vld [tilespmem:s26+$0xCB40];
	v57 =	vmul.f32 v24, v24;
	v14 =	vadd.f32 v59, v14;
	v59 =	vmul.f32 v49, v49  }
0x144: {  	v21 =	vld [tilespmem:s26+$0xB90];
	v15 =	vadd.f32 v62, v15;
	v62 =	vmul.f32 v27, v27;
	v49 =	vmul.f32 v44, v44  }
0x145: {  	v40 =	vld [tilespmem:s26+$0x4BB0];
	v13 =	vadd.f32 v61, v60;
	v18 =	vmul.f32 v18, v45;
	v61 =	vmul.f32 v38, v38  }
0x146: {  	v34 =	vld [tilespmem:s26+$0x8B90];
	v45 =	vmul.f32 v29, v29;
	v3 =	vsel vm9, v3, v52;
	v8 =	vadd.f32 v58, v8  }
0x147: {  	v41 =	vld [tilespmem:s26+$0x8BA0];
	v52 =	vadd.f32 v46, v63;
	v58 =	vmul.f32 v26, v26;
	v63 =	vmul.f32 v33, v48  }
0x148: {  	v23 =	vld [tilespmem:s26+$0xCB70];
	v10 =	vadd.f32 v51, v10;
	v46 =	vmul.f32 v35, v44;
	v48 =	vmul.f32 v39, v43  }
0x149: {  	v24 =	vld [tilespmem:s26+$0xBB0];
	v16 =	vmul.f32 v22, v16;
	v15 =	vadd.f32 v25, v15;
	v25 =	vadd.f32 v50, v49  }
0x14a: {  	v27 =	vld [tilespmem:s26+$0xBF0];
	v50 =	vmul.f32 v20, v20;
	v9 =	vadd.f32 v53, v52;
	v10 =	vadd.f32 v54, v10  }
0x14b: {  	v26 =	vld [tilespmem:s26+$0x4B80];
	v11 =	vadd.f32 v58, v57;
	v13 =	vadd.f32 v63, v13;
	v52 =	vmul.f32 v19, v12  }
0x14c: {  	v33 =	vld [tilespmem:s26+$0x4BA0];
	v51 =	vadd.f32 v48, v46;
	v12 =	vmul.f32 v12, v12;
	v54 =	vmul.f32 v38, v36  }
0x14d: {  	v43 =	vld [tilespmem:s26+$0x8B80];
	v57 =	vmul.f32 v35, v35;
	v58 =	vmul.f32 v39, v39;
	v16 =	vadd.f32 v18, v16  }
0x14e: {  	v22 =	vld [tilespmem:s26+$0xCBA0];
	v19 =	vmul.f32 v19, v19;
	v9 =	vadd.f32 v55, v9;
	v10 =	vadd.f32 v56, v10  }
0x14f: {  	v35 =	vld [tilespmem:s26+$0xCBB0];
	v46 =	vmul.f32 v21, v21;
	v11 =	vadd.f32 v59, v11;
	v53 =	vadd.f32 v52, v51  }
0x150: {  	v38 =	vld [tilespmem:s26+$0xBD0];
	v23 =	vmul.f32 v23, v28;
	v13 =	vadd.f32 v37, v13;
	v12 =	vadd.f32 v12, v25  }
0x151: {  	v28 =	vld [tilespmem:s26+$0xBC0];
	v55 =	vmul.f32 v36, v36;
	v60 =	vadd.f32 v58, v57;
	v58 =	vmul.f32 v40, v24  }
0x152: {  	v56 =	vld [tilespmem:s26+$0xCB80];
	v49 =	vadd.f32 v46, v45;
	v63 =	vmul.f32 v26, v29;
	v48 =	vmul.f32 v33, v20  }
0x153: {  	(xrf2) =	vadd.scan.msk.f32 $0xffff, v4;
	v59 =	vld [tilespmem:s26+$0xCB90];
	v11 =	vadd.f32 v62, v11;
	v17 =	vadd.f32 v54, v53;
	v62 =	vmul.f32 v30, v42  }
0x154: {  	(xrf2) =	vadd.scan.msk.f32 $0xffff, v6;
	v51 =	vld [tilespmem:s26+$0x4BC0];
	v19 =	vadd.f32 v19, v60;
	v42 =	vmul.f32 v32, v21;
	v53 =	vmul.f32 v26, v26  }
0x155: {  	(xrf2) =	vadd.scan.msk.f32 $0xffff, v7;
	v25 =	vld [tilespmem:s26+$0x4BE0];
	v12 =	vadd.f32 v55, v12;
	v54 =	vmul.f32 v32, v32;
	v35 =	vmul.f32 v35, v31  }
0x156: {  	(xrf2) =	vadd.scan.msk.f32 $0xffff, v8;
	v21 =	vld [tilespmem:s26+$0xBE0];
	v44 =	vadd.f32 v62, v16;
	v6 =	vadd.f32 v61, v19;
	v61 =	vmul.f32 v24, v24  }
0x157: {  	(xrf2) =	vadd.scan.msk.f32 $0xffff, v14;
	v55 =	vld [tilespmem:s26+$0x4BD0];
	v47 =	vadd.f32 v42, v63;
	v62 =	vmul.f32 v22, v41;
	v42 =	vmul.f32 v28, v28  }
0x158: {  	(xrf2) =	vadd.scan.msk.f32 $0xffff, v15;
	v7 =	vadd.f32 v50, v49;
	v26 =	vld [tilespmem:s26+$0x4BF0];
	v56 =	vmul.f32 v56, v43;
	v57 =	vmul.f32 v59, v34  }
0x159: {  	v36 =	vld [tilespmem:s26+$0xCBC0];
	(xrf2) =	vadd.scan.msk.f32 $0xffff, v5;
	v19 =	vadd.f32 v54, v53;
	v59 =	vmul.f32 v33, v33;
	v33 =	vmul.f32 v40, v40  }
0x15a: {  	(xrf2) =	vadd.scan.msk.f32 $0xffff, v9;
	v63 =	vld [tilespmem:s26+$0x8BC0];
	v37 =	vmul.f32 v51, v28;
	v43 =	vmul.f32 v38, v38;
	v4 =	vadd.f32 v23, v44  }
0x15b: {  	(xrf2) =	vadd.scan.msk.f32 $0xffff, v10;
	v34 =	vld [tilespmem:s26+$0x8BD0];
	v51 =	vmul.f32 v51, v51;
	v52 =	vadd.f32 v48, v47;
	v7 =	vadd.f32 v61, v7  }
0x15c: {  	(xrf2) =	vadd.scan.msk.f32 $0xffff, v11;
	v40 =	vld [tilespmem:s26+$0xCBD0];
	v60 =	vadd.f32 v57, v56;
	v39 =	vmul.f32 v55, v38;
	v46 =	vmul.f32 v25, v21  }
0x15d: {  	v41, _, _ =	vpop (xrf2);
	(xrf2) =	vadd.scan.msk.f32 $0xffff, v13;
	v44 =	vld [tilespmem:s26+$0x8BE0];
	v32 =	vadd.f32 v59, v19;
	v47 =	vmul.f32 v26, v27;
	v50 =	vmul.f32 v21, v21  }
0x15e: {  	v45, _, _ =	vpop (xrf2);
	(xrf2) =	vadd.scan.msk.f32 $0xffff, v17;
	v48 =	vld [tilespmem:s26+$0xCBE0];
	v10 =	vadd.f32 v43, v42;
	v55 =	vmul.f32 v55, v55;
	v59 =	vmul.f32 v27, v27  }
0x15f: {  	v49, _, _ =	vpop (xrf2);
	(xrf2) =	vadd.scan.msk.f32 $0xffff, v12;
	v56 =	vld [tilespmem:s26+$0xCBF0];
	v26 =	vmul.f32 v26, v26;
	v8 =	vadd.f32 v58, v52;
	v5 =	vadd.f32 v62, v60  }
0x160: {  	v52 =	vld [tilespmem:s26+$0x8BF0];
	v53, _, _ =	vpop (xrf2);
	(xrf2) =	vadd.scan.msk.f32 $0xffff, v6;
	v9 =	vadd.f32 v33, v32;
	v11 =	vadd.f32 v39, v37;
	v14 =	vmul.f32 v36, v63  }
0x161: {  	v57, _, _ =	vpop (xrf2);
	(xrf2) =	vadd.scan.msk.f32 $0xffff, v4;
	v58 =	vadd.f32 v50, v10;
	v62 =	vadd.f32 v55, v51;
	v60 =	vmul.f32 v40, v34  }
0x162: {  	v63 =	vmul.f32 v25, v25;
	v25 =	vbroadcast v41, $0xF;
	v61, _, _ =	vpop (xrf2);
	(xrf2) =	vadd.scan.msk.f32 $0xffff, v8;
	v54 =	vadd.f32 v46, v11  }
0x163: {  	v5 =	vadd.f32 v35, v5;
	v17, _, _ =	vpop (xrf2);
	(xrf2) =	vadd.scan.msk.f32 $0xffff, v7;
	v23 =	vmul.f32 v48, v44;
	v19 =	vadd.f32 v60, v14  }
0x164: {  	v32 =	vbroadcast v45, $0xF;
	v8 =	vadd.f32 v63, v62;
	v24, _, _ =	vpop (xrf2);
	(xrf2) =	vadd.scan.msk.f32 $0xffff, v9;
	v6 =	vadd.f32 v47, v54  }
0x165: {  	v4 =	vadd.f32 v59, v58;
	v27, _, _ =	vpop (xrf2);
	(xrf2) =	vadd.scan.msk.f32 $0xffff, v5;
	v31 =	vmul.f32 v56, v52;
	v29 =	vadd.f32 v23, v19  }
0x166: {  	v36 =	vbroadcast v53, $0xF;
	v34 =	vbroadcast v49, $0xF;
	v8 =	vadd.f32 v26, v8;
	v33, _, _ =	vpop (xrf2);
	(xrf2) =	vadd.scan.msk.f32 $0xffff, v6  }
0x167: {  	v37 =	vbroadcast v57, $0xF;
	v0 =	vsel vm9, v0, v25;
	v35, _, _ =	vpop (xrf2);
	v5 =	vadd.f32 v31, v29;
	(xrf2) =	vadd.scan.msk.f32 $0xffff, v4  }
0x168: {  	v1 =	vsel vm9, v1, v32;
	v38 =	vbroadcast v61, $0xF;
	v3 =	vsel vm10, v3, v36;
	v39, _, _ =	vpop (xrf2);
	(xrf2) =	vadd.scan.msk.f32 $0xffff, v8  }
0x169: {  	v2 =	vsel vm9, v2, v34;
	v40 =	vbroadcast v17, $0xF;
	v0 =	vsel vm10, v0, v37;
	v42, _, _ =	vpop (xrf2);
	(xrf2) =	vadd.scan.msk.f32 $0xffff, v5  }
0x16a: {  	v41 =	vbroadcast v24, $0xF;
	v1 =	vsel vm10, v1, v38;
	v44 =	vbroadcast v27, $0xF;
	v43, _, _ =	vpop (xrf2)  }
0x16b: {  	v2 =	vsel vm10, v2, v40;
	v46 =	vbroadcast v33, $0xF;
	v48 =	vbroadcast v35, $0xF;
	v45, _, _ =	vpop (xrf2)  }
0x16c: {  	v3 =	vsel vm11, v3, v41;
	v0 =	vsel vm11, v0, v44;
	v49 =	vbroadcast v39, $0xF;
	v47, _, _ =	vpop (xrf2)  }
0x16d: {  	v1 =	vsel vm11, v1, v46;
	v51 =	vbroadcast v42, $0xF;
	v2 =	vsel vm11, v2, v48;
	v50, _, _ =	vpop (xrf2)  }
0x16e: {  	v5 =	vbroadcast v43, $0xF;
	v3 =	vsel vm12, v3, v49;
	v53 =	vbroadcast v47, $0xF;
	v52, _, _ =	vpop (xrf2)  }
0x16f: {  	v0 =	vsel vm12, v0, v51;
	v57 =	vbroadcast v45, $0xF;
	v55 =	vbroadcast v50, $0xF;
	v54, _, _ =	vpop (xrf2)  }
0x170: {  	p0 =	sne.s32 s25, $0xF;
	v1 =	vsel vm12, v1, v5;
	v3 =	vsel vm13, v3, v53;
	v58 =	vbroadcast v52, $0xF;
	v56, _, _ =	vpop (xrf2)  }
.Ltmp0:
0x171: {  	s26 =	sshll.u32 s25, $0x4;
	v0 =	vsel vm13, v0, v55;
	v60 =	vbroadcast v54, $0xF;
	v59, _, _ =	vpop (xrf2);
	v3 =	vsel vm14, v3, v56;
	(pc) =	sbr.rel @p0 .LBB2_2-.Ltmp0, $4  }
0x172: {  	v2 =	vsel vm12, v2, v57;
	v1 =	vsel vm13, v1, v58;
	v61, _, _ =	vpop (xrf2);
	v0 =	vsel vm14, v0, v59;
	[tilespmem:s26+$0x10800] =	vst v3  }
0x173: {  	v2 =	vsel vm13, v2, v60;
	v1 =	vsel vm14, v1, v61;
	v62, _, _ =	vpop (xrf2);
	[tilespmem:s26+$0x10A00] =	vst v0  }
0x174: {  	v63 =	vsel vm14, v2, v62;
	[tilespmem:s26+$0x10C00] =	vst v1  }
0x175: {  	s25 =	sadd.s32 $0x1, s25;
	[tilespmem:s26+$0x10E00] =	vst v63  }
0x176: {  	[tilespmem:s20], [sflag:$0x1] =	stream.indirect.gather [hbm4b:s3+s19], $0x40, s19, s19, $0xb8;
	[tilespmem:$0x11000] =	vst v63  }
0x177: {  	_ =	swait.ge [sflag:s21], $0x4000  }
0x178: {  	[sflag:s21] =	ssyncset.done $0x0  }
0x179: {  	s25 =	simm.s32 $0x300;
	[sflag:s21] =	ssyncadd.s32 $0xFFFFC000  }
0x17a: {  	[tilespmem:s22], [sflag:$0x1] =	stream.indirect.gather [hbm4b:s4+s19], $0x40, s25, s19, $0xb8;
	[tilespmem:$0x11000] =	vst v63  }
0x17b: {  	_ =	swait.ge [sflag:s21], $0x4000  }
0x17c: {  	[sflag:s21] =	ssyncset.done $0x0  }
0x17d: {  	s26 =	simm.s32 $0x500;
	[sflag:s21] =	ssyncadd.s32 $0xFFFFC000  }
0x17e: {  	[tilespmem:s23], [sflag:$0x1] =	stream.indirect.gather [hbm4b:s3+s19], $0x40, s26, s19, $0xb8;
	[tilespmem:$0x11000] =	vst v63  }
0x17f: {  	_ =	swait.ge [sflag:s21], $0x4000  }
0x180: {  	[sflag:s21] =	ssyncset.done $0x0  }
0x181: {  	[sflag:s21] =	ssyncadd.s32 $0xFFFFC000  }
0x182: {  	[tilespmem:s24], [sflag:$0x1] =	stream.indirect.gather [hbm4b:s5+s19], $0x40, s28, s19, $0xb8;
	[tilespmem:$0x11000] =	vst v63  }
0x183: {  	_ =	swait.ge [sflag:s21], $0x4000  }
0x184: {  	[sflag:s21] =	ssyncset.done $0x0  }
0x185: {  	s25 =	simm.s32 $0x0;
	[sflag:s21] =	ssyncadd.s32 $0xFFFFC000  }
.LBB2_4:
0x186: {  	s26 =	sshll.u32 s25, $0xA  }
0x187: {  	v59 =	vld [tilespmem:s26+$0xC8B0]  }
0x188: {  	v6 =	vld [tilespmem:s26+$0x800]  }
0x189: {  	v8 =	vld [tilespmem:s26+$0x810]  }
0x18a: {  	v12 =	vld [tilespmem:s26+$0x820]  }
0x18b: {  	v14 =	vld [tilespmem:s26+$0x830]  }
0x18c: {  	[tilespmem:$0x1FA80] =	vst v59;
	v59 =	vld [tilespmem:s26+$0x8900]  }
0x18d: {  	v15 =	vld [tilespmem:s26+$0x4800]  }
0x18e: {  	v16 =	vld [tilespmem:s26+$0x4810]  }
0x18f: {  	v19 =	vld [tilespmem:s26+$0x4820]  }
0x190: {  	v24 =	vld [tilespmem:s26+$0x4830]  }
0x191: {  	[tilespmem:$0x1FB10] =	vst v59;
	v59 =	vld [tilespmem:s26+$0x8910]  }
0x192: {  	v44 =	vld [tilespmem:s26+$0x8800]  }
0x193: {  	v27 =	vld [tilespmem:s26+$0x8810]  }
0x194: {  	v30 =	vld [tilespmem:s26+$0x8820]  }
0x195: {  	v34 =	vld [tilespmem:s26+$0x8830]  }
0x196: {  	[tilespmem:$0x1FB30] =	vst v59;
	v59 =	vld [tilespmem:s26+$0x8920]  }
0x197: {  	v21 =	vld [tilespmem:s26+$0xC800]  }
0x198: {  	v22 =	vld [tilespmem:s26+$0xC810]  }
0x199: {  	v26 =	vld [tilespmem:s26+$0xC820]  }
0x19a: {  	v31 =	vld [tilespmem:s26+$0xC830]  }
0x19b: {  	[tilespmem:$0x1FB50] =	vst v59;
	v59 =	vld [tilespmem:s26+$0x8930]  }
0x19c: {  	v4 =	vld [tilespmem:s26+$0x840]  }
0x19d: {  	v5 =	vld [tilespmem:s26+$0x850]  }
0x19e: {  	v9 =	vld [tilespmem:s26+$0x860]  }
0x19f: {  	v10 =	vld [tilespmem:s26+$0x870]  }
0x1a0: {  	[tilespmem:$0x1FB70] =	vst v59;
	v59 =	vld [tilespmem:s26+$0xC900]  }
0x1a1: {  	v2 =	vld [tilespmem:s26+$0x4840]  }
0x1a2: {  	v3 =	vld [tilespmem:s26+$0x4850]  }
0x1a3: {  	v7 =	vld [tilespmem:s26+$0x4860]  }
0x1a4: {  	v11 =	vld [tilespmem:s26+$0x4870]  }
0x1a5: {  	[tilespmem:$0x1FB20] =	vst v59;
	v59 =	vld [tilespmem:s26+$0xC910]  }
0x1a6: {  	v40 =	vld [tilespmem:s26+$0x8840]  }
0x1a7: {  	v43 =	vld [tilespmem:s26+$0x8850]  }
0x1a8: {  	v46 =	vld [tilespmem:s26+$0x8860]  }
0x1a9: {  	v49 =	vld [tilespmem:s26+$0x8870]  }
0x1aa: {  	[tilespmem:$0x1FB40] =	vst v59;
	v59 =	vld [tilespmem:s26+$0xC920]  }
0x1ab: {  	v33 =	vld [tilespmem:s26+$0xC840]  }
0x1ac: {  	v42 =	vld [tilespmem:s26+$0xC850]  }
0x1ad: {  	v45 =	vld [tilespmem:s26+$0xC860]  }
0x1ae: {  	v47 =	vld [tilespmem:s26+$0xC870]  }
0x1af: {  	[tilespmem:$0x1FB60] =	vst v59;
	v59 =	vld [tilespmem:s26+$0xC930]  }
0x1b0: {  	v13 =	vld [tilespmem:s26+$0x880]  }
0x1b1: {  	v17 =	vld [tilespmem:s26+$0x890]  }
0x1b2: {  	v20 =	vld [tilespmem:s26+$0x8A0]  }
0x1b3: {  	v29 =	vld [tilespmem:s26+$0x8B0]  }
0x1b4: {  	[tilespmem:$0x1FB80] =	vst v59;
	v59 =	vld [tilespmem:s26+$0x940]  }
0x1b5: {  	v18 =	vld [tilespmem:s26+$0x4880]  }
0x1b6: {  	v35 =	vld [tilespmem:s26+$0x4890]  }
0x1b7: {  	v32 =	vld [tilespmem:s26+$0x48A0]  }
0x1b8: {  	v28 =	vld [tilespmem:s26+$0x48B0]  }
0x1b9: {  	[tilespmem:$0x1FBA0] =	vst v59;
	v59 =	vld [tilespmem:s26+$0x950]  }
0x1ba: {  	v57 =	vld [tilespmem:s26+$0x8880]  }
0x1bb: {  	v54 =	vld [tilespmem:s26+$0x8890]  }
0x1bc: {  	v0 =	vld [tilespmem:s26+$0x88A0]  }
0x1bd: {  	v58 =	vld [tilespmem:s26+$0x88B0]  }
0x1be: {  	[tilespmem:$0x1FBC0] =	vst v59;
	v59 =	vld [tilespmem:s26+$0x960]  }
0x1bf: {  	v52 =	vld [tilespmem:s26+$0xC880]  }
0x1c0: {  	v50 =	vld [tilespmem:s26+$0xC890]  }
0x1c1: {  	v62 =	vld [tilespmem:s26+$0xC8A0]  }
0x1c2: {  	v25 =	vld [tilespmem:s26+$0x8C0]  }
0x1c3: {  	[tilespmem:$0x1FBE0] =	vst v59;
	v59 =	vld [tilespmem:s26+$0x970]  }
0x1c4: {  	v23 =	vld [tilespmem:s26+$0x8D0]  }
0x1c5: {  	v36 =	vld [tilespmem:s26+$0x8E0]  }
0x1c6: {  	v37 =	vld [tilespmem:s26+$0x8F0]  }
0x1c7: {  	v39 =	vld [tilespmem:s26+$0x48C0]  }
0x1c8: {  	[tilespmem:$0x1FBF0] =	vst v59;
	v59 =	vld [tilespmem:s26+$0x4940]  }
0x1c9: {  	v63 =	vld [tilespmem:s26+$0x48D0]  }
0x1ca: {  	v38 =	vld [tilespmem:s26+$0x48E0]  }
0x1cb: {  	v41 =	vld [tilespmem:s26+$0x48F0]  }
0x1cc: {  	v60 =	vld [tilespmem:s26+$0x88C0]  }
0x1cd: {  	[tilespmem:$0x1FB90] =	vst v59;
	v59 =	vld [tilespmem:s26+$0x4950]  }
0x1ce: {  	v61 =	vld [tilespmem:s26+$0x88D0]  }
0x1cf: {  	v48 =	vld [tilespmem:s26+$0x88E0]  }
0x1d0: {  	v51 =	vld [tilespmem:s26+$0x88F0]  }
0x1d1: {  	v53 =	vld [tilespmem:s26+$0xC8C0]  }
0x1d2: {  	[tilespmem:$0x1FBB0] =	vst v59;
	v59 =	vld [tilespmem:s26+$0x4960]  }
0x1d3: {  	v55 =	vld [tilespmem:s26+$0xC8D0]  }
0x1d4: {  	v56 =	vld [tilespmem:s26+$0xC8E0];
	[tilespmem:$0x1FA60] =	vst v0  }
0x1d5: {  	[tilespmem:$0x1FA70] =	vst v58;
	v58 =	vld [tilespmem:s26+$0xC8F0]  }
0x1d6: {  	[tilespmem:$0x1FA90] =	vst v60;
	v60 =	vld [tilespmem:s26+$0x900];
	v1 =	vmul.f32 v15, v6;
	v0 =	vmul.f32 v16, v8  }
0x1d7: {  	[tilespmem:$0x1FBD0] =	vst v59;
	v59 =	vld [tilespmem:s26+$0x4970]  }
0x1d8: {  	[tilespmem:$0x1FAB0] =	vst v61;
	v61 =	vld [tilespmem:s26+$0x910];
	v0 =	vadd.f32 v0, v1;
	v1 =	vmul.f32 v19, v12  }
0x1d9: {  	[tilespmem:$0x1FAE0] =	vst v56;
	v56 =	vld [tilespmem:s26+$0x920];
	v6 =	vmul.f32 v6, v6;
	v8 =	vmul.f32 v8, v8  }
0x1da: {  	[tilespmem:$0x1FAA0] =	vst v53;
	v53 =	vld [tilespmem:s26+$0x930];
	v0 =	vadd.f32 v1, v0;
	v1 =	vmul.f32 v24, v14  }
0x1db: {  	[tilespmem:$0x1FAC0] =	vst v55;
	v55 =	vld [tilespmem:s26+$0x4900];
	v6 =	vadd.f32 v8, v6;
	v8 =	vmul.f32 v12, v12  }
0x1dc: {  	v12 =	vmul.f32 v16, v16;
	v0 =	vadd.f32 v1, v0;
	v1 =	vmul.f32 v15, v15;
	[tilespmem:$0x1FC00] =	vst v59;
	v59 =	vld [tilespmem:s26+$0x8940]  }
0x1dd: {  	[tilespmem:$0x1FAF0] =	vst v51;
	v51 =	vld [tilespmem:s26+$0x4920]  }
0x1de: {  	[tilespmem:$0x1FAD0] =	vst v48;
	v48 =	vld [tilespmem:s26+$0x4930];
	v1 =	vadd.f32 v12, v1;
	v12 =	vmul.f32 v26, v30;
	v26 =	vmul.f32 v19, v19  }
0x1df: {  	[tilespmem:$0x1FB00] =	vst v58;
	v58 =	vld [tilespmem:s26+$0x4910]  }
0x1e0: {  	v1 =	vadd.f32 v26, v1;
	v26 =	vmul.f32 v31, v34;
	v34 =	vld [tilespmem:s26+$0xC970]  }
0x1e1: {  	[tilespmem:$0x1FC10] =	vst v59;
	v59 =	vld [tilespmem:s26+$0x8950]  }
0x1e2: {  	v15 =	vmul.f32 v24, v24;
	v24 =	vld [tilespmem:s26+$0xC950]  }
0x1e3: {  	v30 =	vld [tilespmem:s26+$0xC940]  }
0x1e4: {  	v19 =	vld [tilespmem:s26+$0x4980]  }
0x1e5: {  	v14 =	vmul.f32 v14, v14;
	[tilespmem:$0x1FC70] =	vst v34;
	v34 =	vld [tilespmem:s26+$0x980]  }
0x1e6: {  	v6 =	vadd.f32 v8, v6;
	[tilespmem:$0x1FC30] =	vst v59;
	v59 =	vmul.f32 v21, v44;
	v21 =	vmul.f32 v22, v27;
	v27 =	vld [tilespmem:s26+$0x8970]  }
0x1e7: {  	v31 =	vmul.f32 v7, v9;
	v22 =	vld [tilespmem:s26+$0x8960]  }
0x1e8: {  	v9 =	vmul.f32 v9, v9;
	v8 =	vadd.f32 v21, v59;
	v21 =	vadd.f32 v14, v6;
	v14 =	vld [tilespmem:s26+$0x9A0]  }
0x1e9: {  	(xrf2) =	vadd.scan.msk.f32 $0xffff, v0;
	v44 =	vmul.f32 v2, v4;
	v59 =	vmul.f32 v3, v5;
	v6 =	vld [tilespmem:s26+$0x4990]  }
0x1ea: {  	v1 =	vadd.f32 v15, v1;
	v15 =	vmul.f32 v11, v10;
	[tilespmem:$0x1FC20] =	vst v30;
	(xrf2) =	vadd.scan.msk.f32 $0xffff, v21;
	v21 =	vld [tilespmem:$0x1FB40]  }
0x1eb: {  	v2 =	vmul.f32 v2, v2;
	v3 =	vmul.f32 v3, v3;
	v30 =	vadd.f32 v59, v44;
	[tilespmem:$0x1FC60] =	vst v27;
	v27 =	vld [tilespmem:s26+$0xC960]  }
0x1ec: {  	v4 =	vmul.f32 v4, v4;
	v5 =	vmul.f32 v5, v5;
	[tilespmem:$0x1FC40] =	vst v22;
	v22 =	vadd.f32 v12, v8;
	v8 =	vld [tilespmem:s26+$0x990]  }
0x1ed: {  	v2 =	vadd.f32 v3, v2;
	v12 =	vmul.f32 v7, v7;
	v44 =	vadd.f32 v31, v30;
	v30 =	vld [tilespmem:s26+$0x9B0]  }
0x1ee: {  	v4 =	vadd.f32 v5, v4;
	v59 =	vmul.f32 v33, v40;
	v31 =	vmul.f32 v45, v46;
	v46 =	vld [tilespmem:s26+$0x8980]  }
0x1ef: {  	v22 =	vadd.f32 v26, v22;
	v26 =	vmul.f32 v42, v43;
	v2 =	vadd.f32 v12, v2;
	v12 =	vld [tilespmem:s26+$0x49A0]  }
0x1f0: {  	v45 =	vmul.f32 v17, v17;
	v43 =	vmul.f32 v13, v13;
	v7 =	vadd.f32 v15, v44;
	v44 =	vld [tilespmem:s26+$0x49B0]  }
0x1f1: {  	v5 =	vadd.f32 v26, v59;
	v59 =	vld [tilespmem:s26+$0x8990]  }
0x1f2: {  	v47 =	vmul.f32 v47, v49;
	v4 =	vadd.f32 v9, v4;
	v9 =	vadd.f32 v45, v43;
	v43 =	vld [tilespmem:s26+$0xC980]  }
0x1f3: {  	v49 =	vmul.f32 v32, v20;
	v26 =	vmul.f32 v20, v20;
	v20 =	vld [tilespmem:s26+$0xCA20]  }
0x1f4: {  	v33 =	vmul.f32 v18, v13;
	v40 =	vmul.f32 v35, v17;
	[tilespmem:$0x1FC50] =	vst v27;
	v5 =	vadd.f32 v31, v5;
	v31 =	vld [tilespmem:s26+$0x89A0]  }
0x1f5: {  	v27 =	vmul.f32 v11, v11;
	[tilespmem:$0x1FC80] =	vst v46;
	v46 =	vmul.f32 v32, v32;
	v32 =	vld [tilespmem:$0x1FA70]  }
0x1f6: {  	v42 =	vmul.f32 v29, v29;
	v9 =	vadd.f32 v26, v9;
	v26 =	vld [tilespmem:$0x1FAC0]  }
0x1f7: {  	v3 =	vadd.f32 v27, v2;
	v2 =	vadd.f32 v40, v33;
	v27 =	vmul.f32 v18, v18;
	v40 =	vld [tilespmem:s26+$0x89B0]  }
0x1f8: {  	v33 =	vmul.f32 v35, v35;
	v5 =	vadd.f32 v47, v5;
	v47 =	vmul.f32 v52, v57;
	v57 =	vld [tilespmem:s26+$0xC9B0]  }
0x1f9: {  	v35 =	vmul.f32 v28, v29;
	v9 =	vadd.f32 v42, v9;
	v42 =	vmul.f32 v28, v28;
	v28 =	vld [tilespmem:s26+$0x9F0]  }
0x1fa: {  	v45 =	vadd.f32 v33, v27;
	v33 =	vld [tilespmem:s26+$0xC990]  }
0x1fb: {  	v2 =	vadd.f32 v49, v2;
	v49 =	vmul.f32 v50, v54;
	v50 =	vld [tilespmem:s26+$0xC9A0]  }
0x1fc: {  	[tilespmem:$0x1FCA0] =	vst v59;
	v59 =	vld [tilespmem:$0x1FA60]  }
0x1fd: {  	v29 =	vmul.f32 v38, v38;
	[tilespmem:$0x1FC90] =	vst v43;
	v43 =	vmul.f32 v38, v36;
	v38 =	vld [tilespmem:s26+$0x49F0]  }
0x1fe: {  	v52 =	vmul.f32 v39, v25;
	v54 =	vmul.f32 v63, v23;
	v13 =	vadd.f32 v35, v2;
	v35 =	vld [tilespmem:$0x1FA80]  }
0x1ff: {  	[tilespmem:$0x1FCB0] =	vst v31;
	v31 =	vld [tilespmem:s26+$0x9C0]  }
0x200: {  	v10 =	vmul.f32 v10, v10;
	v18 =	vadd.f32 v54, v52;
	v52 =	vmul.f32 v36, v36;
	v36 =	vld [tilespmem:s26+$0x49C0]  }
0x201: {  	v54 =	vmul.f32 v39, v39;
	v39 =	vld [tilespmem:s26+$0x49D0]  }
0x202: {  	v4 =	vadd.f32 v10, v4;
	v10 =	vadd.f32 v46, v45;
	v46 =	vmul.f32 v25, v25;
	v25 =	vld [tilespmem:$0x1FAB0]  }
0x203: {  	(xrf2) =	vadd.scan.msk.f32 $0xffff, v1;
	v11 =	vadd.f32 v49, v47;
	v2 =	vld [tilespmem:$0x1FBF0];
	v62 =	vmul.f32 v62, v59  }
0x204: {  	(xrf2) =	vadd.scan.msk.f32 $0xffff, v22;
	v59 =	vld [tilespmem:$0x1FA90]  }
0x205: {  	v47 =	vmul.f32 v23, v23;
	v49 =	vmul.f32 v41, v37;
	[tilespmem:$0x1FCD0] =	vst v40;
	v45 =	vadd.f32 v62, v11;
	v62 =	vld [tilespmem:$0x1FAA0]  }
0x206: {  	[tilespmem:$0x1FCE0] =	vst v57;
	v18 =	vadd.f32 v43, v18;
	v57 =	vmul.f32 v63, v63;
	v63 =	vmul.f32 v37, v37;
	v37 =	vld [tilespmem:s26+$0x49E0]  }
0x207: {  	v10 =	vadd.f32 v42, v10;
	[tilespmem:$0x1FCC0] =	vst v50;
	v50 =	vadd.f32 v47, v46;
	v47 =	vld [tilespmem:$0x1FAD0];
	v40 =	vmul.f32 v35, v32  }
0x208: {  	(xrf2) =	vadd.scan.msk.f32 $0xffff, v7;
	v42 =	vmul.f32 v58, v61;
	v17 =	vadd.f32 v49, v18;
	v18 =	vadd.f32 v57, v54;
	v49 =	vld [tilespmem:$0x1FAE0]  }
0x209: {  	(xrf2) =	vadd.scan.msk.f32 $0xffff, v4;
	v57 =	vmul.f32 v60, v60;
	v0 =	vadd.f32 v40, v45;
	v40 =	vmul.f32 v55, v60;
	v60 =	vld [tilespmem:s26+$0x89F0]  }
0x20a: {  	(xrf2) =	vadd.scan.msk.f32 $0xffff, v3;
	v7 =	vmul.f32 v62, v59;
	v59 =	vmul.f32 v61, v61;
	v61 =	vld [tilespmem:$0x1FAF0]  }
0x20b: {  	(xrf2) =	vadd.scan.msk.f32 $0xffff, v5;
	v1 =	vadd.f32 v52, v50;
	v62 =	vld [tilespmem:$0x1FB00]  }
0x20c: {  	v43 =	vld [tilespmem:s26+$0x89C0];
	(xrf2) =	vadd.scan.msk.f32 $0xffff, v13;
	v27 =	vmul.f32 v26, v25  }
0x20d: {  	v46 =	vmul.f32 v41, v41;
	(xrf2) =	vadd.scan.msk.f32 $0xffff, v9;
	v54 =	vld [tilespmem:s26+$0x89E0];
	v1 =	vadd.f32 v63, v1  }
0x20e: {  	v9, _, _ =	vpop (xrf2);
	(xrf2) =	vadd.scan.msk.f32 $0xffff, v10;
	v45 =	vadd.f32 v29, v18;
	v18 =	vld [tilespmem:$0x1FB30];
	v5 =	vmul.f32 v49, v47;
	v7 =	vadd.f32 v27, v7  }
0x20f: {  	v41 =	vmul.f32 v58, v58;
	v26, _, _ =	vpop (xrf2);
	v4 =	vadd.f32 v42, v40;
	(xrf2) =	vadd.scan.msk.f32 $0xffff, v0;
	v63 =	vadd.f32 v59, v57;
	v59 =	vld [tilespmem:$0x1FB10]  }
0x210: {  	v40 =	vmul.f32 v55, v55;
	[tilespmem:$0x1FD10] =	vst v60;
	v60 =	vld [tilespmem:$0x1FB20];
	v5 =	vadd.f32 v5, v7;
	v7 =	vmul.f32 v62, v61  }
0x211: {  	v35 =	vld [tilespmem:s26+$0x9D0];
	v3 =	vadd.f32 v46, v45;
	v42, _, _ =	vpop (xrf2);
	(xrf2) =	vadd.scan.msk.f32 $0xffff, v17  }
0x212: {  	v50 =	vmul.f32 v51, v56;
	v17, _, _ =	vpop (xrf2);
	(xrf2) =	vadd.scan.msk.f32 $0xffff, v1;
	v58 =	vadd.f32 v41, v40;
	v40 =	vld [tilespmem:$0x1FB60];
	v29 =	vadd.f32 v7, v5  }
0x213: {  	v27 =	vmul.f32 v48, v53;
	v1 =	vmul.f32 v21, v18;
	v21 =	vld [tilespmem:$0x1FBA0];
	v62, _, _ =	vpop (xrf2);
	(xrf2) =	vadd.scan.msk.f32 $0xffff, v3  }
0x214: {  	v4 =	vadd.f32 v50, v4;
	v61 =	vmul.f32 v51, v51;
	(xrf2) =	vadd.scan.msk.f32 $0xffff, v29;
	v29 =	vld [tilespmem:$0x1FB50]  }
0x215: {  	v25 =	vmul.f32 v56, v56;
	v5 =	vmul.f32 v60, v59;
	v60 =	vld [tilespmem:$0x1FB70]  }
0x216: {  	v57 =	vmul.f32 v53, v53;
	v4 =	vadd.f32 v27, v4;
	v23, _, _ =	vpop (xrf2);
	v16 =	vadd.f32 v61, v58;
	v61 =	vld [tilespmem:$0x1FB80]  }
0x217: {  	v10 =	vadd.f32 v25, v63;
	v25 =	vbroadcast v26, $0xF;
	v26 =	vbroadcast v23, $0xF;
	v27, _, _ =	vpop (xrf2);
	v23 =	vld [tilespmem:$0x1FB90]  }
0x218: {  	v22 =	vmul.f32 v48, v48;
	v45 =	vbroadcast v27, $0xF;
	v27 =	vld [tilespmem:$0x1FBB0]  }
0x219: {  	v63 =	vadd.f32 v57, v10;
	v1 =	vadd.f32 v1, v5;
	v5 =	vmul.f32 v40, v29;
	v29 =	vld [tilespmem:$0x1FBC0]  }
0x21a: {  	v9 =	vbroadcast v9, $0xF;
	v32 =	vld [tilespmem:s26+$0x9E0];
	v42 =	vbroadcast v42, $0xF  }
0x21b: {  	v52 =	vld [tilespmem:s26+$0x89D0];
	v41, _, _ =	vpop (xrf2);
	v0 =	vadd.f32 v22, v16;
	(xrf2) =	vadd.scan.msk.f32 $0xffff, v4;
	v1 =	vadd.f32 v5, v1;
	v5 =	vmul.f32 v61, v60  }
0x21c: {  	v15 =	vbroadcast v62, $0xF;
	v62 =	vbroadcast v17, $0xF;
	v53, _, _ =	vpop (xrf2);
	v16 =	vld [tilespmem:$0x1FBE0];
	(xrf2) =	vadd.scan.msk.f32 $0xffff, v63  }
0x21d: {  	v4 =	vsel vm0, v25, v26;
	v7 =	vsel vm0, v42, v45;
	v45 =	vbroadcast v53, $0xF;
	v26 =	vld [tilespmem:$0x1FBD0];
	v63, _, _ =	vpop (xrf2);
	(xrf2) =	vadd.scan.msk.f32 $0xffff, v0  }
0x21e: {  	v56 =	vld [tilespmem:s26+$0xC9D0];
	v53, _, _ =	vpop (xrf2);
	v22 =	vmul.f32 v23, v21;
	v40 =	vmul.f32 v27, v29  }
0x21f: {  	v9 =	vsel vm0, v9, v15;
	v15 =	vld [tilespmem:$0x1FC00];
	v3 =	vbroadcast v41, $0xF;
	v1 =	vadd.f32 v5, v1;
	v5, _, _ =	vpop (xrf2)  }
0x220: {  	[tilespmem:$0x1FCF0] =	vst v43;
	v43 =	vld [tilespmem:s26+$0xC9C0];
	v9 =	vsel vm1, v9, v45;
	v41, _, _ =	vpop (xrf2);
	v45 =	vadd.f32 v40, v22  }
0x221: {  	v55 =	vld [tilespmem:s26+$0xC9E0];
	v3 =	vsel vm0, v62, v3;
	v61 =	vbroadcast v5, $0xF;
	v62 =	vbroadcast v41, $0xF  }
0x222: {  	v46 =	vld [tilespmem:s26+$0xC9F0];
	v11 =	vbroadcast v53, $0xF;
	v53 =	vmul.f32 v26, v16;
	v13, _, _ =	vpop (xrf2)  }
0x223: {  	[tilespmem:$0x1FD00] =	vst v54;
	v54 =	vld [tilespmem:s26+$0xA10];
	v0 =	vbroadcast v63, $0xF;
	v63, _, _ =	vpop (xrf2);
	v3 =	vsel vm1, v3, v61;
	v61 =	vbroadcast v13, $0xF  }
0x224: {  	v49 =	vld [tilespmem:s26+$0xA20];
	(xrf2) =	vadd.scan.msk.f32 $0xffff, v1;
	v1 =	vadd.f32 v53, v45;
	v53 =	vmul.f32 v15, v2;
	v45, _, _ =	vpop (xrf2)  }
0x225: {  	v47 =	vld [tilespmem:s26+$0x4A00];
	v0 =	vsel vm1, v4, v0;
	v4 =	vsel vm2, v9, v62;
	v62, _, _ =	vpop (xrf2)  }
0x226: {  	v50 =	vld [tilespmem:s26+$0x4A20];
	v10 =	vbroadcast v63, $0xF;
	v1 =	vadd.f32 v53, v1;
	v53 =	vmul.f32 v29, v29;
	v63, _, _ =	vpop (xrf2)  }
0x227: {  	v5 =	vsel vm2, v0, v61;
	v29 =	vld [tilespmem:$0x1FC10];
	v13 =	vbroadcast v45, $0xF;
	v41 =	vbroadcast v63, $0xF;
	v61, _, _ =	vpop (xrf2)  }
0x228: {  	v45 =	vmul.f32 v21, v21;
	v21 =	vbroadcast v61, $0xF;
	v61 =	vld [tilespmem:$0x1FC30]  }
0x229: {  	v18 =	vsel vm1, v7, v11;
	v7 =	vbroadcast v62, $0xF;
	v62 =	vsel vm3, v5, v41;
	v41 =	vld [tilespmem:$0x1FC20]  }
0x22a: {  	v48 =	vld [tilespmem:s26+$0xA30];
	v10 =	vsel vm2, v18, v10  }
0x22b: {  	v59 =	vld [tilespmem:s26+$0x8A00];
	(xrf2) =	vadd.scan.msk.f32 $0xffff, v1;
	v13 =	vsel vm2, v3, v13;
	v1 =	vadd.f32 v53, v45;
	v3 =	vmul.f32 v16, v16  }
0x22c: {  	v58 =	vld [tilespmem:s26+$0x8A20];
	v27 =	vmul.f32 v27, v27;
	v53 =	vsel vm3, v10, v21;
	v10 =	vmul.f32 v23, v23  }
0x22d: {  	v25 =	vld [tilespmem:s26+$0xCA00];
	v9 =	vadd.f32 v3, v1  }
0x22e: {  	v10 =	vadd.f32 v27, v10;
	v27 =	vld [tilespmem:$0x1FC60];
	v1 =	vmul.f32 v24, v61;
	v45 =	vmul.f32 v41, v29  }
0x22f: {  	v61 =	vld [tilespmem:$0x1FC50]  }
0x230: {  	v29, _, _ =	vpop (xrf2);
	v18 =	vadd.f32 v1, v45;
	v45 =	vld [tilespmem:$0x1FC40]  }
0x231: {  	v41 =	vbroadcast v29, $0xF;
	v29 =	vld [tilespmem:$0x1FC70]  }
0x232: {  	v51 =	vld [tilespmem:s26+$0xA00];
	v26 =	vmul.f32 v26, v26  }
0x233: {  	v57 =	vld [tilespmem:s26+$0x4A10];
	v58 =	vmul.f32 v20, v58;
	v25 =	vmul.f32 v25, v59  }
0x234: {  	v42 =	vld [tilespmem:s26+$0x4A30];
	v0 =	vmul.f32 v6, v8;
	v3 =	vmul.f32 v2, v2;
	v10 =	vadd.f32 v26, v10  }
0x235: {  	v20 =	vld [tilespmem:s26+$0x4AC0];
	v41 =	vsel vm3, v13, v41;
	v13 =	vmul.f32 v15, v15;
	v1 =	vmul.f32 v61, v45  }
0x236: {  	v11 =	vld [tilespmem:s26+$0xA40];
	v2 =	vmul.f32 v29, v27;
	v45 =	vadd.f32 v3, v9;
	v3 =	vmul.f32 v19, v34  }
0x237: {  	v60 =	vld [tilespmem:s26+$0x8A10];
	v8 =	vmul.f32 v8, v8;
	v29 =	vadd.f32 v13, v10;
	v26 =	vadd.f32 v1, v18  }
0x238: {  	v22 =	vld [tilespmem:s26+$0xCA10];
	v1 =	vmul.f32 v34, v34;
	v13 =	vadd.f32 v0, v3;
	v3 =	vmul.f32 v12, v14  }
0x239: {  	v40 =	vld [tilespmem:s26+$0x8A30];
	v6 =	vmul.f32 v6, v6;
	v19 =	vmul.f32 v19, v19;
	v15 =	vadd.f32 v2, v26  }
0x23a: {  	v63 =	vld [tilespmem:s26+$0xCA30];
	v0 =	vmul.f32 v44, v30;
	v2, _, _ =	vpop (xrf2);
	v8 =	vadd.f32 v8, v1;
	v1 =	vadd.f32 v3, v13  }
0x23b: {  	v16 =	vld [tilespmem:s26+$0xA60];
	v4 =	vsel vm3, v4, v7;
	v14 =	vmul.f32 v14, v14;
	v17 =	vbroadcast v2, $0xF  }
0x23c: {  	v3 =	vadd.f32 v0, v1;
	v1 =	vadd.f32 v6, v19;
	v6 =	vmul.f32 v12, v12;
	v12 =	vld [tilespmem:$0x1FC90]  }
0x23d: {  	v22 =	vmul.f32 v22, v60;
	v34 =	vsel vm4, v4, v17;
	v4 =	vadd.f32 v14, v8;
	v8 =	vld [tilespmem:$0x1FC80]  }
0x23e: {  	v14 =	vld [tilespmem:$0x1FCA0]  }
0x23f: {  	v22 =	vadd.f32 v22, v25;
	v25 =	vld [tilespmem:s26+$0x4AF0]  }
0x240: {  	v7 =	vld [tilespmem:s26+$0xA50]  }
0x241: {  	v5 =	vld [tilespmem:s26+$0x4A40];
	v30 =	vmul.f32 v30, v30  }
0x242: {  	[tilespmem:$0x1FD20] =	vst v62;
	v62 =	vld [tilespmem:s26+$0xA70]  }
0x243: {  	v24 =	vld [tilespmem:s26+$0x4A50];
	v30 =	vadd.f32 v30, v4;
	v4 =	vmul.f32 v12, v8;
	v19 =	vmul.f32 v33, v14  }
0x244: {  	v12 =	vld [tilespmem:$0x1FCB0]  }
0x245: {  	v4 =	vadd.f32 v19, v4;
	v19 =	vld [tilespmem:$0x1FCC0]  }
0x246: {  	v23 =	vld [tilespmem:s26+$0x4A60]  }
0x247: {  	v21 =	vld [tilespmem:s26+$0x8A40]  }
0x248: {  	v59 =	vmul.f32 v5, v11;
	v11 =	vmul.f32 v11, v11;
	v27 =	vld [tilespmem:s26+$0x8A70]  }
0x249: {  	v60 =	vmul.f32 v24, v7;
	v7 =	vmul.f32 v7, v7;
	v0 =	vld [tilespmem:$0x1FCD0]  }
0x24a: {  	v19 =	vmul.f32 v19, v12;
	v12 =	vld [tilespmem:$0x1FCE0]  }
0x24b: {  	v10 =	vld [tilespmem:s26+$0xCA40];
	v7 =	vadd.f32 v7, v11  }
0x24c: {  	v11 =	vld [tilespmem:s26+$0xCAC0];
	v2 =	vadd.f32 v6, v1;
	v6 =	vmul.f32 v36, v31;
	v14 =	vmul.f32 v39, v35  }
0x24d: {  	v61 =	vld [tilespmem:s26+$0x4A70]  }
0x24e: {  	v9 =	vld [tilespmem:s26+$0xCA50];
	v6 =	vadd.f32 v14, v6;
	v14 =	vmul.f32 v44, v44  }
0x24f: {  	v18 =	vld [tilespmem:s26+$0x8A50];
	v1 =	vmul.f32 v12, v0;
	v0 =	vmul.f32 v37, v32  }
0x250: {  	v26 =	vld [tilespmem:s26+$0x8A60]  }
0x251: {  	v13 =	vld [tilespmem:s26+$0xCA60];
	v2 =	vadd.f32 v14, v2;
	v14 =	vmul.f32 v38, v28;
	v0 =	vadd.f32 v0, v6  }
0x252: {  	(xrf2) =	vadd.scan.msk.f32 $0xffff, v45;
	v10 =	vmul.f32 v10, v21;
	v21 =	vld [tilespmem:s26+$0xB20]  }
0x253: {  	(xrf2) =	vadd.scan.msk.f32 $0xffff, v29;
	v0 =	vadd.f32 v14, v0;
	v14 =	vmul.f32 v36, v36;
	v36 =	vld [tilespmem:$0x1FCF0]  }
0x254: {  	(xrf2) =	vadd.scan.msk.f32 $0xffff, v15;
	v15 =	vld [tilespmem:s26+$0xAE0];
	v31 =	vmul.f32 v31, v31;
	v35 =	vmul.f32 v35, v35;
	v19 =	vadd.f32 v19, v4  }
0x255: {  	v17 =	vld [tilespmem:s26+$0xCA70];
	v9 =	vmul.f32 v9, v18  }
0x256: {  	v18 =	vld [tilespmem:s26+$0xCAD0];
	v1 =	vadd.f32 v1, v19;
	v19 =	vadd.f32 v35, v31;
	v31 =	vmul.f32 v32, v32  }
0x257: {  	v10 =	vadd.f32 v9, v10;
	v9 =	vld [tilespmem:s26+$0xCAF0]  }
0x258: {  	v52 =	vmul.f32 v56, v52;
	v33 =	vld [tilespmem:s26+$0xA80];
	v19 =	vadd.f32 v31, v19;
	v31 =	vmul.f32 v43, v36  }
0x259: {  	v8 =	vld [tilespmem:s26+$0xA90]  }
0x25a: {  	v31 =	vadd.f32 v52, v31;
	v52 =	vld [tilespmem:$0x1FD00]  }
0x25b: {  	v44 =	vld [tilespmem:s26+$0xAB0]  }
0x25c: {  	v4 =	vld [tilespmem:s26+$0x4A80]  }
0x25d: {  	v56 =	vmul.f32 v28, v28;
	v12 =	vld [tilespmem:s26+$0xAA0]  }
0x25e: {  	v28 =	vmul.f32 v37, v37;
	v6 =	vld [tilespmem:s26+$0x4A90];
	v35 =	vmul.f32 v39, v39  }
0x25f: {  	v37 =	vmul.f32 v38, v38;
	v32 =	vld [tilespmem:s26+$0x4AA0];
	v38 =	vmul.f32 v55, v52  }
0x260: {  	v39 =	vld [tilespmem:s26+$0x4AB0];
	v14 =	vadd.f32 v35, v14  }
0x261: {  	v56 =	vadd.f32 v56, v19;
	v19 =	vadd.f32 v38, v31;
	v38 =	vld [tilespmem:$0x1FD10]  }
0x262: {  	(xrf2) =	vadd.scan.msk.f32 $0xffff, v3;
	v35 =	vld [tilespmem:s26+$0x8AA0]  }
0x263: {  	(xrf2) =	vadd.scan.msk.f32 $0xffff, v30;
	v14 =	vadd.f32 v28, v14;
	v28 =	vld [tilespmem:s26+$0x8AB0];
	v52 =	vmul.f32 v47, v51;
	v55 =	vmul.f32 v57, v54  }
0x264: {  	v5 =	vmul.f32 v5, v5;
	(xrf2) =	vadd.scan.msk.f32 $0xffff, v2;
	v36 =	vld [tilespmem:s26+$0x8A80]  }
0x265: {  	v45 =	vmul.f32 v50, v49;
	(xrf2) =	vadd.scan.msk.f32 $0xffff, v1;
	v43 =	vld [tilespmem:s26+$0x8A90];
	v37 =	vadd.f32 v37, v14;
	v14 =	vadd.f32 v55, v52  }
0x266: {  	v49 =	vmul.f32 v49, v49;
	v30 =	vadd.f32 v60, v59;
	(xrf2) =	vadd.scan.msk.f32 $0xffff, v0;
	v52 =	vld [tilespmem:s26+$0xCA90];
	v31 =	vmul.f32 v46, v38  }
0x267: {  	v59 =	vmul.f32 v61, v62;
	(xrf2) =	vadd.scan.msk.f32 $0xffff, v56;
	v56 =	vmul.f32 v16, v16;
	v45 =	vadd.f32 v45, v14;
	v14 =	vld [tilespmem:s26+$0xAC0]  }
0x268: {  	v46 =	vld [tilespmem:s26+$0xCA80];
	v55 =	vadd.f32 v31, v19;
	v19 =	vmul.f32 v51, v51;
	v31 =	vmul.f32 v54, v54  }
0x269: {  	v7 =	vadd.f32 v56, v7;
	v47 =	vmul.f32 v47, v47;
	v38 =	vld [tilespmem:s26+$0xCAB0];
	v54 =	vmul.f32 v57, v57  }
0x26a: {  	v51 =	vld [tilespmem:s26+$0xCAA0];
	v57 =	vmul.f32 v42, v48;
	v48 =	vmul.f32 v48, v48;
	v31 =	vadd.f32 v31, v19  }
0x26b: {  	v42 =	vmul.f32 v42, v42;
	v29 =	vadd.f32 v54, v47;
	v54 =	vmul.f32 v50, v50;
	v19 =	vld [tilespmem:s26+$0xAD0]  }
0x26c: {  	v3 =	vadd.f32 v57, v45;
	v45 =	vld [tilespmem:s26+$0xAF0];
	v57 =	vmul.f32 v24, v24;
	v31 =	vadd.f32 v49, v31  }
0x26d: {  	v50 =	vmul.f32 v63, v40;
	v29 =	vadd.f32 v54, v29;
	v49 =	vadd.f32 v58, v22;
	v22 =	vld [tilespmem:s26+$0x4AE0]  }
0x26e: {  	v63 =	vmul.f32 v62, v62;
	v54 =	vmul.f32 v23, v16;
	v16 =	vadd.f32 v57, v5;
	v5 =	vld [tilespmem:s26+$0x8AF0]  }
0x26f: {  	v23 =	vmul.f32 v23, v23;
	v47 =	vadd.f32 v48, v31;
	v2 =	vadd.f32 v42, v29;
	v42 =	vld [tilespmem:s26+$0x4AD0];
	v48, _, _ =	vpop (xrf2);
	(xrf2) =	vadd.scan.msk.f32 $0xffff, v37  }
0x270: {  	v29 =	vld [tilespmem:s26+$0x8AC0];
	v0 =	vadd.f32 v50, v49;
	v58 =	vadd.f32 v54, v30;
	v49 =	vmul.f32 v13, v26;
	(xrf2) =	vadd.scan.msk.f32 $0xffff, v55  }
0x271: {  	v57 =	vadd.f32 v63, v7;
	v31 =	vld [tilespmem:s26+$0x8AD0];
	v1 =	vbroadcast v48, $0xF;
	v60, _, _ =	vpop (xrf2);
	v48 =	vmul.f32 v17, v27;
	(xrf2) =	vadd.scan.msk.f32 $0xffff, v3  }
0x272: {  	v30 =	vld [tilespmem:s26+$0x8AE0];
	v54, _, _ =	vpop (xrf2);
	v24 =	vadd.f32 v59, v58;
	v55 =	vbroadcast v60, $0xF;
	(xrf2) =	vadd.scan.msk.f32 $0xffff, v47;
	v47 =	vmul.f32 v61, v61  }
0x273: {  	v50 =	vld [tilespmem:$0x1FD20];
	v58 =	vadd.f32 v23, v16;
	v60 =	vbroadcast v54, $0xF;
	v54 =	vmul.f32 v4, v33  }
0x274: {  	v13 =	vld [tilespmem:s26+$0xCAE0];
	v63 =	vadd.f32 v49, v10;
	v56, _, _ =	vpop (xrf2);
	v33 =	vmul.f32 v33, v33;
	v5 =	vmul.f32 v9, v5  }
0x275: {  	v26 =	vld [tilespmem:s26+$0x4B10];
	v53 =	vsel vm4, v53, v55;
	v55 =	vmul.f32 v6, v8;
	v37 =	vbroadcast v56, $0xF  }
0x276: {  	v17 =	vld [tilespmem:s26+$0xB30];
	(xrf2) =	vadd.scan.msk.f32 $0xffff, v2;
	v59, _, _ =	vpop (xrf2);
	v3 =	vadd.f32 v48, v63;
	v8 =	vmul.f32 v8, v8;
	v6 =	vmul.f32 v6, v6  }
0x277: {  	v27 =	vld [tilespmem:s26+$0x4B30];
	(xrf2) =	vadd.scan.msk.f32 $0xffff, v0;
	v49 =	vsel vm4, v41, v60;
	v7 =	vbroadcast v59, $0xF;
	v60 =	vmul.f32 v32, v12  }
0x278: {  	v10 =	vld [tilespmem:s26+$0xB00];
	v1 =	vsel vm4, v50, v1;
	v61, _, _ =	vpop (xrf2);
	v12 =	vmul.f32 v12, v12;
	v11 =	vmul.f32 v11, v29;
	(xrf2) =	vadd.scan.msk.f32 $0xffff, v24  }
0x279: {  	v23 =	vld [tilespmem:s26+$0xB10];
	v0 =	vadd.f32 v47, v58;
	v18 =	vmul.f32 v18, v31;
	v13 =	vmul.f32 v13, v30;
	v62, _, _ =	vpop (xrf2)  }
0x27a: {  	v48 =	vld [tilespmem:s26+$0x8B20];
	v59 =	vadd.f32 v55, v54;
	v34 =	vsel vm5, v34, v37;
	v8 =	vadd.f32 v8, v33;
	(xrf2) =	vadd.scan.msk.f32 $0xffff, v57;
	v50, _, _ =	vpop (xrf2)  }
0x27b: {  	v41 =	vld [tilespmem:s26+$0x8B00];
	v57 =	vbroadcast v61, $0xF;
	v1 =	vsel vm5, v1, v7;
	v61 =	vbroadcast v62, $0xF;
	v56, _, _ =	vpop (xrf2)  }
0x27c: {  	v30 =	vld [tilespmem:s26+$0xCB60];
	v11 =	vadd.f32 v18, v11;
	v40 =	vadd.f32 v60, v59;
	v54 =	vbroadcast v50, $0xF;
	v58, _, _ =	vpop (xrf2)  }
0x27d: {  	v29 =	vld [tilespmem:s26+$0xB80];
	(xrf2) =	vadd.scan.msk.f32 $0xffff, v0;
	v8 =	vadd.f32 v12, v8;
	v0 =	vsel vm5, v53, v57;
	v53 =	vmul.f32 v39, v44;
	v62, _, _ =	vpop (xrf2)  }
0x27e: {  	v31 =	vld [tilespmem:s26+$0x8BB0];
	v2 =	vsel vm5, v49, v61;
	v47 =	vbroadcast v56, $0xF;
	v11 =	vadd.f32 v13, v11;
	v63, _, _ =	vpop (xrf2)  }
0x27f: {  	v24 =	vld [tilespmem:s26+$0x4B00];
	(xrf2) =	vadd.scan.msk.f32 $0xffff, v3;
	v7 =	vsel vm6, v34, v54;
	v16 =	vbroadcast v58, $0xF;
	v40 =	vadd.f32 v53, v40;
	v55, _, _ =	vpop (xrf2)  }
0x280: {  	v33 =	vld [tilespmem:s26+$0xCB20];
	v1 =	vsel vm6, v1, v47;
	v37 =	vbroadcast v62, $0xF;
	v3 =	vbroadcast v63, $0xF;
	v56, _, _ =	vpop (xrf2)  }
0x281: {  	v18 =	vld [tilespmem:s26+$0xCB50];
	v0 =	vsel vm6, v0, v16;
	v58 =	vbroadcast v55, $0xF;
	v57, _, _ =	vpop (xrf2);
	v60 =	vbroadcast v56, $0xF  }
0x282: {  	v50 =	vld [tilespmem:s26+$0xCB00];
	v3 =	vsel vm7, v7, v3;
	v59, _, _ =	vpop (xrf2);
	v34 =	vbroadcast v57, $0xF;
	v57 =	vmul.f32 v44, v44  }
0x283: {  	v12 =	vld [tilespmem:s26+$0xB60];
	v1 =	vsel vm7, v1, v58;
	v58 =	vmul.f32 v4, v4;
	v62 =	vbroadcast v59, $0xF  }
0x284: {  	v47 =	vld [tilespmem:s26+$0x8B30];
	v61, _, _ =	vpop (xrf2);
	v7 =	vsel vm7, v0, v60;
	v59 =	vmul.f32 v46, v36;
	v60 =	vmul.f32 v52, v43  }
0x285: {  	v2 =	vsel vm6, v2, v37;
	v37 =	vld [tilespmem:s26+$0xCB30];
	v63 =	vbroadcast v61, $0xF;
	v61 =	vmul.f32 v32, v32  }
0x286: {  	v49 =	vld [tilespmem:s26+$0x4B20];
	v4 =	vadd.f32 v57, v8;
	v57 =	vmul.f32 v22, v15;
	v15 =	vmul.f32 v15, v15  }
0x287: {  	v16 =	vld [tilespmem:s26+$0x8B40];
	v53, _, _ =	vpop (xrf2);
	v6 =	vadd.f32 v6, v58;
	v58 =	vmul.f32 v25, v45;
	v25 =	vmul.f32 v25, v25  }
0x288: {  	(xrf2) =	vadd.scan.msk.f32 $0xffff, v40;
	v40 =	vld [tilespmem:s26+$0x8B10];
	v3 =	vsel vm8, v3, v62;
	v54 =	vbroadcast v53, $0xF;
	v62 =	vmul.f32 v39, v39  }
0x289: {  	v44 =	vld [tilespmem:s26+$0xB40];
	v2 =	vsel vm7, v2, v34;
	v55, _, _ =	vpop (xrf2);
	v53 =	vmul.f32 v20, v14;
	v14 =	vmul.f32 v14, v14  }
0x28a: {  	v43 =	vld [tilespmem:s26+$0xB50];
	v37 =	vmul.f32 v37, v47;
	v0 =	vsel vm8, v1, v63;
	v56 =	vbroadcast v55, $0xF  }
0x28b: {  	v36 =	vld [tilespmem:s26+$0xB70];
	v63 =	vmul.f32 v51, v35;
	v6 =	vadd.f32 v61, v6;
	v51 =	vmul.f32 v38, v28  }
0x28c: {  	v34 =	vld [tilespmem:s26+$0xCB10];
	v55 =	vmul.f32 v19, v19;
	v61 =	vmul.f32 v42, v42;
	v1 =	vsel vm8, v7, v54  }
0x28d: {  	v32 =	vld [tilespmem:s26+$0x4B90];
	v7 =	vadd.f32 v60, v59;
	v54 =	vmul.f32 v42, v19;
	v59 =	vmul.f32 v45, v45  }
0x28e: {  	v39 =	vld [tilespmem:s26+$0x4B50];
	v60 =	vmul.f32 v20, v20;
	v2 =	vsel vm8, v2, v56;
	v6 =	vadd.f32 v62, v6  }
0x28f: {  	v35 =	vld [tilespmem:s26+$0x4B40];
	v14 =	vadd.f32 v55, v14;
	v62 =	vmul.f32 v22, v22;
	v55 =	vmul.f32 v27, v17  }
0x290: {  	v38 =	vld [tilespmem:s26+$0x4B70];
	v7 =	vadd.f32 v63, v7;
	v63 =	vmul.f32 v24, v10;
	v10 =	vmul.f32 v10, v10  }
0x291: {  	v28 =	vld [tilespmem:s26+$0x8B70];
	v56 =	vadd.f32 v54, v53;
	v53 =	vmul.f32 v49, v21;
	v54 =	vmul.f32 v21, v21  }
0x292: {  	v19 =	vld [tilespmem:s26+$0x4B60];
	v14 =	vadd.f32 v15, v14;
	v15 =	vadd.f32 v61, v60;
	v60 =	vmul.f32 v50, v41  }
0x293: {  	v5 =	vadd.f32 v5, v11;
	v45 =	vld [tilespmem:s26+$0x8B50];
	v46, _, _ =	vpop (xrf2);
	v61 =	vmul.f32 v34, v40;
	v50 =	vmul.f32 v43, v43  }
0x294: {  	v42 =	vld [tilespmem:s26+$0x8B60];
	v52 =	vbroadcast v46, $0xF;
	v7 =	vadd.f32 v51, v7;
	v46 =	vmul.f32 v26, v23  }
0x295: {  	v20 =	vld [tilespmem:s26+$0xBA0];
	v8 =	vadd.f32 v57, v56;
	v51 =	vmul.f32 v23, v23;
	v56 =	vmul.f32 v17, v17  }
0x296: {  	v22 =	vld [tilespmem:s26+$0xCB40];
	v57 =	vmul.f32 v24, v24;
	v14 =	vadd.f32 v59, v14;
	v59 =	vmul.f32 v49, v49  }
0x297: {  	v21 =	vld [tilespmem:s26+$0xB90];
	v15 =	vadd.f32 v62, v15;
	v62 =	vmul.f32 v27, v27;
	v49 =	vmul.f32 v44, v44  }
0x298: {  	v40 =	vld [tilespmem:s26+$0x4BB0];
	v13 =	vadd.f32 v61, v60;
	v18 =	vmul.f32 v18, v45;
	v61 =	vmul.f32 v38, v38  }
0x299: {  	v34 =	vld [tilespmem:s26+$0x8B90];
	v45 =	vmul.f32 v29, v29;
	v3 =	vsel vm9, v3, v52;
	v8 =	vadd.f32 v58, v8  }
0x29a: {  	v41 =	vld [tilespmem:s26+$0x8BA0];
	v52 =	vadd.f32 v46, v63;
	v58 =	vmul.f32 v26, v26;
	v63 =	vmul.f32 v33, v48  }
0x29b: {  	v23 =	vld [tilespmem:s26+$0xCB70];
	v10 =	vadd.f32 v51, v10;
	v46 =	vmul.f32 v35, v44;
	v48 =	vmul.f32 v39, v43  }
0x29c: {  	v24 =	vld [tilespmem:s26+$0xBB0];
	v16 =	vmul.f32 v22, v16;
	v15 =	vadd.f32 v25, v15;
	v25 =	vadd.f32 v50, v49  }
0x29d: {  	v27 =	vld [tilespmem:s26+$0xBF0];
	v50 =	vmul.f32 v20, v20;
	v9 =	vadd.f32 v53, v52;
	v10 =	vadd.f32 v54, v10  }
0x29e: {  	v26 =	vld [tilespmem:s26+$0x4B80];
	v11 =	vadd.f32 v58, v57;
	v13 =	vadd.f32 v63, v13;
	v52 =	vmul.f32 v19, v12  }
0x29f: {  	v33 =	vld [tilespmem:s26+$0x4BA0];
	v51 =	vadd.f32 v48, v46;
	v12 =	vmul.f32 v12, v12;
	v54 =	vmul.f32 v38, v36  }
0x2a0: {  	v43 =	vld [tilespmem:s26+$0x8B80];
	v57 =	vmul.f32 v35, v35;
	v58 =	vmul.f32 v39, v39;
	v16 =	vadd.f32 v18, v16  }
0x2a1: {  	v22 =	vld [tilespmem:s26+$0xCBA0];
	v19 =	vmul.f32 v19, v19;
	v9 =	vadd.f32 v55, v9;
	v10 =	vadd.f32 v56, v10  }
0x2a2: {  	v35 =	vld [tilespmem:s26+$0xCBB0];
	v46 =	vmul.f32 v21, v21;
	v11 =	vadd.f32 v59, v11;
	v53 =	vadd.f32 v52, v51  }
0x2a3: {  	v38 =	vld [tilespmem:s26+$0xBD0];
	v23 =	vmul.f32 v23, v28;
	v13 =	vadd.f32 v37, v13;
	v12 =	vadd.f32 v12, v25  }
0x2a4: {  	v28 =	vld [tilespmem:s26+$0xBC0];
	v55 =	vmul.f32 v36, v36;
	v60 =	vadd.f32 v58, v57;
	v58 =	vmul.f32 v40, v24  }
0x2a5: {  	v56 =	vld [tilespmem:s26+$0xCB80];
	v49 =	vadd.f32 v46, v45;
	v63 =	vmul.f32 v26, v29;
	v48 =	vmul.f32 v33, v20  }
0x2a6: {  	(xrf2) =	vadd.scan.msk.f32 $0xffff, v4;
	v59 =	vld [tilespmem:s26+$0xCB90];
	v11 =	vadd.f32 v62, v11;
	v17 =	vadd.f32 v54, v53;
	v62 =	vmul.f32 v30, v42  }
0x2a7: {  	(xrf2) =	vadd.scan.msk.f32 $0xffff, v6;
	v51 =	vld [tilespmem:s26+$0x4BC0];
	v19 =	vadd.f32 v19, v60;
	v42 =	vmul.f32 v32, v21;
	v53 =	vmul.f32 v26, v26  }
0x2a8: {  	(xrf2) =	vadd.scan.msk.f32 $0xffff, v7;
	v25 =	vld [tilespmem:s26+$0x4BE0];
	v12 =	vadd.f32 v55, v12;
	v54 =	vmul.f32 v32, v32;
	v35 =	vmul.f32 v35, v31  }
0x2a9: {  	(xrf2) =	vadd.scan.msk.f32 $0xffff, v8;
	v21 =	vld [tilespmem:s26+$0xBE0];
	v44 =	vadd.f32 v62, v16;
	v6 =	vadd.f32 v61, v19;
	v61 =	vmul.f32 v24, v24  }
0x2aa: {  	(xrf2) =	vadd.scan.msk.f32 $0xffff, v14;
	v55 =	vld [tilespmem:s26+$0x4BD0];
	v47 =	vadd.f32 v42, v63;
	v62 =	vmul.f32 v22, v41;
	v42 =	vmul.f32 v28, v28  }
0x2ab: {  	(xrf2) =	vadd.scan.msk.f32 $0xffff, v15;
	v7 =	vadd.f32 v50, v49;
	v26 =	vld [tilespmem:s26+$0x4BF0];
	v56 =	vmul.f32 v56, v43;
	v57 =	vmul.f32 v59, v34  }
0x2ac: {  	v36 =	vld [tilespmem:s26+$0xCBC0];
	(xrf2) =	vadd.scan.msk.f32 $0xffff, v5;
	v19 =	vadd.f32 v54, v53;
	v59 =	vmul.f32 v33, v33;
	v33 =	vmul.f32 v40, v40  }
0x2ad: {  	(xrf2) =	vadd.scan.msk.f32 $0xffff, v9;
	v63 =	vld [tilespmem:s26+$0x8BC0];
	v37 =	vmul.f32 v51, v28;
	v43 =	vmul.f32 v38, v38;
	v4 =	vadd.f32 v23, v44  }
0x2ae: {  	(xrf2) =	vadd.scan.msk.f32 $0xffff, v10;
	v34 =	vld [tilespmem:s26+$0x8BD0];
	v51 =	vmul.f32 v51, v51;
	v52 =	vadd.f32 v48, v47;
	v7 =	vadd.f32 v61, v7  }
0x2af: {  	(xrf2) =	vadd.scan.msk.f32 $0xffff, v11;
	v40 =	vld [tilespmem:s26+$0xCBD0];
	v60 =	vadd.f32 v57, v56;
	v39 =	vmul.f32 v55, v38;
	v46 =	vmul.f32 v25, v21  }
0x2b0: {  	v41, _, _ =	vpop (xrf2);
	(xrf2) =	vadd.scan.msk.f32 $0xffff, v13;
	v44 =	vld [tilespmem:s26+$0x8BE0];
	v32 =	vadd.f32 v59, v19;
	v47 =	vmul.f32 v26, v27;
	v50 =	vmul.f32 v21, v21  }
0x2b1: {  	v45, _, _ =	vpop (xrf2);
	(xrf2) =	vadd.scan.msk.f32 $0xffff, v17;
	v48 =	vld [tilespmem:s26+$0xCBE0];
	v10 =	vadd.f32 v43, v42;
	v55 =	vmul.f32 v55, v55;
	v59 =	vmul.f32 v27, v27  }
0x2b2: {  	v49, _, _ =	vpop (xrf2);
	(xrf2) =	vadd.scan.msk.f32 $0xffff, v12;
	v56 =	vld [tilespmem:s26+$0xCBF0];
	v26 =	vmul.f32 v26, v26;
	v8 =	vadd.f32 v58, v52;
	v5 =	vadd.f32 v62, v60  }
0x2b3: {  	v52 =	vld [tilespmem:s26+$0x8BF0];
	v53, _, _ =	vpop (xrf2);
	(xrf2) =	vadd.scan.msk.f32 $0xffff, v6;
	v9 =	vadd.f32 v33, v32;
	v11 =	vadd.f32 v39, v37;
	v14 =	vmul.f32 v36, v63  }
0x2b4: {  	v57, _, _ =	vpop (xrf2);
	(xrf2) =	vadd.scan.msk.f32 $0xffff, v4;
	v58 =	vadd.f32 v50, v10;
	v62 =	vadd.f32 v55, v51;
	v60 =	vmul.f32 v40, v34  }
0x2b5: {  	v63 =	vmul.f32 v25, v25;
	v25 =	vbroadcast v41, $0xF;
	v61, _, _ =	vpop (xrf2);
	(xrf2) =	vadd.scan.msk.f32 $0xffff, v8;
	v54 =	vadd.f32 v46, v11  }
0x2b6: {  	v5 =	vadd.f32 v35, v5;
	v17, _, _ =	vpop (xrf2);
	(xrf2) =	vadd.scan.msk.f32 $0xffff, v7;
	v23 =	vmul.f32 v48, v44;
	v19 =	vadd.f32 v60, v14  }
0x2b7: {  	v32 =	vbroadcast v45, $0xF;
	v8 =	vadd.f32 v63, v62;
	v24, _, _ =	vpop (xrf2);
	(xrf2) =	vadd.scan.msk.f32 $0xffff, v9;
	v6 =	vadd.f32 v47, v54  }
0x2b8: {  	v4 =	vadd.f32 v59, v58;
	v27, _, _ =	vpop (xrf2);
	(xrf2) =	vadd.scan.msk.f32 $0xffff, v5;
	v31 =	vmul.f32 v56, v52;
	v29 =	vadd.f32 v23, v19  }
0x2b9: {  	v36 =	vbroadcast v53, $0xF;
	v34 =	vbroadcast v49, $0xF;
	v8 =	vadd.f32 v26, v8;
	v33, _, _ =	vpop (xrf2);
	(xrf2) =	vadd.scan.msk.f32 $0xffff, v6  }
0x2ba: {  	v37 =	vbroadcast v57, $0xF;
	v0 =	vsel vm9, v0, v25;
	v35, _, _ =	vpop (xrf2);
	v5 =	vadd.f32 v31, v29;
	(xrf2) =	vadd.scan.msk.f32 $0xffff, v4  }
0x2bb: {  	v1 =	vsel vm9, v1, v32;
	v38 =	vbroadcast v61, $0xF;
	v3 =	vsel vm10, v3, v36;
	v39, _, _ =	vpop (xrf2);
	(xrf2) =	vadd.scan.msk.f32 $0xffff, v8  }
0x2bc: {  	v2 =	vsel vm9, v2, v34;
	v40 =	vbroadcast v17, $0xF;
	v0 =	vsel vm10, v0, v37;
	v42, _, _ =	vpop (xrf2);
	(xrf2) =	vadd.scan.msk.f32 $0xffff, v5  }
0x2bd: {  	v41 =	vbroadcast v24, $0xF;
	v1 =	vsel vm10, v1, v38;
	v44 =	vbroadcast v27, $0xF;
	v43, _, _ =	vpop (xrf2)  }
0x2be: {  	v2 =	vsel vm10, v2, v40;
	v46 =	vbroadcast v33, $0xF;
	v48 =	vbroadcast v35, $0xF;
	v45, _, _ =	vpop (xrf2)  }
0x2bf: {  	v3 =	vsel vm11, v3, v41;
	v0 =	vsel vm11, v0, v44;
	v49 =	vbroadcast v39, $0xF;
	v47, _, _ =	vpop (xrf2)  }
0x2c0: {  	v1 =	vsel vm11, v1, v46;
	v51 =	vbroadcast v42, $0xF;
	v2 =	vsel vm11, v2, v48;
	v50, _, _ =	vpop (xrf2)  }
0x2c1: {  	v5 =	vbroadcast v43, $0xF;
	v3 =	vsel vm12, v3, v49;
	v53 =	vbroadcast v47, $0xF;
	v52, _, _ =	vpop (xrf2)  }
0x2c2: {  	v0 =	vsel vm12, v0, v51;
	v57 =	vbroadcast v45, $0xF;
	v55 =	vbroadcast v50, $0xF;
	v54, _, _ =	vpop (xrf2)  }
0x2c3: {  	p0 =	sne.s32 s25, $0xF;
	v1 =	vsel vm12, v1, v5;
	v3 =	vsel vm13, v3, v53;
	v58 =	vbroadcast v52, $0xF;
	v56, _, _ =	vpop (xrf2)  }
.Ltmp1:
0x2c4: {  	s26 =	sshll.u32 s25, $0x4;
	v0 =	vsel vm13, v0, v55;
	v60 =	vbroadcast v54, $0xF;
	v59, _, _ =	vpop (xrf2);
	v3 =	vsel vm14, v3, v56;
	(pc) =	sbr.rel @p0 .LBB2_4-.Ltmp1, $4  }
0x2c5: {  	v2 =	vsel vm12, v2, v57;
	v1 =	vsel vm13, v1, v58;
	v61, _, _ =	vpop (xrf2);
	v0 =	vsel vm14, v0, v59;
	[tilespmem:s26+$0x10900] =	vst v3  }
0x2c6: {  	v2 =	vsel vm13, v2, v60;
	v1 =	vsel vm14, v1, v61;
	v62, _, _ =	vpop (xrf2);
	[tilespmem:s26+$0x10B00] =	vst v0  }
0x2c7: {  	v63 =	vsel vm14, v2, v62;
	[tilespmem:s26+$0x10D00] =	vst v1  }
0x2c8: {  	s25 =	sadd.s32 $0x1, s25;
	[tilespmem:s26+$0x10F00] =	vst v63  }
0x2c9: {  	[hbm4b:s10+s1] =	stream.linear.scatter [tilespmem:s29], [sflag:$0x2], $0x200, $0x38;
	[tilespmem:$0x11000] =	vst v63  }
0x2ca: {  	_ =	swait.ge [sflag:s15], $0x200  }
0x2cb: {  	[sflag:s15] =	ssyncset.done $0x0  }
0x2cc: {  	[sflag:s15] =	ssyncadd.s32 $0xFFFFFE00  }
0x2cd: {  	[hbm4b:s11+s1] =	stream.linear.scatter [tilespmem:s30], [sflag:$0x2], $0x200, $0x38;
	[tilespmem:$0x11000] =	vst v63  }
0x2ce: {  	_ =	swait.ge [sflag:s15], $0x200  }
0x2cf: {  	[sflag:s15] =	ssyncset.done $0x0  }
0x2d0: {  	[sflag:s15] =	ssyncadd.s32 $0xFFFFFE00  }
0x2d1: {  	[hbm4b:s12+s1] =	stream.linear.scatter [tilespmem:s31], [sflag:$0x2], $0x200, $0x38;
	[tilespmem:$0x11000] =	vst v63  }
0x2d2: {  	s2 =	sadd.s32 $0x1, s2;
	_ =	swait.ge [sflag:s15], $0x200  }
0x2d3: {  	p0 =	sne.s32 s2, s14;
	[sflag:s15] =	ssyncset.done $0x0  }
.Ltmp2:
0x2d4: {  	[sflag:s15] =	ssyncadd.s32 $0xFFFFFE00;
	(pc) =	sbr.rel @p0 .LBB2_1-.Ltmp2, $4  }
0x2d5: {  	[hbm4b:s13+s1] =	stream.linear.scatter [tilespmem:s0], [sflag:$0x2], $0x200, $0x38;
	[tilespmem:$0x11000] =	vst v63  }
0x2d6: {  	_ =	swait.ge [sflag:s15], $0x200  }
0x2d7: {  	[sflag:s15] =	ssyncset.done $0x0  }
0x2d8: {  	[sflag:s15] =	ssyncadd.s32 $0xFFFFFE00  }
0x2d9: {  	_ =	sfence.sel $0x180000  }
0x2da: {  	[bflag:$0x0] =	sbarrier.arrive $0xFFFF  }
0x2db: {  	_ =	strace $0x90000047  }
0x2dc: {  	s0 =	stileid.u32;
	[bflag:$0x2] =	sbarrier.arrive $0xFFFF  }
0x2dd: {  	p0 =	sne.s32 s0, $0x0;
	s0 =	rddreg [dreg:$0x5]  }
0x2de: {  	s0 =	sadd.s32 @!p0 $0x100000, s0  }
0x2df: {  	[sflag:s0] =	ssyncadd.tile.s32 @!p0 $0x1;
	_ =	shalt  }
.Lfunc_end2:
_tile_overlayer_lowered:
.L_overlay_start_2:
0x2e0: {  	(tag) =	ssettag $0x2  }
0x2e1: {  	s0 =	rddreg [dreg:$0x0];
	s2 =	stileid.u32  }
0x2e2: {  	s1 =	rddreg [dreg:$0x1];
	p0 =	sne.s32 s2, $0x0  }
0x2e3: {  	s3 =	rddreg [dreg:$0x2];
	[bflag:$0x3] =	sbarrier.arrive $0xFFFF;
	s2 =	simm.s32 @!p0 $0x1C02  }
0x2e4: {  	[timem:s3], [sflag:s2] =	dma.local @!p0 [hbm:s0], s1  }
0x2e5: {  	s0 =	simm.s32 @!p0 $0x2  }
0x2e6: {  	_ =	swait.ge @!p0 [sflag:s0], s1  }
0x2e7: {  	s1 =	ssub.s32 @!p0 $0x0, s1;
	[sflag:s0] =	ssyncset.done @!p0 $0x0  }
0x2e8: {  	[sflag:s0] =	ssyncadd.s32 @!p0 s1  }
0x2e9: {  	[bflag:$0x3] =	sbarrier.arrive $0xFFFF  }
0x2ea: {  	_ =	shalt  }

</sc_bundles>
